<compile_context>
chip_gen: v7x
topology: tpu7x:2x2x1
jax: 0.10.2.dev20260603
libtpu: 0.0.44.dev20260713+nightly
codegen_flags: <defaults>
</compile_context>

<pallas_src>
import functools

import jax
import jax.numpy as jnp
from jax import lax
from jax.experimental import pallas as pl
from jax.experimental.pallas import tpu as pltpu
from jax.experimental.pallas import tpu_sc as plsc

N = 10000
E = 160000
D = 256
DH = 128
NC = 2
NS = 16
NH = N // 2
ACC_ROWS = NH + 8
RPT = 312
REM = NH - NS * RPT
EDGE_K = 80

_sc_mesh = plsc.VectorSubcoreMesh(core_axis_name="c", subcore_axis_name="s")


def _init_acc_from(src_hbm_ref, acc_sh, s, src_base):
    pltpu.sync_copy(src_hbm_ref.at[pl.ds(src_base + s * RPT, RPT)],
                    acc_sh.at[pl.ds(s * RPT, RPT)])

    @pl.when(s == 0)
    def _():
        pltpu.sync_copy(src_hbm_ref.at[pl.ds(src_base + NS * RPT, REM)],
                        acc_sh.at[pl.ds(NS * RPT, REM)])


def _write_acc_to(acc_sh, dst_hbm_ref, s, dst_base):
    pltpu.sync_copy(acc_sh.at[pl.ds(s * RPT, RPT)],
                    dst_hbm_ref.at[pl.ds(dst_base + s * RPT, RPT)])

    @pl.when(s == 0)
    def _():
        pltpu.sync_copy(acc_sh.at[pl.ds(NS * RPT, REM)],
                        dst_hbm_ref.at[pl.ds(dst_base + NS * RPT, REM)])


DEG_ROWS = (N + 127) // 128 + 1


@functools.partial(
    pl.kernel,
    out_type=jax.ShapeDtypeStruct((NC * DEG_ROWS, 128), jnp.float32),
    mesh=_sc_mesh,
    scratch_types=[
        pltpu.VMEM((EDGE_K,), jnp.int32),
        pltpu.VMEM((EDGE_K,), jnp.int32),
        pltpu.VMEM((EDGE_K, 128), jnp.float32),
        pltpu.VMEM_SHARED((DEG_ROWS, 128), jnp.float32),
        pltpu.SemaphoreType.DMA,
    ],
)
def _sc_degree(dst_hbm, eye_hbm, out_hbm, lane_v, row_v, rows_v, acc_sh, sem):
    c = lax.axis_index("c")
    s = lax.axis_index("s")

    @pl.when(s == 0)
    def _():
        def fill(i, carry):
            for j in range(128 // 16):
                rows_v[i, pl.ds(j * 16, 16)] = jnp.zeros((16,), jnp.float32)
            return carry
        lax.fori_loop(0, DEG_ROWS, fill, 0)
        pltpu.sync_copy(rows_v.at[pl.ds(0, DEG_ROWS)], acc_sh)

    plsc.subcore_barrier()

    chunks = (E // NC) // EDGE_K
    l127 = jnp.full((16,), 127, jnp.int32)

    def body(i, carry):
        g = i * NS + s

        @pl.when(g < chunks)
        def _():
            e0 = (c * chunks + g) * EDGE_K
            pltpu.sync_copy(dst_hbm.at[pl.ds(e0, EDGE_K)], lane_v)
            for j in range(EDGE_K // 16):
                sl = pl.ds(j * 16, 16)
                d = lane_v[sl]
                row_v[sl] = lax.shift_right_logical(d, 7)
                lane_v[sl] = lax.bitwise_and(d, l127)
            pltpu.async_copy(eye_hbm.at[lane_v], rows_v, sem).wait()
            pltpu.sync_copy(rows_v, acc_sh.at[row_v], add=True)
        return carry

    lax.fori_loop(0, (chunks + NS - 1) // NS, body, 0)
    plsc.subcore_barrier()

    @pl.when(s == 0)
    def _():
        pltpu.sync_copy(acc_sh, out_hbm.at[pl.ds(c * DEG_ROWS, DEG_ROWS)])


_EPT = E // NS
_CK = 128
_NFULL = _EPT // _CK
_TAIL = _EPT - _NFULL * _CK


@functools.partial(
    pl.kernel,
    out_type=jax.ShapeDtypeStruct((NC * N, DH), jnp.float32),
    mesh=_sc_mesh,
    scratch_types=[
        pltpu.VMEM((_EPT,), jnp.int32),
        pltpu.VMEM((_EPT,), jnp.int32),
        [pltpu.VMEM((_NFULL + 1, _CK), jnp.int32)] * 2,
        [pltpu.VMEM((_CK, DH), jnp.float32)] * 2,
        pltpu.VMEM_SHARED((ACC_ROWS, DH), jnp.float32),
        [pltpu.SemaphoreType.DMA] * 2,
        [pltpu.SemaphoreType.DMA] * 2,
    ],
)
def _sc_aggregate(y_hbm, src_hbm, dst_hbm, out_hbm, src_v, dstb_v, dst2d,
                  rows_v, acc_sh, gsem, ssem):
    c = lax.axis_index("c")
    s = lax.axis_index("s")
    base = s * _EPT
    src_off = jnp.full((16,), c * N, jnp.int32)
    nh16 = jnp.full((16,), NH, jnp.int32)

    pltpu.sync_copy(src_hbm.at[pl.ds(base, _EPT)], src_v)
    pltpu.sync_copy(dst_hbm.at[pl.ds(base, _EPT)], dstb_v)

    def remap16(i, j):
        sl = pl.ds(i * _CK + j * 16, 16)
        src_v[sl] = src_v[sl] + src_off
        d = dstb_v[sl]
        csl = pl.ds(j * 16, 16)
        dst2d[0][i, csl] = jnp.where(d < NH, d, nh16)
        rel = d - NH
        dst2d[1][i, csl] = jnp.where(rel >= 0, rel, nh16)

    def prep(i, carry):
        for j in range(_CK // 16):
            remap16(i, j)
        return carry

    lax.fori_loop(0, _NFULL, prep, 0)
    remap16(_NFULL, 0)
    for j in range(1, _CK // 16):
        for ph in range(2):
            dst2d[ph][_NFULL, pl.ds(j * 16, 16)] = nh16

    def scatter(b, phase, i):
        return pltpu.async_copy(rows_v[b], acc_sh.at[dst2d[phase].at[i]],
                                ssem[b], add=True)

    def gather(i, b):
        return pltpu.async_copy(y_hbm.at[src_v.at[pl.ds(i * _CK, _CK)]],
                                rows_v[b], gsem[b])

    for phase in range(2):
        lo = phase * NH
        _init_acc_from(y_hbm, acc_sh, s, c * N + lo)
        plsc.subcore_barrier()

        pltpu.async_copy(
            y_hbm.at[src_v.at[pl.ds(_NFULL * _CK, _TAIL)]],
            rows_v[0].at[pl.ds(0, _TAIL)], gsem[0]).wait()
        pltpu.sync_copy(rows_v[0], acc_sh.at[dst2d[phase].at[_NFULL]],
                        add=True)

        gather(0, 0).wait()

        def body(p, carry):
            sc0 = scatter(0, phase, 2 * p)
            g1 = gather(2 * p + 1, 1)
            g1.wait()
            sc1 = scatter(1, phase, 2 * p + 1)
            sc0.wait()
            nxt = jnp.minimum(2 * p + 2, _NFULL - 1)
            g2 = gather(nxt, 0)
            g2.wait()
            sc1.wait()
            return carry

        lax.fori_loop(0, _NFULL // 2, body, 0)
        plsc.subcore_barrier()
        _write_acc_to(acc_sh, out_hbm, s, c * N + lo)
        plsc.subcore_barrier()


ROWS_B = 1000


def _dinv_from_deg(deg_ref):
    return lax.rsqrt(deg_ref[...] + 1.0)


def _tc_scale_in_body(x_ref, w_ref, deg_ref, y_ref):
    dinv = _dinv_from_deg(deg_ref)
    h = jnp.dot(x_ref[...], w_ref[...], preferred_element_type=jnp.float32,
                precision=lax.Precision.HIGHEST)
    y = h * dinv
    y_ref[0] = y[:, :DH]
    y_ref[1] = y[:, DH:]


def _tc_mid_body(z_ref, w_ref, b_ref, deg_ref, y_ref):
    dinv = _dinv_from_deg(deg_ref)
    h0 = jax.nn.relu(z_ref[0] * dinv + b_ref[0:1, :DH])
    h1 = jax.nn.relu(z_ref[1] * dinv + b_ref[0:1, DH:])
    h2 = (jnp.dot(h0, w_ref[:DH, :], preferred_element_type=jnp.float32,
                  precision=lax.Precision.HIGHEST)
          + jnp.dot(h1, w_ref[DH:, :], preferred_element_type=jnp.float32,
                    precision=lax.Precision.HIGHEST))
    y = h2 * dinv
    y_ref[0] = y[:, :DH]
    y_ref[1] = y[:, DH:]


def _tc_out_body(z_ref, b_ref, deg_ref, o_ref):
    dinv = _dinv_from_deg(deg_ref)
    o_ref[:, :DH] = z_ref[0] * dinv + b_ref[0:1, :DH]
    o_ref[:, DH:] = z_ref[1] * dinv + b_ref[0:1, DH:]


_deg_spec = pl.BlockSpec((ROWS_B, 1), lambda i: (i, 0))
_half_spec = pl.BlockSpec((NC, ROWS_B, DH), lambda i: (0, i, 0))
_w_spec = pl.BlockSpec((D, D), lambda i: (0, 0))
_b_spec = pl.BlockSpec((1, D), lambda i: (0, 0))

_tc_scale_in = pl.pallas_call(
    _tc_scale_in_body,
    grid=(N // ROWS_B,),
    in_specs=[pl.BlockSpec((ROWS_B, D), lambda i: (i, 0)), _w_spec, _deg_spec],
    out_specs=_half_spec,
    out_shape=jax.ShapeDtypeStruct((NC, N, DH), jnp.float32),
)

_tc_mid = pl.pallas_call(
    _tc_mid_body,
    grid=(N // ROWS_B,),
    in_specs=[_half_spec, _w_spec, _b_spec, _deg_spec],
    out_specs=_half_spec,
    out_shape=jax.ShapeDtypeStruct((NC, N, DH), jnp.float32),
)

_tc_out = pl.pallas_call(
    _tc_out_body,
    grid=(N // ROWS_B,),
    in_specs=[_half_spec, _b_spec, _deg_spec],
    out_specs=pl.BlockSpec((ROWS_B, D), lambda i: (i, 0)),
    out_shape=jax.ShapeDtypeStruct((N, D), jnp.float32),
)


@jax.jit
def kernel(x, edge_index, w1, b1, w2, b2):
    src = edge_index[0]
    dst = edge_index[1]
    eye = jnp.eye(128, dtype=jnp.float32)
    dcnt = _sc_degree(dst, eye)
    deg = (dcnt[:DEG_ROWS] + dcnt[DEG_ROWS:]).reshape(-1)[:N].reshape(N, 1)
    y1 = _tc_scale_in(x, w1, deg)
    z1 = _sc_aggregate(y1.reshape(NC * N, DH), src, dst).reshape(NC, N, DH)
    y2 = _tc_mid(z1, w2, b1.reshape(1, D), deg)
    z2 = _sc_aggregate(y2.reshape(NC * N, DH), src, dst).reshape(NC, N, DH)
    return _tc_out(z2, b2.reshape(1, D), deg)

# --- scband reference (transcript-rebuilt; emitter-appended) ---
"""Pipeline reference for scband-gcnnet-38697655336974 (READ-ONLY COPY).

The authoritative reference and input builder live on the scoring server;
editing this copy changes nothing except your own understanding.
"""

import jax, jax.numpy as jnp
import numpy as np

N = 10000
E = 160000
D_IN = 256
D_H = 256
D_OUT = 256


def setup_inputs(seed: int = 0) -> dict:
    key = jax.random.key(seed)
    k1, k2, k3, k4, k5, k6 = jax.random.split(key, 6)
    x = jax.random.normal(k1, (N, D_IN), dtype=jnp.float32)
    edge_index = jax.random.randint(k2, (2, E), 0, N, dtype=jnp.int32)
    w1 = jax.random.normal(k3, (D_IN, D_H), dtype=jnp.float32) * (1.0 / np.sqrt(D_IN))
    b1 = jnp.zeros((D_H,), dtype=jnp.float32)
    w2 = jax.random.normal(k4, (D_H, D_OUT), dtype=jnp.float32) * (1.0 / np.sqrt(D_H))
    b2 = jnp.zeros((D_OUT,), dtype=jnp.float32)
    return {"x": x, "edge_index": edge_index, "w1": w1, "b1": b1, "w2": w2, "b2": b2}


def _gcn_conv(x, edge_index, W, b):
    # PyG GCNConv: add self-loops, symmetric normalization D^-1/2 (A+I) D^-1/2, then XW + b
    n = x.shape[0]
    h = x @ W
    loop = jnp.arange(n, dtype=edge_index.dtype)
    src = jnp.concatenate([edge_index[0], loop])
    dst = jnp.concatenate([edge_index[1], loop])
    deg = jnp.zeros((n,), dtype=x.dtype).at[dst].add(1.0)
    deg_inv_sqrt = jnp.where(deg > 0, jax.lax.rsqrt(jnp.maximum(deg, 1e-12)), 0.0)
    norm = deg_inv_sqrt[src] * deg_inv_sqrt[dst]
    msg = h[src] * norm[:, None]
    out = jnp.zeros((n, W.shape[1]), dtype=x.dtype).at[dst].add(msg)
    return out + b


def reference(x, edge_index, w1, b1, w2, b2):
    h = jax.nn.relu(_gcn_conv(x, edge_index, w1, b1))
    # dropout p=0 -> identity
    out = _gcn_conv(h, edge_index, w2, b2)
    return out

if __name__ == "__main__":
    import jax
    _d = setup_inputs()
    print(jax.jit(kernel)(*tuple(_d.values())))

</pallas_src>

<mosaic_0001>
#map = affine_map<(d0, d1) -> (0, 0)>
#map1 = affine_map<(d0, d1) -> (0)>
module attributes {stable_mosaic.version = 14 : i64} {
  func.func @_sc_aggregate(%arg0: i32, %arg1: i32, %arg2: memref<20000x128xf32, #tpu.memory_space<hbm>>, %arg3: memref<160000xi32, #tpu.memory_space<hbm>>, %arg4: memref<160000xi32, #tpu.memory_space<hbm>>, %arg5: memref<20000x128xf32, #tpu.memory_space<hbm>>, %arg6: memref<10000xi32, #tpu.memory_space<vmem>>, %arg7: memref<10000xi32, #tpu.memory_space<vmem>>, %arg8: memref<79x128xi32, #tpu.memory_space<vmem>>, %arg9: memref<79x128xi32, #tpu.memory_space<vmem>>, %arg10: memref<128x128xf32, #tpu.memory_space<vmem>>, %arg11: memref<128x128xf32, #tpu.memory_space<vmem>>, %arg12: memref<5008x128xf32, #tpu.memory_space<vmem_shared>>, %arg13: memref<!tpu.dma_semaphore, #tpu.memory_space<semaphore_mem>>, %arg14: memref<!tpu.dma_semaphore, #tpu.memory_space<semaphore_mem>>, %arg15: memref<!tpu.dma_semaphore, #tpu.memory_space<semaphore_mem>>, %arg16: memref<!tpu.dma_semaphore, #tpu.memory_space<semaphore_mem>>) attributes {dimension_semantics = [#tpu.dimension_semantics<core_parallel>, #tpu.dimension_semantics<subcore_parallel>], iteration_bounds = array<i64: 2, 16>, scalar_prefetch = 0 : i64, scratch_operands = 11 : i64, tpu.core_type = #tpu.core_type<sc_vector_subcore>, window_params = [{transform_indices = #map}, {transform_indices = #map1}, {transform_indices = #map1}, {transform_indices = #map}]} {
    %mul3A = arith.constant 10000 : i32
    %mul3A_0 = arith.muli %arg1, %mul3A : i32
    %mul3A_1 = arith.constant 10000 : i32
    %mul3A_2 = arith.muli %arg0, %mul3A_1 : i32
    %broadcast_in_dim3A = vector.broadcast %mul3A_2 : i32 to vector<16xi32>
    %broadcast_in_dim3A_3 = arith.constant 5000 : i32
    %broadcast_in_dim3A_4 = vector.broadcast %broadcast_in_dim3A_3 : i32 to vector<16xi32>
    "tpu.region"() ({
      %run_scoped3A_242 = tpu.sem_alloc : memref<!tpu.dma_semaphore, #tpu.memory_space<semaphore_mem>>
      %dma_start3A_243 = tpu.memref_slice %arg3[%mul3A_0] : memref<160000xi32, #tpu.memory_space<hbm>> -> memref<10000xi32, #tpu.memory_space<hbm>>
      %dma_start3A_244 = tpu.memref_slice %arg3[%mul3A_0] : memref<160000xi32, #tpu.memory_space<hbm>> -> memref<10000xi32, #tpu.memory_space<hbm>>
      tpu.enqueue_dma source(%dma_start3A_244 : memref<10000xi32, #tpu.memory_space<hbm>>) target(%arg6 : memref<10000xi32, #tpu.memory_space<vmem>>) target_semaphore(%run_scoped3A_242 : memref<!tpu.dma_semaphore, #tpu.memory_space<semaphore_mem>>)
      %dma_wait3A_245 = tpu.memref_slice %arg3[%mul3A_0] : memref<160000xi32, #tpu.memory_space<hbm>> -> memref<10000xi32, #tpu.memory_space<hbm>>
      %dma_wait3A_246 = tpu.memref_slice %arg3[%mul3A_0] : memref<160000xi32, #tpu.memory_space<hbm>> -> memref<10000xi32, #tpu.memory_space<hbm>>
      tpu.wait_dma2 semaphore(%run_scoped3A_242 : memref<!tpu.dma_semaphore, #tpu.memory_space<semaphore_mem>>) src(%dma_wait3A_246 : memref<10000xi32, #tpu.memory_space<hbm>>) dst(%arg6 : memref<10000xi32, #tpu.memory_space<vmem>>)
      tpu.yield
    }) : () -> ()
    "tpu.region"() ({
      %run_scoped3A_242 = tpu.sem_alloc : memref<!tpu.dma_semaphore, #tpu.memory_space<semaphore_mem>>
      %dma_start3A_243 = tpu.memref_slice %arg4[%mul3A_0] : memref<160000xi32, #tpu.memory_space<hbm>> -> memref<10000xi32, #tpu.memory_space<hbm>>
      %dma_start3A_244 = tpu.memref_slice %arg4[%mul3A_0] : memref<160000xi32, #tpu.memory_space<hbm>> -> memref<10000xi32, #tpu.memory_space<hbm>>
      tpu.enqueue_dma source(%dma_start3A_244 : memref<10000xi32, #tpu.memory_space<hbm>>) target(%arg7 : memref<10000xi32, #tpu.memory_space<vmem>>) target_semaphore(%run_scoped3A_242 : memref<!tpu.dma_semaphore, #tpu.memory_space<semaphore_mem>>)
      %dma_wait3A_245 = tpu.memref_slice %arg4[%mul3A_0] : memref<160000xi32, #tpu.memory_space<hbm>> -> memref<10000xi32, #tpu.memory_space<hbm>>
      %dma_wait3A_246 = tpu.memref_slice %arg4[%mul3A_0] : memref<160000xi32, #tpu.memory_space<hbm>> -> memref<10000xi32, #tpu.memory_space<hbm>>
      tpu.wait_dma2 semaphore(%run_scoped3A_242 : memref<!tpu.dma_semaphore, #tpu.memory_space<semaphore_mem>>) src(%dma_wait3A_246 : memref<10000xi32, #tpu.memory_space<hbm>>) dst(%arg7 : memref<10000xi32, #tpu.memory_space<vmem>>)
      tpu.yield
    }) : () -> ()
    %scan3A = arith.constant 0 : i32
    %scan3A_5 = arith.constant 0 : i32
    %scan3A_6 = arith.constant 78 : i32
    %scan3A_7 = arith.addi %scan3A_5, %scan3A_6 : i32
    %scan3A_8 = arith.constant 1 : i32
    scf.for %scan3A_242 = %scan3A_5 to %scan3A_7 step %scan3A_8  : i32 {
      %mul3A_243 = arith.constant 128 : i32
      %mul3A_244 = arith.muli %scan3A_242, %mul3A_243 : i32
      %add3A_245 = arith.constant 0 : i32
      %add3A_246 = arith.addi %mul3A_244, %add3A_245 : i32
      %get3A_247 = arith.index_cast %add3A_246 : i32 to index
      %get3A_248 = tpu.vector_load %arg6[%get3A_247] {strides = array<i32>} : memref<10000xi32, #tpu.memory_space<vmem>>, vector<16xi32>,
      %get3A_249 = vector.shape_cast %get3A_248 : vector<16xi32> to vector<16xi32>
      %add3A_250 = arith.addi %get3A_249, %broadcast_in_dim3A : vector<16xi32>
      %swap3A_251 = arith.index_cast %add3A_246 : i32 to index
      %swap3A_252 = tpu.vector_load %arg6[%swap3A_251] {strides = array<i32>} : memref<10000xi32, #tpu.memory_space<vmem>>, vector<16xi32>,
      %swap3A_253 = vector.shape_cast %swap3A_252 : vector<16xi32> to vector<16xi32>
      %swap3A_254 = vector.shape_cast %add3A_250 : vector<16xi32> to vector<16xi32>
      tpu.vector_store %arg6[%swap3A_251], %swap3A_254 {strides = array<i32>} : memref<10000xi32, #tpu.memory_space<vmem>>, vector<16xi32>,
      %get3A_255 = arith.index_cast %add3A_246 : i32 to index
      %get3A_256 = tpu.vector_load %arg7[%get3A_255] {strides = array<i32>} : memref<10000xi32, #tpu.memory_space<vmem>>, vector<16xi32>,
      %get3A_257 = vector.shape_cast %get3A_256 : vector<16xi32> to vector<16xi32>
      %lt3A_258 = arith.constant 5000 : i32
      %lt3A_259 = vector.broadcast %lt3A_258 : i32 to vector<16xi32>
      %lt3A_260 = arith.cmpi slt, %get3A_257, %lt3A_259 : vector<16xi32>
      %select_n3A_261 = arith.select %lt3A_260, %get3A_257, %broadcast_in_dim3A_4 : vector<16xi1>, vector<16xi32>
      %swap3A_262 = arith.index_cast %scan3A_242 : i32 to index
      %swap3A_263 = arith.constant 0 : index
      %swap3A_264 = tpu.vector_load %arg8[%swap3A_262, %swap3A_263] {strides = array<i32>} : memref<79x128xi32, #tpu.memory_space<vmem>>, vector<1x16xi32>,
      %swap3A_265 = vector.shape_cast %swap3A_264 : vector<1x16xi32> to vector<16xi32>
      %swap3A_266 = vector.shape_cast %select_n3A_261 : vector<16xi32> to vector<1x16xi32>
      tpu.vector_store %arg8[%swap3A_262, %swap3A_263], %swap3A_266 {strides = array<i32>} : memref<79x128xi32, #tpu.memory_space<vmem>>, vector<1x16xi32>,
      %sub3A_267 = arith.constant 5000 : i32
      %sub3A_268 = vector.broadcast %sub3A_267 : i32 to vector<16xi32>
      %sub3A_269 = arith.subi %get3A_257, %sub3A_268 : vector<16xi32>
      %ge3A_270 = arith.constant 0 : i32
      %ge3A_271 = vector.broadcast %ge3A_270 : i32 to vector<16xi32>
      %ge3A_272 = arith.cmpi sge, %sub3A_269, %ge3A_271 : vector<16xi32>
      %select_n3A_273 = arith.select %ge3A_272, %sub3A_269, %broadcast_in_dim3A_4 : vector<16xi1>, vector<16xi32>
      %swap3A_274 = arith.index_cast %scan3A_242 : i32 to index
      %swap3A_275 = arith.constant 0 : index
      %swap3A_276 = tpu.vector_load %arg9[%swap3A_274, %swap3A_275] {strides = array<i32>} : memref<79x128xi32, #tpu.memory_space<vmem>>, vector<1x16xi32>,
      %swap3A_277 = vector.shape_cast %swap3A_276 : vector<1x16xi32> to vector<16xi32>
      %swap3A_278 = vector.shape_cast %select_n3A_273 : vector<16xi32> to vector<1x16xi32>
      tpu.vector_store %arg9[%swap3A_274, %swap3A_275], %swap3A_278 {strides = array<i32>} : memref<79x128xi32, #tpu.memory_space<vmem>>, vector<1x16xi32>,
      %mul3A_279 = arith.constant 128 : i32
      %mul3A_280 = arith.muli %scan3A_242, %mul3A_279 : i32
      %add3A_281 = arith.constant 16 : i32
      %add3A_282 = arith.addi %mul3A_280, %add3A_281 : i32
      %get3A_283 = arith.index_cast %add3A_282 : i32 to index
      %get3A_284 = tpu.vector_load %arg6[%get3A_283] {strides = array<i32>} : memref<10000xi32, #tpu.memory_space<vmem>>, vector<16xi32>,
      %get3A_285 = vector.shape_cast %get3A_284 : vector<16xi32> to vector<16xi32>
      %add3A_286 = arith.addi %get3A_285, %broadcast_in_dim3A : vector<16xi32>
      %swap3A_287 = arith.index_cast %add3A_282 : i32 to index
      %swap3A_288 = tpu.vector_load %arg6[%swap3A_287] {strides = array<i32>} : memref<10000xi32, #tpu.memory_space<vmem>>, vector<16xi32>,
      %swap3A_289 = vector.shape_cast %swap3A_288 : vector<16xi32> to vector<16xi32>
      %swap3A_290 = vector.shape_cast %add3A_286 : vector<16xi32> to vector<16xi32>
      tpu.vector_store %arg6[%swap3A_287], %swap3A_290 {strides = array<i32>} : memref<10000xi32, #tpu.memory_space<vmem>>, vector<16xi32>,
      %get3A_291 = arith.index_cast %add3A_282 : i32 to index
      %get3A_292 = tpu.vector_load %arg7[%get3A_291] {strides = array<i32>} : memref<10000xi32, #tpu.memory_space<vmem>>, vector<16xi32>,
      %get3A_293 = vector.shape_cast %get3A_292 : vector<16xi32> to vector<16xi32>
      %lt3A_294 = arith.constant 5000 : i32
      %lt3A_295 = vector.broadcast %lt3A_294 : i32 to vector<16xi32>
      %lt3A_296 = arith.cmpi slt, %get3A_293, %lt3A_295 : vector<16xi32>
      %select_n3A_297 = arith.select %lt3A_296, %get3A_293, %broadcast_in_dim3A_4 : vector<16xi1>, vector<16xi32>
      %swap3A_298 = arith.index_cast %scan3A_242 : i32 to index
      %swap3A_299 = arith.constant 16 : index
      %swap3A_300 = tpu.vector_load %arg8[%swap3A_298, %swap3A_299] {strides = array<i32>} : memref<79x128xi32, #tpu.memory_space<vmem>>, vector<1x16xi32>,
      %swap3A_301 = vector.shape_cast %swap3A_300 : vector<1x16xi32> to vector<16xi32>
      %swap3A_302 = vector.shape_cast %select_n3A_297 : vector<16xi32> to vector<1x16xi32>
      tpu.vector_store %arg8[%swap3A_298, %swap3A_299], %swap3A_302 {strides = array<i32>} : memref<79x128xi32, #tpu.memory_space<vmem>>, vector<1x16xi32>,
      %sub3A_303 = arith.constant 5000 : i32
      %sub3A_304 = vector.broadcast %sub3A_303 : i32 to vector<16xi32>
      %sub3A_305 = arith.subi %get3A_293, %sub3A_304 : vector<16xi32>
      %ge3A_306 = arith.constant 0 : i32
      %ge3A_307 = vector.broadcast %ge3A_306 : i32 to vector<16xi32>
      %ge3A_308 = arith.cmpi sge, %sub3A_305, %ge3A_307 : vector<16xi32>
      %select_n3A_309 = arith.select %ge3A_308, %sub3A_305, %broadcast_in_dim3A_4 : vector<16xi1>, vector<16xi32>
      %swap3A_310 = arith.index_cast %scan3A_242 : i32 to index
      %swap3A_311 = arith.constant 16 : index
      %swap3A_312 = tpu.vector_load %arg9[%swap3A_310, %swap3A_311] {strides = array<i32>} : memref<79x128xi32, #tpu.memory_space<vmem>>, vector<1x16xi32>,
      %swap3A_313 = vector.shape_cast %swap3A_312 : vector<1x16xi32> to vector<16xi32>
      %swap3A_314 = vector.shape_cast %select_n3A_309 : vector<16xi32> to vector<1x16xi32>
      tpu.vector_store %arg9[%swap3A_310, %swap3A_311], %swap3A_314 {strides = array<i32>} : memref<79x128xi32, #tpu.memory_space<vmem>>, vector<1x16xi32>,
      %mul3A_315 = arith.constant 128 : i32
      %mul3A_316 = arith.muli %scan3A_242, %mul3A_315 : i32
      %add3A_317 = arith.constant 32 : i32
      %add3A_318 = arith.addi %mul3A_316, %add3A_317 : i32
      %get3A_319 = arith.index_cast %add3A_318 : i32 to index
      %get3A_320 = tpu.vector_load %arg6[%get3A_319] {strides = array<i32>} : memref<10000xi32, #tpu.memory_space<vmem>>, vector<16xi32>,
      %get3A_321 = vector.shape_cast %get3A_320 : vector<16xi32> to vector<16xi32>
      %add3A_322 = arith.addi %get3A_321, %broadcast_in_dim3A : vector<16xi32>
      %swap3A_323 = arith.index_cast %add3A_318 : i32 to index
      %swap3A_324 = tpu.vector_load %arg6[%swap3A_323] {strides = array<i32>} : memref<10000xi32, #tpu.memory_space<vmem>>, vector<16xi32>,
      %swap3A_325 = vector.shape_cast %swap3A_324 : vector<16xi32> to vector<16xi32>
      %swap3A_326 = vector.shape_cast %add3A_322 : vector<16xi32> to vector<16xi32>
      tpu.vector_store %arg6[%swap3A_323], %swap3A_326 {strides = array<i32>} : memref<10000xi32, #tpu.memory_space<vmem>>, vector<16xi32>,
      %get3A_327 = arith.index_cast %add3A_318 : i32 to index
      %get3A_328 = tpu.vector_load %arg7[%get3A_327] {strides = array<i32>} : memref<10000xi32, #tpu.memory_space<vmem>>, vector<16xi32>,
      %get3A_329 = vector.shape_cast %get3A_328 : vector<16xi32> to vector<16xi32>
      %lt3A_330 = arith.constant 5000 : i32
      %lt3A_331 = vector.broadcast %lt3A_330 : i32 to vector<16xi32>
      %lt3A_332 = arith.cmpi slt, %get3A_329, %lt3A_331 : vector<16xi32>
      %select_n3A_333 = arith.select %lt3A_332, %get3A_329, %broadcast_in_dim3A_4 : vector<16xi1>, vector<16xi32>
      %swap3A_334 = arith.index_cast %scan3A_242 : i32 to index
      %swap3A_335 = arith.constant 32 : index
      %swap3A_336 = tpu.vector_load %arg8[%swap3A_334, %swap3A_335] {strides = array<i32>} : memref<79x128xi32, #tpu.memory_space<vmem>>, vector<1x16xi32>,
      %swap3A_337 = vector.shape_cast %swap3A_336 : vector<1x16xi32> to vector<16xi32>
      %swap3A_338 = vector.shape_cast %select_n3A_333 : vector<16xi32> to vector<1x16xi32>
      tpu.vector_store %arg8[%swap3A_334, %swap3A_335], %swap3A_338 {strides = array<i32>} : memref<79x128xi32, #tpu.memory_space<vmem>>, vector<1x16xi32>,
      %sub3A_339 = arith.constant 5000 : i32
      %sub3A_340 = vector.broadcast %sub3A_339 : i32 to vector<16xi32>
      %sub3A_341 = arith.subi %get3A_329, %sub3A_340 : vector<16xi32>
      %ge3A_342 = arith.constant 0 : i32
      %ge3A_343 = vector.broadcast %ge3A_342 : i32 to vector<16xi32>
      %ge3A_344 = arith.cmpi sge, %sub3A_341, %ge3A_343 : vector<16xi32>
      %select_n3A_345 = arith.select %ge3A_344, %sub3A_341, %broadcast_in_dim3A_4 : vector<16xi1>, vector<16xi32>
      %swap3A_346 = arith.index_cast %scan3A_242 : i32 to index
      %swap3A_347 = arith.constant 32 : index
      %swap3A_348 = tpu.vector_load %arg9[%swap3A_346, %swap3A_347] {strides = array<i32>} : memref<79x128xi32, #tpu.memory_space<vmem>>, vector<1x16xi32>,
      %swap3A_349 = vector.shape_cast %swap3A_348 : vector<1x16xi32> to vector<16xi32>
      %swap3A_350 = vector.shape_cast %select_n3A_345 : vector<16xi32> to vector<1x16xi32>
      tpu.vector_store %arg9[%swap3A_346, %swap3A_347], %swap3A_350 {strides = array<i32>} : memref<79x128xi32, #tpu.memory_space<vmem>>, vector<1x16xi32>,
      %mul3A_351 = arith.constant 128 : i32
      %mul3A_352 = arith.muli %scan3A_242, %mul3A_351 : i32
      %add3A_353 = arith.constant 48 : i32
      %add3A_354 = arith.addi %mul3A_352, %add3A_353 : i32
      %get3A_355 = arith.index_cast %add3A_354 : i32 to index
      %get3A_356 = tpu.vector_load %arg6[%get3A_355] {strides = array<i32>} : memref<10000xi32, #tpu.memory_space<vmem>>, vector<16xi32>,
      %get3A_357 = vector.shape_cast %get3A_356 : vector<16xi32> to vector<16xi32>
      %add3A_358 = arith.addi %get3A_357, %broadcast_in_dim3A : vector<16xi32>
      %swap3A_359 = arith.index_cast %add3A_354 : i32 to index
      %swap3A_360 = tpu.vector_load %arg6[%swap3A_359] {strides = array<i32>} : memref<10000xi32, #tpu.memory_space<vmem>>, vector<16xi32>,
      %swap3A_361 = vector.shape_cast %swap3A_360 : vector<16xi32> to vector<16xi32>
      %swap3A_362 = vector.shape_cast %add3A_358 : vector<16xi32> to vector<16xi32>
      tpu.vector_store %arg6[%swap3A_359], %swap3A_362 {strides = array<i32>} : memref<10000xi32, #tpu.memory_space<vmem>>, vector<16xi32>,
      %get3A_363 = arith.index_cast %add3A_354 : i32 to index
      %get3A_364 = tpu.vector_load %arg7[%get3A_363] {strides = array<i32>} : memref<10000xi32, #tpu.memory_space<vmem>>, vector<16xi32>,
      %get3A_365 = vector.shape_cast %get3A_364 : vector<16xi32> to vector<16xi32>
      %lt3A_366 = arith.constant 5000 : i32
      %lt3A_367 = vector.broadcast %lt3A_366 : i32 to vector<16xi32>
      %lt3A_368 = arith.cmpi slt, %get3A_365, %lt3A_367 : vector<16xi32>
      %select_n3A_369 = arith.select %lt3A_368, %get3A_365, %broadcast_in_dim3A_4 : vector<16xi1>, vector<16xi32>
      %swap3A_370 = arith.index_cast %scan3A_242 : i32 to index
      %swap3A_371 = arith.constant 48 : index
      %swap3A_372 = tpu.vector_load %arg8[%swap3A_370, %swap3A_371] {strides = array<i32>} : memref<79x128xi32, #tpu.memory_space<vmem>>, vector<1x16xi32>,
      %swap3A_373 = vector.shape_cast %swap3A_372 : vector<1x16xi32> to vector<16xi32>
      %swap3A_374 = vector.shape_cast %select_n3A_369 : vector<16xi32> to vector<1x16xi32>
      tpu.vector_store %arg8[%swap3A_370, %swap3A_371], %swap3A_374 {strides = array<i32>} : memref<79x128xi32, #tpu.memory_space<vmem>>, vector<1x16xi32>,
      %sub3A_375 = arith.constant 5000 : i32
      %sub3A_376 = vector.broadcast %sub3A_375 : i32 to vector<16xi32>
      %sub3A_377 = arith.subi %get3A_365, %sub3A_376 : vector<16xi32>
      %ge3A_378 = arith.constant 0 : i32
      %ge3A_379 = vector.broadcast %ge3A_378 : i32 to vector<16xi32>
      %ge3A_380 = arith.cmpi sge, %sub3A_377, %ge3A_379 : vector<16xi32>
      %select_n3A_381 = arith.select %ge3A_380, %sub3A_377, %broadcast_in_dim3A_4 : vector<16xi1>, vector<16xi32>
      %swap3A_382 = arith.index_cast %scan3A_242 : i32 to index
      %swap3A_383 = arith.constant 48 : index
      %swap3A_384 = tpu.vector_load %arg9[%swap3A_382, %swap3A_383] {strides = array<i32>} : memref<79x128xi32, #tpu.memory_space<vmem>>, vector<1x16xi32>,
      %swap3A_385 = vector.shape_cast %swap3A_384 : vector<1x16xi32> to vector<16xi32>
      %swap3A_386 = vector.shape_cast %select_n3A_381 : vector<16xi32> to vector<1x16xi32>
      tpu.vector_store %arg9[%swap3A_382, %swap3A_383], %swap3A_386 {strides = array<i32>} : memref<79x128xi32, #tpu.memory_space<vmem>>, vector<1x16xi32>,
      %mul3A_387 = arith.constant 128 : i32
      %mul3A_388 = arith.muli %scan3A_242, %mul3A_387 : i32
      %add3A_389 = arith.constant 64 : i32
      %add3A_390 = arith.addi %mul3A_388, %add3A_389 : i32
      %get3A_391 = arith.index_cast %add3A_390 : i32 to index
      %get3A_392 = tpu.vector_load %arg6[%get3A_391] {strides = array<i32>} : memref<10000xi32, #tpu.memory_space<vmem>>, vector<16xi32>,
      %get3A_393 = vector.shape_cast %get3A_392 : vector<16xi32> to vector<16xi32>
      %add3A_394 = arith.addi %get3A_393, %broadcast_in_dim3A : vector<16xi32>
      %swap3A_395 = arith.index_cast %add3A_390 : i32 to index
      %swap3A_396 = tpu.vector_load %arg6[%swap3A_395] {strides = array<i32>} : memref<10000xi32, #tpu.memory_space<vmem>>, vector<16xi32>,
      %swap3A_397 = vector.shape_cast %swap3A_396 : vector<16xi32> to vector<16xi32>
      %swap3A_398 = vector.shape_cast %add3A_394 : vector<16xi32> to vector<16xi32>
      tpu.vector_store %arg6[%swap3A_395], %swap3A_398 {strides = array<i32>} : memref<10000xi32, #tpu.memory_space<vmem>>, vector<16xi32>,
      %get3A_399 = arith.index_cast %add3A_390 : i32 to index
      %get3A_400 = tpu.vector_load %arg7[%get3A_399] {strides = array<i32>} : memref<10000xi32, #tpu.memory_space<vmem>>, vector<16xi32>,
      %get3A_401 = vector.shape_cast %get3A_400 : vector<16xi32> to vector<16xi32>
      %lt3A_402 = arith.constant 5000 : i32
      %lt3A_403 = vector.broadcast %lt3A_402 : i32 to vector<16xi32>
      %lt3A_404 = arith.cmpi slt, %get3A_401, %lt3A_403 : vector<16xi32>
      %select_n3A_405 = arith.select %lt3A_404, %get3A_401, %broadcast_in_dim3A_4 : vector<16xi1>, vector<16xi32>
      %swap3A_406 = arith.index_cast %scan3A_242 : i32 to index
      %swap3A_407 = arith.constant 64 : index
      %swap3A_408 = tpu.vector_load %arg8[%swap3A_406, %swap3A_407] {strides = array<i32>} : memref<79x128xi32, #tpu.memory_space<vmem>>, vector<1x16xi32>,
      %swap3A_409 = vector.shape_cast %swap3A_408 : vector<1x16xi32> to vector<16xi32>
      %swap3A_410 = vector.shape_cast %select_n3A_405 : vector<16xi32> to vector<1x16xi32>
      tpu.vector_store %arg8[%swap3A_406, %swap3A_407], %swap3A_410 {strides = array<i32>} : memref<79x128xi32, #tpu.memory_space<vmem>>, vector<1x16xi32>,
      %sub3A_411 = arith.constant 5000 : i32
      %sub3A_412 = vector.broadcast %sub3A_411 : i32 to vector<16xi32>
      %sub3A_413 = arith.subi %get3A_401, %sub3A_412 : vector<16xi32>
      %ge3A_414 = arith.constant 0 : i32
      %ge3A_415 = vector.broadcast %ge3A_414 : i32 to vector<16xi32>
      %ge3A_416 = arith.cmpi sge, %sub3A_413, %ge3A_415 : vector<16xi32>
      %select_n3A_417 = arith.select %ge3A_416, %sub3A_413, %broadcast_in_dim3A_4 : vector<16xi1>, vector<16xi32>
      %swap3A_418 = arith.index_cast %scan3A_242 : i32 to index
      %swap3A_419 = arith.constant 64 : index
      %swap3A_420 = tpu.vector_load %arg9[%swap3A_418, %swap3A_419] {strides = array<i32>} : memref<79x128xi32, #tpu.memory_space<vmem>>, vector<1x16xi32>,
      %swap3A_421 = vector.shape_cast %swap3A_420 : vector<1x16xi32> to vector<16xi32>
      %swap3A_422 = vector.shape_cast %select_n3A_417 : vector<16xi32> to vector<1x16xi32>
      tpu.vector_store %arg9[%swap3A_418, %swap3A_419], %swap3A_422 {strides = array<i32>} : memref<79x128xi32, #tpu.memory_space<vmem>>, vector<1x16xi32>,
      %mul3A_423 = arith.constant 128 : i32
      %mul3A_424 = arith.muli %scan3A_242, %mul3A_423 : i32
      %add3A_425 = arith.constant 80 : i32
      %add3A_426 = arith.addi %mul3A_424, %add3A_425 : i32
      %get3A_427 = arith.index_cast %add3A_426 : i32 to index
      %get3A_428 = tpu.vector_load %arg6[%get3A_427] {strides = array<i32>} : memref<10000xi32, #tpu.memory_space<vmem>>, vector<16xi32>,
      %get3A_429 = vector.shape_cast %get3A_428 : vector<16xi32> to vector<16xi32>
      %add3A_430 = arith.addi %get3A_429, %broadcast_in_dim3A : vector<16xi32>
      %swap3A_431 = arith.index_cast %add3A_426 : i32 to index
      %swap3A_432 = tpu.vector_load %arg6[%swap3A_431] {strides = array<i32>} : memref<10000xi32, #tpu.memory_space<vmem>>, vector<16xi32>,
      %swap3A_433 = vector.shape_cast %swap3A_432 : vector<16xi32> to vector<16xi32>
      %swap3A_434 = vector.shape_cast %add3A_430 : vector<16xi32> to vector<16xi32>
      tpu.vector_store %arg6[%swap3A_431], %swap3A_434 {strides = array<i32>} : memref<10000xi32, #tpu.memory_space<vmem>>, vector<16xi32>,
      %get3A_435 = arith.index_cast %add3A_426 : i32 to index
      %get3A_436 = tpu.vector_load %arg7[%get3A_435] {strides = array<i32>} : memref<10000xi32, #tpu.memory_space<vmem>>, vector<16xi32>,
      %get3A_437 = vector.shape_cast %get3A_436 : vector<16xi32> to vector<16xi32>
      %lt3A_438 = arith.constant 5000 : i32
      %lt3A_439 = vector.broadcast %lt3A_438 : i32 to vector<16xi32>
      %lt3A_440 = arith.cmpi slt, %get3A_437, %lt3A_439 : vector<16xi32>
      %select_n3A_441 = arith.select %lt3A_440, %get3A_437, %broadcast_in_dim3A_4 : vector<16xi1>, vector<16xi32>
      %swap3A_442 = arith.index_cast %scan3A_242 : i32 to index
      %swap3A_443 = arith.constant 80 : index
      %swap3A_444 = tpu.vector_load %arg8[%swap3A_442, %swap3A_443] {strides = array<i32>} : memref<79x128xi32, #tpu.memory_space<vmem>>, vector<1x16xi32>,
      %swap3A_445 = vector.shape_cast %swap3A_444 : vector<1x16xi32> to vector<16xi32>
      %swap3A_446 = vector.shape_cast %select_n3A_441 : vector<16xi32> to vector<1x16xi32>
      tpu.vector_store %arg8[%swap3A_442, %swap3A_443], %swap3A_446 {strides = array<i32>} : memref<79x128xi32, #tpu.memory_space<vmem>>, vector<1x16xi32>,
      %sub3A_447 = arith.constant 5000 : i32
      %sub3A_448 = vector.broadcast %sub3A_447 : i32 to vector<16xi32>
      %sub3A_449 = arith.subi %get3A_437, %sub3A_448 : vector<16xi32>
      %ge3A_450 = arith.constant 0 : i32
      %ge3A_451 = vector.broadcast %ge3A_450 : i32 to vector<16xi32>
      %ge3A_452 = arith.cmpi sge, %sub3A_449, %ge3A_451 : vector<16xi32>
      %select_n3A_453 = arith.select %ge3A_452, %sub3A_449, %broadcast_in_dim3A_4 : vector<16xi1>, vector<16xi32>
      %swap3A_454 = arith.index_cast %scan3A_242 : i32 to index
      %swap3A_455 = arith.constant 80 : index
      %swap3A_456 = tpu.vector_load %arg9[%swap3A_454, %swap3A_455] {strides = array<i32>} : memref<79x128xi32, #tpu.memory_space<vmem>>, vector<1x16xi32>,
      %swap3A_457 = vector.shape_cast %swap3A_456 : vector<1x16xi32> to vector<16xi32>
      %swap3A_458 = vector.shape_cast %select_n3A_453 : vector<16xi32> to vector<1x16xi32>
      tpu.vector_store %arg9[%swap3A_454, %swap3A_455], %swap3A_458 {strides = array<i32>} : memref<79x128xi32, #tpu.memory_space<vmem>>, vector<1x16xi32>,
      %mul3A_459 = arith.constant 128 : i32
      %mul3A_460 = arith.muli %scan3A_242, %mul3A_459 : i32
      %add3A_461 = arith.constant 96 : i32
      %add3A_462 = arith.addi %mul3A_460, %add3A_461 : i32
      %get3A_463 = arith.index_cast %add3A_462 : i32 to index
      %get3A_464 = tpu.vector_load %arg6[%get3A_463] {strides = array<i32>} : memref<10000xi32, #tpu.memory_space<vmem>>, vector<16xi32>,
      %get3A_465 = vector.shape_cast %get3A_464 : vector<16xi32> to vector<16xi32>
      %add3A_466 = arith.addi %get3A_465, %broadcast_in_dim3A : vector<16xi32>
      %swap3A_467 = arith.index_cast %add3A_462 : i32 to index
      %swap3A_468 = tpu.vector_load %arg6[%swap3A_467] {strides = array<i32>} : memref<10000xi32, #tpu.memory_space<vmem>>, vector<16xi32>,
      %swap3A_469 = vector.shape_cast %swap3A_468 : vector<16xi32> to vector<16xi32>
      %swap3A_470 = vector.shape_cast %add3A_466 : vector<16xi32> to vector<16xi32>
      tpu.vector_store %arg6[%swap3A_467], %swap3A_470 {strides = array<i32>} : memref<10000xi32, #tpu.memory_space<vmem>>, vector<16xi32>,
      %get3A_471 = arith.index_cast %add3A_462 : i32 to index
      %get3A_472 = tpu.vector_load %arg7[%get3A_471] {strides = array<i32>} : memref<10000xi32, #tpu.memory_space<vmem>>, vector<16xi32>,
      %get3A_473 = vector.shape_cast %get3A_472 : vector<16xi32> to vector<16xi32>
      %lt3A_474 = arith.constant 5000 : i32
      %lt3A_475 = vector.broadcast %lt3A_474 : i32 to vector<16xi32>
      %lt3A_476 = arith.cmpi slt, %get3A_473, %lt3A_475 : vector<16xi32>
      %select_n3A_477 = arith.select %lt3A_476, %get3A_473, %broadcast_in_dim3A_4 : vector<16xi1>, vector<16xi32>
      %swap3A_478 = arith.index_cast %scan3A_242 : i32 to index
      %swap3A_479 = arith.constant 96 : index
      %swap3A_480 = tpu.vector_load %arg8[%swap3A_478, %swap3A_479] {strides = array<i32>} : memref<79x128xi32, #tpu.memory_space<vmem>>, vector<1x16xi32>,
      %swap3A_481 = vector.shape_cast %swap3A_480 : vector<1x16xi32> to vector<16xi32>
      %swap3A_482 = vector.shape_cast %select_n3A_477 : vector<16xi32> to vector<1x16xi32>
      tpu.vector_store %arg8[%swap3A_478, %swap3A_479], %swap3A_482 {strides = array<i32>} : memref<79x128xi32, #tpu.memory_space<vmem>>, vector<1x16xi32>,
      %sub3A_483 = arith.constant 5000 : i32
      %sub3A_484 = vector.broadcast %sub3A_483 : i32 to vector<16xi32>
      %sub3A_485 = arith.subi %get3A_473, %sub3A_484 : vector<16xi32>
      %ge3A_486 = arith.constant 0 : i32
      %ge3A_487 = vector.broadcast %ge3A_486 : i32 to vector<16xi32>
      %ge3A_488 = arith.cmpi sge, %sub3A_485, %ge3A_487 : vector<16xi32>
      %select_n3A_489 = arith.select %ge3A_488, %sub3A_485, %broadcast_in_dim3A_4 : vector<16xi1>, vector<16xi32>
      %swap3A_490 = arith.index_cast %scan3A_242 : i32 to index
      %swap3A_491 = arith.constant 96 : index
      %swap3A_492 = tpu.vector_load %arg9[%swap3A_490, %swap3A_491] {strides = array<i32>} : memref<79x128xi32, #tpu.memory_space<vmem>>, vector<1x16xi32>,
      %swap3A_493 = vector.shape_cast %swap3A_492 : vector<1x16xi32> to vector<16xi32>
      %swap3A_494 = vector.shape_cast %select_n3A_489 : vector<16xi32> to vector<1x16xi32>
      tpu.vector_store %arg9[%swap3A_490, %swap3A_491], %swap3A_494 {strides = array<i32>} : memref<79x128xi32, #tpu.memory_space<vmem>>, vector<1x16xi32>,
      %mul3A_495 = arith.constant 128 : i32
      %mul3A_496 = arith.muli %scan3A_242, %mul3A_495 : i32
      %add3A_497 = arith.constant 112 : i32
      %add3A_498 = arith.addi %mul3A_496, %add3A_497 : i32
      %get3A_499 = arith.index_cast %add3A_498 : i32 to index
      %get3A_500 = tpu.vector_load %arg6[%get3A_499] {strides = array<i32>} : memref<10000xi32, #tpu.memory_space<vmem>>, vector<16xi32>,
      %get3A_501 = vector.shape_cast %get3A_500 : vector<16xi32> to vector<16xi32>
      %add3A_502 = arith.addi %get3A_501, %broadcast_in_dim3A : vector<16xi32>
      %swap3A_503 = arith.index_cast %add3A_498 : i32 to index
      %swap3A_504 = tpu.vector_load %arg6[%swap3A_503] {strides = array<i32>} : memref<10000xi32, #tpu.memory_space<vmem>>, vector<16xi32>,
      %swap3A_505 = vector.shape_cast %swap3A_504 : vector<16xi32> to vector<16xi32>
      %swap3A_506 = vector.shape_cast %add3A_502 : vector<16xi32> to vector<16xi32>
      tpu.vector_store %arg6[%swap3A_503], %swap3A_506 {strides = array<i32>} : memref<10000xi32, #tpu.memory_space<vmem>>, vector<16xi32>,
      %get3A_507 = arith.index_cast %add3A_498 : i32 to index
      %get3A_508 = tpu.vector_load %arg7[%get3A_507] {strides = array<i32>} : memref<10000xi32, #tpu.memory_space<vmem>>, vector<16xi32>,
      %get3A_509 = vector.shape_cast %get3A_508 : vector<16xi32> to vector<16xi32>
      %lt3A_510 = arith.constant 5000 : i32
      %lt3A_511 = vector.broadcast %lt3A_510 : i32 to vector<16xi32>
      %lt3A_512 = arith.cmpi slt, %get3A_509, %lt3A_511 : vector<16xi32>
      %select_n3A_513 = arith.select %lt3A_512, %get3A_509, %broadcast_in_dim3A_4 : vector<16xi1>, vector<16xi32>
      %swap3A_514 = arith.index_cast %scan3A_242 : i32 to index
      %swap3A_515 = arith.constant 112 : index
      %swap3A_516 = tpu.vector_load %arg8[%swap3A_514, %swap3A_515] {strides = array<i32>} : memref<79x128xi32, #tpu.memory_space<vmem>>, vector<1x16xi32>,
      %swap3A_517 = vector.shape_cast %swap3A_516 : vector<1x16xi32> to vector<16xi32>
      %swap3A_518 = vector.shape_cast %select_n3A_513 : vector<16xi32> to vector<1x16xi32>
      tpu.vector_store %arg8[%swap3A_514, %swap3A_515], %swap3A_518 {strides = array<i32>} : memref<79x128xi32, #tpu.memory_space<vmem>>, vector<1x16xi32>,
      %sub3A_519 = arith.constant 5000 : i32
      %sub3A_520 = vector.broadcast %sub3A_519 : i32 to vector<16xi32>
      %sub3A_521 = arith.subi %get3A_509, %sub3A_520 : vector<16xi32>
      %ge3A_522 = arith.constant 0 : i32
      %ge3A_523 = vector.broadcast %ge3A_522 : i32 to vector<16xi32>
      %ge3A_524 = arith.cmpi sge, %sub3A_521, %ge3A_523 : vector<16xi32>
      %select_n3A_525 = arith.select %ge3A_524, %sub3A_521, %broadcast_in_dim3A_4 : vector<16xi1>, vector<16xi32>
      %swap3A_526 = arith.index_cast %scan3A_242 : i32 to index
      %swap3A_527 = arith.constant 112 : index
      %swap3A_528 = tpu.vector_load %arg9[%swap3A_526, %swap3A_527] {strides = array<i32>} : memref<79x128xi32, #tpu.memory_space<vmem>>, vector<1x16xi32>,
      %swap3A_529 = vector.shape_cast %swap3A_528 : vector<1x16xi32> to vector<16xi32>
      %swap3A_530 = vector.shape_cast %select_n3A_525 : vector<16xi32> to vector<1x16xi32>
      tpu.vector_store %arg9[%swap3A_526, %swap3A_527], %swap3A_530 {strides = array<i32>} : memref<79x128xi32, #tpu.memory_space<vmem>>, vector<1x16xi32>,
    }
    %scan3A_9 = arith.constant 78 : i32
    %get3A = arith.constant 9984 : index
    %get3A_10 = tpu.vector_load %arg6[%get3A] {strides = array<i32>} : memref<10000xi32, #tpu.memory_space<vmem>>, vector<16xi32>,
    %get3A_11 = vector.shape_cast %get3A_10 : vector<16xi32> to vector<16xi32>
    %add3A = arith.addi %get3A_11, %broadcast_in_dim3A : vector<16xi32>
    %swap3A = arith.constant 9984 : index
    %swap3A_12 = tpu.vector_load %arg6[%swap3A] {strides = array<i32>} : memref<10000xi32, #tpu.memory_space<vmem>>, vector<16xi32>,
    %swap3A_13 = vector.shape_cast %swap3A_12 : vector<16xi32> to vector<16xi32>
    %swap3A_14 = vector.shape_cast %add3A : vector<16xi32> to vector<16xi32>
    tpu.vector_store %arg6[%swap3A], %swap3A_14 {strides = array<i32>} : memref<10000xi32, #tpu.memory_space<vmem>>, vector<16xi32>,
    %get3A_15 = arith.constant 9984 : index
    %get3A_16 = tpu.vector_load %arg7[%get3A_15] {strides = array<i32>} : memref<10000xi32, #tpu.memory_space<vmem>>, vector<16xi32>,
    %get3A_17 = vector.shape_cast %get3A_16 : vector<16xi32> to vector<16xi32>
    %lt3A = arith.constant 5000 : i32
    %lt3A_18 = vector.broadcast %lt3A : i32 to vector<16xi32>
    %lt3A_19 = arith.cmpi slt, %get3A_17, %lt3A_18 : vector<16xi32>
    %select_n3A = arith.select %lt3A_19, %get3A_17, %broadcast_in_dim3A_4 : vector<16xi1>, vector<16xi32>
    %swap3A_20 = arith.constant 78 : i32
    %swap3A_21 = arith.index_cast %swap3A_20 : i32 to index
    %swap3A_22 = arith.constant 0 : index
    %swap3A_23 = tpu.vector_load %arg8[%swap3A_21, %swap3A_22] {strides = array<i32>} : memref<79x128xi32, #tpu.memory_space<vmem>>, vector<1x16xi32>,
    %swap3A_24 = vector.shape_cast %swap3A_23 : vector<1x16xi32> to vector<16xi32>
    %swap3A_25 = vector.shape_cast %select_n3A : vector<16xi32> to vector<1x16xi32>
    tpu.vector_store %arg8[%swap3A_21, %swap3A_22], %swap3A_25 {strides = array<i32>} : memref<79x128xi32, #tpu.memory_space<vmem>>, vector<1x16xi32>,
    %sub3A = arith.constant 5000 : i32
    %sub3A_26 = vector.broadcast %sub3A : i32 to vector<16xi32>
    %sub3A_27 = arith.subi %get3A_17, %sub3A_26 : vector<16xi32>
    %ge3A = arith.constant 0 : i32
    %ge3A_28 = vector.broadcast %ge3A : i32 to vector<16xi32>
    %ge3A_29 = arith.cmpi sge, %sub3A_27, %ge3A_28 : vector<16xi32>
    %select_n3A_30 = arith.select %ge3A_29, %sub3A_27, %broadcast_in_dim3A_4 : vector<16xi1>, vector<16xi32>
    %swap3A_31 = arith.constant 78 : i32
    %swap3A_32 = arith.index_cast %swap3A_31 : i32 to index
    %swap3A_33 = arith.constant 0 : index
    %swap3A_34 = tpu.vector_load %arg9[%swap3A_32, %swap3A_33] {strides = array<i32>} : memref<79x128xi32, #tpu.memory_space<vmem>>, vector<1x16xi32>,
    %swap3A_35 = vector.shape_cast %swap3A_34 : vector<1x16xi32> to vector<16xi32>
    %swap3A_36 = vector.shape_cast %select_n3A_30 : vector<16xi32> to vector<1x16xi32>
    tpu.vector_store %arg9[%swap3A_32, %swap3A_33], %swap3A_36 {strides = array<i32>} : memref<79x128xi32, #tpu.memory_space<vmem>>, vector<1x16xi32>,
    %swap3A_37 = arith.constant 78 : i32
    %swap3A_38 = arith.index_cast %swap3A_37 : i32 to index
    %swap3A_39 = arith.constant 16 : index
    %swap3A_40 = tpu.vector_load %arg8[%swap3A_38, %swap3A_39] {strides = array<i32>} : memref<79x128xi32, #tpu.memory_space<vmem>>, vector<1x16xi32>,
    %swap3A_41 = vector.shape_cast %swap3A_40 : vector<1x16xi32> to vector<16xi32>
    %swap3A_42 = vector.shape_cast %broadcast_in_dim3A_4 : vector<16xi32> to vector<1x16xi32>
    tpu.vector_store %arg8[%swap3A_38, %swap3A_39], %swap3A_42 {strides = array<i32>} : memref<79x128xi32, #tpu.memory_space<vmem>>, vector<1x16xi32>,
    %swap3A_43 = arith.constant 78 : i32
    %swap3A_44 = arith.index_cast %swap3A_43 : i32 to index
    %swap3A_45 = arith.constant 16 : index
    %swap3A_46 = tpu.vector_load %arg9[%swap3A_44, %swap3A_45] {strides = array<i32>} : memref<79x128xi32, #tpu.memory_space<vmem>>, vector<1x16xi32>,
    %swap3A_47 = vector.shape_cast %swap3A_46 : vector<1x16xi32> to vector<16xi32>
    %swap3A_48 = vector.shape_cast %broadcast_in_dim3A_4 : vector<16xi32> to vector<1x16xi32>
    tpu.vector_store %arg9[%swap3A_44, %swap3A_45], %swap3A_48 {strides = array<i32>} : memref<79x128xi32, #tpu.memory_space<vmem>>, vector<1x16xi32>,
    %swap3A_49 = arith.constant 78 : i32
    %swap3A_50 = arith.index_cast %swap3A_49 : i32 to index
    %swap3A_51 = arith.constant 32 : index
    %swap3A_52 = tpu.vector_load %arg8[%swap3A_50, %swap3A_51] {strides = array<i32>} : memref<79x128xi32, #tpu.memory_space<vmem>>, vector<1x16xi32>,
    %swap3A_53 = vector.shape_cast %swap3A_52 : vector<1x16xi32> to vector<16xi32>
    %swap3A_54 = vector.shape_cast %broadcast_in_dim3A_4 : vector<16xi32> to vector<1x16xi32>
    tpu.vector_store %arg8[%swap3A_50, %swap3A_51], %swap3A_54 {strides = array<i32>} : memref<79x128xi32, #tpu.memory_space<vmem>>, vector<1x16xi32>,
    %swap3A_55 = arith.constant 78 : i32
    %swap3A_56 = arith.index_cast %swap3A_55 : i32 to index
    %swap3A_57 = arith.constant 32 : index
    %swap3A_58 = tpu.vector_load %arg9[%swap3A_56, %swap3A_57] {strides = array<i32>} : memref<79x128xi32, #tpu.memory_space<vmem>>, vector<1x16xi32>,
    %swap3A_59 = vector.shape_cast %swap3A_58 : vector<1x16xi32> to vector<16xi32>
    %swap3A_60 = vector.shape_cast %broadcast_in_dim3A_4 : vector<16xi32> to vector<1x16xi32>
    tpu.vector_store %arg9[%swap3A_56, %swap3A_57], %swap3A_60 {strides = array<i32>} : memref<79x128xi32, #tpu.memory_space<vmem>>, vector<1x16xi32>,
    %swap3A_61 = arith.constant 78 : i32
    %swap3A_62 = arith.index_cast %swap3A_61 : i32 to index
    %swap3A_63 = arith.constant 48 : index
    %swap3A_64 = tpu.vector_load %arg8[%swap3A_62, %swap3A_63] {strides = array<i32>} : memref<79x128xi32, #tpu.memory_space<vmem>>, vector<1x16xi32>,
    %swap3A_65 = vector.shape_cast %swap3A_64 : vector<1x16xi32> to vector<16xi32>
    %swap3A_66 = vector.shape_cast %broadcast_in_dim3A_4 : vector<16xi32> to vector<1x16xi32>
    tpu.vector_store %arg8[%swap3A_62, %swap3A_63], %swap3A_66 {strides = array<i32>} : memref<79x128xi32, #tpu.memory_space<vmem>>, vector<1x16xi32>,
    %swap3A_67 = arith.constant 78 : i32
    %swap3A_68 = arith.index_cast %swap3A_67 : i32 to index
    %swap3A_69 = arith.constant 48 : index
    %swap3A_70 = tpu.vector_load %arg9[%swap3A_68, %swap3A_69] {strides = array<i32>} : memref<79x128xi32, #tpu.memory_space<vmem>>, vector<1x16xi32>,
    %swap3A_71 = vector.shape_cast %swap3A_70 : vector<1x16xi32> to vector<16xi32>
    %swap3A_72 = vector.shape_cast %broadcast_in_dim3A_4 : vector<16xi32> to vector<1x16xi32>
    tpu.vector_store %arg9[%swap3A_68, %swap3A_69], %swap3A_72 {strides = array<i32>} : memref<79x128xi32, #tpu.memory_space<vmem>>, vector<1x16xi32>,
    %swap3A_73 = arith.constant 78 : i32
    %swap3A_74 = arith.index_cast %swap3A_73 : i32 to index
    %swap3A_75 = arith.constant 64 : index
    %swap3A_76 = tpu.vector_load %arg8[%swap3A_74, %swap3A_75] {strides = array<i32>} : memref<79x128xi32, #tpu.memory_space<vmem>>, vector<1x16xi32>,
    %swap3A_77 = vector.shape_cast %swap3A_76 : vector<1x16xi32> to vector<16xi32>
    %swap3A_78 = vector.shape_cast %broadcast_in_dim3A_4 : vector<16xi32> to vector<1x16xi32>
    tpu.vector_store %arg8[%swap3A_74, %swap3A_75], %swap3A_78 {strides = array<i32>} : memref<79x128xi32, #tpu.memory_space<vmem>>, vector<1x16xi32>,
    %swap3A_79 = arith.constant 78 : i32
    %swap3A_80 = arith.index_cast %swap3A_79 : i32 to index
    %swap3A_81 = arith.constant 64 : index
    %swap3A_82 = tpu.vector_load %arg9[%swap3A_80, %swap3A_81] {strides = array<i32>} : memref<79x128xi32, #tpu.memory_space<vmem>>, vector<1x16xi32>,
    %swap3A_83 = vector.shape_cast %swap3A_82 : vector<1x16xi32> to vector<16xi32>
    %swap3A_84 = vector.shape_cast %broadcast_in_dim3A_4 : vector<16xi32> to vector<1x16xi32>
    tpu.vector_store %arg9[%swap3A_80, %swap3A_81], %swap3A_84 {strides = array<i32>} : memref<79x128xi32, #tpu.memory_space<vmem>>, vector<1x16xi32>,
    %swap3A_85 = arith.constant 78 : i32
    %swap3A_86 = arith.index_cast %swap3A_85 : i32 to index
    %swap3A_87 = arith.constant 80 : index
    %swap3A_88 = tpu.vector_load %arg8[%swap3A_86, %swap3A_87] {strides = array<i32>} : memref<79x128xi32, #tpu.memory_space<vmem>>, vector<1x16xi32>,
    %swap3A_89 = vector.shape_cast %swap3A_88 : vector<1x16xi32> to vector<16xi32>
    %swap3A_90 = vector.shape_cast %broadcast_in_dim3A_4 : vector<16xi32> to vector<1x16xi32>
    tpu.vector_store %arg8[%swap3A_86, %swap3A_87], %swap3A_90 {strides = array<i32>} : memref<79x128xi32, #tpu.memory_space<vmem>>, vector<1x16xi32>,
    %swap3A_91 = arith.constant 78 : i32
    %swap3A_92 = arith.index_cast %swap3A_91 : i32 to index
    %swap3A_93 = arith.constant 80 : index
    %swap3A_94 = tpu.vector_load %arg9[%swap3A_92, %swap3A_93] {strides = array<i32>} : memref<79x128xi32, #tpu.memory_space<vmem>>, vector<1x16xi32>,
    %swap3A_95 = vector.shape_cast %swap3A_94 : vector<1x16xi32> to vector<16xi32>
    %swap3A_96 = vector.shape_cast %broadcast_in_dim3A_4 : vector<16xi32> to vector<1x16xi32>
    tpu.vector_store %arg9[%swap3A_92, %swap3A_93], %swap3A_96 {strides = array<i32>} : memref<79x128xi32, #tpu.memory_space<vmem>>, vector<1x16xi32>,
    %swap3A_97 = arith.constant 78 : i32
    %swap3A_98 = arith.index_cast %swap3A_97 : i32 to index
    %swap3A_99 = arith.constant 96 : index
    %swap3A_100 = tpu.vector_load %arg8[%swap3A_98, %swap3A_99] {strides = array<i32>} : memref<79x128xi32, #tpu.memory_space<vmem>>, vector<1x16xi32>,
    %swap3A_101 = vector.shape_cast %swap3A_100 : vector<1x16xi32> to vector<16xi32>
    %swap3A_102 = vector.shape_cast %broadcast_in_dim3A_4 : vector<16xi32> to vector<1x16xi32>
    tpu.vector_store %arg8[%swap3A_98, %swap3A_99], %swap3A_102 {strides = array<i32>} : memref<79x128xi32, #tpu.memory_space<vmem>>, vector<1x16xi32>,
    %swap3A_103 = arith.constant 78 : i32
    %swap3A_104 = arith.index_cast %swap3A_103 : i32 to index
    %swap3A_105 = arith.constant 96 : index
    %swap3A_106 = tpu.vector_load %arg9[%swap3A_104, %swap3A_105] {strides = array<i32>} : memref<79x128xi32, #tpu.memory_space<vmem>>, vector<1x16xi32>,
    %swap3A_107 = vector.shape_cast %swap3A_106 : vector<1x16xi32> to vector<16xi32>
    %swap3A_108 = vector.shape_cast %broadcast_in_dim3A_4 : vector<16xi32> to vector<1x16xi32>
    tpu.vector_store %arg9[%swap3A_104, %swap3A_105], %swap3A_108 {strides = array<i32>} : memref<79x128xi32, #tpu.memory_space<vmem>>, vector<1x16xi32>,
    %swap3A_109 = arith.constant 78 : i32
    %swap3A_110 = arith.index_cast %swap3A_109 : i32 to index
    %swap3A_111 = arith.constant 112 : index
    %swap3A_112 = tpu.vector_load %arg8[%swap3A_110, %swap3A_111] {strides = array<i32>} : memref<79x128xi32, #tpu.memory_space<vmem>>, vector<1x16xi32>,
    %swap3A_113 = vector.shape_cast %swap3A_112 : vector<1x16xi32> to vector<16xi32>
    %swap3A_114 = vector.shape_cast %broadcast_in_dim3A_4 : vector<16xi32> to vector<1x16xi32>
    tpu.vector_store %arg8[%swap3A_110, %swap3A_111], %swap3A_114 {strides = array<i32>} : memref<79x128xi32, #tpu.memory_space<vmem>>, vector<1x16xi32>,
    %swap3A_115 = arith.constant 78 : i32
    %swap3A_116 = arith.index_cast %swap3A_115 : i32 to index
    %swap3A_117 = arith.constant 112 : index
    %swap3A_118 = tpu.vector_load %arg9[%swap3A_116, %swap3A_117] {strides = array<i32>} : memref<79x128xi32, #tpu.memory_space<vmem>>, vector<1x16xi32>,
    %swap3A_119 = vector.shape_cast %swap3A_118 : vector<1x16xi32> to vector<16xi32>
    %swap3A_120 = vector.shape_cast %broadcast_in_dim3A_4 : vector<16xi32> to vector<1x16xi32>
    tpu.vector_store %arg9[%swap3A_116, %swap3A_117], %swap3A_120 {strides = array<i32>} : memref<79x128xi32, #tpu.memory_space<vmem>>, vector<1x16xi32>,
    %mul3A_121 = arith.constant 10000 : i32
    %mul3A_122 = arith.muli %arg0, %mul3A_121 : i32
    %add3A_123 = arith.constant 0 : i32
    %add3A_124 = arith.addi %mul3A_122, %add3A_123 : i32
    %mul3A_125 = arith.constant 312 : i32
    %mul3A_126 = arith.muli %arg1, %mul3A_125 : i32
    %add3A_127 = arith.addi %add3A_124, %mul3A_126 : i32
    %mul3A_128 = arith.constant 312 : i32
    %mul3A_129 = arith.muli %arg1, %mul3A_128 : i32
    "tpu.region"() ({
      %run_scoped3A_242 = tpu.sem_alloc : memref<!tpu.dma_semaphore, #tpu.memory_space<semaphore_mem>>
      %dma_start3A_243 = arith.constant 0 : i32
      %dma_start3A_244 = tpu.memref_slice %arg12[%mul3A_129, %dma_start3A_243] : memref<5008x128xf32, #tpu.memory_space<vmem_shared>> -> memref<312x128xf32, #tpu.memory_space<vmem_shared>>
      %dma_start3A_245 = arith.constant 0 : i32
      %dma_start3A_246 = tpu.memref_slice %arg2[%add3A_127, %dma_start3A_245] : memref<20000x128xf32, #tpu.memory_space<hbm>> -> memref<312x128xf32, #tpu.memory_space<hbm>>
      tpu.enqueue_dma source(%dma_start3A_246 : memref<312x128xf32, #tpu.memory_space<hbm>>) target(%dma_start3A_244 : memref<312x128xf32, #tpu.memory_space<vmem_shared>>) target_semaphore(%run_scoped3A_242 : memref<!tpu.dma_semaphore, #tpu.memory_space<semaphore_mem>>)
      %dma_wait3A_247 = arith.constant 0 : i32
      %dma_wait3A_248 = tpu.memref_slice %arg12[%mul3A_129, %dma_wait3A_247] : memref<5008x128xf32, #tpu.memory_space<vmem_shared>> -> memref<312x128xf32, #tpu.memory_space<vmem_shared>>
      %dma_wait3A_249 = arith.constant 0 : i32
      %dma_wait3A_250 = tpu.memref_slice %arg2[%add3A_127, %dma_wait3A_249] : memref<20000x128xf32, #tpu.memory_space<hbm>> -> memref<312x128xf32, #tpu.memory_space<hbm>>
      tpu.wait_dma2 semaphore(%run_scoped3A_242 : memref<!tpu.dma_semaphore, #tpu.memory_space<semaphore_mem>>) src(%dma_wait3A_250 : memref<312x128xf32, #tpu.memory_space<hbm>>) dst(%dma_wait3A_248 : memref<312x128xf32, #tpu.memory_space<vmem_shared>>)
      tpu.yield
    }) : () -> ()
    %eq3A = arith.constant 0 : i32
    %eq3A_130 = arith.cmpi eq, %arg1, %eq3A : i32
    %convert_element_type3A = arith.extui %eq3A_130 : i1 to i32
    %cond3A = arith.constant 0 : i32
    %cond3A_131 = arith.cmpi ne, %convert_element_type3A, %cond3A : i32
    scf.if %cond3A_131 {
      %add3A_242 = arith.constant 4992 : i32
      %add3A_243 = arith.addi %add3A_124, %add3A_242 : i32
      "tpu.region"() ({
        %run_scoped3A_244 = tpu.sem_alloc : memref<!tpu.dma_semaphore, #tpu.memory_space<semaphore_mem>>
        %dma_start3A_245 = arith.constant 4992 : i32
        %dma_start3A_246 = arith.constant 0 : i32
        %dma_start3A_247 = tpu.memref_slice %arg12[%dma_start3A_245, %dma_start3A_246] : memref<5008x128xf32, #tpu.memory_space<vmem_shared>> -> memref<8x128xf32, #tpu.memory_space<vmem_shared>>
        %dma_start3A_248 = arith.constant 0 : i32
        %dma_start3A_249 = tpu.memref_slice %arg2[%add3A_243, %dma_start3A_248] : memref<20000x128xf32, #tpu.memory_space<hbm>> -> memref<8x128xf32, #tpu.memory_space<hbm>>
        tpu.enqueue_dma source(%dma_start3A_249 : memref<8x128xf32, #tpu.memory_space<hbm>>) target(%dma_start3A_247 : memref<8x128xf32, #tpu.memory_space<vmem_shared>>) target_semaphore(%run_scoped3A_244 : memref<!tpu.dma_semaphore, #tpu.memory_space<semaphore_mem>>)
        %dma_wait3A_250 = arith.constant 4992 : i32
        %dma_wait3A_251 = arith.constant 0 : i32
        %dma_wait3A_252 = tpu.memref_slice %arg12[%dma_wait3A_250, %dma_wait3A_251] : memref<5008x128xf32, #tpu.memory_space<vmem_shared>> -> memref<8x128xf32, #tpu.memory_space<vmem_shared>>
        %dma_wait3A_253 = arith.constant 0 : i32
        %dma_wait3A_254 = tpu.memref_slice %arg2[%add3A_243, %dma_wait3A_253] : memref<20000x128xf32, #tpu.memory_space<hbm>> -> memref<8x128xf32, #tpu.memory_space<hbm>>
        tpu.wait_dma2 semaphore(%run_scoped3A_244 : memref<!tpu.dma_semaphore, #tpu.memory_space<semaphore_mem>>) src(%dma_wait3A_254 : memref<8x128xf32, #tpu.memory_space<hbm>>) dst(%dma_wait3A_252 : memref<8x128xf32, #tpu.memory_space<vmem_shared>>)
        tpu.yield
      }) : () -> ()
    } else {
    }
    %barrier3A = arith.constant 0 : index
    tpu.barrier barrier_id(%barrier3A)
    %dma_start3A = arith.constant 0 : i32
    %dma_start3A_132 = arith.constant 0 : i32
    %dma_start3A_133 = tpu.memref_slice %arg10[%dma_start3A, %dma_start3A_132] : memref<128x128xf32, #tpu.memory_space<vmem>> -> memref<16x128xf32, #tpu.memory_space<vmem>>
    %dma_start3A_134 = arith.constant 9984 : i32
    %dma_start3A_135 = tpu.memref_slice %arg6[%dma_start3A_134] : memref<10000xi32, #tpu.memory_space<vmem>> -> memref<16xi32, #tpu.memory_space<vmem>>
    %dma_start3A_136 = arith.constant 0 : i32
    %dma_start3A_137 = arith.constant 0 : i32
    %dma_start3A_138 = tpu.memref_slice %arg2[%dma_start3A_136, %dma_start3A_137] : memref<20000x128xf32, #tpu.memory_space<hbm>> -> memref<20000x128xf32, #tpu.memory_space<hbm>>
    tpu.enqueue_indirect_dma source(%dma_start3A_138 : memref<20000x128xf32, #tpu.memory_space<hbm>>) target(%dma_start3A_133 : memref<16x128xf32, #tpu.memory_space<vmem>>) offsets(%dma_start3A_135 : memref<16xi32, #tpu.memory_space<vmem>>) semaphore(%arg13 : memref<!tpu.dma_semaphore, #tpu.memory_space<semaphore_mem>>)
    %dma_wait3A = arith.constant 0 : i32
    %dma_wait3A_139 = arith.constant 0 : i32
    %dma_wait3A_140 = tpu.memref_slice %arg10[%dma_wait3A, %dma_wait3A_139] : memref<128x128xf32, #tpu.memory_space<vmem>> -> memref<16x128xf32, #tpu.memory_space<vmem>>
    %dma_wait3A_141 = arith.constant 9984 : i32
    %dma_wait3A_142 = tpu.memref_slice %arg6[%dma_wait3A_141] : memref<10000xi32, #tpu.memory_space<vmem>> -> memref<16xi32, #tpu.memory_space<vmem>>
    %dma_wait3A_143 = arith.constant 0 : i32
    %dma_wait3A_144 = arith.constant 0 : i32
    %dma_wait3A_145 = tpu.memref_slice %arg2[%dma_wait3A_143, %dma_wait3A_144] : memref<20000x128xf32, #tpu.memory_space<hbm>> -> memref<20000x128xf32, #tpu.memory_space<hbm>>
    tpu.wait_indirect_dma semaphore(%arg13 : memref<!tpu.dma_semaphore, #tpu.memory_space<semaphore_mem>>) src(%dma_wait3A_145 : memref<20000x128xf32, #tpu.memory_space<hbm>>) dst(%dma_wait3A_140 : memref<16x128xf32, #tpu.memory_space<vmem>>)
    %run_scoped3A = arith.constant 78 : i32
    "tpu.region"() ({
      %run_scoped3A_242 = tpu.sem_alloc : memref<!tpu.dma_semaphore, #tpu.memory_space<semaphore_mem>>
      %dma_start3A_243 = arith.constant 0 : i32
      %dma_start3A_244 = tpu.memref_slice %arg8[%run_scoped3A, %dma_start3A_243] : memref<79x128xi32, #tpu.memory_space<vmem>> -> memref<1x128xi32, #tpu.memory_space<vmem>>
      %dma_start3A_245 = tpu.memref_squeeze %dma_start3A_244 : memref<1x128xi32, #tpu.memory_space<vmem>> -> memref<128xi32, #tpu.memory_space<vmem>>
      %dma_start3A_246 = arith.constant 0 : i32
      %dma_start3A_247 = arith.constant 0 : i32
      %dma_start3A_248 = tpu.memref_slice %arg12[%dma_start3A_246, %dma_start3A_247] : memref<5008x128xf32, #tpu.memory_space<vmem_shared>> -> memref<5008x128xf32, #tpu.memory_space<vmem_shared>>
      tpu.enqueue_indirect_dma source(%arg10 : memref<128x128xf32, #tpu.memory_space<vmem>>) target(%dma_start3A_248 : memref<5008x128xf32, #tpu.memory_space<vmem_shared>>) offsets(%dma_start3A_245 : memref<128xi32, #tpu.memory_space<vmem>>) semaphore(%run_scoped3A_242 : memref<!tpu.dma_semaphore, #tpu.memory_space<semaphore_mem>>) {add = true}
      %dma_wait3A_249 = arith.constant 0 : i32
      %dma_wait3A_250 = tpu.memref_slice %arg8[%run_scoped3A, %dma_wait3A_249] : memref<79x128xi32, #tpu.memory_space<vmem>> -> memref<1x128xi32, #tpu.memory_space<vmem>>
      %dma_wait3A_251 = tpu.memref_squeeze %dma_wait3A_250 : memref<1x128xi32, #tpu.memory_space<vmem>> -> memref<128xi32, #tpu.memory_space<vmem>>
      %dma_wait3A_252 = arith.constant 0 : i32
      %dma_wait3A_253 = arith.constant 0 : i32
      %dma_wait3A_254 = tpu.memref_slice %arg12[%dma_wait3A_252, %dma_wait3A_253] : memref<5008x128xf32, #tpu.memory_space<vmem_shared>> -> memref<5008x128xf32, #tpu.memory_space<vmem_shared>>
      tpu.wait_indirect_dma semaphore(%run_scoped3A_242 : memref<!tpu.dma_semaphore, #tpu.memory_space<semaphore_mem>>) src(%arg10 : memref<128x128xf32, #tpu.memory_space<vmem>>) dst(%dma_wait3A_254 : memref<5008x128xf32, #tpu.memory_space<vmem_shared>>)
      tpu.yield
    }) : () -> ()
    %dma_start3A_146 = arith.constant 0 : i32
    %dma_start3A_147 = tpu.memref_slice %arg6[%dma_start3A_146] : memref<10000xi32, #tpu.memory_space<vmem>> -> memref<128xi32, #tpu.memory_space<vmem>>
    %dma_start3A_148 = arith.constant 0 : i32
    %dma_start3A_149 = arith.constant 0 : i32
    %dma_start3A_150 = tpu.memref_slice %arg2[%dma_start3A_148, %dma_start3A_149] : memref<20000x128xf32, #tpu.memory_space<hbm>> -> memref<20000x128xf32, #tpu.memory_space<hbm>>
    tpu.enqueue_indirect_dma source(%dma_start3A_150 : memref<20000x128xf32, #tpu.memory_space<hbm>>) target(%arg10 : memref<128x128xf32, #tpu.memory_space<vmem>>) offsets(%dma_start3A_147 : memref<128xi32, #tpu.memory_space<vmem>>) semaphore(%arg13 : memref<!tpu.dma_semaphore, #tpu.memory_space<semaphore_mem>>)
    %dma_wait3A_151 = arith.constant 0 : i32
    %dma_wait3A_152 = tpu.memref_slice %arg6[%dma_wait3A_151] : memref<10000xi32, #tpu.memory_space<vmem>> -> memref<128xi32, #tpu.memory_space<vmem>>
    %dma_wait3A_153 = arith.constant 0 : i32
    %dma_wait3A_154 = arith.constant 0 : i32
    %dma_wait3A_155 = tpu.memref_slice %arg2[%dma_wait3A_153, %dma_wait3A_154] : memref<20000x128xf32, #tpu.memory_space<hbm>> -> memref<20000x128xf32, #tpu.memory_space<hbm>>
    tpu.wait_indirect_dma semaphore(%arg13 : memref<!tpu.dma_semaphore, #tpu.memory_space<semaphore_mem>>) src(%dma_wait3A_155 : memref<20000x128xf32, #tpu.memory_space<hbm>>) dst(%arg10 : memref<128x128xf32, #tpu.memory_space<vmem>>)
    %scan3A_156 = arith.constant 0 : i32
    %scan3A_157 = arith.constant 0 : i32
    %scan3A_158 = arith.constant 39 : i32
    %scan3A_159 = arith.addi %scan3A_157, %scan3A_158 : i32
    %scan3A_160 = arith.constant 1 : i32
    scf.for %scan3A_242 = %scan3A_157 to %scan3A_159 step %scan3A_160  : i32 {
      %mul3A_243 = arith.constant 2 : i32
      %mul3A_244 = arith.muli %mul3A_243, %scan3A_242 : i32
      %dma_start3A_245 = arith.constant 0 : i32
      %dma_start3A_246 = tpu.memref_slice %arg8[%mul3A_244, %dma_start3A_245] : memref<79x128xi32, #tpu.memory_space<vmem>> -> memref<1x128xi32, #tpu.memory_space<vmem>>
      %dma_start3A_247 = tpu.memref_squeeze %dma_start3A_246 : memref<1x128xi32, #tpu.memory_space<vmem>> -> memref<128xi32, #tpu.memory_space<vmem>>
      %dma_start3A_248 = arith.constant 0 : i32
      %dma_start3A_249 = arith.constant 0 : i32
      %dma_start3A_250 = tpu.memref_slice %arg12[%dma_start3A_248, %dma_start3A_249] : memref<5008x128xf32, #tpu.memory_space<vmem_shared>> -> memref<5008x128xf32, #tpu.memory_space<vmem_shared>>
      tpu.enqueue_indirect_dma source(%arg10 : memref<128x128xf32, #tpu.memory_space<vmem>>) target(%dma_start3A_250 : memref<5008x128xf32, #tpu.memory_space<vmem_shared>>) offsets(%dma_start3A_247 : memref<128xi32, #tpu.memory_space<vmem>>) semaphore(%arg15 : memref<!tpu.dma_semaphore, #tpu.memory_space<semaphore_mem>>) {add = true}
      %mul3A_251 = arith.constant 2 : i32
      %mul3A_252 = arith.muli %mul3A_251, %scan3A_242 : i32
      %add3A_253 = arith.constant 1 : i32
      %add3A_254 = arith.addi %mul3A_252, %add3A_253 : i32
      %mul3A_255 = arith.constant 128 : i32
      %mul3A_256 = arith.muli %add3A_254, %mul3A_255 : i32
      %dma_start3A_257 = tpu.memref_slice %arg6[%mul3A_256] : memref<10000xi32, #tpu.memory_space<vmem>> -> memref<128xi32, #tpu.memory_space<vmem>>
      %dma_start3A_258 = arith.constant 0 : i32
      %dma_start3A_259 = arith.constant 0 : i32
      %dma_start3A_260 = tpu.memref_slice %arg2[%dma_start3A_258, %dma_start3A_259] : memref<20000x128xf32, #tpu.memory_space<hbm>> -> memref<20000x128xf32, #tpu.memory_space<hbm>>
      tpu.enqueue_indirect_dma source(%dma_start3A_260 : memref<20000x128xf32, #tpu.memory_space<hbm>>) target(%arg11 : memref<128x128xf32, #tpu.memory_space<vmem>>) offsets(%dma_start3A_257 : memref<128xi32, #tpu.memory_space<vmem>>) semaphore(%arg14 : memref<!tpu.dma_semaphore, #tpu.memory_space<semaphore_mem>>)
      %dma_wait3A_261 = tpu.memref_slice %arg6[%mul3A_256] : memref<10000xi32, #tpu.memory_space<vmem>> -> memref<128xi32, #tpu.memory_space<vmem>>
      %dma_wait3A_262 = arith.constant 0 : i32
      %dma_wait3A_263 = arith.constant 0 : i32
      %dma_wait3A_264 = tpu.memref_slice %arg2[%dma_wait3A_262, %dma_wait3A_263] : memref<20000x128xf32, #tpu.memory_space<hbm>> -> memref<20000x128xf32, #tpu.memory_space<hbm>>
      tpu.wait_indirect_dma semaphore(%arg14 : memref<!tpu.dma_semaphore, #tpu.memory_space<semaphore_mem>>) src(%dma_wait3A_264 : memref<20000x128xf32, #tpu.memory_space<hbm>>) dst(%arg11 : memref<128x128xf32, #tpu.memory_space<vmem>>)
      %mul3A_265 = arith.constant 2 : i32
      %mul3A_266 = arith.muli %mul3A_265, %scan3A_242 : i32
      %add3A_267 = arith.constant 1 : i32
      %add3A_268 = arith.addi %mul3A_266, %add3A_267 : i32
      %dma_start3A_269 = arith.constant 0 : i32
      %dma_start3A_270 = tpu.memref_slice %arg8[%add3A_268, %dma_start3A_269] : memref<79x128xi32, #tpu.memory_space<vmem>> -> memref<1x128xi32, #tpu.memory_space<vmem>>
      %dma_start3A_271 = tpu.memref_squeeze %dma_start3A_270 : memref<1x128xi32, #tpu.memory_space<vmem>> -> memref<128xi32, #tpu.memory_space<vmem>>
      %dma_start3A_272 = arith.constant 0 : i32
      %dma_start3A_273 = arith.constant 0 : i32
      %dma_start3A_274 = tpu.memref_slice %arg12[%dma_start3A_272, %dma_start3A_273] : memref<5008x128xf32, #tpu.memory_space<vmem_shared>> -> memref<5008x128xf32, #tpu.memory_space<vmem_shared>>
      tpu.enqueue_indirect_dma source(%arg11 : memref<128x128xf32, #tpu.memory_space<vmem>>) target(%dma_start3A_274 : memref<5008x128xf32, #tpu.memory_space<vmem_shared>>) offsets(%dma_start3A_271 : memref<128xi32, #tpu.memory_space<vmem>>) semaphore(%arg16 : memref<!tpu.dma_semaphore, #tpu.memory_space<semaphore_mem>>) {add = true}
      %dma_wait3A_275 = arith.constant 0 : i32
      %dma_wait3A_276 = tpu.memref_slice %arg8[%mul3A_244, %dma_wait3A_275] : memref<79x128xi32, #tpu.memory_space<vmem>> -> memref<1x128xi32, #tpu.memory_space<vmem>>
      %dma_wait3A_277 = tpu.memref_squeeze %dma_wait3A_276 : memref<1x128xi32, #tpu.memory_space<vmem>> -> memref<128xi32, #tpu.memory_space<vmem>>
      %dma_wait3A_278 = arith.constant 0 : i32
      %dma_wait3A_279 = arith.constant 0 : i32
      %dma_wait3A_280 = tpu.memref_slice %arg12[%dma_wait3A_278, %dma_wait3A_279] : memref<5008x128xf32, #tpu.memory_space<vmem_shared>> -> memref<5008x128xf32, #tpu.memory_space<vmem_shared>>
      tpu.wait_indirect_dma semaphore(%arg15 : memref<!tpu.dma_semaphore, #tpu.memory_space<semaphore_mem>>) src(%arg10 : memref<128x128xf32, #tpu.memory_space<vmem>>) dst(%dma_wait3A_280 : memref<5008x128xf32, #tpu.memory_space<vmem_shared>>)
      %mul3A_281 = arith.constant 2 : i32
      %mul3A_282 = arith.muli %mul3A_281, %scan3A_242 : i32
      %add3A_283 = arith.constant 2 : i32
      %add3A_284 = arith.addi %mul3A_282, %add3A_283 : i32
      %min3A = arith.constant 77 : i32
      %min3A_285 = arith.minsi %add3A_284, %min3A : i32
      %mul3A_286 = arith.constant 128 : i32
      %mul3A_287 = arith.muli %min3A_285, %mul3A_286 : i32
      %dma_start3A_288 = tpu.memref_slice %arg6[%mul3A_287] : memref<10000xi32, #tpu.memory_space<vmem>> -> memref<128xi32, #tpu.memory_space<vmem>>
      %dma_start3A_289 = arith.constant 0 : i32
      %dma_start3A_290 = arith.constant 0 : i32
      %dma_start3A_291 = tpu.memref_slice %arg2[%dma_start3A_289, %dma_start3A_290] : memref<20000x128xf32, #tpu.memory_space<hbm>> -> memref<20000x128xf32, #tpu.memory_space<hbm>>
      tpu.enqueue_indirect_dma source(%dma_start3A_291 : memref<20000x128xf32, #tpu.memory_space<hbm>>) target(%arg10 : memref<128x128xf32, #tpu.memory_space<vmem>>) offsets(%dma_start3A_288 : memref<128xi32, #tpu.memory_space<vmem>>) semaphore(%arg13 : memref<!tpu.dma_semaphore, #tpu.memory_space<semaphore_mem>>)
      %dma_wait3A_292 = tpu.memref_slice %arg6[%mul3A_287] : memref<10000xi32, #tpu.memory_space<vmem>> -> memref<128xi32, #tpu.memory_space<vmem>>
      %dma_wait3A_293 = arith.constant 0 : i32
      %dma_wait3A_294 = arith.constant 0 : i32
      %dma_wait3A_295 = tpu.memref_slice %arg2[%dma_wait3A_293, %dma_wait3A_294] : memref<20000x128xf32, #tpu.memory_space<hbm>> -> memref<20000x128xf32, #tpu.memory_space<hbm>>
      tpu.wait_indirect_dma semaphore(%arg13 : memref<!tpu.dma_semaphore, #tpu.memory_space<semaphore_mem>>) src(%dma_wait3A_295 : memref<20000x128xf32, #tpu.memory_space<hbm>>) dst(%arg10 : memref<128x128xf32, #tpu.memory_space<vmem>>)
      %dma_wait3A_296 = arith.constant 0 : i32
      %dma_wait3A_297 = tpu.memref_slice %arg8[%add3A_268, %dma_wait3A_296] : memref<79x128xi32, #tpu.memory_space<vmem>> -> memref<1x128xi32, #tpu.memory_space<vmem>>
      %dma_wait3A_298 = tpu.memref_squeeze %dma_wait3A_297 : memref<1x128xi32, #tpu.memory_space<vmem>> -> memref<128xi32, #tpu.memory_space<vmem>>
      %dma_wait3A_299 = arith.constant 0 : i32
      %dma_wait3A_300 = arith.constant 0 : i32
      %dma_wait3A_301 = tpu.memref_slice %arg12[%dma_wait3A_299, %dma_wait3A_300] : memref<5008x128xf32, #tpu.memory_space<vmem_shared>> -> memref<5008x128xf32, #tpu.memory_space<vmem_shared>>
      tpu.wait_indirect_dma semaphore(%arg16 : memref<!tpu.dma_semaphore, #tpu.memory_space<semaphore_mem>>) src(%arg11 : memref<128x128xf32, #tpu.memory_space<vmem>>) dst(%dma_wait3A_301 : memref<5008x128xf32, #tpu.memory_space<vmem_shared>>)
    }
    %scan3A_161 = arith.constant 39 : i32
    %barrier3A_162 = arith.constant 0 : index
    tpu.barrier barrier_id(%barrier3A_162)
    %mul3A_163 = arith.constant 10000 : i32
    %mul3A_164 = arith.muli %arg0, %mul3A_163 : i32
    %add3A_165 = arith.constant 0 : i32
    %add3A_166 = arith.addi %mul3A_164, %add3A_165 : i32
    %mul3A_167 = arith.constant 312 : i32
    %mul3A_168 = arith.muli %arg1, %mul3A_167 : i32
    %mul3A_169 = arith.constant 312 : i32
    %mul3A_170 = arith.muli %arg1, %mul3A_169 : i32
    %add3A_171 = arith.addi %add3A_166, %mul3A_170 : i32
    "tpu.region"() ({
      %run_scoped3A_242 = tpu.sem_alloc : memref<!tpu.dma_semaphore, #tpu.memory_space<semaphore_mem>>
      %dma_start3A_243 = arith.constant 0 : i32
      %dma_start3A_244 = tpu.memref_slice %arg5[%add3A_171, %dma_start3A_243] : memref<20000x128xf32, #tpu.memory_space<hbm>> -> memref<312x128xf32, #tpu.memory_space<hbm>>
      %dma_start3A_245 = arith.constant 0 : i32
      %dma_start3A_246 = tpu.memref_slice %arg12[%mul3A_168, %dma_start3A_245] : memref<5008x128xf32, #tpu.memory_space<vmem_shared>> -> memref<312x128xf32, #tpu.memory_space<vmem_shared>>
      tpu.enqueue_dma source(%dma_start3A_246 : memref<312x128xf32, #tpu.memory_space<vmem_shared>>) target(%dma_start3A_244 : memref<312x128xf32, #tpu.memory_space<hbm>>) target_semaphore(%run_scoped3A_242 : memref<!tpu.dma_semaphore, #tpu.memory_space<semaphore_mem>>)
      %dma_wait3A_247 = arith.constant 0 : i32
      %dma_wait3A_248 = tpu.memref_slice %arg5[%add3A_171, %dma_wait3A_247] : memref<20000x128xf32, #tpu.memory_space<hbm>> -> memref<312x128xf32, #tpu.memory_space<hbm>>
      %dma_wait3A_249 = arith.constant 0 : i32
      %dma_wait3A_250 = tpu.memref_slice %arg12[%mul3A_168, %dma_wait3A_249] : memref<5008x128xf32, #tpu.memory_space<vmem_shared>> -> memref<312x128xf32, #tpu.memory_space<vmem_shared>>
      tpu.wait_dma2 semaphore(%run_scoped3A_242 : memref<!tpu.dma_semaphore, #tpu.memory_space<semaphore_mem>>) src(%dma_wait3A_250 : memref<312x128xf32, #tpu.memory_space<vmem_shared>>) dst(%dma_wait3A_248 : memref<312x128xf32, #tpu.memory_space<hbm>>)
      tpu.yield
    }) : () -> ()
    %eq3A_172 = arith.constant 0 : i32
    %eq3A_173 = arith.cmpi eq, %arg1, %eq3A_172 : i32
    %convert_element_type3A_174 = arith.extui %eq3A_173 : i1 to i32
    %cond3A_175 = arith.constant 0 : i32
    %cond3A_176 = arith.cmpi ne, %convert_element_type3A_174, %cond3A_175 : i32
    scf.if %cond3A_176 {
      %add3A_242 = arith.constant 4992 : i32
      %add3A_243 = arith.addi %add3A_166, %add3A_242 : i32
      "tpu.region"() ({
        %run_scoped3A_244 = tpu.sem_alloc : memref<!tpu.dma_semaphore, #tpu.memory_space<semaphore_mem>>
        %dma_start3A_245 = arith.constant 0 : i32
        %dma_start3A_246 = tpu.memref_slice %arg5[%add3A_243, %dma_start3A_245] : memref<20000x128xf32, #tpu.memory_space<hbm>> -> memref<8x128xf32, #tpu.memory_space<hbm>>
        %dma_start3A_247 = arith.constant 4992 : i32
        %dma_start3A_248 = arith.constant 0 : i32
        %dma_start3A_249 = tpu.memref_slice %arg12[%dma_start3A_247, %dma_start3A_248] : memref<5008x128xf32, #tpu.memory_space<vmem_shared>> -> memref<8x128xf32, #tpu.memory_space<vmem_shared>>
        tpu.enqueue_dma source(%dma_start3A_249 : memref<8x128xf32, #tpu.memory_space<vmem_shared>>) target(%dma_start3A_246 : memref<8x128xf32, #tpu.memory_space<hbm>>) target_semaphore(%run_scoped3A_244 : memref<!tpu.dma_semaphore, #tpu.memory_space<semaphore_mem>>)
        %dma_wait3A_250 = arith.constant 0 : i32
        %dma_wait3A_251 = tpu.memref_slice %arg5[%add3A_243, %dma_wait3A_250] : memref<20000x128xf32, #tpu.memory_space<hbm>> -> memref<8x128xf32, #tpu.memory_space<hbm>>
        %dma_wait3A_252 = arith.constant 4992 : i32
        %dma_wait3A_253 = arith.constant 0 : i32
        %dma_wait3A_254 = tpu.memref_slice %arg12[%dma_wait3A_252, %dma_wait3A_253] : memref<5008x128xf32, #tpu.memory_space<vmem_shared>> -> memref<8x128xf32, #tpu.memory_space<vmem_shared>>
        tpu.wait_dma2 semaphore(%run_scoped3A_244 : memref<!tpu.dma_semaphore, #tpu.memory_space<semaphore_mem>>) src(%dma_wait3A_254 : memref<8x128xf32, #tpu.memory_space<vmem_shared>>) dst(%dma_wait3A_251 : memref<8x128xf32, #tpu.memory_space<hbm>>)
        tpu.yield
      }) : () -> ()
    } else {
    }
    %barrier3A_177 = arith.constant 0 : index
    tpu.barrier barrier_id(%barrier3A_177)
    %mul3A_178 = arith.constant 10000 : i32
    %mul3A_179 = arith.muli %arg0, %mul3A_178 : i32
    %add3A_180 = arith.constant 5000 : i32
    %add3A_181 = arith.addi %mul3A_179, %add3A_180 : i32
    %mul3A_182 = arith.constant 312 : i32
    %mul3A_183 = arith.muli %arg1, %mul3A_182 : i32
    %add3A_184 = arith.addi %add3A_181, %mul3A_183 : i32
    %mul3A_185 = arith.constant 312 : i32
    %mul3A_186 = arith.muli %arg1, %mul3A_185 : i32
    "tpu.region"() ({
      %run_scoped3A_242 = tpu.sem_alloc : memref<!tpu.dma_semaphore, #tpu.memory_space<semaphore_mem>>
      %dma_start3A_243 = arith.constant 0 : i32
      %dma_start3A_244 = tpu.memref_slice %arg12[%mul3A_186, %dma_start3A_243] : memref<5008x128xf32, #tpu.memory_space<vmem_shared>> -> memref<312x128xf32, #tpu.memory_space<vmem_shared>>
      %dma_start3A_245 = arith.constant 0 : i32
      %dma_start3A_246 = tpu.memref_slice %arg2[%add3A_184, %dma_start3A_245] : memref<20000x128xf32, #tpu.memory_space<hbm>> -> memref<312x128xf32, #tpu.memory_space<hbm>>
      tpu.enqueue_dma source(%dma_start3A_246 : memref<312x128xf32, #tpu.memory_space<hbm>>) target(%dma_start3A_244 : memref<312x128xf32, #tpu.memory_space<vmem_shared>>) target_semaphore(%run_scoped3A_242 : memref<!tpu.dma_semaphore, #tpu.memory_space<semaphore_mem>>)
      %dma_wait3A_247 = arith.constant 0 : i32
      %dma_wait3A_248 = tpu.memref_slice %arg12[%mul3A_186, %dma_wait3A_247] : memref<5008x128xf32, #tpu.memory_space<vmem_shared>> -> memref<312x128xf32, #tpu.memory_space<vmem_shared>>
      %dma_wait3A_249 = arith.constant 0 : i32
      %dma_wait3A_250 = tpu.memref_slice %arg2[%add3A_184, %dma_wait3A_249] : memref<20000x128xf32, #tpu.memory_space<hbm>> -> memref<312x128xf32, #tpu.memory_space<hbm>>
      tpu.wait_dma2 semaphore(%run_scoped3A_242 : memref<!tpu.dma_semaphore, #tpu.memory_space<semaphore_mem>>) src(%dma_wait3A_250 : memref<312x128xf32, #tpu.memory_space<hbm>>) dst(%dma_wait3A_248 : memref<312x128xf32, #tpu.memory_space<vmem_shared>>)
      tpu.yield
    }) : () -> ()
    %eq3A_187 = arith.constant 0 : i32
    %eq3A_188 = arith.cmpi eq, %arg1, %eq3A_187 : i32
    %convert_element_type3A_189 = arith.extui %eq3A_188 : i1 to i32
    %cond3A_190 = arith.constant 0 : i32
    %cond3A_191 = arith.cmpi ne, %convert_element_type3A_189, %cond3A_190 : i32
    scf.if %cond3A_191 {
      %add3A_242 = arith.constant 4992 : i32
      %add3A_243 = arith.addi %add3A_181, %add3A_242 : i32
      "tpu.region"() ({
        %run_scoped3A_244 = tpu.sem_alloc : memref<!tpu.dma_semaphore, #tpu.memory_space<semaphore_mem>>
        %dma_start3A_245 = arith.constant 4992 : i32
        %dma_start3A_246 = arith.constant 0 : i32
        %dma_start3A_247 = tpu.memref_slice %arg12[%dma_start3A_245, %dma_start3A_246] : memref<5008x128xf32, #tpu.memory_space<vmem_shared>> -> memref<8x128xf32, #tpu.memory_space<vmem_shared>>
        %dma_start3A_248 = arith.constant 0 : i32
        %dma_start3A_249 = tpu.memref_slice %arg2[%add3A_243, %dma_start3A_248] : memref<20000x128xf32, #tpu.memory_space<hbm>> -> memref<8x128xf32, #tpu.memory_space<hbm>>
        tpu.enqueue_dma source(%dma_start3A_249 : memref<8x128xf32, #tpu.memory_space<hbm>>) target(%dma_start3A_247 : memref<8x128xf32, #tpu.memory_space<vmem_shared>>) target_semaphore(%run_scoped3A_244 : memref<!tpu.dma_semaphore, #tpu.memory_space<semaphore_mem>>)
        %dma_wait3A_250 = arith.constant 4992 : i32
        %dma_wait3A_251 = arith.constant 0 : i32
        %dma_wait3A_252 = tpu.memref_slice %arg12[%dma_wait3A_250, %dma_wait3A_251] : memref<5008x128xf32, #tpu.memory_space<vmem_shared>> -> memref<8x128xf32, #tpu.memory_space<vmem_shared>>
        %dma_wait3A_253 = arith.constant 0 : i32
        %dma_wait3A_254 = tpu.memref_slice %arg2[%add3A_243, %dma_wait3A_253] : memref<20000x128xf32, #tpu.memory_space<hbm>> -> memref<8x128xf32, #tpu.memory_space<hbm>>
        tpu.wait_dma2 semaphore(%run_scoped3A_244 : memref<!tpu.dma_semaphore, #tpu.memory_space<semaphore_mem>>) src(%dma_wait3A_254 : memref<8x128xf32, #tpu.memory_space<hbm>>) dst(%dma_wait3A_252 : memref<8x128xf32, #tpu.memory_space<vmem_shared>>)
        tpu.yield
      }) : () -> ()
    } else {
    }
    %barrier3A_192 = arith.constant 0 : index
    tpu.barrier barrier_id(%barrier3A_192)
    %dma_start3A_193 = arith.constant 0 : i32
    %dma_start3A_194 = arith.constant 0 : i32
    %dma_start3A_195 = tpu.memref_slice %arg10[%dma_start3A_193, %dma_start3A_194] : memref<128x128xf32, #tpu.memory_space<vmem>> -> memref<16x128xf32, #tpu.memory_space<vmem>>
    %dma_start3A_196 = arith.constant 9984 : i32
    %dma_start3A_197 = tpu.memref_slice %arg6[%dma_start3A_196] : memref<10000xi32, #tpu.memory_space<vmem>> -> memref<16xi32, #tpu.memory_space<vmem>>
    %dma_start3A_198 = arith.constant 0 : i32
    %dma_start3A_199 = arith.constant 0 : i32
    %dma_start3A_200 = tpu.memref_slice %arg2[%dma_start3A_198, %dma_start3A_199] : memref<20000x128xf32, #tpu.memory_space<hbm>> -> memref<20000x128xf32, #tpu.memory_space<hbm>>
    tpu.enqueue_indirect_dma source(%dma_start3A_200 : memref<20000x128xf32, #tpu.memory_space<hbm>>) target(%dma_start3A_195 : memref<16x128xf32, #tpu.memory_space<vmem>>) offsets(%dma_start3A_197 : memref<16xi32, #tpu.memory_space<vmem>>) semaphore(%arg13 : memref<!tpu.dma_semaphore, #tpu.memory_space<semaphore_mem>>)
    %dma_wait3A_201 = arith.constant 0 : i32
    %dma_wait3A_202 = arith.constant 0 : i32
    %dma_wait3A_203 = tpu.memref_slice %arg10[%dma_wait3A_201, %dma_wait3A_202] : memref<128x128xf32, #tpu.memory_space<vmem>> -> memref<16x128xf32, #tpu.memory_space<vmem>>
    %dma_wait3A_204 = arith.constant 9984 : i32
    %dma_wait3A_205 = tpu.memref_slice %arg6[%dma_wait3A_204] : memref<10000xi32, #tpu.memory_space<vmem>> -> memref<16xi32, #tpu.memory_space<vmem>>
    %dma_wait3A_206 = arith.constant 0 : i32
    %dma_wait3A_207 = arith.constant 0 : i32
    %dma_wait3A_208 = tpu.memref_slice %arg2[%dma_wait3A_206, %dma_wait3A_207] : memref<20000x128xf32, #tpu.memory_space<hbm>> -> memref<20000x128xf32, #tpu.memory_space<hbm>>
    tpu.wait_indirect_dma semaphore(%arg13 : memref<!tpu.dma_semaphore, #tpu.memory_space<semaphore_mem>>) src(%dma_wait3A_208 : memref<20000x128xf32, #tpu.memory_space<hbm>>) dst(%dma_wait3A_203 : memref<16x128xf32, #tpu.memory_space<vmem>>)
    %run_scoped3A_209 = arith.constant 78 : i32
    "tpu.region"() ({
      %run_scoped3A_242 = tpu.sem_alloc : memref<!tpu.dma_semaphore, #tpu.memory_space<semaphore_mem>>
      %dma_start3A_243 = arith.constant 0 : i32
      %dma_start3A_244 = tpu.memref_slice %arg9[%run_scoped3A_209, %dma_start3A_243] : memref<79x128xi32, #tpu.memory_space<vmem>> -> memref<1x128xi32, #tpu.memory_space<vmem>>
      %dma_start3A_245 = tpu.memref_squeeze %dma_start3A_244 : memref<1x128xi32, #tpu.memory_space<vmem>> -> memref<128xi32, #tpu.memory_space<vmem>>
      %dma_start3A_246 = arith.constant 0 : i32
      %dma_start3A_247 = arith.constant 0 : i32
      %dma_start3A_248 = tpu.memref_slice %arg12[%dma_start3A_246, %dma_start3A_247] : memref<5008x128xf32, #tpu.memory_space<vmem_shared>> -> memref<5008x128xf32, #tpu.memory_space<vmem_shared>>
      tpu.enqueue_indirect_dma source(%arg10 : memref<128x128xf32, #tpu.memory_space<vmem>>) target(%dma_start3A_248 : memref<5008x128xf32, #tpu.memory_space<vmem_shared>>) offsets(%dma_start3A_245 : memref<128xi32, #tpu.memory_space<vmem>>) semaphore(%run_scoped3A_242 : memref<!tpu.dma_semaphore, #tpu.memory_space<semaphore_mem>>) {add = true}
      %dma_wait3A_249 = arith.constant 0 : i32
      %dma_wait3A_250 = tpu.memref_slice %arg9[%run_scoped3A_209, %dma_wait3A_249] : memref<79x128xi32, #tpu.memory_space<vmem>> -> memref<1x128xi32, #tpu.memory_space<vmem>>
      %dma_wait3A_251 = tpu.memref_squeeze %dma_wait3A_250 : memref<1x128xi32, #tpu.memory_space<vmem>> -> memref<128xi32, #tpu.memory_space<vmem>>
      %dma_wait3A_252 = arith.constant 0 : i32
      %dma_wait3A_253 = arith.constant 0 : i32
      %dma_wait3A_254 = tpu.memref_slice %arg12[%dma_wait3A_252, %dma_wait3A_253] : memref<5008x128xf32, #tpu.memory_space<vmem_shared>> -> memref<5008x128xf32, #tpu.memory_space<vmem_shared>>
      tpu.wait_indirect_dma semaphore(%run_scoped3A_242 : memref<!tpu.dma_semaphore, #tpu.memory_space<semaphore_mem>>) src(%arg10 : memref<128x128xf32, #tpu.memory_space<vmem>>) dst(%dma_wait3A_254 : memref<5008x128xf32, #tpu.memory_space<vmem_shared>>)
      tpu.yield
    }) : () -> ()
    %dma_start3A_210 = arith.constant 0 : i32
    %dma_start3A_211 = tpu.memref_slice %arg6[%dma_start3A_210] : memref<10000xi32, #tpu.memory_space<vmem>> -> memref<128xi32, #tpu.memory_space<vmem>>
    %dma_start3A_212 = arith.constant 0 : i32
    %dma_start3A_213 = arith.constant 0 : i32
    %dma_start3A_214 = tpu.memref_slice %arg2[%dma_start3A_212, %dma_start3A_213] : memref<20000x128xf32, #tpu.memory_space<hbm>> -> memref<20000x128xf32, #tpu.memory_space<hbm>>
    tpu.enqueue_indirect_dma source(%dma_start3A_214 : memref<20000x128xf32, #tpu.memory_space<hbm>>) target(%arg10 : memref<128x128xf32, #tpu.memory_space<vmem>>) offsets(%dma_start3A_211 : memref<128xi32, #tpu.memory_space<vmem>>) semaphore(%arg13 : memref<!tpu.dma_semaphore, #tpu.memory_space<semaphore_mem>>)
    %dma_wait3A_215 = arith.constant 0 : i32
    %dma_wait3A_216 = tpu.memref_slice %arg6[%dma_wait3A_215] : memref<10000xi32, #tpu.memory_space<vmem>> -> memref<128xi32, #tpu.memory_space<vmem>>
    %dma_wait3A_217 = arith.constant 0 : i32
    %dma_wait3A_218 = arith.constant 0 : i32
    %dma_wait3A_219 = tpu.memref_slice %arg2[%dma_wait3A_217, %dma_wait3A_218] : memref<20000x128xf32, #tpu.memory_space<hbm>> -> memref<20000x128xf32, #tpu.memory_space<hbm>>
    tpu.wait_indirect_dma semaphore(%arg13 : memref<!tpu.dma_semaphore, #tpu.memory_space<semaphore_mem>>) src(%dma_wait3A_219 : memref<20000x128xf32, #tpu.memory_space<hbm>>) dst(%arg10 : memref<128x128xf32, #tpu.memory_space<vmem>>)
    %scan3A_220 = arith.constant 0 : i32
    %scan3A_221 = arith.constant 0 : i32
    %scan3A_222 = arith.constant 39 : i32
    %scan3A_223 = arith.addi %scan3A_221, %scan3A_222 : i32
    %scan3A_224 = arith.constant 1 : i32
    scf.for %scan3A_242 = %scan3A_221 to %scan3A_223 step %scan3A_224  : i32 {
      %mul3A_243 = arith.constant 2 : i32
      %mul3A_244 = arith.muli %mul3A_243, %scan3A_242 : i32
      %dma_start3A_245 = arith.constant 0 : i32
      %dma_start3A_246 = tpu.memref_slice %arg9[%mul3A_244, %dma_start3A_245] : memref<79x128xi32, #tpu.memory_space<vmem>> -> memref<1x128xi32, #tpu.memory_space<vmem>>
      %dma_start3A_247 = tpu.memref_squeeze %dma_start3A_246 : memref<1x128xi32, #tpu.memory_space<vmem>> -> memref<128xi32, #tpu.memory_space<vmem>>
      %dma_start3A_248 = arith.constant 0 : i32
      %dma_start3A_249 = arith.constant 0 : i32
      %dma_start3A_250 = tpu.memref_slice %arg12[%dma_start3A_248, %dma_start3A_249] : memref<5008x128xf32, #tpu.memory_space<vmem_shared>> -> memref<5008x128xf32, #tpu.memory_space<vmem_shared>>
      tpu.enqueue_indirect_dma source(%arg10 : memref<128x128xf32, #tpu.memory_space<vmem>>) target(%dma_start3A_250 : memref<5008x128xf32, #tpu.memory_space<vmem_shared>>) offsets(%dma_start3A_247 : memref<128xi32, #tpu.memory_space<vmem>>) semaphore(%arg15 : memref<!tpu.dma_semaphore, #tpu.memory_space<semaphore_mem>>) {add = true}
      %mul3A_251 = arith.constant 2 : i32
      %mul3A_252 = arith.muli %mul3A_251, %scan3A_242 : i32
      %add3A_253 = arith.constant 1 : i32
      %add3A_254 = arith.addi %mul3A_252, %add3A_253 : i32
      %mul3A_255 = arith.constant 128 : i32
      %mul3A_256 = arith.muli %add3A_254, %mul3A_255 : i32
      %dma_start3A_257 = tpu.memref_slice %arg6[%mul3A_256] : memref<10000xi32, #tpu.memory_space<vmem>> -> memref<128xi32, #tpu.memory_space<vmem>>
      %dma_start3A_258 = arith.constant 0 : i32
      %dma_start3A_259 = arith.constant 0 : i32
      %dma_start3A_260 = tpu.memref_slice %arg2[%dma_start3A_258, %dma_start3A_259] : memref<20000x128xf32, #tpu.memory_space<hbm>> -> memref<20000x128xf32, #tpu.memory_space<hbm>>
      tpu.enqueue_indirect_dma source(%dma_start3A_260 : memref<20000x128xf32, #tpu.memory_space<hbm>>) target(%arg11 : memref<128x128xf32, #tpu.memory_space<vmem>>) offsets(%dma_start3A_257 : memref<128xi32, #tpu.memory_space<vmem>>) semaphore(%arg14 : memref<!tpu.dma_semaphore, #tpu.memory_space<semaphore_mem>>)
      %dma_wait3A_261 = tpu.memref_slice %arg6[%mul3A_256] : memref<10000xi32, #tpu.memory_space<vmem>> -> memref<128xi32, #tpu.memory_space<vmem>>
      %dma_wait3A_262 = arith.constant 0 : i32
      %dma_wait3A_263 = arith.constant 0 : i32
      %dma_wait3A_264 = tpu.memref_slice %arg2[%dma_wait3A_262, %dma_wait3A_263] : memref<20000x128xf32, #tpu.memory_space<hbm>> -> memref<20000x128xf32, #tpu.memory_space<hbm>>
      tpu.wait_indirect_dma semaphore(%arg14 : memref<!tpu.dma_semaphore, #tpu.memory_space<semaphore_mem>>) src(%dma_wait3A_264 : memref<20000x128xf32, #tpu.memory_space<hbm>>) dst(%arg11 : memref<128x128xf32, #tpu.memory_space<vmem>>)
      %mul3A_265 = arith.constant 2 : i32
      %mul3A_266 = arith.muli %mul3A_265, %scan3A_242 : i32
      %add3A_267 = arith.constant 1 : i32
      %add3A_268 = arith.addi %mul3A_266, %add3A_267 : i32
      %dma_start3A_269 = arith.constant 0 : i32
      %dma_start3A_270 = tpu.memref_slice %arg9[%add3A_268, %dma_start3A_269] : memref<79x128xi32, #tpu.memory_space<vmem>> -> memref<1x128xi32, #tpu.memory_space<vmem>>
      %dma_start3A_271 = tpu.memref_squeeze %dma_start3A_270 : memref<1x128xi32, #tpu.memory_space<vmem>> -> memref<128xi32, #tpu.memory_space<vmem>>
      %dma_start3A_272 = arith.constant 0 : i32
      %dma_start3A_273 = arith.constant 0 : i32
      %dma_start3A_274 = tpu.memref_slice %arg12[%dma_start3A_272, %dma_start3A_273] : memref<5008x128xf32, #tpu.memory_space<vmem_shared>> -> memref<5008x128xf32, #tpu.memory_space<vmem_shared>>
      tpu.enqueue_indirect_dma source(%arg11 : memref<128x128xf32, #tpu.memory_space<vmem>>) target(%dma_start3A_274 : memref<5008x128xf32, #tpu.memory_space<vmem_shared>>) offsets(%dma_start3A_271 : memref<128xi32, #tpu.memory_space<vmem>>) semaphore(%arg16 : memref<!tpu.dma_semaphore, #tpu.memory_space<semaphore_mem>>) {add = true}
      %dma_wait3A_275 = arith.constant 0 : i32
      %dma_wait3A_276 = tpu.memref_slice %arg9[%mul3A_244, %dma_wait3A_275] : memref<79x128xi32, #tpu.memory_space<vmem>> -> memref<1x128xi32, #tpu.memory_space<vmem>>
      %dma_wait3A_277 = tpu.memref_squeeze %dma_wait3A_276 : memref<1x128xi32, #tpu.memory_space<vmem>> -> memref<128xi32, #tpu.memory_space<vmem>>
      %dma_wait3A_278 = arith.constant 0 : i32
      %dma_wait3A_279 = arith.constant 0 : i32
      %dma_wait3A_280 = tpu.memref_slice %arg12[%dma_wait3A_278, %dma_wait3A_279] : memref<5008x128xf32, #tpu.memory_space<vmem_shared>> -> memref<5008x128xf32, #tpu.memory_space<vmem_shared>>
      tpu.wait_indirect_dma semaphore(%arg15 : memref<!tpu.dma_semaphore, #tpu.memory_space<semaphore_mem>>) src(%arg10 : memref<128x128xf32, #tpu.memory_space<vmem>>) dst(%dma_wait3A_280 : memref<5008x128xf32, #tpu.memory_space<vmem_shared>>)
      %mul3A_281 = arith.constant 2 : i32
      %mul3A_282 = arith.muli %mul3A_281, %scan3A_242 : i32
      %add3A_283 = arith.constant 2 : i32
      %add3A_284 = arith.addi %mul3A_282, %add3A_283 : i32
      %min3A = arith.constant 77 : i32
      %min3A_285 = arith.minsi %add3A_284, %min3A : i32
      %mul3A_286 = arith.constant 128 : i32
      %mul3A_287 = arith.muli %min3A_285, %mul3A_286 : i32
      %dma_start3A_288 = tpu.memref_slice %arg6[%mul3A_287] : memref<10000xi32, #tpu.memory_space<vmem>> -> memref<128xi32, #tpu.memory_space<vmem>>
      %dma_start3A_289 = arith.constant 0 : i32
      %dma_start3A_290 = arith.constant 0 : i32
      %dma_start3A_291 = tpu.memref_slice %arg2[%dma_start3A_289, %dma_start3A_290] : memref<20000x128xf32, #tpu.memory_space<hbm>> -> memref<20000x128xf32, #tpu.memory_space<hbm>>
      tpu.enqueue_indirect_dma source(%dma_start3A_291 : memref<20000x128xf32, #tpu.memory_space<hbm>>) target(%arg10 : memref<128x128xf32, #tpu.memory_space<vmem>>) offsets(%dma_start3A_288 : memref<128xi32, #tpu.memory_space<vmem>>) semaphore(%arg13 : memref<!tpu.dma_semaphore, #tpu.memory_space<semaphore_mem>>)
      %dma_wait3A_292 = tpu.memref_slice %arg6[%mul3A_287] : memref<10000xi32, #tpu.memory_space<vmem>> -> memref<128xi32, #tpu.memory_space<vmem>>
      %dma_wait3A_293 = arith.constant 0 : i32
      %dma_wait3A_294 = arith.constant 0 : i32
      %dma_wait3A_295 = tpu.memref_slice %arg2[%dma_wait3A_293, %dma_wait3A_294] : memref<20000x128xf32, #tpu.memory_space<hbm>> -> memref<20000x128xf32, #tpu.memory_space<hbm>>
      tpu.wait_indirect_dma semaphore(%arg13 : memref<!tpu.dma_semaphore, #tpu.memory_space<semaphore_mem>>) src(%dma_wait3A_295 : memref<20000x128xf32, #tpu.memory_space<hbm>>) dst(%arg10 : memref<128x128xf32, #tpu.memory_space<vmem>>)
      %dma_wait3A_296 = arith.constant 0 : i32
      %dma_wait3A_297 = tpu.memref_slice %arg9[%add3A_268, %dma_wait3A_296] : memref<79x128xi32, #tpu.memory_space<vmem>> -> memref<1x128xi32, #tpu.memory_space<vmem>>
      %dma_wait3A_298 = tpu.memref_squeeze %dma_wait3A_297 : memref<1x128xi32, #tpu.memory_space<vmem>> -> memref<128xi32, #tpu.memory_space<vmem>>
      %dma_wait3A_299 = arith.constant 0 : i32
      %dma_wait3A_300 = arith.constant 0 : i32
      %dma_wait3A_301 = tpu.memref_slice %arg12[%dma_wait3A_299, %dma_wait3A_300] : memref<5008x128xf32, #tpu.memory_space<vmem_shared>> -> memref<5008x128xf32, #tpu.memory_space<vmem_shared>>
      tpu.wait_indirect_dma semaphore(%arg16 : memref<!tpu.dma_semaphore, #tpu.memory_space<semaphore_mem>>) src(%arg11 : memref<128x128xf32, #tpu.memory_space<vmem>>) dst(%dma_wait3A_301 : memref<5008x128xf32, #tpu.memory_space<vmem_shared>>)
    }
    %scan3A_225 = arith.constant 39 : i32
    %barrier3A_226 = arith.constant 0 : index
    tpu.barrier barrier_id(%barrier3A_226)
    %mul3A_227 = arith.constant 10000 : i32
    %mul3A_228 = arith.muli %arg0, %mul3A_227 : i32
    %add3A_229 = arith.constant 5000 : i32
    %add3A_230 = arith.addi %mul3A_228, %add3A_229 : i32
    %mul3A_231 = arith.constant 312 : i32
    %mul3A_232 = arith.muli %arg1, %mul3A_231 : i32
    %mul3A_233 = arith.constant 312 : i32
    %mul3A_234 = arith.muli %arg1, %mul3A_233 : i32
    %add3A_235 = arith.addi %add3A_230, %mul3A_234 : i32
    "tpu.region"() ({
      %run_scoped3A_242 = tpu.sem_alloc : memref<!tpu.dma_semaphore, #tpu.memory_space<semaphore_mem>>
      %dma_start3A_243 = arith.constant 0 : i32
      %dma_start3A_244 = tpu.memref_slice %arg5[%add3A_235, %dma_start3A_243] : memref<20000x128xf32, #tpu.memory_space<hbm>> -> memref<312x128xf32, #tpu.memory_space<hbm>>
      %dma_start3A_245 = arith.constant 0 : i32
      %dma_start3A_246 = tpu.memref_slice %arg12[%mul3A_232, %dma_start3A_245] : memref<5008x128xf32, #tpu.memory_space<vmem_shared>> -> memref<312x128xf32, #tpu.memory_space<vmem_shared>>
      tpu.enqueue_dma source(%dma_start3A_246 : memref<312x128xf32, #tpu.memory_space<vmem_shared>>) target(%dma_start3A_244 : memref<312x128xf32, #tpu.memory_space<hbm>>) target_semaphore(%run_scoped3A_242 : memref<!tpu.dma_semaphore, #tpu.memory_space<semaphore_mem>>)
      %dma_wait3A_247 = arith.constant 0 : i32
      %dma_wait3A_248 = tpu.memref_slice %arg5[%add3A_235, %dma_wait3A_247] : memref<20000x128xf32, #tpu.memory_space<hbm>> -> memref<312x128xf32, #tpu.memory_space<hbm>>
      %dma_wait3A_249 = arith.constant 0 : i32
      %dma_wait3A_250 = tpu.memref_slice %arg12[%mul3A_232, %dma_wait3A_249] : memref<5008x128xf32, #tpu.memory_space<vmem_shared>> -> memref<312x128xf32, #tpu.memory_space<vmem_shared>>
      tpu.wait_dma2 semaphore(%run_scoped3A_242 : memref<!tpu.dma_semaphore, #tpu.memory_space<semaphore_mem>>) src(%dma_wait3A_250 : memref<312x128xf32, #tpu.memory_space<vmem_shared>>) dst(%dma_wait3A_248 : memref<312x128xf32, #tpu.memory_space<hbm>>)
      tpu.yield
    }) : () -> ()
    %eq3A_236 = arith.constant 0 : i32
    %eq3A_237 = arith.cmpi eq, %arg1, %eq3A_236 : i32
    %convert_element_type3A_238 = arith.extui %eq3A_237 : i1 to i32
    %cond3A_239 = arith.constant 0 : i32
    %cond3A_240 = arith.cmpi ne, %convert_element_type3A_238, %cond3A_239 : i32
    scf.if %cond3A_240 {
      %add3A_242 = arith.constant 4992 : i32
      %add3A_243 = arith.addi %add3A_230, %add3A_242 : i32
      "tpu.region"() ({
        %run_scoped3A_244 = tpu.sem_alloc : memref<!tpu.dma_semaphore, #tpu.memory_space<semaphore_mem>>
        %dma_start3A_245 = arith.constant 0 : i32
        %dma_start3A_246 = tpu.memref_slice %arg5[%add3A_243, %dma_start3A_245] : memref<20000x128xf32, #tpu.memory_space<hbm>> -> memref<8x128xf32, #tpu.memory_space<hbm>>
        %dma_start3A_247 = arith.constant 4992 : i32
        %dma_start3A_248 = arith.constant 0 : i32
        %dma_start3A_249 = tpu.memref_slice %arg12[%dma_start3A_247, %dma_start3A_248] : memref<5008x128xf32, #tpu.memory_space<vmem_shared>> -> memref<8x128xf32, #tpu.memory_space<vmem_shared>>
        tpu.enqueue_dma source(%dma_start3A_249 : memref<8x128xf32, #tpu.memory_space<vmem_shared>>) target(%dma_start3A_246 : memref<8x128xf32, #tpu.memory_space<hbm>>) target_semaphore(%run_scoped3A_244 : memref<!tpu.dma_semaphore, #tpu.memory_space<semaphore_mem>>)
        %dma_wait3A_250 = arith.constant 0 : i32
        %dma_wait3A_251 = tpu.memref_slice %arg5[%add3A_243, %dma_wait3A_250] : memref<20000x128xf32, #tpu.memory_space<hbm>> -> memref<8x128xf32, #tpu.memory_space<hbm>>
        %dma_wait3A_252 = arith.constant 4992 : i32
        %dma_wait3A_253 = arith.constant 0 : i32
        %dma_wait3A_254 = tpu.memref_slice %arg12[%dma_wait3A_252, %dma_wait3A_253] : memref<5008x128xf32, #tpu.memory_space<vmem_shared>> -> memref<8x128xf32, #tpu.memory_space<vmem_shared>>
        tpu.wait_dma2 semaphore(%run_scoped3A_244 : memref<!tpu.dma_semaphore, #tpu.memory_space<semaphore_mem>>) src(%dma_wait3A_254 : memref<8x128xf32, #tpu.memory_space<vmem_shared>>) dst(%dma_wait3A_251 : memref<8x128xf32, #tpu.memory_space<hbm>>)
        tpu.yield
      }) : () -> ()
    } else {
    }
    %barrier3A_241 = arith.constant 0 : index
    tpu.barrier barrier_id(%barrier3A_241)
    return
  }
}

#map = affine_map<(d0, d1) -> (0)>
#map1 = affine_map<(d0, d1) -> (0, 0)>
module attributes {stable_mosaic.version = 14 : i64} {
  func.func @_sc_degree(%arg0: i32, %arg1: i32, %arg2: memref<160000xi32, #tpu.memory_space<hbm>>, %arg3: memref<128x128xf32, #tpu.memory_space<hbm>>, %arg4: memref<160x128xf32, #tpu.memory_space<hbm>>, %arg5: memref<80xi32, #tpu.memory_space<vmem>>, %arg6: memref<80xi32, #tpu.memory_space<vmem>>, %arg7: memref<80x128xf32, #tpu.memory_space<vmem>>, %arg8: memref<80x128xf32, #tpu.memory_space<vmem_shared>>, %arg9: memref<!tpu.dma_semaphore, #tpu.memory_space<semaphore_mem>>) attributes {dimension_semantics = [#tpu.dimension_semantics<core_parallel>, #tpu.dimension_semantics<subcore_parallel>], iteration_bounds = array<i64: 2, 16>, scalar_prefetch = 0 : i64, scratch_operands = 5 : i64, tpu.core_type = #tpu.core_type<sc_vector_subcore>, window_params = [{transform_indices = #map}, {transform_indices = #map1}, {transform_indices = #map1}]} {
    %eq3A = arith.constant 0 : i32
    %eq3A_0 = arith.cmpi eq, %arg1, %eq3A : i32
    %convert_element_type3A = arith.extui %eq3A_0 : i1 to i32
    %cond3A = arith.constant 0 : i32
    %cond3A_1 = arith.cmpi ne, %convert_element_type3A, %cond3A : i32
    scf.if %cond3A_1 {
      %scan3A_14 = arith.constant 0 : i32
      %scan3A_15 = arith.constant 0 : i32
      %scan3A_16 = arith.constant 80 : i32
      %scan3A_17 = arith.addi %scan3A_15, %scan3A_16 : i32
      %scan3A_18 = arith.constant 1 : i32
      scf.for %scan3A_20 = %scan3A_15 to %scan3A_17 step %scan3A_18  : i32 {
        %broadcast_in_dim3A_21 = arith.constant 0.000000e+00 : f32
        %broadcast_in_dim3A_22 = vector.broadcast %broadcast_in_dim3A_21 : f32 to vector<16xf32>
        %swap3A = arith.index_cast %scan3A_20 : i32 to index
        %swap3A_23 = arith.constant 0 : index
        %swap3A_24 = tpu.vector_load %arg7[%swap3A, %swap3A_23] {strides = array<i32>} : memref<80x128xf32, #tpu.memory_space<vmem>>, vector<1x16xf32>,
        %swap3A_25 = vector.shape_cast %swap3A_24 : vector<1x16xf32> to vector<16xf32>
        %swap3A_26 = vector.shape_cast %broadcast_in_dim3A_22 : vector<16xf32> to vector<1x16xf32>
        tpu.vector_store %arg7[%swap3A, %swap3A_23], %swap3A_26 {strides = array<i32>} : memref<80x128xf32, #tpu.memory_space<vmem>>, vector<1x16xf32>,
        %broadcast_in_dim3A_27 = arith.constant 0.000000e+00 : f32
        %broadcast_in_dim3A_28 = vector.broadcast %broadcast_in_dim3A_27 : f32 to vector<16xf32>
        %swap3A_29 = arith.index_cast %scan3A_20 : i32 to index
        %swap3A_30 = arith.constant 16 : index
        %swap3A_31 = tpu.vector_load %arg7[%swap3A_29, %swap3A_30] {strides = array<i32>} : memref<80x128xf32, #tpu.memory_space<vmem>>, vector<1x16xf32>,
        %swap3A_32 = vector.shape_cast %swap3A_31 : vector<1x16xf32> to vector<16xf32>
        %swap3A_33 = vector.shape_cast %broadcast_in_dim3A_28 : vector<16xf32> to vector<1x16xf32>
        tpu.vector_store %arg7[%swap3A_29, %swap3A_30], %swap3A_33 {strides = array<i32>} : memref<80x128xf32, #tpu.memory_space<vmem>>, vector<1x16xf32>,
        %broadcast_in_dim3A_34 = arith.constant 0.000000e+00 : f32
        %broadcast_in_dim3A_35 = vector.broadcast %broadcast_in_dim3A_34 : f32 to vector<16xf32>
        %swap3A_36 = arith.index_cast %scan3A_20 : i32 to index
        %swap3A_37 = arith.constant 32 : index
        %swap3A_38 = tpu.vector_load %arg7[%swap3A_36, %swap3A_37] {strides = array<i32>} : memref<80x128xf32, #tpu.memory_space<vmem>>, vector<1x16xf32>,
        %swap3A_39 = vector.shape_cast %swap3A_38 : vector<1x16xf32> to vector<16xf32>
        %swap3A_40 = vector.shape_cast %broadcast_in_dim3A_35 : vector<16xf32> to vector<1x16xf32>
        tpu.vector_store %arg7[%swap3A_36, %swap3A_37], %swap3A_40 {strides = array<i32>} : memref<80x128xf32, #tpu.memory_space<vmem>>, vector<1x16xf32>,
        %broadcast_in_dim3A_41 = arith.constant 0.000000e+00 : f32
        %broadcast_in_dim3A_42 = vector.broadcast %broadcast_in_dim3A_41 : f32 to vector<16xf32>
        %swap3A_43 = arith.index_cast %scan3A_20 : i32 to index
        %swap3A_44 = arith.constant 48 : index
        %swap3A_45 = tpu.vector_load %arg7[%swap3A_43, %swap3A_44] {strides = array<i32>} : memref<80x128xf32, #tpu.memory_space<vmem>>, vector<1x16xf32>,
        %swap3A_46 = vector.shape_cast %swap3A_45 : vector<1x16xf32> to vector<16xf32>
        %swap3A_47 = vector.shape_cast %broadcast_in_dim3A_42 : vector<16xf32> to vector<1x16xf32>
        tpu.vector_store %arg7[%swap3A_43, %swap3A_44], %swap3A_47 {strides = array<i32>} : memref<80x128xf32, #tpu.memory_space<vmem>>, vector<1x16xf32>,
        %broadcast_in_dim3A_48 = arith.constant 0.000000e+00 : f32
        %broadcast_in_dim3A_49 = vector.broadcast %broadcast_in_dim3A_48 : f32 to vector<16xf32>
        %swap3A_50 = arith.index_cast %scan3A_20 : i32 to index
        %swap3A_51 = arith.constant 64 : index
        %swap3A_52 = tpu.vector_load %arg7[%swap3A_50, %swap3A_51] {strides = array<i32>} : memref<80x128xf32, #tpu.memory_space<vmem>>, vector<1x16xf32>,
        %swap3A_53 = vector.shape_cast %swap3A_52 : vector<1x16xf32> to vector<16xf32>
        %swap3A_54 = vector.shape_cast %broadcast_in_dim3A_49 : vector<16xf32> to vector<1x16xf32>
        tpu.vector_store %arg7[%swap3A_50, %swap3A_51], %swap3A_54 {strides = array<i32>} : memref<80x128xf32, #tpu.memory_space<vmem>>, vector<1x16xf32>,
        %broadcast_in_dim3A_55 = arith.constant 0.000000e+00 : f32
        %broadcast_in_dim3A_56 = vector.broadcast %broadcast_in_dim3A_55 : f32 to vector<16xf32>
        %swap3A_57 = arith.index_cast %scan3A_20 : i32 to index
        %swap3A_58 = arith.constant 80 : index
        %swap3A_59 = tpu.vector_load %arg7[%swap3A_57, %swap3A_58] {strides = array<i32>} : memref<80x128xf32, #tpu.memory_space<vmem>>, vector<1x16xf32>,
        %swap3A_60 = vector.shape_cast %swap3A_59 : vector<1x16xf32> to vector<16xf32>
        %swap3A_61 = vector.shape_cast %broadcast_in_dim3A_56 : vector<16xf32> to vector<1x16xf32>
        tpu.vector_store %arg7[%swap3A_57, %swap3A_58], %swap3A_61 {strides = array<i32>} : memref<80x128xf32, #tpu.memory_space<vmem>>, vector<1x16xf32>,
        %broadcast_in_dim3A_62 = arith.constant 0.000000e+00 : f32
        %broadcast_in_dim3A_63 = vector.broadcast %broadcast_in_dim3A_62 : f32 to vector<16xf32>
        %swap3A_64 = arith.index_cast %scan3A_20 : i32 to index
        %swap3A_65 = arith.constant 96 : index
        %swap3A_66 = tpu.vector_load %arg7[%swap3A_64, %swap3A_65] {strides = array<i32>} : memref<80x128xf32, #tpu.memory_space<vmem>>, vector<1x16xf32>,
        %swap3A_67 = vector.shape_cast %swap3A_66 : vector<1x16xf32> to vector<16xf32>
        %swap3A_68 = vector.shape_cast %broadcast_in_dim3A_63 : vector<16xf32> to vector<1x16xf32>
        tpu.vector_store %arg7[%swap3A_64, %swap3A_65], %swap3A_68 {strides = array<i32>} : memref<80x128xf32, #tpu.memory_space<vmem>>, vector<1x16xf32>,
        %broadcast_in_dim3A_69 = arith.constant 0.000000e+00 : f32
        %broadcast_in_dim3A_70 = vector.broadcast %broadcast_in_dim3A_69 : f32 to vector<16xf32>
        %swap3A_71 = arith.index_cast %scan3A_20 : i32 to index
        %swap3A_72 = arith.constant 112 : index
        %swap3A_73 = tpu.vector_load %arg7[%swap3A_71, %swap3A_72] {strides = array<i32>} : memref<80x128xf32, #tpu.memory_space<vmem>>, vector<1x16xf32>,
        %swap3A_74 = vector.shape_cast %swap3A_73 : vector<1x16xf32> to vector<16xf32>
        %swap3A_75 = vector.shape_cast %broadcast_in_dim3A_70 : vector<16xf32> to vector<1x16xf32>
        tpu.vector_store %arg7[%swap3A_71, %swap3A_72], %swap3A_75 {strides = array<i32>} : memref<80x128xf32, #tpu.memory_space<vmem>>, vector<1x16xf32>,
      }
      %scan3A_19 = arith.constant 80 : i32
      "tpu.region"() ({
        %run_scoped3A = tpu.sem_alloc : memref<!tpu.dma_semaphore, #tpu.memory_space<semaphore_mem>>
        %dma_start3A = arith.constant 0 : i32
        %dma_start3A_20 = arith.constant 0 : i32
        %dma_start3A_21 = tpu.memref_slice %arg7[%dma_start3A, %dma_start3A_20] : memref<80x128xf32, #tpu.memory_space<vmem>> -> memref<80x128xf32, #tpu.memory_space<vmem>>
        %dma_start3A_22 = arith.constant 0 : i32
        %dma_start3A_23 = arith.constant 0 : i32
        %dma_start3A_24 = tpu.memref_slice %arg7[%dma_start3A_22, %dma_start3A_23] : memref<80x128xf32, #tpu.memory_space<vmem>> -> memref<80x128xf32, #tpu.memory_space<vmem>>
        tpu.enqueue_dma source(%dma_start3A_24 : memref<80x128xf32, #tpu.memory_space<vmem>>) target(%arg8 : memref<80x128xf32, #tpu.memory_space<vmem_shared>>) target_semaphore(%run_scoped3A : memref<!tpu.dma_semaphore, #tpu.memory_space<semaphore_mem>>)
        %dma_wait3A = arith.constant 0 : i32
        %dma_wait3A_25 = arith.constant 0 : i32
        %dma_wait3A_26 = tpu.memref_slice %arg7[%dma_wait3A, %dma_wait3A_25] : memref<80x128xf32, #tpu.memory_space<vmem>> -> memref<80x128xf32, #tpu.memory_space<vmem>>
        %dma_wait3A_27 = arith.constant 0 : i32
        %dma_wait3A_28 = arith.constant 0 : i32
        %dma_wait3A_29 = tpu.memref_slice %arg7[%dma_wait3A_27, %dma_wait3A_28] : memref<80x128xf32, #tpu.memory_space<vmem>> -> memref<80x128xf32, #tpu.memory_space<vmem>>
        tpu.wait_dma2 semaphore(%run_scoped3A : memref<!tpu.dma_semaphore, #tpu.memory_space<semaphore_mem>>) src(%dma_wait3A_29 : memref<80x128xf32, #tpu.memory_space<vmem>>) dst(%arg8 : memref<80x128xf32, #tpu.memory_space<vmem_shared>>)
        tpu.yield
      }) : () -> ()
    } else {
    }
    %barrier3A = arith.constant 0 : index
    tpu.barrier barrier_id(%barrier3A)
    %broadcast_in_dim3A = arith.constant 127 : i32
    %broadcast_in_dim3A_2 = vector.broadcast %broadcast_in_dim3A : i32 to vector<16xi32>
    %scan3A = arith.constant 0 : i32
    %scan3A_3 = arith.constant 0 : i32
    %scan3A_4 = arith.constant 63 : i32
    %scan3A_5 = arith.addi %scan3A_3, %scan3A_4 : i32
    %scan3A_6 = arith.constant 1 : i32
    scf.for %scan3A_14 = %scan3A_3 to %scan3A_5 step %scan3A_6  : i32 {
      %mul3A = arith.constant 16 : i32
      %mul3A_15 = arith.muli %scan3A_14, %mul3A : i32
      %add3A = arith.addi %mul3A_15, %arg1 : i32
      %lt3A = arith.constant 1000 : i32
      %lt3A_16 = arith.cmpi slt, %add3A, %lt3A : i32
      %convert_element_type3A_17 = arith.extui %lt3A_16 : i1 to i32
      %cond3A_18 = arith.constant 0 : i32
      %cond3A_19 = arith.cmpi ne, %convert_element_type3A_17, %cond3A_18 : i32
      scf.if %cond3A_19 {
        %mul3A_20 = arith.constant 1000 : i32
        %mul3A_21 = arith.muli %arg0, %mul3A_20 : i32
        %add3A_22 = arith.addi %mul3A_21, %add3A : i32
        %mul3A_23 = arith.constant 80 : i32
        %mul3A_24 = arith.muli %add3A_22, %mul3A_23 : i32
        "tpu.region"() ({
          %run_scoped3A = tpu.sem_alloc : memref<!tpu.dma_semaphore, #tpu.memory_space<semaphore_mem>>
          %dma_start3A_100 = tpu.memref_slice %arg2[%mul3A_24] : memref<160000xi32, #tpu.memory_space<hbm>> -> memref<80xi32, #tpu.memory_space<hbm>>
          %dma_start3A_101 = tpu.memref_slice %arg2[%mul3A_24] : memref<160000xi32, #tpu.memory_space<hbm>> -> memref<80xi32, #tpu.memory_space<hbm>>
          tpu.enqueue_dma source(%dma_start3A_101 : memref<80xi32, #tpu.memory_space<hbm>>) target(%arg5 : memref<80xi32, #tpu.memory_space<vmem>>) target_semaphore(%run_scoped3A : memref<!tpu.dma_semaphore, #tpu.memory_space<semaphore_mem>>)
          %dma_wait3A_102 = tpu.memref_slice %arg2[%mul3A_24] : memref<160000xi32, #tpu.memory_space<hbm>> -> memref<80xi32, #tpu.memory_space<hbm>>
          %dma_wait3A_103 = tpu.memref_slice %arg2[%mul3A_24] : memref<160000xi32, #tpu.memory_space<hbm>> -> memref<80xi32, #tpu.memory_space<hbm>>
          tpu.wait_dma2 semaphore(%run_scoped3A : memref<!tpu.dma_semaphore, #tpu.memory_space<semaphore_mem>>) src(%dma_wait3A_103 : memref<80xi32, #tpu.memory_space<hbm>>) dst(%arg5 : memref<80xi32, #tpu.memory_space<vmem>>)
          tpu.yield
        }) : () -> ()
        %get3A = arith.constant 0 : index
        %get3A_25 = tpu.vector_load %arg5[%get3A] {strides = array<i32>} : memref<80xi32, #tpu.memory_space<vmem>>, vector<16xi32>,
        %get3A_26 = vector.shape_cast %get3A_25 : vector<16xi32> to vector<16xi32>
        %shift_right_logical3A = arith.constant 7 : i32
        %shift_right_logical3A_27 = vector.broadcast %shift_right_logical3A : i32 to vector<16xi32>
        %shift_right_logical3A_28 = arith.shrui %get3A_26, %shift_right_logical3A_27 : vector<16xi32>
        %swap3A = arith.constant 0 : index
        %swap3A_29 = tpu.vector_load %arg6[%swap3A] {strides = array<i32>} : memref<80xi32, #tpu.memory_space<vmem>>, vector<16xi32>,
        %swap3A_30 = vector.shape_cast %swap3A_29 : vector<16xi32> to vector<16xi32>
        %swap3A_31 = vector.shape_cast %shift_right_logical3A_28 : vector<16xi32> to vector<16xi32>
        tpu.vector_store %arg6[%swap3A], %swap3A_31 {strides = array<i32>} : memref<80xi32, #tpu.memory_space<vmem>>, vector<16xi32>,
        %and3A = arith.andi %get3A_26, %broadcast_in_dim3A_2 : vector<16xi32>
        %swap3A_32 = arith.constant 0 : index
        %swap3A_33 = tpu.vector_load %arg5[%swap3A_32] {strides = array<i32>} : memref<80xi32, #tpu.memory_space<vmem>>, vector<16xi32>,
        %swap3A_34 = vector.shape_cast %swap3A_33 : vector<16xi32> to vector<16xi32>
        %swap3A_35 = vector.shape_cast %and3A : vector<16xi32> to vector<16xi32>
        tpu.vector_store %arg5[%swap3A_32], %swap3A_35 {strides = array<i32>} : memref<80xi32, #tpu.memory_space<vmem>>, vector<16xi32>,
        %get3A_36 = arith.constant 16 : index
        %get3A_37 = tpu.vector_load %arg5[%get3A_36] {strides = array<i32>} : memref<80xi32, #tpu.memory_space<vmem>>, vector<16xi32>,
        %get3A_38 = vector.shape_cast %get3A_37 : vector<16xi32> to vector<16xi32>
        %shift_right_logical3A_39 = arith.constant 7 : i32
        %shift_right_logical3A_40 = vector.broadcast %shift_right_logical3A_39 : i32 to vector<16xi32>
        %shift_right_logical3A_41 = arith.shrui %get3A_38, %shift_right_logical3A_40 : vector<16xi32>
        %swap3A_42 = arith.constant 16 : index
        %swap3A_43 = tpu.vector_load %arg6[%swap3A_42] {strides = array<i32>} : memref<80xi32, #tpu.memory_space<vmem>>, vector<16xi32>,
        %swap3A_44 = vector.shape_cast %swap3A_43 : vector<16xi32> to vector<16xi32>
        %swap3A_45 = vector.shape_cast %shift_right_logical3A_41 : vector<16xi32> to vector<16xi32>
        tpu.vector_store %arg6[%swap3A_42], %swap3A_45 {strides = array<i32>} : memref<80xi32, #tpu.memory_space<vmem>>, vector<16xi32>,
        %and3A_46 = arith.andi %get3A_38, %broadcast_in_dim3A_2 : vector<16xi32>
        %swap3A_47 = arith.constant 16 : index
        %swap3A_48 = tpu.vector_load %arg5[%swap3A_47] {strides = array<i32>} : memref<80xi32, #tpu.memory_space<vmem>>, vector<16xi32>,
        %swap3A_49 = vector.shape_cast %swap3A_48 : vector<16xi32> to vector<16xi32>
        %swap3A_50 = vector.shape_cast %and3A_46 : vector<16xi32> to vector<16xi32>
        tpu.vector_store %arg5[%swap3A_47], %swap3A_50 {strides = array<i32>} : memref<80xi32, #tpu.memory_space<vmem>>, vector<16xi32>,
        %get3A_51 = arith.constant 32 : index
        %get3A_52 = tpu.vector_load %arg5[%get3A_51] {strides = array<i32>} : memref<80xi32, #tpu.memory_space<vmem>>, vector<16xi32>,
        %get3A_53 = vector.shape_cast %get3A_52 : vector<16xi32> to vector<16xi32>
        %shift_right_logical3A_54 = arith.constant 7 : i32
        %shift_right_logical3A_55 = vector.broadcast %shift_right_logical3A_54 : i32 to vector<16xi32>
        %shift_right_logical3A_56 = arith.shrui %get3A_53, %shift_right_logical3A_55 : vector<16xi32>
        %swap3A_57 = arith.constant 32 : index
        %swap3A_58 = tpu.vector_load %arg6[%swap3A_57] {strides = array<i32>} : memref<80xi32, #tpu.memory_space<vmem>>, vector<16xi32>,
        %swap3A_59 = vector.shape_cast %swap3A_58 : vector<16xi32> to vector<16xi32>
        %swap3A_60 = vector.shape_cast %shift_right_logical3A_56 : vector<16xi32> to vector<16xi32>
        tpu.vector_store %arg6[%swap3A_57], %swap3A_60 {strides = array<i32>} : memref<80xi32, #tpu.memory_space<vmem>>, vector<16xi32>,
        %and3A_61 = arith.andi %get3A_53, %broadcast_in_dim3A_2 : vector<16xi32>
        %swap3A_62 = arith.constant 32 : index
        %swap3A_63 = tpu.vector_load %arg5[%swap3A_62] {strides = array<i32>} : memref<80xi32, #tpu.memory_space<vmem>>, vector<16xi32>,
        %swap3A_64 = vector.shape_cast %swap3A_63 : vector<16xi32> to vector<16xi32>
        %swap3A_65 = vector.shape_cast %and3A_61 : vector<16xi32> to vector<16xi32>
        tpu.vector_store %arg5[%swap3A_62], %swap3A_65 {strides = array<i32>} : memref<80xi32, #tpu.memory_space<vmem>>, vector<16xi32>,
        %get3A_66 = arith.constant 48 : index
        %get3A_67 = tpu.vector_load %arg5[%get3A_66] {strides = array<i32>} : memref<80xi32, #tpu.memory_space<vmem>>, vector<16xi32>,
        %get3A_68 = vector.shape_cast %get3A_67 : vector<16xi32> to vector<16xi32>
        %shift_right_logical3A_69 = arith.constant 7 : i32
        %shift_right_logical3A_70 = vector.broadcast %shift_right_logical3A_69 : i32 to vector<16xi32>
        %shift_right_logical3A_71 = arith.shrui %get3A_68, %shift_right_logical3A_70 : vector<16xi32>
        %swap3A_72 = arith.constant 48 : index
        %swap3A_73 = tpu.vector_load %arg6[%swap3A_72] {strides = array<i32>} : memref<80xi32, #tpu.memory_space<vmem>>, vector<16xi32>,
        %swap3A_74 = vector.shape_cast %swap3A_73 : vector<16xi32> to vector<16xi32>
        %swap3A_75 = vector.shape_cast %shift_right_logical3A_71 : vector<16xi32> to vector<16xi32>
        tpu.vector_store %arg6[%swap3A_72], %swap3A_75 {strides = array<i32>} : memref<80xi32, #tpu.memory_space<vmem>>, vector<16xi32>,
        %and3A_76 = arith.andi %get3A_68, %broadcast_in_dim3A_2 : vector<16xi32>
        %swap3A_77 = arith.constant 48 : index
        %swap3A_78 = tpu.vector_load %arg5[%swap3A_77] {strides = array<i32>} : memref<80xi32, #tpu.memory_space<vmem>>, vector<16xi32>,
        %swap3A_79 = vector.shape_cast %swap3A_78 : vector<16xi32> to vector<16xi32>
        %swap3A_80 = vector.shape_cast %and3A_76 : vector<16xi32> to vector<16xi32>
        tpu.vector_store %arg5[%swap3A_77], %swap3A_80 {strides = array<i32>} : memref<80xi32, #tpu.memory_space<vmem>>, vector<16xi32>,
        %get3A_81 = arith.constant 64 : index
        %get3A_82 = tpu.vector_load %arg5[%get3A_81] {strides = array<i32>} : memref<80xi32, #tpu.memory_space<vmem>>, vector<16xi32>,
        %get3A_83 = vector.shape_cast %get3A_82 : vector<16xi32> to vector<16xi32>
        %shift_right_logical3A_84 = arith.constant 7 : i32
        %shift_right_logical3A_85 = vector.broadcast %shift_right_logical3A_84 : i32 to vector<16xi32>
        %shift_right_logical3A_86 = arith.shrui %get3A_83, %shift_right_logical3A_85 : vector<16xi32>
        %swap3A_87 = arith.constant 64 : index
        %swap3A_88 = tpu.vector_load %arg6[%swap3A_87] {strides = array<i32>} : memref<80xi32, #tpu.memory_space<vmem>>, vector<16xi32>,
        %swap3A_89 = vector.shape_cast %swap3A_88 : vector<16xi32> to vector<16xi32>
        %swap3A_90 = vector.shape_cast %shift_right_logical3A_86 : vector<16xi32> to vector<16xi32>
        tpu.vector_store %arg6[%swap3A_87], %swap3A_90 {strides = array<i32>} : memref<80xi32, #tpu.memory_space<vmem>>, vector<16xi32>,
        %and3A_91 = arith.andi %get3A_83, %broadcast_in_dim3A_2 : vector<16xi32>
        %swap3A_92 = arith.constant 64 : index
        %swap3A_93 = tpu.vector_load %arg5[%swap3A_92] {strides = array<i32>} : memref<80xi32, #tpu.memory_space<vmem>>, vector<16xi32>,
        %swap3A_94 = vector.shape_cast %swap3A_93 : vector<16xi32> to vector<16xi32>
        %swap3A_95 = vector.shape_cast %and3A_91 : vector<16xi32> to vector<16xi32>
        tpu.vector_store %arg5[%swap3A_92], %swap3A_95 {strides = array<i32>} : memref<80xi32, #tpu.memory_space<vmem>>, vector<16xi32>,
        %dma_start3A = arith.constant 0 : i32
        %dma_start3A_96 = arith.constant 0 : i32
        %dma_start3A_97 = tpu.memref_slice %arg3[%dma_start3A, %dma_start3A_96] : memref<128x128xf32, #tpu.memory_space<hbm>> -> memref<128x128xf32, #tpu.memory_space<hbm>>
        tpu.enqueue_indirect_dma source(%dma_start3A_97 : memref<128x128xf32, #tpu.memory_space<hbm>>) target(%arg7 : memref<80x128xf32, #tpu.memory_space<vmem>>) offsets(%arg5 : memref<80xi32, #tpu.memory_space<vmem>>) semaphore(%arg9 : memref<!tpu.dma_semaphore, #tpu.memory_space<semaphore_mem>>)
        %dma_wait3A = arith.constant 0 : i32
        %dma_wait3A_98 = arith.constant 0 : i32
        %dma_wait3A_99 = tpu.memref_slice %arg3[%dma_wait3A, %dma_wait3A_98] : memref<128x128xf32, #tpu.memory_space<hbm>> -> memref<128x128xf32, #tpu.memory_space<hbm>>
        tpu.wait_indirect_dma semaphore(%arg9 : memref<!tpu.dma_semaphore, #tpu.memory_space<semaphore_mem>>) src(%dma_wait3A_99 : memref<128x128xf32, #tpu.memory_space<hbm>>) dst(%arg7 : memref<80x128xf32, #tpu.memory_space<vmem>>)
        "tpu.region"() ({
          %run_scoped3A = tpu.sem_alloc : memref<!tpu.dma_semaphore, #tpu.memory_space<semaphore_mem>>
          %dma_start3A_100 = arith.constant 0 : i32
          %dma_start3A_101 = arith.constant 0 : i32
          %dma_start3A_102 = tpu.memref_slice %arg8[%dma_start3A_100, %dma_start3A_101] : memref<80x128xf32, #tpu.memory_space<vmem_shared>> -> memref<80x128xf32, #tpu.memory_space<vmem_shared>>
          tpu.enqueue_indirect_dma source(%arg7 : memref<80x128xf32, #tpu.memory_space<vmem>>) target(%dma_start3A_102 : memref<80x128xf32, #tpu.memory_space<vmem_shared>>) offsets(%arg6 : memref<80xi32, #tpu.memory_space<vmem>>) semaphore(%run_scoped3A : memref<!tpu.dma_semaphore, #tpu.memory_space<semaphore_mem>>) {add = true}
          %dma_wait3A_103 = arith.constant 0 : i32
          %dma_wait3A_104 = arith.constant 0 : i32
          %dma_wait3A_105 = tpu.memref_slice %arg8[%dma_wait3A_103, %dma_wait3A_104] : memref<80x128xf32, #tpu.memory_space<vmem_shared>> -> memref<80x128xf32, #tpu.memory_space<vmem_shared>>
          tpu.wait_indirect_dma semaphore(%run_scoped3A : memref<!tpu.dma_semaphore, #tpu.memory_space<semaphore_mem>>) src(%arg7 : memref<80x128xf32, #tpu.memory_space<vmem>>) dst(%dma_wait3A_105 : memref<80x128xf32, #tpu.memory_space<vmem_shared>>)
          tpu.yield
        }) : () -> ()
      } else {
      }
    }
    %scan3A_7 = arith.constant 63 : i32
    %barrier3A_8 = arith.constant 0 : index
    tpu.barrier barrier_id(%barrier3A_8)
    %eq3A_9 = arith.constant 0 : i32
    %eq3A_10 = arith.cmpi eq, %arg1, %eq3A_9 : i32
    %convert_element_type3A_11 = arith.extui %eq3A_10 : i1 to i32
    %cond3A_12 = arith.constant 0 : i32
    %cond3A_13 = arith.cmpi ne, %convert_element_type3A_11, %cond3A_12 : i32
    scf.if %cond3A_13 {
      %mul3A = arith.constant 80 : i32
      %mul3A_14 = arith.muli %arg0, %mul3A : i32
      "tpu.region"() ({
        %run_scoped3A = tpu.sem_alloc : memref<!tpu.dma_semaphore, #tpu.memory_space<semaphore_mem>>
        %dma_start3A = arith.constant 0 : i32
        %dma_start3A_15 = tpu.memref_slice %arg4[%mul3A_14, %dma_start3A] : memref<160x128xf32, #tpu.memory_space<hbm>> -> memref<80x128xf32, #tpu.memory_space<hbm>>
        tpu.enqueue_dma source(%arg8 : memref<80x128xf32, #tpu.memory_space<vmem_shared>>) target(%dma_start3A_15 : memref<80x128xf32, #tpu.memory_space<hbm>>) target_semaphore(%run_scoped3A : memref<!tpu.dma_semaphore, #tpu.memory_space<semaphore_mem>>)
        %dma_wait3A = arith.constant 0 : i32
        %dma_wait3A_16 = tpu.memref_slice %arg4[%mul3A_14, %dma_wait3A] : memref<160x128xf32, #tpu.memory_space<hbm>> -> memref<80x128xf32, #tpu.memory_space<hbm>>
        tpu.wait_dma2 semaphore(%run_scoped3A : memref<!tpu.dma_semaphore, #tpu.memory_space<semaphore_mem>>) src(%arg8 : memref<80x128xf32, #tpu.memory_space<vmem_shared>>) dst(%dma_wait3A_16 : memref<80x128xf32, #tpu.memory_space<hbm>>)
        tpu.yield
      }) : () -> ()
    } else {
    }
    return
  }
}

#map = affine_map<(d0, d1) -> (0, 0)>
#map1 = affine_map<(d0, d1) -> (0)>
module attributes {stable_mosaic.version = 14 : i64} {
  func.func @_sc_aggregate(%arg0: i32, %arg1: i32, %arg2: memref<20000x128xf32, #tpu.memory_space<hbm>>, %arg3: memref<160000xi32, #tpu.memory_space<hbm>>, %arg4: memref<160000xi32, #tpu.memory_space<hbm>>, %arg5: memref<20000x128xf32, #tpu.memory_space<hbm>>, %arg6: memref<10000xi32, #tpu.memory_space<vmem>>, %arg7: memref<10000xi32, #tpu.memory_space<vmem>>, %arg8: memref<79x128xi32, #tpu.memory_space<vmem>>, %arg9: memref<79x128xi32, #tpu.memory_space<vmem>>, %arg10: memref<128x128xf32, #tpu.memory_space<vmem>>, %arg11: memref<128x128xf32, #tpu.memory_space<vmem>>, %arg12: memref<5008x128xf32, #tpu.memory_space<vmem_shared>>, %arg13: memref<!tpu.dma_semaphore, #tpu.memory_space<semaphore_mem>>, %arg14: memref<!tpu.dma_semaphore, #tpu.memory_space<semaphore_mem>>, %arg15: memref<!tpu.dma_semaphore, #tpu.memory_space<semaphore_mem>>, %arg16: memref<!tpu.dma_semaphore, #tpu.memory_space<semaphore_mem>>) attributes {dimension_semantics = [#tpu.dimension_semantics<core_parallel>, #tpu.dimension_semantics<subcore_parallel>], iteration_bounds = array<i64: 2, 16>, scalar_prefetch = 0 : i64, scratch_operands = 11 : i64, tpu.core_type = #tpu.core_type<sc_vector_subcore>, window_params = [{transform_indices = #map}, {transform_indices = #map1}, {transform_indices = #map1}, {transform_indices = #map}]} {
    %mul3A = arith.constant 10000 : i32
    %mul3A_0 = arith.muli %arg1, %mul3A : i32
    %mul3A_1 = arith.constant 10000 : i32
    %mul3A_2 = arith.muli %arg0, %mul3A_1 : i32
    %broadcast_in_dim3A = vector.broadcast %mul3A_2 : i32 to vector<16xi32>
    %broadcast_in_dim3A_3 = arith.constant 5000 : i32
    %broadcast_in_dim3A_4 = vector.broadcast %broadcast_in_dim3A_3 : i32 to vector<16xi32>
    "tpu.region"() ({
      %run_scoped3A_242 = tpu.sem_alloc : memref<!tpu.dma_semaphore, #tpu.memory_space<semaphore_mem>>
      %dma_start3A_243 = tpu.memref_slice %arg3[%mul3A_0] : memref<160000xi32, #tpu.memory_space<hbm>> -> memref<10000xi32, #tpu.memory_space<hbm>>
      %dma_start3A_244 = tpu.memref_slice %arg3[%mul3A_0] : memref<160000xi32, #tpu.memory_space<hbm>> -> memref<10000xi32, #tpu.memory_space<hbm>>
      tpu.enqueue_dma source(%dma_start3A_244 : memref<10000xi32, #tpu.memory_space<hbm>>) target(%arg6 : memref<10000xi32, #tpu.memory_space<vmem>>) target_semaphore(%run_scoped3A_242 : memref<!tpu.dma_semaphore, #tpu.memory_space<semaphore_mem>>)
      %dma_wait3A_245 = tpu.memref_slice %arg3[%mul3A_0] : memref<160000xi32, #tpu.memory_space<hbm>> -> memref<10000xi32, #tpu.memory_space<hbm>>
      %dma_wait3A_246 = tpu.memref_slice %arg3[%mul3A_0] : memref<160000xi32, #tpu.memory_space<hbm>> -> memref<10000xi32, #tpu.memory_space<hbm>>
      tpu.wait_dma2 semaphore(%run_scoped3A_242 : memref<!tpu.dma_semaphore, #tpu.memory_space<semaphore_mem>>) src(%dma_wait3A_246 : memref<10000xi32, #tpu.memory_space<hbm>>) dst(%arg6 : memref<10000xi32, #tpu.memory_space<vmem>>)
      tpu.yield
    }) : () -> ()
    "tpu.region"() ({
      %run_scoped3A_242 = tpu.sem_alloc : memref<!tpu.dma_semaphore, #tpu.memory_space<semaphore_mem>>
      %dma_start3A_243 = tpu.memref_slice %arg4[%mul3A_0] : memref<160000xi32, #tpu.memory_space<hbm>> -> memref<10000xi32, #tpu.memory_space<hbm>>
      %dma_start3A_244 = tpu.memref_slice %arg4[%mul3A_0] : memref<160000xi32, #tpu.memory_space<hbm>> -> memref<10000xi32, #tpu.memory_space<hbm>>
      tpu.enqueue_dma source(%dma_start3A_244 : memref<10000xi32, #tpu.memory_space<hbm>>) target(%arg7 : memref<10000xi32, #tpu.memory_space<vmem>>) target_semaphore(%run_scoped3A_242 : memref<!tpu.dma_semaphore, #tpu.memory_space<semaphore_mem>>)
      %dma_wait3A_245 = tpu.memref_slice %arg4[%mul3A_0] : memref<160000xi32, #tpu.memory_space<hbm>> -> memref<10000xi32, #tpu.memory_space<hbm>>
      %dma_wait3A_246 = tpu.memref_slice %arg4[%mul3A_0] : memref<160000xi32, #tpu.memory_space<hbm>> -> memref<10000xi32, #tpu.memory_space<hbm>>
      tpu.wait_dma2 semaphore(%run_scoped3A_242 : memref<!tpu.dma_semaphore, #tpu.memory_space<semaphore_mem>>) src(%dma_wait3A_246 : memref<10000xi32, #tpu.memory_space<hbm>>) dst(%arg7 : memref<10000xi32, #tpu.memory_space<vmem>>)
      tpu.yield
    }) : () -> ()
    %scan3A = arith.constant 0 : i32
    %scan3A_5 = arith.constant 0 : i32
    %scan3A_6 = arith.constant 78 : i32
    %scan3A_7 = arith.addi %scan3A_5, %scan3A_6 : i32
    %scan3A_8 = arith.constant 1 : i32
    scf.for %scan3A_242 = %scan3A_5 to %scan3A_7 step %scan3A_8  : i32 {
      %mul3A_243 = arith.constant 128 : i32
      %mul3A_244 = arith.muli %scan3A_242, %mul3A_243 : i32
      %add3A_245 = arith.constant 0 : i32
      %add3A_246 = arith.addi %mul3A_244, %add3A_245 : i32
      %get3A_247 = arith.index_cast %add3A_246 : i32 to index
      %get3A_248 = tpu.vector_load %arg6[%get3A_247] {strides = array<i32>} : memref<10000xi32, #tpu.memory_space<vmem>>, vector<16xi32>,
      %get3A_249 = vector.shape_cast %get3A_248 : vector<16xi32> to vector<16xi32>
      %add3A_250 = arith.addi %get3A_249, %broadcast_in_dim3A : vector<16xi32>
      %swap3A_251 = arith.index_cast %add3A_246 : i32 to index
      %swap3A_252 = tpu.vector_load %arg6[%swap3A_251] {strides = array<i32>} : memref<10000xi32, #tpu.memory_space<vmem>>, vector<16xi32>,
      %swap3A_253 = vector.shape_cast %swap3A_252 : vector<16xi32> to vector<16xi32>
      %swap3A_254 = vector.shape_cast %add3A_250 : vector<16xi32> to vector<16xi32>
      tpu.vector_store %arg6[%swap3A_251], %swap3A_254 {strides = array<i32>} : memref<10000xi32, #tpu.memory_space<vmem>>, vector<16xi32>,
      %get3A_255 = arith.index_cast %add3A_246 : i32 to index
      %get3A_256 = tpu.vector_load %arg7[%get3A_255] {strides = array<i32>} : memref<10000xi32, #tpu.memory_space<vmem>>, vector<16xi32>,
      %get3A_257 = vector.shape_cast %get3A_256 : vector<16xi32> to vector<16xi32>
      %lt3A_258 = arith.constant 5000 : i32
      %lt3A_259 = vector.broadcast %lt3A_258 : i32 to vector<16xi32>
      %lt3A_260 = arith.cmpi slt, %get3A_257, %lt3A_259 : vector<16xi32>
      %select_n3A_261 = arith.select %lt3A_260, %get3A_257, %broadcast_in_dim3A_4 : vector<16xi1>, vector<16xi32>
      %swap3A_262 = arith.index_cast %scan3A_242 : i32 to index
      %swap3A_263 = arith.constant 0 : index
      %swap3A_264 = tpu.vector_load %arg8[%swap3A_262, %swap3A_263] {strides = array<i32>} : memref<79x128xi32, #tpu.memory_space<vmem>>, vector<1x16xi32>,
      %swap3A_265 = vector.shape_cast %swap3A_264 : vector<1x16xi32> to vector<16xi32>
      %swap3A_266 = vector.shape_cast %select_n3A_261 : vector<16xi32> to vector<1x16xi32>
      tpu.vector_store %arg8[%swap3A_262, %swap3A_263], %swap3A_266 {strides = array<i32>} : memref<79x128xi32, #tpu.memory_space<vmem>>, vector<1x16xi32>,
      %sub3A_267 = arith.constant 5000 : i32
      %sub3A_268 = vector.broadcast %sub3A_267 : i32 to vector<16xi32>
      %sub3A_269 = arith.subi %get3A_257, %sub3A_268 : vector<16xi32>
      %ge3A_270 = arith.constant 0 : i32
      %ge3A_271 = vector.broadcast %ge3A_270 : i32 to vector<16xi32>
      %ge3A_272 = arith.cmpi sge, %sub3A_269, %ge3A_271 : vector<16xi32>
      %select_n3A_273 = arith.select %ge3A_272, %sub3A_269, %broadcast_in_dim3A_4 : vector<16xi1>, vector<16xi32>
      %swap3A_274 = arith.index_cast %scan3A_242 : i32 to index
      %swap3A_275 = arith.constant 0 : index
      %swap3A_276 = tpu.vector_load %arg9[%swap3A_274, %swap3A_275] {strides = array<i32>} : memref<79x128xi32, #tpu.memory_space<vmem>>, vector<1x16xi32>,
      %swap3A_277 = vector.shape_cast %swap3A_276 : vector<1x16xi32> to vector<16xi32>
      %swap3A_278 = vector.shape_cast %select_n3A_273 : vector<16xi32> to vector<1x16xi32>
      tpu.vector_store %arg9[%swap3A_274, %swap3A_275], %swap3A_278 {strides = array<i32>} : memref<79x128xi32, #tpu.memory_space<vmem>>, vector<1x16xi32>,
      %mul3A_279 = arith.constant 128 : i32
      %mul3A_280 = arith.muli %scan3A_242, %mul3A_279 : i32
      %add3A_281 = arith.constant 16 : i32
      %add3A_282 = arith.addi %mul3A_280, %add3A_281 : i32
      %get3A_283 = arith.index_cast %add3A_282 : i32 to index
      %get3A_284 = tpu.vector_load %arg6[%get3A_283] {strides = array<i32>} : memref<10000xi32, #tpu.memory_space<vmem>>, vector<16xi32>,
      %get3A_285 = vector.shape_cast %get3A_284 : vector<16xi32> to vector<16xi32>
      %add3A_286 = arith.addi %get3A_285, %broadcast_in_dim3A : vector<16xi32>
      %swap3A_287 = arith.index_cast %add3A_282 : i32 to index
      %swap3A_288 = tpu.vector_load %arg6[%swap3A_287] {strides = array<i32>} : memref<10000xi32, #tpu.memory_space<vmem>>, vector<16xi32>,
      %swap3A_289 = vector.shape_cast %swap3A_288 : vector<16xi32> to vector<16xi32>
      %swap3A_290 = vector.shape_cast %add3A_286 : vector<16xi32> to vector<16xi32>
      tpu.vector_store %arg6[%swap3A_287], %swap3A_290 {strides = array<i32>} : memref<10000xi32, #tpu.memory_space<vmem>>, vector<16xi32>,
      %get3A_291 = arith.index_cast %add3A_282 : i32 to index
      %get3A_292 = tpu.vector_load %arg7[%get3A_291] {strides = array<i32>} : memref<10000xi32, #tpu.memory_space<vmem>>, vector<16xi32>,
      %get3A_293 = vector.shape_cast %get3A_292 : vector<16xi32> to vector<16xi32>
      %lt3A_294 = arith.constant 5000 : i32
      %lt3A_295 = vector.broadcast %lt3A_294 : i32 to vector<16xi32>
      %lt3A_296 = arith.cmpi slt, %get3A_293, %lt3A_295 : vector<16xi32>
      %select_n3A_297 = arith.select %lt3A_296, %get3A_293, %broadcast_in_dim3A_4 : vector<16xi1>, vector<16xi32>
      %swap3A_298 = arith.index_cast %scan3A_242 : i32 to index
      %swap3A_299 = arith.constant 16 : index
      %swap3A_300 = tpu.vector_load %arg8[%swap3A_298, %swap3A_299] {strides = array<i32>} : memref<79x128xi32, #tpu.memory_space<vmem>>, vector<1x16xi32>,
      %swap3A_301 = vector.shape_cast %swap3A_300 : vector<1x16xi32> to vector<16xi32>
      %swap3A_302 = vector.shape_cast %select_n3A_297 : vector<16xi32> to vector<1x16xi32>
      tpu.vector_store %arg8[%swap3A_298, %swap3A_299], %swap3A_302 {strides = array<i32>} : memref<79x128xi32, #tpu.memory_space<vmem>>, vector<1x16xi32>,
      %sub3A_303 = arith.constant 5000 : i32
      %sub3A_304 = vector.broadcast %sub3A_303 : i32 to vector<16xi32>
      %sub3A_305 = arith.subi %get3A_293, %sub3A_304 : vector<16xi32>
      %ge3A_306 = arith.constant 0 : i32
      %ge3A_307 = vector.broadcast %ge3A_306 : i32 to vector<16xi32>
      %ge3A_308 = arith.cmpi sge, %sub3A_305, %ge3A_307 : vector<16xi32>
      %select_n3A_309 = arith.select %ge3A_308, %sub3A_305, %broadcast_in_dim3A_4 : vector<16xi1>, vector<16xi32>
      %swap3A_310 = arith.index_cast %scan3A_242 : i32 to index
      %swap3A_311 = arith.constant 16 : index
      %swap3A_312 = tpu.vector_load %arg9[%swap3A_310, %swap3A_311] {strides = array<i32>} : memref<79x128xi32, #tpu.memory_space<vmem>>, vector<1x16xi32>,
      %swap3A_313 = vector.shape_cast %swap3A_312 : vector<1x16xi32> to vector<16xi32>
      %swap3A_314 = vector.shape_cast %select_n3A_309 : vector<16xi32> to vector<1x16xi32>
      tpu.vector_store %arg9[%swap3A_310, %swap3A_311], %swap3A_314 {strides = array<i32>} : memref<79x128xi32, #tpu.memory_space<vmem>>, vector<1x16xi32>,
      %mul3A_315 = arith.constant 128 : i32
      %mul3A_316 = arith.muli %scan3A_242, %mul3A_315 : i32
      %add3A_317 = arith.constant 32 : i32
      %add3A_318 = arith.addi %mul3A_316, %add3A_317 : i32
      %get3A_319 = arith.index_cast %add3A_318 : i32 to index
      %get3A_320 = tpu.vector_load %arg6[%get3A_319] {strides = array<i32>} : memref<10000xi32, #tpu.memory_space<vmem>>, vector<16xi32>,
      %get3A_321 = vector.shape_cast %get3A_320 : vector<16xi32> to vector<16xi32>
      %add3A_322 = arith.addi %get3A_321, %broadcast_in_dim3A : vector<16xi32>
      %swap3A_323 = arith.index_cast %add3A_318 : i32 to index
      %swap3A_324 = tpu.vector_load %arg6[%swap3A_323] {strides = array<i32>} : memref<10000xi32, #tpu.memory_space<vmem>>, vector<16xi32>,
      %swap3A_325 = vector.shape_cast %swap3A_324 : vector<16xi32> to vector<16xi32>
      %swap3A_326 = vector.shape_cast %add3A_322 : vector<16xi32> to vector<16xi32>
      tpu.vector_store %arg6[%swap3A_323], %swap3A_326 {strides = array<i32>} : memref<10000xi32, #tpu.memory_space<vmem>>, vector<16xi32>,
      %get3A_327 = arith.index_cast %add3A_318 : i32 to index
      %get3A_328 = tpu.vector_load %arg7[%get3A_327] {strides = array<i32>} : memref<10000xi32, #tpu.memory_space<vmem>>, vector<16xi32>,
      %get3A_329 = vector.shape_cast %get3A_328 : vector<16xi32> to vector<16xi32>
      %lt3A_330 = arith.constant 5000 : i32
      %lt3A_331 = vector.broadcast %lt3A_330 : i32 to vector<16xi32>
      %lt3A_332 = arith.cmpi slt, %get3A_329, %lt3A_331 : vector<16xi32>
      %select_n3A_333 = arith.select %lt3A_332, %get3A_329, %broadcast_in_dim3A_4 : vector<16xi1>, vector<16xi32>
      %swap3A_334 = arith.index_cast %scan3A_242 : i32 to index
      %swap3A_335 = arith.constant 32 : index
      %swap3A_336 = tpu.vector_load %arg8[%swap3A_334, %swap3A_335] {strides = array<i32>} : memref<79x128xi32, #tpu.memory_space<vmem>>, vector<1x16xi32>,
      %swap3A_337 = vector.shape_cast %swap3A_336 : vector<1x16xi32> to vector<16xi32>
      %swap3A_338 = vector.shape_cast %select_n3A_333 : vector<16xi32> to vector<1x16xi32>
      tpu.vector_store %arg8[%swap3A_334, %swap3A_335], %swap3A_338 {strides = array<i32>} : memref<79x128xi32, #tpu.memory_space<vmem>>, vector<1x16xi32>,
      %sub3A_339 = arith.constant 5000 : i32
      %sub3A_340 = vector.broadcast %sub3A_339 : i32 to vector<16xi32>
      %sub3A_341 = arith.subi %get3A_329, %sub3A_340 : vector<16xi32>
      %ge3A_342 = arith.constant 0 : i32
      %ge3A_343 = vector.broadcast %ge3A_342 : i32 to vector<16xi32>
      %ge3A_344 = arith.cmpi sge, %sub3A_341, %ge3A_343 : vector<16xi32>
      %select_n3A_345 = arith.select %ge3A_344, %sub3A_341, %broadcast_in_dim3A_4 : vector<16xi1>, vector<16xi32>
      %swap3A_346 = arith.index_cast %scan3A_242 : i32 to index
      %swap3A_347 = arith.constant 32 : index
      %swap3A_348 = tpu.vector_load %arg9[%swap3A_346, %swap3A_347] {strides = array<i32>} : memref<79x128xi32, #tpu.memory_space<vmem>>, vector<1x16xi32>,
      %swap3A_349 = vector.shape_cast %swap3A_348 : vector<1x16xi32> to vector<16xi32>
      %swap3A_350 = vector.shape_cast %select_n3A_345 : vector<16xi32> to vector<1x16xi32>
      tpu.vector_store %arg9[%swap3A_346, %swap3A_347], %swap3A_350 {strides = array<i32>} : memref<79x128xi32, #tpu.memory_space<vmem>>, vector<1x16xi32>,
      %mul3A_351 = arith.constant 128 : i32
      %mul3A_352 = arith.muli %scan3A_242, %mul3A_351 : i32
      %add3A_353 = arith.constant 48 : i32
      %add3A_354 = arith.addi %mul3A_352, %add3A_353 : i32
      %get3A_355 = arith.index_cast %add3A_354 : i32 to index
      %get3A_356 = tpu.vector_load %arg6[%get3A_355] {strides = array<i32>} : memref<10000xi32, #tpu.memory_space<vmem>>, vector<16xi32>,
      %get3A_357 = vector.shape_cast %get3A_356 : vector<16xi32> to vector<16xi32>
      %add3A_358 = arith.addi %get3A_357, %broadcast_in_dim3A : vector<16xi32>
      %swap3A_359 = arith.index_cast %add3A_354 : i32 to index
      %swap3A_360 = tpu.vector_load %arg6[%swap3A_359] {strides = array<i32>} : memref<10000xi32, #tpu.memory_space<vmem>>, vector<16xi32>,
      %swap3A_361 = vector.shape_cast %swap3A_360 : vector<16xi32> to vector<16xi32>
      %swap3A_362 = vector.shape_cast %add3A_358 : vector<16xi32> to vector<16xi32>
      tpu.vector_store %arg6[%swap3A_359], %swap3A_362 {strides = array<i32>} : memref<10000xi32, #tpu.memory_space<vmem>>, vector<16xi32>,
      %get3A_363 = arith.index_cast %add3A_354 : i32 to index
      %get3A_364 = tpu.vector_load %arg7[%get3A_363] {strides = array<i32>} : memref<10000xi32, #tpu.memory_space<vmem>>, vector<16xi32>,
      %get3A_365 = vector.shape_cast %get3A_364 : vector<16xi32> to vector<16xi32>
      %lt3A_366 = arith.constant 5000 : i32
      %lt3A_367 = vector.broadcast %lt3A_366 : i32 to vector<16xi32>
      %lt3A_368 = arith.cmpi slt, %get3A_365, %lt3A_367 : vector<16xi32>
      %select_n3A_369 = arith.select %lt3A_368, %get3A_365, %broadcast_in_dim3A_4 : vector<16xi1>, vector<16xi32>
      %swap3A_370 = arith.index_cast %scan3A_242 : i32 to index
      %swap3A_371 = arith.constant 48 : index
      %swap3A_372 = tpu.vector_load %arg8[%swap3A_370, %swap3A_371] {strides = array<i32>} : memref<79x128xi32, #tpu.memory_space<vmem>>, vector<1x16xi32>,
      %swap3A_373 = vector.shape_cast %swap3A_372 : vector<1x16xi32> to vector<16xi32>
      %swap3A_374 = vector.shape_cast %select_n3A_369 : vector<16xi32> to vector<1x16xi32>
      tpu.vector_store %arg8[%swap3A_370, %swap3A_371], %swap3A_374 {strides = array<i32>} : memref<79x128xi32, #tpu.memory_space<vmem>>, vector<1x16xi32>,
      %sub3A_375 = arith.constant 5000 : i32
      %sub3A_376 = vector.broadcast %sub3A_375 : i32 to vector<16xi32>
      %sub3A_377 = arith.subi %get3A_365, %sub3A_376 : vector<16xi32>
      %ge3A_378 = arith.constant 0 : i32
      %ge3A_379 = vector.broadcast %ge3A_378 : i32 to vector<16xi32>
      %ge3A_380 = arith.cmpi sge, %sub3A_377, %ge3A_379 : vector<16xi32>
      %select_n3A_381 = arith.select %ge3A_380, %sub3A_377, %broadcast_in_dim3A_4 : vector<16xi1>, vector<16xi32>
      %swap3A_382 = arith.index_cast %scan3A_242 : i32 to index
      %swap3A_383 = arith.constant 48 : index
      %swap3A_384 = tpu.vector_load %arg9[%swap3A_382, %swap3A_383] {strides = array<i32>} : memref<79x128xi32, #tpu.memory_space<vmem>>, vector<1x16xi32>,
      %swap3A_385 = vector.shape_cast %swap3A_384 : vector<1x16xi32> to vector<16xi32>
      %swap3A_386 = vector.shape_cast %select_n3A_381 : vector<16xi32> to vector<1x16xi32>
      tpu.vector_store %arg9[%swap3A_382, %swap3A_383], %swap3A_386 {strides = array<i32>} : memref<79x128xi32, #tpu.memory_space<vmem>>, vector<1x16xi32>,
      %mul3A_387 = arith.constant 128 : i32
      %mul3A_388 = arith.muli %scan3A_242, %mul3A_387 : i32
      %add3A_389 = arith.constant 64 : i32
      %add3A_390 = arith.addi %mul3A_388, %add3A_389 : i32
      %get3A_391 = arith.index_cast %add3A_390 : i32 to index
      %get3A_392 = tpu.vector_load %arg6[%get3A_391] {strides = array<i32>} : memref<10000xi32, #tpu.memory_space<vmem>>, vector<16xi32>,
      %get3A_393 = vector.shape_cast %get3A_392 : vector<16xi32> to vector<16xi32>
      %add3A_394 = arith.addi %get3A_393, %broadcast_in_dim3A : vector<16xi32>
      %swap3A_395 = arith.index_cast %add3A_390 : i32 to index
      %swap3A_396 = tpu.vector_load %arg6[%swap3A_395] {strides = array<i32>} : memref<10000xi32, #tpu.memory_space<vmem>>, vector<16xi32>,
      %swap3A_397 = vector.shape_cast %swap3A_396 : vector<16xi32> to vector<16xi32>
      %swap3A_398 = vector.shape_cast %add3A_394 : vector<16xi32> to vector<16xi32>
      tpu.vector_store %arg6[%swap3A_395], %swap3A_398 {strides = array<i32>} : memref<10000xi32, #tpu.memory_space<vmem>>, vector<16xi32>,
      %get3A_399 = arith.index_cast %add3A_390 : i32 to index
      %get3A_400 = tpu.vector_load %arg7[%get3A_399] {strides = array<i32>} : memref<10000xi32, #tpu.memory_space<vmem>>, vector<16xi32>,
      %get3A_401 = vector.shape_cast %get3A_400 : vector<16xi32> to vector<16xi32>
      %lt3A_402 = arith.constant 5000 : i32
      %lt3A_403 = vector.broadcast %lt3A_402 : i32 to vector<16xi32>
      %lt3A_404 = arith.cmpi slt, %get3A_401, %lt3A_403 : vector<16xi32>
      %select_n3A_405 = arith.select %lt3A_404, %get3A_401, %broadcast_in_dim3A_4 : vector<16xi1>, vector<16xi32>
      %swap3A_406 = arith.index_cast %scan3A_242 : i32 to index
      %swap3A_407 = arith.constant 64 : index
      %swap3A_408 = tpu.vector_load %arg8[%swap3A_406, %swap3A_407] {strides = array<i32>} : memref<79x128xi32, #tpu.memory_space<vmem>>, vector<1x16xi32>,
      %swap3A_409 = vector.shape_cast %swap3A_408 : vector<1x16xi32> to vector<16xi32>
      %swap3A_410 = vector.shape_cast %select_n3A_405 : vector<16xi32> to vector<1x16xi32>
      tpu.vector_store %arg8[%swap3A_406, %swap3A_407], %swap3A_410 {strides = array<i32>} : memref<79x128xi32, #tpu.memory_space<vmem>>, vector<1x16xi32>,
      %sub3A_411 = arith.constant 5000 : i32
      %sub3A_412 = vector.broadcast %sub3A_411 : i32 to vector<16xi32>
      %sub3A_413 = arith.subi %get3A_401, %sub3A_412 : vector<16xi32>
      %ge3A_414 = arith.constant 0 : i32
      %ge3A_415 = vector.broadcast %ge3A_414 : i32 to vector<16xi32>
      %ge3A_416 = arith.cmpi sge, %sub3A_413, %ge3A_415 : vector<16xi32>
      %select_n3A_417 = arith.select %ge3A_416, %sub3A_413, %broadcast_in_dim3A_4 : vector<16xi1>, vector<16xi32>
      %swap3A_418 = arith.index_cast %scan3A_242 : i32 to index
      %swap3A_419 = arith.constant 64 : index
      %swap3A_420 = tpu.vector_load %arg9[%swap3A_418, %swap3A_419] {strides = array<i32>} : memref<79x128xi32, #tpu.memory_space<vmem>>, vector<1x16xi32>,
      %swap3A_421 = vector.shape_cast %swap3A_420 : vector<1x16xi32> to vector<16xi32>
      %swap3A_422 = vector.shape_cast %select_n3A_417 : vector<16xi32> to vector<1x16xi32>
      tpu.vector_store %arg9[%swap3A_418, %swap3A_419], %swap3A_422 {strides = array<i32>} : memref<79x128xi32, #tpu.memory_space<vmem>>, vector<1x16xi32>,
      %mul3A_423 = arith.constant 128 : i32
      %mul3A_424 = arith.muli %scan3A_242, %mul3A_423 : i32
      %add3A_425 = arith.constant 80 : i32
      %add3A_426 = arith.addi %mul3A_424, %add3A_425 : i32
      %get3A_427 = arith.index_cast %add3A_426 : i32 to index
      %get3A_428 = tpu.vector_load %arg6[%get3A_427] {strides = array<i32>} : memref<10000xi32, #tpu.memory_space<vmem>>, vector<16xi32>,
      %get3A_429 = vector.shape_cast %get3A_428 : vector<16xi32> to vector<16xi32>
      %add3A_430 = arith.addi %get3A_429, %broadcast_in_dim3A : vector<16xi32>
      %swap3A_431 = arith.index_cast %add3A_426 : i32 to index
      %swap3A_432 = tpu.vector_load %arg6[%swap3A_431] {strides = array<i32>} : memref<10000xi32, #tpu.memory_space<vmem>>, vector<16xi32>,
      %swap3A_433 = vector.shape_cast %swap3A_432 : vector<16xi32> to vector<16xi32>
      %swap3A_434 = vector.shape_cast %add3A_430 : vector<16xi32> to vector<16xi32>
      tpu.vector_store %arg6[%swap3A_431], %swap3A_434 {strides = array<i32>} : memref<10000xi32, #tpu.memory_space<vmem>>, vector<16xi32>,
      %get3A_435 = arith.index_cast %add3A_426 : i32 to index
      %get3A_436 = tpu.vector_load %arg7[%get3A_435] {strides = array<i32>} : memref<10000xi32, #tpu.memory_space<vmem>>, vector<16xi32>,
      %get3A_437 = vector.shape_cast %get3A_436 : vector<16xi32> to vector<16xi32>
      %lt3A_438 = arith.constant 5000 : i32
      %lt3A_439 = vector.broadcast %lt3A_438 : i32 to vector<16xi32>
      %lt3A_440 = arith.cmpi slt, %get3A_437, %lt3A_439 : vector<16xi32>
      %select_n3A_441 = arith.select %lt3A_440, %get3A_437, %broadcast_in_dim3A_4 : vector<16xi1>, vector<16xi32>
      %swap3A_442 = arith.index_cast %scan3A_242 : i32 to index
      %swap3A_443 = arith.constant 80 : index
      %swap3A_444 = tpu.vector_load %arg8[%swap3A_442, %swap3A_443] {strides = array<i32>} : memref<79x128xi32, #tpu.memory_space<vmem>>, vector<1x16xi32>,
      %swap3A_445 = vector.shape_cast %swap3A_444 : vector<1x16xi32> to vector<16xi32>
      %swap3A_446 = vector.shape_cast %select_n3A_441 : vector<16xi32> to vector<1x16xi32>
      tpu.vector_store %arg8[%swap3A_442, %swap3A_443], %swap3A_446 {strides = array<i32>} : memref<79x128xi32, #tpu.memory_space<vmem>>, vector<1x16xi32>,
      %sub3A_447 = arith.constant 5000 : i32
      %sub3A_448 = vector.broadcast %sub3A_447 : i32 to vector<16xi32>
      %sub3A_449 = arith.subi %get3A_437, %sub3A_448 : vector<16xi32>
      %ge3A_450 = arith.constant 0 : i32
      %ge3A_451 = vector.broadcast %ge3A_450 : i32 to vector<16xi32>
      %ge3A_452 = arith.cmpi sge, %sub3A_449, %ge3A_451 : vector<16xi32>
      %select_n3A_453 = arith.select %ge3A_452, %sub3A_449, %broadcast_in_dim3A_4 : vector<16xi1>, vector<16xi32>
      %swap3A_454 = arith.index_cast %scan3A_242 : i32 to index
      %swap3A_455 = arith.constant 80 : index
      %swap3A_456 = tpu.vector_load %arg9[%swap3A_454, %swap3A_455] {strides = array<i32>} : memref<79x128xi32, #tpu.memory_space<vmem>>, vector<1x16xi32>,
      %swap3A_457 = vector.shape_cast %swap3A_456 : vector<1x16xi32> to vector<16xi32>
      %swap3A_458 = vector.shape_cast %select_n3A_453 : vector<16xi32> to vector<1x16xi32>
      tpu.vector_store %arg9[%swap3A_454, %swap3A_455], %swap3A_458 {strides = array<i32>} : memref<79x128xi32, #tpu.memory_space<vmem>>, vector<1x16xi32>,
      %mul3A_459 = arith.constant 128 : i32
      %mul3A_460 = arith.muli %scan3A_242, %mul3A_459 : i32
      %add3A_461 = arith.constant 96 : i32
      %add3A_462 = arith.addi %mul3A_460, %add3A_461 : i32
      %get3A_463 = arith.index_cast %add3A_462 : i32 to index
      %get3A_464 = tpu.vector_load %arg6[%get3A_463] {strides = array<i32>} : memref<10000xi32, #tpu.memory_space<vmem>>, vector<16xi32>,
      %get3A_465 = vector.shape_cast %get3A_464 : vector<16xi32> to vector<16xi32>
      %add3A_466 = arith.addi %get3A_465, %broadcast_in_dim3A : vector<16xi32>
      %swap3A_467 = arith.index_cast %add3A_462 : i32 to index
      %swap3A_468 = tpu.vector_load %arg6[%swap3A_467] {strides = array<i32>} : memref<10000xi32, #tpu.memory_space<vmem>>, vector<16xi32>,
      %swap3A_469 = vector.shape_cast %swap3A_468 : vector<16xi32> to vector<16xi32>
      %swap3A_470 = vector.shape_cast %add3A_466 : vector<16xi32> to vector<16xi32>
      tpu.vector_store %arg6[%swap3A_467], %swap3A_470 {strides = array<i32>} : memref<10000xi32, #tpu.memory_space<vmem>>, vector<16xi32>,
      %get3A_471 = arith.index_cast %add3A_462 : i32 to index
      %get3A_472 = tpu.vector_load %arg7[%get3A_471] {strides = array<i32>} : memref<10000xi32, #tpu.memory_space<vmem>>, vector<16xi32>,
      %get3A_473 = vector.shape_cast %get3A_472 : vector<16xi32> to vector<16xi32>
      %lt3A_474 = arith.constant 5000 : i32
      %lt3A_475 = vector.broadcast %lt3A_474 : i32 to vector<16xi32>
      %lt3A_476 = arith.cmpi slt, %get3A_473, %lt3A_475 : vector<16xi32>
      %select_n3A_477 = arith.select %lt3A_476, %get3A_473, %broadcast_in_dim3A_4 : vector<16xi1>, vector<16xi32>
      %swap3A_478 = arith.index_cast %scan3A_242 : i32 to index
      %swap3A_479 = arith.constant 96 : index
      %swap3A_480 = tpu.vector_load %arg8[%swap3A_478, %swap3A_479] {strides = array<i32>} : memref<79x128xi32, #tpu.memory_space<vmem>>, vector<1x16xi32>,
      %swap3A_481 = vector.shape_cast %swap3A_480 : vector<1x16xi32> to vector<16xi32>
      %swap3A_482 = vector.shape_cast %select_n3A_477 : vector<16xi32> to vector<1x16xi32>
      tpu.vector_store %arg8[%swap3A_478, %swap3A_479], %swap3A_482 {strides = array<i32>} : memref<79x128xi32, #tpu.memory_space<vmem>>, vector<1x16xi32>,
      %sub3A_483 = arith.constant 5000 : i32
      %sub3A_484 = vector.broadcast %sub3A_483 : i32 to vector<16xi32>
      %sub3A_485 = arith.subi %get3A_473, %sub3A_484 : vector<16xi32>
      %ge3A_486 = arith.constant 0 : i32
      %ge3A_487 = vector.broadcast %ge3A_486 : i32 to vector<16xi32>
      %ge3A_488 = arith.cmpi sge, %sub3A_485, %ge3A_487 : vector<16xi32>
      %select_n3A_489 = arith.select %ge3A_488, %sub3A_485, %broadcast_in_dim3A_4 : vector<16xi1>, vector<16xi32>
      %swap3A_490 = arith.index_cast %scan3A_242 : i32 to index
      %swap3A_491 = arith.constant 96 : index
      %swap3A_492 = tpu.vector_load %arg9[%swap3A_490, %swap3A_491] {strides = array<i32>} : memref<79x128xi32, #tpu.memory_space<vmem>>, vector<1x16xi32>,
      %swap3A_493 = vector.shape_cast %swap3A_492 : vector<1x16xi32> to vector<16xi32>
      %swap3A_494 = vector.shape_cast %select_n3A_489 : vector<16xi32> to vector<1x16xi32>
      tpu.vector_store %arg9[%swap3A_490, %swap3A_491], %swap3A_494 {strides = array<i32>} : memref<79x128xi32, #tpu.memory_space<vmem>>, vector<1x16xi32>,
      %mul3A_495 = arith.constant 128 : i32
      %mul3A_496 = arith.muli %scan3A_242, %mul3A_495 : i32
      %add3A_497 = arith.constant 112 : i32
      %add3A_498 = arith.addi %mul3A_496, %add3A_497 : i32
      %get3A_499 = arith.index_cast %add3A_498 : i32 to index
      %get3A_500 = tpu.vector_load %arg6[%get3A_499] {strides = array<i32>} : memref<10000xi32, #tpu.memory_space<vmem>>, vector<16xi32>,
      %get3A_501 = vector.shape_cast %get3A_500 : vector<16xi32> to vector<16xi32>
      %add3A_502 = arith.addi %get3A_501, %broadcast_in_dim3A : vector<16xi32>
      %swap3A_503 = arith.index_cast %add3A_498 : i32 to index
      %swap3A_504 = tpu.vector_load %arg6[%swap3A_503] {strides = array<i32>} : memref<10000xi32, #tpu.memory_space<vmem>>, vector<16xi32>,
      %swap3A_505 = vector.shape_cast %swap3A_504 : vector<16xi32> to vector<16xi32>
      %swap3A_506 = vector.shape_cast %add3A_502 : vector<16xi32> to vector<16xi32>
      tpu.vector_store %arg6[%swap3A_503], %swap3A_506 {strides = array<i32>} : memref<10000xi32, #tpu.memory_space<vmem>>, vector<16xi32>,
      %get3A_507 = arith.index_cast %add3A_498 : i32 to index
      %get3A_508 = tpu.vector_load %arg7[%get3A_507] {strides = array<i32>} : memref<10000xi32, #tpu.memory_space<vmem>>, vector<16xi32>,
      %get3A_509 = vector.shape_cast %get3A_508 : vector<16xi32> to vector<16xi32>
      %lt3A_510 = arith.constant 5000 : i32
      %lt3A_511 = vector.broadcast %lt3A_510 : i32 to vector<16xi32>
      %lt3A_512 = arith.cmpi slt, %get3A_509, %lt3A_511 : vector<16xi32>
      %select_n3A_513 = arith.select %lt3A_512, %get3A_509, %broadcast_in_dim3A_4 : vector<16xi1>, vector<16xi32>
      %swap3A_514 = arith.index_cast %scan3A_242 : i32 to index
      %swap3A_515 = arith.constant 112 : index
      %swap3A_516 = tpu.vector_load %arg8[%swap3A_514, %swap3A_515] {strides = array<i32>} : memref<79x128xi32, #tpu.memory_space<vmem>>, vector<1x16xi32>,
      %swap3A_517 = vector.shape_cast %swap3A_516 : vector<1x16xi32> to vector<16xi32>
      %swap3A_518 = vector.shape_cast %select_n3A_513 : vector<16xi32> to vector<1x16xi32>
      tpu.vector_store %arg8[%swap3A_514, %swap3A_515], %swap3A_518 {strides = array<i32>} : memref<79x128xi32, #tpu.memory_space<vmem>>, vector<1x16xi32>,
      %sub3A_519 = arith.constant 5000 : i32
      %sub3A_520 = vector.broadcast %sub3A_519 : i32 to vector<16xi32>
      %sub3A_521 = arith.subi %get3A_509, %sub3A_520 : vector<16xi32>
      %ge3A_522 = arith.constant 0 : i32
      %ge3A_523 = vector.broadcast %ge3A_522 : i32 to vector<16xi32>
      %ge3A_524 = arith.cmpi sge, %sub3A_521, %ge3A_523 : vector<16xi32>
      %select_n3A_525 = arith.select %ge3A_524, %sub3A_521, %broadcast_in_dim3A_4 : vector<16xi1>, vector<16xi32>
      %swap3A_526 = arith.index_cast %scan3A_242 : i32 to index
      %swap3A_527 = arith.constant 112 : index
      %swap3A_528 = tpu.vector_load %arg9[%swap3A_526, %swap3A_527] {strides = array<i32>} : memref<79x128xi32, #tpu.memory_space<vmem>>, vector<1x16xi32>,
      %swap3A_529 = vector.shape_cast %swap3A_528 : vector<1x16xi32> to vector<16xi32>
      %swap3A_530 = vector.shape_cast %select_n3A_525 : vector<16xi32> to vector<1x16xi32>
      tpu.vector_store %arg9[%swap3A_526, %swap3A_527], %swap3A_530 {strides = array<i32>} : memref<79x128xi32, #tpu.memory_space<vmem>>, vector<1x16xi32>,
    }
    %scan3A_9 = arith.constant 78 : i32
    %get3A = arith.constant 9984 : index
    %get3A_10 = tpu.vector_load %arg6[%get3A] {strides = array<i32>} : memref<10000xi32, #tpu.memory_space<vmem>>, vector<16xi32>,
    %get3A_11 = vector.shape_cast %get3A_10 : vector<16xi32> to vector<16xi32>
    %add3A = arith.addi %get3A_11, %broadcast_in_dim3A : vector<16xi32>
    %swap3A = arith.constant 9984 : index
    %swap3A_12 = tpu.vector_load %arg6[%swap3A] {strides = array<i32>} : memref<10000xi32, #tpu.memory_space<vmem>>, vector<16xi32>,
    %swap3A_13 = vector.shape_cast %swap3A_12 : vector<16xi32> to vector<16xi32>
    %swap3A_14 = vector.shape_cast %add3A : vector<16xi32> to vector<16xi32>
    tpu.vector_store %arg6[%swap3A], %swap3A_14 {strides = array<i32>} : memref<10000xi32, #tpu.memory_space<vmem>>, vector<16xi32>,
    %get3A_15 = arith.constant 9984 : index
    %get3A_16 = tpu.vector_load %arg7[%get3A_15] {strides = array<i32>} : memref<10000xi32, #tpu.memory_space<vmem>>, vector<16xi32>,
    %get3A_17 = vector.shape_cast %get3A_16 : vector<16xi32> to vector<16xi32>
    %lt3A = arith.constant 5000 : i32
    %lt3A_18 = vector.broadcast %lt3A : i32 to vector<16xi32>
    %lt3A_19 = arith.cmpi slt, %get3A_17, %lt3A_18 : vector<16xi32>
    %select_n3A = arith.select %lt3A_19, %get3A_17, %broadcast_in_dim3A_4 : vector<16xi1>, vector<16xi32>
    %swap3A_20 = arith.constant 78 : i32
    %swap3A_21 = arith.index_cast %swap3A_20 : i32 to index
    %swap3A_22 = arith.constant 0 : index
    %swap3A_23 = tpu.vector_load %arg8[%swap3A_21, %swap3A_22] {strides = array<i32>} : memref<79x128xi32, #tpu.memory_space<vmem>>, vector<1x16xi32>,
    %swap3A_24 = vector.shape_cast %swap3A_23 : vector<1x16xi32> to vector<16xi32>
    %swap3A_25 = vector.shape_cast %select_n3A : vector<16xi32> to vector<1x16xi32>
    tpu.vector_store %arg8[%swap3A_21, %swap3A_22], %swap3A_25 {strides = array<i32>} : memref<79x128xi32, #tpu.memory_space<vmem>>, vector<1x16xi32>,
    %sub3A = arith.constant 5000 : i32
    %sub3A_26 = vector.broadcast %sub3A : i32 to vector<16xi32>
    %sub3A_27 = arith.subi %get3A_17, %sub3A_26 : vector<16xi32>
    %ge3A = arith.constant 0 : i32
    %ge3A_28 = vector.broadcast %ge3A : i32 to vector<16xi32>
    %ge3A_29 = arith.cmpi sge, %sub3A_27, %ge3A_28 : vector<16xi32>
    %select_n3A_30 = arith.select %ge3A_29, %sub3A_27, %broadcast_in_dim3A_4 : vector<16xi1>, vector<16xi32>
    %swap3A_31 = arith.constant 78 : i32
    %swap3A_32 = arith.index_cast %swap3A_31 : i32 to index
    %swap3A_33 = arith.constant 0 : index
    %swap3A_34 = tpu.vector_load %arg9[%swap3A_32, %swap3A_33] {strides = array<i32>} : memref<79x128xi32, #tpu.memory_space<vmem>>, vector<1x16xi32>,
    %swap3A_35 = vector.shape_cast %swap3A_34 : vector<1x16xi32> to vector<16xi32>
    %swap3A_36 = vector.shape_cast %select_n3A_30 : vector<16xi32> to vector<1x16xi32>
    tpu.vector_store %arg9[%swap3A_32, %swap3A_33], %swap3A_36 {strides = array<i32>} : memref<79x128xi32, #tpu.memory_space<vmem>>, vector<1x16xi32>,
    %swap3A_37 = arith.constant 78 : i32
    %swap3A_38 = arith.index_cast %swap3A_37 : i32 to index
    %swap3A_39 = arith.constant 16 : index
    %swap3A_40 = tpu.vector_load %arg8[%swap3A_38, %swap3A_39] {strides = array<i32>} : memref<79x128xi32, #tpu.memory_space<vmem>>, vector<1x16xi32>,
    %swap3A_41 = vector.shape_cast %swap3A_40 : vector<1x16xi32> to vector<16xi32>
    %swap3A_42 = vector.shape_cast %broadcast_in_dim3A_4 : vector<16xi32> to vector<1x16xi32>
    tpu.vector_store %arg8[%swap3A_38, %swap3A_39], %swap3A_42 {strides = array<i32>} : memref<79x128xi32, #tpu.memory_space<vmem>>, vector<1x16xi32>,
    %swap3A_43 = arith.constant 78 : i32
    %swap3A_44 = arith.index_cast %swap3A_43 : i32 to index
    %swap3A_45 = arith.constant 16 : index
    %swap3A_46 = tpu.vector_load %arg9[%swap3A_44, %swap3A_45] {strides = array<i32>} : memref<79x128xi32, #tpu.memory_space<vmem>>, vector<1x16xi32>,
    %swap3A_47 = vector.shape_cast %swap3A_46 : vector<1x16xi32> to vector<16xi32>
    %swap3A_48 = vector.shape_cast %broadcast_in_dim3A_4 : vector<16xi32> to vector<1x16xi32>
    tpu.vector_store %arg9[%swap3A_44, %swap3A_45], %swap3A_48 {strides = array<i32>} : memref<79x128xi32, #tpu.memory_space<vmem>>, vector<1x16xi32>,
    %swap3A_49 = arith.constant 78 : i32
    %swap3A_50 = arith.index_cast %swap3A_49 : i32 to index
    %swap3A_51 = arith.constant 32 : index
    %swap3A_52 = tpu.vector_load %arg8[%swap3A_50, %swap3A_51] {strides = array<i32>} : memref<79x128xi32, #tpu.memory_space<vmem>>, vector<1x16xi32>,
    %swap3A_53 = vector.shape_cast %swap3A_52 : vector<1x16xi32> to vector<16xi32>
    %swap3A_54 = vector.shape_cast %broadcast_in_dim3A_4 : vector<16xi32> to vector<1x16xi32>
    tpu.vector_store %arg8[%swap3A_50, %swap3A_51], %swap3A_54 {strides = array<i32>} : memref<79x128xi32, #tpu.memory_space<vmem>>, vector<1x16xi32>,
    %swap3A_55 = arith.constant 78 : i32
    %swap3A_56 = arith.index_cast %swap3A_55 : i32 to index
    %swap3A_57 = arith.constant 32 : index
    %swap3A_58 = tpu.vector_load %arg9[%swap3A_56, %swap3A_57] {strides = array<i32>} : memref<79x128xi32, #tpu.memory_space<vmem>>, vector<1x16xi32>,
    %swap3A_59 = vector.shape_cast %swap3A_58 : vector<1x16xi32> to vector<16xi32>
    %swap3A_60 = vector.shape_cast %broadcast_in_dim3A_4 : vector<16xi32> to vector<1x16xi32>
    tpu.vector_store %arg9[%swap3A_56, %swap3A_57], %swap3A_60 {strides = array<i32>} : memref<79x128xi32, #tpu.memory_space<vmem>>, vector<1x16xi32>,
    %swap3A_61 = arith.constant 78 : i32
    %swap3A_62 = arith.index_cast %swap3A_61 : i32 to index
    %swap3A_63 = arith.constant 48 : index
    %swap3A_64 = tpu.vector_load %arg8[%swap3A_62, %swap3A_63] {strides = array<i32>} : memref<79x128xi32, #tpu.memory_space<vmem>>, vector<1x16xi32>,
    %swap3A_65 = vector.shape_cast %swap3A_64 : vector<1x16xi32> to vector<16xi32>
    %swap3A_66 = vector.shape_cast %broadcast_in_dim3A_4 : vector<16xi32> to vector<1x16xi32>
    tpu.vector_store %arg8[%swap3A_62, %swap3A_63], %swap3A_66 {strides = array<i32>} : memref<79x128xi32, #tpu.memory_space<vmem>>, vector<1x16xi32>,
    %swap3A_67 = arith.constant 78 : i32
    %swap3A_68 = arith.index_cast %swap3A_67 : i32 to index
    %swap3A_69 = arith.constant 48 : index
    %swap3A_70 = tpu.vector_load %arg9[%swap3A_68, %swap3A_69] {strides = array<i32>} : memref<79x128xi32, #tpu.memory_space<vmem>>, vector<1x16xi32>,
    %swap3A_71 = vector.shape_cast %swap3A_70 : vector<1x16xi32> to vector<16xi32>
    %swap3A_72 = vector.shape_cast %broadcast_in_dim3A_4 : vector<16xi32> to vector<1x16xi32>
    tpu.vector_store %arg9[%swap3A_68, %swap3A_69], %swap3A_72 {strides = array<i32>} : memref<79x128xi32, #tpu.memory_space<vmem>>, vector<1x16xi32>,
    %swap3A_73 = arith.constant 78 : i32
    %swap3A_74 = arith.index_cast %swap3A_73 : i32 to index
    %swap3A_75 = arith.constant 64 : index
    %swap3A_76 = tpu.vector_load %arg8[%swap3A_74, %swap3A_75] {strides = array<i32>} : memref<79x128xi32, #tpu.memory_space<vmem>>, vector<1x16xi32>,
    %swap3A_77 = vector.shape_cast %swap3A_76 : vector<1x16xi32> to vector<16xi32>
    %swap3A_78 = vector.shape_cast %broadcast_in_dim3A_4 : vector<16xi32> to vector<1x16xi32>
    tpu.vector_store %arg8[%swap3A_74, %swap3A_75], %swap3A_78 {strides = array<i32>} : memref<79x128xi32, #tpu.memory_space<vmem>>, vector<1x16xi32>,
    %swap3A_79 = arith.constant 78 : i32
    %swap3A_80 = arith.index_cast %swap3A_79 : i32 to index
    %swap3A_81 = arith.constant 64 : index
    %swap3A_82 = tpu.vector_load %arg9[%swap3A_80, %swap3A_81] {strides = array<i32>} : memref<79x128xi32, #tpu.memory_space<vmem>>, vector<1x16xi32>,
    %swap3A_83 = vector.shape_cast %swap3A_82 : vector<1x16xi32> to vector<16xi32>
    %swap3A_84 = vector.shape_cast %broadcast_in_dim3A_4 : vector<16xi32> to vector<1x16xi32>
    tpu.vector_store %arg9[%swap3A_80, %swap3A_81], %swap3A_84 {strides = array<i32>} : memref<79x128xi32, #tpu.memory_space<vmem>>, vector<1x16xi32>,
    %swap3A_85 = arith.constant 78 : i32
    %swap3A_86 = arith.index_cast %swap3A_85 : i32 to index
    %swap3A_87 = arith.constant 80 : index
    %swap3A_88 = tpu.vector_load %arg8[%swap3A_86, %swap3A_87] {strides = array<i32>} : memref<79x128xi32, #tpu.memory_space<vmem>>, vector<1x16xi32>,
    %swap3A_89 = vector.shape_cast %swap3A_88 : vector<1x16xi32> to vector<16xi32>
    %swap3A_90 = vector.shape_cast %broadcast_in_dim3A_4 : vector<16xi32> to vector<1x16xi32>
    tpu.vector_store %arg8[%swap3A_86, %swap3A_87], %swap3A_90 {strides = array<i32>} : memref<79x128xi32, #tpu.memory_space<vmem>>, vector<1x16xi32>,
    %swap3A_91 = arith.constant 78 : i32
    %swap3A_92 = arith.index_cast %swap3A_91 : i32 to index
    %swap3A_93 = arith.constant 80 : index
    %swap3A_94 = tpu.vector_load %arg9[%swap3A_92, %swap3A_93] {strides = array<i32>} : memref<79x128xi32, #tpu.memory_space<vmem>>, vector<1x16xi32>,
    %swap3A_95 = vector.shape_cast %swap3A_94 : vector<1x16xi32> to vector<16xi32>
    %swap3A_96 = vector.shape_cast %broadcast_in_dim3A_4 : vector<16xi32> to vector<1x16xi32>
    tpu.vector_store %arg9[%swap3A_92, %swap3A_93], %swap3A_96 {strides = array<i32>} : memref<79x128xi32, #tpu.memory_space<vmem>>, vector<1x16xi32>,
    %swap3A_97 = arith.constant 78 : i32
    %swap3A_98 = arith.index_cast %swap3A_97 : i32 to index
    %swap3A_99 = arith.constant 96 : index
    %swap3A_100 = tpu.vector_load %arg8[%swap3A_98, %swap3A_99] {strides = array<i32>} : memref<79x128xi32, #tpu.memory_space<vmem>>, vector<1x16xi32>,
    %swap3A_101 = vector.shape_cast %swap3A_100 : vector<1x16xi32> to vector<16xi32>
    %swap3A_102 = vector.shape_cast %broadcast_in_dim3A_4 : vector<16xi32> to vector<1x16xi32>
    tpu.vector_store %arg8[%swap3A_98, %swap3A_99], %swap3A_102 {strides = array<i32>} : memref<79x128xi32, #tpu.memory_space<vmem>>, vector<1x16xi32>,
    %swap3A_103 = arith.constant 78 : i32
    %swap3A_104 = arith.index_cast %swap3A_103 : i32 to index
    %swap3A_105 = arith.constant 96 : index
    %swap3A_106 = tpu.vector_load %arg9[%swap3A_104, %swap3A_105] {strides = array<i32>} : memref<79x128xi32, #tpu.memory_space<vmem>>, vector<1x16xi32>,
    %swap3A_107 = vector.shape_cast %swap3A_106 : vector<1x16xi32> to vector<16xi32>
    %swap3A_108 = vector.shape_cast %broadcast_in_dim3A_4 : vector<16xi32> to vector<1x16xi32>
    tpu.vector_store %arg9[%swap3A_104, %swap3A_105], %swap3A_108 {strides = array<i32>} : memref<79x128xi32, #tpu.memory_space<vmem>>, vector<1x16xi32>,
    %swap3A_109 = arith.constant 78 : i32
    %swap3A_110 = arith.index_cast %swap3A_109 : i32 to index
    %swap3A_111 = arith.constant 112 : index
    %swap3A_112 = tpu.vector_load %arg8[%swap3A_110, %swap3A_111] {strides = array<i32>} : memref<79x128xi32, #tpu.memory_space<vmem>>, vector<1x16xi32>,
    %swap3A_113 = vector.shape_cast %swap3A_112 : vector<1x16xi32> to vector<16xi32>
    %swap3A_114 = vector.shape_cast %broadcast_in_dim3A_4 : vector<16xi32> to vector<1x16xi32>
    tpu.vector_store %arg8[%swap3A_110, %swap3A_111], %swap3A_114 {strides = array<i32>} : memref<79x128xi32, #tpu.memory_space<vmem>>, vector<1x16xi32>,
    %swap3A_115 = arith.constant 78 : i32
    %swap3A_116 = arith.index_cast %swap3A_115 : i32 to index
    %swap3A_117 = arith.constant 112 : index
    %swap3A_118 = tpu.vector_load %arg9[%swap3A_116, %swap3A_117] {strides = array<i32>} : memref<79x128xi32, #tpu.memory_space<vmem>>, vector<1x16xi32>,
    %swap3A_119 = vector.shape_cast %swap3A_118 : vector<1x16xi32> to vector<16xi32>
    %swap3A_120 = vector.shape_cast %broadcast_in_dim3A_4 : vector<16xi32> to vector<1x16xi32>
    tpu.vector_store %arg9[%swap3A_116, %swap3A_117], %swap3A_120 {strides = array<i32>} : memref<79x128xi32, #tpu.memory_space<vmem>>, vector<1x16xi32>,
    %mul3A_121 = arith.constant 10000 : i32
    %mul3A_122 = arith.muli %arg0, %mul3A_121 : i32
    %add3A_123 = arith.constant 0 : i32
    %add3A_124 = arith.addi %mul3A_122, %add3A_123 : i32
    %mul3A_125 = arith.constant 312 : i32
    %mul3A_126 = arith.muli %arg1, %mul3A_125 : i32
    %add3A_127 = arith.addi %add3A_124, %mul3A_126 : i32
    %mul3A_128 = arith.constant 312 : i32
    %mul3A_129 = arith.muli %arg1, %mul3A_128 : i32
    "tpu.region"() ({
      %run_scoped3A_242 = tpu.sem_alloc : memref<!tpu.dma_semaphore, #tpu.memory_space<semaphore_mem>>
      %dma_start3A_243 = arith.constant 0 : i32
      %dma_start3A_244 = tpu.memref_slice %arg12[%mul3A_129, %dma_start3A_243] : memref<5008x128xf32, #tpu.memory_space<vmem_shared>> -> memref<312x128xf32, #tpu.memory_space<vmem_shared>>
      %dma_start3A_245 = arith.constant 0 : i32
      %dma_start3A_246 = tpu.memref_slice %arg2[%add3A_127, %dma_start3A_245] : memref<20000x128xf32, #tpu.memory_space<hbm>> -> memref<312x128xf32, #tpu.memory_space<hbm>>
      tpu.enqueue_dma source(%dma_start3A_246 : memref<312x128xf32, #tpu.memory_space<hbm>>) target(%dma_start3A_244 : memref<312x128xf32, #tpu.memory_space<vmem_shared>>) target_semaphore(%run_scoped3A_242 : memref<!tpu.dma_semaphore, #tpu.memory_space<semaphore_mem>>)
      %dma_wait3A_247 = arith.constant 0 : i32
      %dma_wait3A_248 = tpu.memref_slice %arg12[%mul3A_129, %dma_wait3A_247] : memref<5008x128xf32, #tpu.memory_space<vmem_shared>> -> memref<312x128xf32, #tpu.memory_space<vmem_shared>>
      %dma_wait3A_249 = arith.constant 0 : i32
      %dma_wait3A_250 = tpu.memref_slice %arg2[%add3A_127, %dma_wait3A_249] : memref<20000x128xf32, #tpu.memory_space<hbm>> -> memref<312x128xf32, #tpu.memory_space<hbm>>
      tpu.wait_dma2 semaphore(%run_scoped3A_242 : memref<!tpu.dma_semaphore, #tpu.memory_space<semaphore_mem>>) src(%dma_wait3A_250 : memref<312x128xf32, #tpu.memory_space<hbm>>) dst(%dma_wait3A_248 : memref<312x128xf32, #tpu.memory_space<vmem_shared>>)
      tpu.yield
    }) : () -> ()
    %eq3A = arith.constant 0 : i32
    %eq3A_130 = arith.cmpi eq, %arg1, %eq3A : i32
    %convert_element_type3A = arith.extui %eq3A_130 : i1 to i32
    %cond3A = arith.constant 0 : i32
    %cond3A_131 = arith.cmpi ne, %convert_element_type3A, %cond3A : i32
    scf.if %cond3A_131 {
      %add3A_242 = arith.constant 4992 : i32
      %add3A_243 = arith.addi %add3A_124, %add3A_242 : i32
      "tpu.region"() ({
        %run_scoped3A_244 = tpu.sem_alloc : memref<!tpu.dma_semaphore, #tpu.memory_space<semaphore_mem>>
        %dma_start3A_245 = arith.constant 4992 : i32
        %dma_start3A_246 = arith.constant 0 : i32
        %dma_start3A_247 = tpu.memref_slice %arg12[%dma_start3A_245, %dma_start3A_246] : memref<5008x128xf32, #tpu.memory_space<vmem_shared>> -> memref<8x128xf32, #tpu.memory_space<vmem_shared>>
        %dma_start3A_248 = arith.constant 0 : i32
        %dma_start3A_249 = tpu.memref_slice %arg2[%add3A_243, %dma_start3A_248] : memref<20000x128xf32, #tpu.memory_space<hbm>> -> memref<8x128xf32, #tpu.memory_space<hbm>>
        tpu.enqueue_dma source(%dma_start3A_249 : memref<8x128xf32, #tpu.memory_space<hbm>>) target(%dma_start3A_247 : memref<8x128xf32, #tpu.memory_space<vmem_shared>>) target_semaphore(%run_scoped3A_244 : memref<!tpu.dma_semaphore, #tpu.memory_space<semaphore_mem>>)
        %dma_wait3A_250 = arith.constant 4992 : i32
        %dma_wait3A_251 = arith.constant 0 : i32
        %dma_wait3A_252 = tpu.memref_slice %arg12[%dma_wait3A_250, %dma_wait3A_251] : memref<5008x128xf32, #tpu.memory_space<vmem_shared>> -> memref<8x128xf32, #tpu.memory_space<vmem_shared>>
        %dma_wait3A_253 = arith.constant 0 : i32
        %dma_wait3A_254 = tpu.memref_slice %arg2[%add3A_243, %dma_wait3A_253] : memref<20000x128xf32, #tpu.memory_space<hbm>> -> memref<8x128xf32, #tpu.memory_space<hbm>>
        tpu.wait_dma2 semaphore(%run_scoped3A_244 : memref<!tpu.dma_semaphore, #tpu.memory_space<semaphore_mem>>) src(%dma_wait3A_254 : memref<8x128xf32, #tpu.memory_space<hbm>>) dst(%dma_wait3A_252 : memref<8x128xf32, #tpu.memory_space<vmem_shared>>)
        tpu.yield
      }) : () -> ()
    } else {
    }
    %barrier3A = arith.constant 0 : index
    tpu.barrier barrier_id(%barrier3A)
    %dma_start3A = arith.constant 0 : i32
    %dma_start3A_132 = arith.constant 0 : i32
    %dma_start3A_133 = tpu.memref_slice %arg10[%dma_start3A, %dma_start3A_132] : memref<128x128xf32, #tpu.memory_space<vmem>> -> memref<16x128xf32, #tpu.memory_space<vmem>>
    %dma_start3A_134 = arith.constant 9984 : i32
    %dma_start3A_135 = tpu.memref_slice %arg6[%dma_start3A_134] : memref<10000xi32, #tpu.memory_space<vmem>> -> memref<16xi32, #tpu.memory_space<vmem>>
    %dma_start3A_136 = arith.constant 0 : i32
    %dma_start3A_137 = arith.constant 0 : i32
    %dma_start3A_138 = tpu.memref_slice %arg2[%dma_start3A_136, %dma_start3A_137] : memref<20000x128xf32, #tpu.memory_space<hbm>> -> memref<20000x128xf32, #tpu.memory_space<hbm>>
    tpu.enqueue_indirect_dma source(%dma_start3A_138 : memref<20000x128xf32, #tpu.memory_space<hbm>>) target(%dma_start3A_133 : memref<16x128xf32, #tpu.memory_space<vmem>>) offsets(%dma_start3A_135 : memref<16xi32, #tpu.memory_space<vmem>>) semaphore(%arg13 : memref<!tpu.dma_semaphore, #tpu.memory_space<semaphore_mem>>)
    %dma_wait3A = arith.constant 0 : i32
    %dma_wait3A_139 = arith.constant 0 : i32
    %dma_wait3A_140 = tpu.memref_slice %arg10[%dma_wait3A, %dma_wait3A_139] : memref<128x128xf32, #tpu.memory_space<vmem>> -> memref<16x128xf32, #tpu.memory_space<vmem>>
    %dma_wait3A_141 = arith.constant 9984 : i32
    %dma_wait3A_142 = tpu.memref_slice %arg6[%dma_wait3A_141] : memref<10000xi32, #tpu.memory_space<vmem>> -> memref<16xi32, #tpu.memory_space<vmem>>
    %dma_wait3A_143 = arith.constant 0 : i32
    %dma_wait3A_144 = arith.constant 0 : i32
    %dma_wait3A_145 = tpu.memref_slice %arg2[%dma_wait3A_143, %dma_wait3A_144] : memref<20000x128xf32, #tpu.memory_space<hbm>> -> memref<20000x128xf32, #tpu.memory_space<hbm>>
    tpu.wait_indirect_dma semaphore(%arg13 : memref<!tpu.dma_semaphore, #tpu.memory_space<semaphore_mem>>) src(%dma_wait3A_145 : memref<20000x128xf32, #tpu.memory_space<hbm>>) dst(%dma_wait3A_140 : memref<16x128xf32, #tpu.memory_space<vmem>>)
    %run_scoped3A = arith.constant 78 : i32
    "tpu.region"() ({
      %run_scoped3A_242 = tpu.sem_alloc : memref<!tpu.dma_semaphore, #tpu.memory_space<semaphore_mem>>
      %dma_start3A_243 = arith.constant 0 : i32
      %dma_start3A_244 = tpu.memref_slice %arg8[%run_scoped3A, %dma_start3A_243] : memref<79x128xi32, #tpu.memory_space<vmem>> -> memref<1x128xi32, #tpu.memory_space<vmem>>
      %dma_start3A_245 = tpu.memref_squeeze %dma_start3A_244 : memref<1x128xi32, #tpu.memory_space<vmem>> -> memref<128xi32, #tpu.memory_space<vmem>>
      %dma_start3A_246 = arith.constant 0 : i32
      %dma_start3A_247 = arith.constant 0 : i32
      %dma_start3A_248 = tpu.memref_slice %arg12[%dma_start3A_246, %dma_start3A_247] : memref<5008x128xf32, #tpu.memory_space<vmem_shared>> -> memref<5008x128xf32, #tpu.memory_space<vmem_shared>>
      tpu.enqueue_indirect_dma source(%arg10 : memref<128x128xf32, #tpu.memory_space<vmem>>) target(%dma_start3A_248 : memref<5008x128xf32, #tpu.memory_space<vmem_shared>>) offsets(%dma_start3A_245 : memref<128xi32, #tpu.memory_space<vmem>>) semaphore(%run_scoped3A_242 : memref<!tpu.dma_semaphore, #tpu.memory_space<semaphore_mem>>) {add = true}
      %dma_wait3A_249 = arith.constant 0 : i32
      %dma_wait3A_250 = tpu.memref_slice %arg8[%run_scoped3A, %dma_wait3A_249] : memref<79x128xi32, #tpu.memory_space<vmem>> -> memref<1x128xi32, #tpu.memory_space<vmem>>
      %dma_wait3A_251 = tpu.memref_squeeze %dma_wait3A_250 : memref<1x128xi32, #tpu.memory_space<vmem>> -> memref<128xi32, #tpu.memory_space<vmem>>
      %dma_wait3A_252 = arith.constant 0 : i32
      %dma_wait3A_253 = arith.constant 0 : i32
      %dma_wait3A_254 = tpu.memref_slice %arg12[%dma_wait3A_252, %dma_wait3A_253] : memref<5008x128xf32, #tpu.memory_space<vmem_shared>> -> memref<5008x128xf32, #tpu.memory_space<vmem_shared>>
      tpu.wait_indirect_dma semaphore(%run_scoped3A_242 : memref<!tpu.dma_semaphore, #tpu.memory_space<semaphore_mem>>) src(%arg10 : memref<128x128xf32, #tpu.memory_space<vmem>>) dst(%dma_wait3A_254 : memref<5008x128xf32, #tpu.memory_space<vmem_shared>>)
      tpu.yield
    }) : () -> ()
    %dma_start3A_146 = arith.constant 0 : i32
    %dma_start3A_147 = tpu.memref_slice %arg6[%dma_start3A_146] : memref<10000xi32, #tpu.memory_space<vmem>> -> memref<128xi32, #tpu.memory_space<vmem>>
    %dma_start3A_148 = arith.constant 0 : i32
    %dma_start3A_149 = arith.constant 0 : i32
    %dma_start3A_150 = tpu.memref_slice %arg2[%dma_start3A_148, %dma_start3A_149] : memref<20000x128xf32, #tpu.memory_space<hbm>> -> memref<20000x128xf32, #tpu.memory_space<hbm>>
    tpu.enqueue_indirect_dma source(%dma_start3A_150 : memref<20000x128xf32, #tpu.memory_space<hbm>>) target(%arg10 : memref<128x128xf32, #tpu.memory_space<vmem>>) offsets(%dma_start3A_147 : memref<128xi32, #tpu.memory_space<vmem>>) semaphore(%arg13 : memref<!tpu.dma_semaphore, #tpu.memory_space<semaphore_mem>>)
    %dma_wait3A_151 = arith.constant 0 : i32
    %dma_wait3A_152 = tpu.memref_slice %arg6[%dma_wait3A_151] : memref<10000xi32, #tpu.memory_space<vmem>> -> memref<128xi32, #tpu.memory_space<vmem>>
    %dma_wait3A_153 = arith.constant 0 : i32
    %dma_wait3A_154 = arith.constant 0 : i32
    %dma_wait3A_155 = tpu.memref_slice %arg2[%dma_wait3A_153, %dma_wait3A_154] : memref<20000x128xf32, #tpu.memory_space<hbm>> -> memref<20000x128xf32, #tpu.memory_space<hbm>>
    tpu.wait_indirect_dma semaphore(%arg13 : memref<!tpu.dma_semaphore, #tpu.memory_space<semaphore_mem>>) src(%dma_wait3A_155 : memref<20000x128xf32, #tpu.memory_space<hbm>>) dst(%arg10 : memref<128x128xf32, #tpu.memory_space<vmem>>)
    %scan3A_156 = arith.constant 0 : i32
    %scan3A_157 = arith.constant 0 : i32
    %scan3A_158 = arith.constant 39 : i32
    %scan3A_159 = arith.addi %scan3A_157, %scan3A_158 : i32
    %scan3A_160 = arith.constant 1 : i32
    scf.for %scan3A_242 = %scan3A_157 to %scan3A_159 step %scan3A_160  : i32 {
      %mul3A_243 = arith.constant 2 : i32
      %mul3A_244 = arith.muli %mul3A_243, %scan3A_242 : i32
      %dma_start3A_245 = arith.constant 0 : i32
      %dma_start3A_246 = tpu.memref_slice %arg8[%mul3A_244, %dma_start3A_245] : memref<79x128xi32, #tpu.memory_space<vmem>> -> memref<1x128xi32, #tpu.memory_space<vmem>>
      %dma_start3A_247 = tpu.memref_squeeze %dma_start3A_246 : memref<1x128xi32, #tpu.memory_space<vmem>> -> memref<128xi32, #tpu.memory_space<vmem>>
      %dma_start3A_248 = arith.constant 0 : i32
      %dma_start3A_249 = arith.constant 0 : i32
      %dma_start3A_250 = tpu.memref_slice %arg12[%dma_start3A_248, %dma_start3A_249] : memref<5008x128xf32, #tpu.memory_space<vmem_shared>> -> memref<5008x128xf32, #tpu.memory_space<vmem_shared>>
      tpu.enqueue_indirect_dma source(%arg10 : memref<128x128xf32, #tpu.memory_space<vmem>>) target(%dma_start3A_250 : memref<5008x128xf32, #tpu.memory_space<vmem_shared>>) offsets(%dma_start3A_247 : memref<128xi32, #tpu.memory_space<vmem>>) semaphore(%arg15 : memref<!tpu.dma_semaphore, #tpu.memory_space<semaphore_mem>>) {add = true}
      %mul3A_251 = arith.constant 2 : i32
      %mul3A_252 = arith.muli %mul3A_251, %scan3A_242 : i32
      %add3A_253 = arith.constant 1 : i32
      %add3A_254 = arith.addi %mul3A_252, %add3A_253 : i32
      %mul3A_255 = arith.constant 128 : i32
      %mul3A_256 = arith.muli %add3A_254, %mul3A_255 : i32
      %dma_start3A_257 = tpu.memref_slice %arg6[%mul3A_256] : memref<10000xi32, #tpu.memory_space<vmem>> -> memref<128xi32, #tpu.memory_space<vmem>>
      %dma_start3A_258 = arith.constant 0 : i32
      %dma_start3A_259 = arith.constant 0 : i32
      %dma_start3A_260 = tpu.memref_slice %arg2[%dma_start3A_258, %dma_start3A_259] : memref<20000x128xf32, #tpu.memory_space<hbm>> -> memref<20000x128xf32, #tpu.memory_space<hbm>>
      tpu.enqueue_indirect_dma source(%dma_start3A_260 : memref<20000x128xf32, #tpu.memory_space<hbm>>) target(%arg11 : memref<128x128xf32, #tpu.memory_space<vmem>>) offsets(%dma_start3A_257 : memref<128xi32, #tpu.memory_space<vmem>>) semaphore(%arg14 : memref<!tpu.dma_semaphore, #tpu.memory_space<semaphore_mem>>)
      %dma_wait3A_261 = tpu.memref_slice %arg6[%mul3A_256] : memref<10000xi32, #tpu.memory_space<vmem>> -> memref<128xi32, #tpu.memory_space<vmem>>
      %dma_wait3A_262 = arith.constant 0 : i32
      %dma_wait3A_263 = arith.constant 0 : i32
      %dma_wait3A_264 = tpu.memref_slice %arg2[%dma_wait3A_262, %dma_wait3A_263] : memref<20000x128xf32, #tpu.memory_space<hbm>> -> memref<20000x128xf32, #tpu.memory_space<hbm>>
      tpu.wait_indirect_dma semaphore(%arg14 : memref<!tpu.dma_semaphore, #tpu.memory_space<semaphore_mem>>) src(%dma_wait3A_264 : memref<20000x128xf32, #tpu.memory_space<hbm>>) dst(%arg11 : memref<128x128xf32, #tpu.memory_space<vmem>>)
      %mul3A_265 = arith.constant 2 : i32
      %mul3A_266 = arith.muli %mul3A_265, %scan3A_242 : i32
      %add3A_267 = arith.constant 1 : i32
      %add3A_268 = arith.addi %mul3A_266, %add3A_267 : i32
      %dma_start3A_269 = arith.constant 0 : i32
      %dma_start3A_270 = tpu.memref_slice %arg8[%add3A_268, %dma_start3A_269] : memref<79x128xi32, #tpu.memory_space<vmem>> -> memref<1x128xi32, #tpu.memory_space<vmem>>
      %dma_start3A_271 = tpu.memref_squeeze %dma_start3A_270 : memref<1x128xi32, #tpu.memory_space<vmem>> -> memref<128xi32, #tpu.memory_space<vmem>>
      %dma_start3A_272 = arith.constant 0 : i32
      %dma_start3A_273 = arith.constant 0 : i32
      %dma_start3A_274 = tpu.memref_slice %arg12[%dma_start3A_272, %dma_start3A_273] : memref<5008x128xf32, #tpu.memory_space<vmem_shared>> -> memref<5008x128xf32, #tpu.memory_space<vmem_shared>>
      tpu.enqueue_indirect_dma source(%arg11 : memref<128x128xf32, #tpu.memory_space<vmem>>) target(%dma_start3A_274 : memref<5008x128xf32, #tpu.memory_space<vmem_shared>>) offsets(%dma_start3A_271 : memref<128xi32, #tpu.memory_space<vmem>>) semaphore(%arg16 : memref<!tpu.dma_semaphore, #tpu.memory_space<semaphore_mem>>) {add = true}
      %dma_wait3A_275 = arith.constant 0 : i32
      %dma_wait3A_276 = tpu.memref_slice %arg8[%mul3A_244, %dma_wait3A_275] : memref<79x128xi32, #tpu.memory_space<vmem>> -> memref<1x128xi32, #tpu.memory_space<vmem>>
      %dma_wait3A_277 = tpu.memref_squeeze %dma_wait3A_276 : memref<1x128xi32, #tpu.memory_space<vmem>> -> memref<128xi32, #tpu.memory_space<vmem>>
      %dma_wait3A_278 = arith.constant 0 : i32
      %dma_wait3A_279 = arith.constant 0 : i32
      %dma_wait3A_280 = tpu.memref_slice %arg12[%dma_wait3A_278, %dma_wait3A_279] : memref<5008x128xf32, #tpu.memory_space<vmem_shared>> -> memref<5008x128xf32, #tpu.memory_space<vmem_shared>>
      tpu.wait_indirect_dma semaphore(%arg15 : memref<!tpu.dma_semaphore, #tpu.memory_space<semaphore_mem>>) src(%arg10 : memref<128x128xf32, #tpu.memory_space<vmem>>) dst(%dma_wait3A_280 : memref<5008x128xf32, #tpu.memory_space<vmem_shared>>)
      %mul3A_281 = arith.constant 2 : i32
      %mul3A_282 = arith.muli %mul3A_281, %scan3A_242 : i32
      %add3A_283 = arith.constant 2 : i32
      %add3A_284 = arith.addi %mul3A_282, %add3A_283 : i32
      %min3A = arith.constant 77 : i32
      %min3A_285 = arith.minsi %add3A_284, %min3A : i32
      %mul3A_286 = arith.constant 128 : i32
      %mul3A_287 = arith.muli %min3A_285, %mul3A_286 : i32
      %dma_start3A_288 = tpu.memref_slice %arg6[%mul3A_287] : memref<10000xi32, #tpu.memory_space<vmem>> -> memref<128xi32, #tpu.memory_space<vmem>>
      %dma_start3A_289 = arith.constant 0 : i32
      %dma_start3A_290 = arith.constant 0 : i32
      %dma_start3A_291 = tpu.memref_slice %arg2[%dma_start3A_289, %dma_start3A_290] : memref<20000x128xf32, #tpu.memory_space<hbm>> -> memref<20000x128xf32, #tpu.memory_space<hbm>>
      tpu.enqueue_indirect_dma source(%dma_start3A_291 : memref<20000x128xf32, #tpu.memory_space<hbm>>) target(%arg10 : memref<128x128xf32, #tpu.memory_space<vmem>>) offsets(%dma_start3A_288 : memref<128xi32, #tpu.memory_space<vmem>>) semaphore(%arg13 : memref<!tpu.dma_semaphore, #tpu.memory_space<semaphore_mem>>)
      %dma_wait3A_292 = tpu.memref_slice %arg6[%mul3A_287] : memref<10000xi32, #tpu.memory_space<vmem>> -> memref<128xi32, #tpu.memory_space<vmem>>
      %dma_wait3A_293 = arith.constant 0 : i32
      %dma_wait3A_294 = arith.constant 0 : i32
      %dma_wait3A_295 = tpu.memref_slice %arg2[%dma_wait3A_293, %dma_wait3A_294] : memref<20000x128xf32, #tpu.memory_space<hbm>> -> memref<20000x128xf32, #tpu.memory_space<hbm>>
      tpu.wait_indirect_dma semaphore(%arg13 : memref<!tpu.dma_semaphore, #tpu.memory_space<semaphore_mem>>) src(%dma_wait3A_295 : memref<20000x128xf32, #tpu.memory_space<hbm>>) dst(%arg10 : memref<128x128xf32, #tpu.memory_space<vmem>>)
      %dma_wait3A_296 = arith.constant 0 : i32
      %dma_wait3A_297 = tpu.memref_slice %arg8[%add3A_268, %dma_wait3A_296] : memref<79x128xi32, #tpu.memory_space<vmem>> -> memref<1x128xi32, #tpu.memory_space<vmem>>
      %dma_wait3A_298 = tpu.memref_squeeze %dma_wait3A_297 : memref<1x128xi32, #tpu.memory_space<vmem>> -> memref<128xi32, #tpu.memory_space<vmem>>
      %dma_wait3A_299 = arith.constant 0 : i32
      %dma_wait3A_300 = arith.constant 0 : i32
      %dma_wait3A_301 = tpu.memref_slice %arg12[%dma_wait3A_299, %dma_wait3A_300] : memref<5008x128xf32, #tpu.memory_space<vmem_shared>> -> memref<5008x128xf32, #tpu.memory_space<vmem_shared>>
      tpu.wait_indirect_dma semaphore(%arg16 : memref<!tpu.dma_semaphore, #tpu.memory_space<semaphore_mem>>) src(%arg11 : memref<128x128xf32, #tpu.memory_space<vmem>>) dst(%dma_wait3A_301 : memref<5008x128xf32, #tpu.memory_space<vmem_shared>>)
    }
    %scan3A_161 = arith.constant 39 : i32
    %barrier3A_162 = arith.constant 0 : index
    tpu.barrier barrier_id(%barrier3A_162)
    %mul3A_163 = arith.constant 10000 : i32
    %mul3A_164 = arith.muli %arg0, %mul3A_163 : i32
    %add3A_165 = arith.constant 0 : i32
    %add3A_166 = arith.addi %mul3A_164, %add3A_165 : i32
    %mul3A_167 = arith.constant 312 : i32
    %mul3A_168 = arith.muli %arg1, %mul3A_167 : i32
    %mul3A_169 = arith.constant 312 : i32
    %mul3A_170 = arith.muli %arg1, %mul3A_169 : i32
    %add3A_171 = arith.addi %add3A_166, %mul3A_170 : i32
    "tpu.region"() ({
      %run_scoped3A_242 = tpu.sem_alloc : memref<!tpu.dma_semaphore, #tpu.memory_space<semaphore_mem>>
      %dma_start3A_243 = arith.constant 0 : i32
      %dma_start3A_244 = tpu.memref_slice %arg5[%add3A_171, %dma_start3A_243] : memref<20000x128xf32, #tpu.memory_space<hbm>> -> memref<312x128xf32, #tpu.memory_space<hbm>>
      %dma_start3A_245 = arith.constant 0 : i32
      %dma_start3A_246 = tpu.memref_slice %arg12[%mul3A_168, %dma_start3A_245] : memref<5008x128xf32, #tpu.memory_space<vmem_shared>> -> memref<312x128xf32, #tpu.memory_space<vmem_shared>>
      tpu.enqueue_dma source(%dma_start3A_246 : memref<312x128xf32, #tpu.memory_space<vmem_shared>>) target(%dma_start3A_244 : memref<312x128xf32, #tpu.memory_space<hbm>>) target_semaphore(%run_scoped3A_242 : memref<!tpu.dma_semaphore, #tpu.memory_space<semaphore_mem>>)
      %dma_wait3A_247 = arith.constant 0 : i32
      %dma_wait3A_248 = tpu.memref_slice %arg5[%add3A_171, %dma_wait3A_247] : memref<20000x128xf32, #tpu.memory_space<hbm>> -> memref<312x128xf32, #tpu.memory_space<hbm>>
      %dma_wait3A_249 = arith.constant 0 : i32
      %dma_wait3A_250 = tpu.memref_slice %arg12[%mul3A_168, %dma_wait3A_249] : memref<5008x128xf32, #tpu.memory_space<vmem_shared>> -> memref<312x128xf32, #tpu.memory_space<vmem_shared>>
      tpu.wait_dma2 semaphore(%run_scoped3A_242 : memref<!tpu.dma_semaphore, #tpu.memory_space<semaphore_mem>>) src(%dma_wait3A_250 : memref<312x128xf32, #tpu.memory_space<vmem_shared>>) dst(%dma_wait3A_248 : memref<312x128xf32, #tpu.memory_space<hbm>>)
      tpu.yield
    }) : () -> ()
    %eq3A_172 = arith.constant 0 : i32
    %eq3A_173 = arith.cmpi eq, %arg1, %eq3A_172 : i32
    %convert_element_type3A_174 = arith.extui %eq3A_173 : i1 to i32
    %cond3A_175 = arith.constant 0 : i32
    %cond3A_176 = arith.cmpi ne, %convert_element_type3A_174, %cond3A_175 : i32
    scf.if %cond3A_176 {
      %add3A_242 = arith.constant 4992 : i32
      %add3A_243 = arith.addi %add3A_166, %add3A_242 : i32
      "tpu.region"() ({
        %run_scoped3A_244 = tpu.sem_alloc : memref<!tpu.dma_semaphore, #tpu.memory_space<semaphore_mem>>
        %dma_start3A_245 = arith.constant 0 : i32
        %dma_start3A_246 = tpu.memref_slice %arg5[%add3A_243, %dma_start3A_245] : memref<20000x128xf32, #tpu.memory_space<hbm>> -> memref<8x128xf32, #tpu.memory_space<hbm>>
        %dma_start3A_247 = arith.constant 4992 : i32
        %dma_start3A_248 = arith.constant 0 : i32
        %dma_start3A_249 = tpu.memref_slice %arg12[%dma_start3A_247, %dma_start3A_248] : memref<5008x128xf32, #tpu.memory_space<vmem_shared>> -> memref<8x128xf32, #tpu.memory_space<vmem_shared>>
        tpu.enqueue_dma source(%dma_start3A_249 : memref<8x128xf32, #tpu.memory_space<vmem_shared>>) target(%dma_start3A_246 : memref<8x128xf32, #tpu.memory_space<hbm>>) target_semaphore(%run_scoped3A_244 : memref<!tpu.dma_semaphore, #tpu.memory_space<semaphore_mem>>)
        %dma_wait3A_250 = arith.constant 0 : i32
        %dma_wait3A_251 = tpu.memref_slice %arg5[%add3A_243, %dma_wait3A_250] : memref<20000x128xf32, #tpu.memory_space<hbm>> -> memref<8x128xf32, #tpu.memory_space<hbm>>
        %dma_wait3A_252 = arith.constant 4992 : i32
        %dma_wait3A_253 = arith.constant 0 : i32
        %dma_wait3A_254 = tpu.memref_slice %arg12[%dma_wait3A_252, %dma_wait3A_253] : memref<5008x128xf32, #tpu.memory_space<vmem_shared>> -> memref<8x128xf32, #tpu.memory_space<vmem_shared>>
        tpu.wait_dma2 semaphore(%run_scoped3A_244 : memref<!tpu.dma_semaphore, #tpu.memory_space<semaphore_mem>>) src(%dma_wait3A_254 : memref<8x128xf32, #tpu.memory_space<vmem_shared>>) dst(%dma_wait3A_251 : memref<8x128xf32, #tpu.memory_space<hbm>>)
        tpu.yield
      }) : () -> ()
    } else {
    }
    %barrier3A_177 = arith.constant 0 : index
    tpu.barrier barrier_id(%barrier3A_177)
    %mul3A_178 = arith.constant 10000 : i32
    %mul3A_179 = arith.muli %arg0, %mul3A_178 : i32
    %add3A_180 = arith.constant 5000 : i32
    %add3A_181 = arith.addi %mul3A_179, %add3A_180 : i32
    %mul3A_182 = arith.constant 312 : i32
    %mul3A_183 = arith.muli %arg1, %mul3A_182 : i32
    %add3A_184 = arith.addi %add3A_181, %mul3A_183 : i32
    %mul3A_185 = arith.constant 312 : i32
    %mul3A_186 = arith.muli %arg1, %mul3A_185 : i32
    "tpu.region"() ({
      %run_scoped3A_242 = tpu.sem_alloc : memref<!tpu.dma_semaphore, #tpu.memory_space<semaphore_mem>>
      %dma_start3A_243 = arith.constant 0 : i32
      %dma_start3A_244 = tpu.memref_slice %arg12[%mul3A_186, %dma_start3A_243] : memref<5008x128xf32, #tpu.memory_space<vmem_shared>> -> memref<312x128xf32, #tpu.memory_space<vmem_shared>>
      %dma_start3A_245 = arith.constant 0 : i32
      %dma_start3A_246 = tpu.memref_slice %arg2[%add3A_184, %dma_start3A_245] : memref<20000x128xf32, #tpu.memory_space<hbm>> -> memref<312x128xf32, #tpu.memory_space<hbm>>
      tpu.enqueue_dma source(%dma_start3A_246 : memref<312x128xf32, #tpu.memory_space<hbm>>) target(%dma_start3A_244 : memref<312x128xf32, #tpu.memory_space<vmem_shared>>) target_semaphore(%run_scoped3A_242 : memref<!tpu.dma_semaphore, #tpu.memory_space<semaphore_mem>>)
      %dma_wait3A_247 = arith.constant 0 : i32
      %dma_wait3A_248 = tpu.memref_slice %arg12[%mul3A_186, %dma_wait3A_247] : memref<5008x128xf32, #tpu.memory_space<vmem_shared>> -> memref<312x128xf32, #tpu.memory_space<vmem_shared>>
      %dma_wait3A_249 = arith.constant 0 : i32
      %dma_wait3A_250 = tpu.memref_slice %arg2[%add3A_184, %dma_wait3A_249] : memref<20000x128xf32, #tpu.memory_space<hbm>> -> memref<312x128xf32, #tpu.memory_space<hbm>>
      tpu.wait_dma2 semaphore(%run_scoped3A_242 : memref<!tpu.dma_semaphore, #tpu.memory_space<semaphore_mem>>) src(%dma_wait3A_250 : memref<312x128xf32, #tpu.memory_space<hbm>>) dst(%dma_wait3A_248 : memref<312x128xf32, #tpu.memory_space<vmem_shared>>)
      tpu.yield
    }) : () -> ()
    %eq3A_187 = arith.constant 0 : i32
    %eq3A_188 = arith.cmpi eq, %arg1, %eq3A_187 : i32
    %convert_element_type3A_189 = arith.extui %eq3A_188 : i1 to i32
    %cond3A_190 = arith.constant 0 : i32
    %cond3A_191 = arith.cmpi ne, %convert_element_type3A_189, %cond3A_190 : i32
    scf.if %cond3A_191 {
      %add3A_242 = arith.constant 4992 : i32
      %add3A_243 = arith.addi %add3A_181, %add3A_242 : i32
      "tpu.region"() ({
        %run_scoped3A_244 = tpu.sem_alloc : memref<!tpu.dma_semaphore, #tpu.memory_space<semaphore_mem>>
        %dma_start3A_245 = arith.constant 4992 : i32
        %dma_start3A_246 = arith.constant 0 : i32
        %dma_start3A_247 = tpu.memref_slice %arg12[%dma_start3A_245, %dma_start3A_246] : memref<5008x128xf32, #tpu.memory_space<vmem_shared>> -> memref<8x128xf32, #tpu.memory_space<vmem_shared>>
        %dma_start3A_248 = arith.constant 0 : i32
        %dma_start3A_249 = tpu.memref_slice %arg2[%add3A_243, %dma_start3A_248] : memref<20000x128xf32, #tpu.memory_space<hbm>> -> memref<8x128xf32, #tpu.memory_space<hbm>>
        tpu.enqueue_dma source(%dma_start3A_249 : memref<8x128xf32, #tpu.memory_space<hbm>>) target(%dma_start3A_247 : memref<8x128xf32, #tpu.memory_space<vmem_shared>>) target_semaphore(%run_scoped3A_244 : memref<!tpu.dma_semaphore, #tpu.memory_space<semaphore_mem>>)
        %dma_wait3A_250 = arith.constant 4992 : i32
        %dma_wait3A_251 = arith.constant 0 : i32
        %dma_wait3A_252 = tpu.memref_slice %arg12[%dma_wait3A_250, %dma_wait3A_251] : memref<5008x128xf32, #tpu.memory_space<vmem_shared>> -> memref<8x128xf32, #tpu.memory_space<vmem_shared>>
        %dma_wait3A_253 = arith.constant 0 : i32
        %dma_wait3A_254 = tpu.memref_slice %arg2[%add3A_243, %dma_wait3A_253] : memref<20000x128xf32, #tpu.memory_space<hbm>> -> memref<8x128xf32, #tpu.memory_space<hbm>>
        tpu.wait_dma2 semaphore(%run_scoped3A_244 : memref<!tpu.dma_semaphore, #tpu.memory_space<semaphore_mem>>) src(%dma_wait3A_254 : memref<8x128xf32, #tpu.memory_space<hbm>>) dst(%dma_wait3A_252 : memref<8x128xf32, #tpu.memory_space<vmem_shared>>)
        tpu.yield
      }) : () -> ()
    } else {
    }
    %barrier3A_192 = arith.constant 0 : index
    tpu.barrier barrier_id(%barrier3A_192)
    %dma_start3A_193 = arith.constant 0 : i32
    %dma_start3A_194 = arith.constant 0 : i32
    %dma_start3A_195 = tpu.memref_slice %arg10[%dma_start3A_193, %dma_start3A_194] : memref<128x128xf32, #tpu.memory_space<vmem>> -> memref<16x128xf32, #tpu.memory_space<vmem>>
    %dma_start3A_196 = arith.constant 9984 : i32
    %dma_start3A_197 = tpu.memref_slice %arg6[%dma_start3A_196] : memref<10000xi32, #tpu.memory_space<vmem>> -> memref<16xi32, #tpu.memory_space<vmem>>
    %dma_start3A_198 = arith.constant 0 : i32
    %dma_start3A_199 = arith.constant 0 : i32
    %dma_start3A_200 = tpu.memref_slice %arg2[%dma_start3A_198, %dma_start3A_199] : memref<20000x128xf32, #tpu.memory_space<hbm>> -> memref<20000x128xf32, #tpu.memory_space<hbm>>
    tpu.enqueue_indirect_dma source(%dma_start3A_200 : memref<20000x128xf32, #tpu.memory_space<hbm>>) target(%dma_start3A_195 : memref<16x128xf32, #tpu.memory_space<vmem>>) offsets(%dma_start3A_197 : memref<16xi32, #tpu.memory_space<vmem>>) semaphore(%arg13 : memref<!tpu.dma_semaphore, #tpu.memory_space<semaphore_mem>>)
    %dma_wait3A_201 = arith.constant 0 : i32
    %dma_wait3A_202 = arith.constant 0 : i32
    %dma_wait3A_203 = tpu.memref_slice %arg10[%dma_wait3A_201, %dma_wait3A_202] : memref<128x128xf32, #tpu.memory_space<vmem>> -> memref<16x128xf32, #tpu.memory_space<vmem>>
    %dma_wait3A_204 = arith.constant 9984 : i32
    %dma_wait3A_205 = tpu.memref_slice %arg6[%dma_wait3A_204] : memref<10000xi32, #tpu.memory_space<vmem>> -> memref<16xi32, #tpu.memory_space<vmem>>
    %dma_wait3A_206 = arith.constant 0 : i32
    %dma_wait3A_207 = arith.constant 0 : i32
    %dma_wait3A_208 = tpu.memref_slice %arg2[%dma_wait3A_206, %dma_wait3A_207] : memref<20000x128xf32, #tpu.memory_space<hbm>> -> memref<20000x128xf32, #tpu.memory_space<hbm>>
    tpu.wait_indirect_dma semaphore(%arg13 : memref<!tpu.dma_semaphore, #tpu.memory_space<semaphore_mem>>) src(%dma_wait3A_208 : memref<20000x128xf32, #tpu.memory_space<hbm>>) dst(%dma_wait3A_203 : memref<16x128xf32, #tpu.memory_space<vmem>>)
    %run_scoped3A_209 = arith.constant 78 : i32
    "tpu.region"() ({
      %run_scoped3A_242 = tpu.sem_alloc : memref<!tpu.dma_semaphore, #tpu.memory_space<semaphore_mem>>
      %dma_start3A_243 = arith.constant 0 : i32
      %dma_start3A_244 = tpu.memref_slice %arg9[%run_scoped3A_209, %dma_start3A_243] : memref<79x128xi32, #tpu.memory_space<vmem>> -> memref<1x128xi32, #tpu.memory_space<vmem>>
      %dma_start3A_245 = tpu.memref_squeeze %dma_start3A_244 : memref<1x128xi32, #tpu.memory_space<vmem>> -> memref<128xi32, #tpu.memory_space<vmem>>
      %dma_start3A_246 = arith.constant 0 : i32
      %dma_start3A_247 = arith.constant 0 : i32
      %dma_start3A_248 = tpu.memref_slice %arg12[%dma_start3A_246, %dma_start3A_247] : memref<5008x128xf32, #tpu.memory_space<vmem_shared>> -> memref<5008x128xf32, #tpu.memory_space<vmem_shared>>
      tpu.enqueue_indirect_dma source(%arg10 : memref<128x128xf32, #tpu.memory_space<vmem>>) target(%dma_start3A_248 : memref<5008x128xf32, #tpu.memory_space<vmem_shared>>) offsets(%dma_start3A_245 : memref<128xi32, #tpu.memory_space<vmem>>) semaphore(%run_scoped3A_242 : memref<!tpu.dma_semaphore, #tpu.memory_space<semaphore_mem>>) {add = true}
      %dma_wait3A_249 = arith.constant 0 : i32
      %dma_wait3A_250 = tpu.memref_slice %arg9[%run_scoped3A_209, %dma_wait3A_249] : memref<79x128xi32, #tpu.memory_space<vmem>> -> memref<1x128xi32, #tpu.memory_space<vmem>>
      %dma_wait3A_251 = tpu.memref_squeeze %dma_wait3A_250 : memref<1x128xi32, #tpu.memory_space<vmem>> -> memref<128xi32, #tpu.memory_space<vmem>>
      %dma_wait3A_252 = arith.constant 0 : i32
      %dma_wait3A_253 = arith.constant 0 : i32
      %dma_wait3A_254 = tpu.memref_slice %arg12[%dma_wait3A_252, %dma_wait3A_253] : memref<5008x128xf32, #tpu.memory_space<vmem_shared>> -> memref<5008x128xf32, #tpu.memory_space<vmem_shared>>
      tpu.wait_indirect_dma semaphore(%run_scoped3A_242 : memref<!tpu.dma_semaphore, #tpu.memory_space<semaphore_mem>>) src(%arg10 : memref<128x128xf32, #tpu.memory_space<vmem>>) dst(%dma_wait3A_254 : memref<5008x128xf32, #tpu.memory_space<vmem_shared>>)
      tpu.yield
    }) : () -> ()
    %dma_start3A_210 = arith.constant 0 : i32
    %dma_start3A_211 = tpu.memref_slice %arg6[%dma_start3A_210] : memref<10000xi32, #tpu.memory_space<vmem>> -> memref<128xi32, #tpu.memory_space<vmem>>
    %dma_start3A_212 = arith.constant 0 : i32
    %dma_start3A_213 = arith.constant 0 : i32
    %dma_start3A_214 = tpu.memref_slice %arg2[%dma_start3A_212, %dma_start3A_213] : memref<20000x128xf32, #tpu.memory_space<hbm>> -> memref<20000x128xf32, #tpu.memory_space<hbm>>
    tpu.enqueue_indirect_dma source(%dma_start3A_214 : memref<20000x128xf32, #tpu.memory_space<hbm>>) target(%arg10 : memref<128x128xf32, #tpu.memory_space<vmem>>) offsets(%dma_start3A_211 : memref<128xi32, #tpu.memory_space<vmem>>) semaphore(%arg13 : memref<!tpu.dma_semaphore, #tpu.memory_space<semaphore_mem>>)
    %dma_wait3A_215 = arith.constant 0 : i32
    %dma_wait3A_216 = tpu.memref_slice %arg6[%dma_wait3A_215] : memref<10000xi32, #tpu.memory_space<vmem>> -> memref<128xi32, #tpu.memory_space<vmem>>
    %dma_wait3A_217 = arith.constant 0 : i32
    %dma_wait3A_218 = arith.constant 0 : i32
    %dma_wait3A_219 = tpu.memref_slice %arg2[%dma_wait3A_217, %dma_wait3A_218] : memref<20000x128xf32, #tpu.memory_space<hbm>> -> memref<20000x128xf32, #tpu.memory_space<hbm>>
    tpu.wait_indirect_dma semaphore(%arg13 : memref<!tpu.dma_semaphore, #tpu.memory_space<semaphore_mem>>) src(%dma_wait3A_219 : memref<20000x128xf32, #tpu.memory_space<hbm>>) dst(%arg10 : memref<128x128xf32, #tpu.memory_space<vmem>>)
    %scan3A_220 = arith.constant 0 : i32
    %scan3A_221 = arith.constant 0 : i32
    %scan3A_222 = arith.constant 39 : i32
    %scan3A_223 = arith.addi %scan3A_221, %scan3A_222 : i32
    %scan3A_224 = arith.constant 1 : i32
    scf.for %scan3A_242 = %scan3A_221 to %scan3A_223 step %scan3A_224  : i32 {
      %mul3A_243 = arith.constant 2 : i32
      %mul3A_244 = arith.muli %mul3A_243, %scan3A_242 : i32
      %dma_start3A_245 = arith.constant 0 : i32
      %dma_start3A_246 = tpu.memref_slice %arg9[%mul3A_244, %dma_start3A_245] : memref<79x128xi32, #tpu.memory_space<vmem>> -> memref<1x128xi32, #tpu.memory_space<vmem>>
      %dma_start3A_247 = tpu.memref_squeeze %dma_start3A_246 : memref<1x128xi32, #tpu.memory_space<vmem>> -> memref<128xi32, #tpu.memory_space<vmem>>
      %dma_start3A_248 = arith.constant 0 : i32
      %dma_start3A_249 = arith.constant 0 : i32
      %dma_start3A_250 = tpu.memref_slice %arg12[%dma_start3A_248, %dma_start3A_249] : memref<5008x128xf32, #tpu.memory_space<vmem_shared>> -> memref<5008x128xf32, #tpu.memory_space<vmem_shared>>
      tpu.enqueue_indirect_dma source(%arg10 : memref<128x128xf32, #tpu.memory_space<vmem>>) target(%dma_start3A_250 : memref<5008x128xf32, #tpu.memory_space<vmem_shared>>) offsets(%dma_start3A_247 : memref<128xi32, #tpu.memory_space<vmem>>) semaphore(%arg15 : memref<!tpu.dma_semaphore, #tpu.memory_space<semaphore_mem>>) {add = true}
      %mul3A_251 = arith.constant 2 : i32
      %mul3A_252 = arith.muli %mul3A_251, %scan3A_242 : i32
      %add3A_253 = arith.constant 1 : i32
      %add3A_254 = arith.addi %mul3A_252, %add3A_253 : i32
      %mul3A_255 = arith.constant 128 : i32
      %mul3A_256 = arith.muli %add3A_254, %mul3A_255 : i32
      %dma_start3A_257 = tpu.memref_slice %arg6[%mul3A_256] : memref<10000xi32, #tpu.memory_space<vmem>> -> memref<128xi32, #tpu.memory_space<vmem>>
      %dma_start3A_258 = arith.constant 0 : i32
      %dma_start3A_259 = arith.constant 0 : i32
      %dma_start3A_260 = tpu.memref_slice %arg2[%dma_start3A_258, %dma_start3A_259] : memref<20000x128xf32, #tpu.memory_space<hbm>> -> memref<20000x128xf32, #tpu.memory_space<hbm>>
      tpu.enqueue_indirect_dma source(%dma_start3A_260 : memref<20000x128xf32, #tpu.memory_space<hbm>>) target(%arg11 : memref<128x128xf32, #tpu.memory_space<vmem>>) offsets(%dma_start3A_257 : memref<128xi32, #tpu.memory_space<vmem>>) semaphore(%arg14 : memref<!tpu.dma_semaphore, #tpu.memory_space<semaphore_mem>>)
      %dma_wait3A_261 = tpu.memref_slice %arg6[%mul3A_256] : memref<10000xi32, #tpu.memory_space<vmem>> -> memref<128xi32, #tpu.memory_space<vmem>>
      %dma_wait3A_262 = arith.constant 0 : i32
      %dma_wait3A_263 = arith.constant 0 : i32
      %dma_wait3A_264 = tpu.memref_slice %arg2[%dma_wait3A_262, %dma_wait3A_263] : memref<20000x128xf32, #tpu.memory_space<hbm>> -> memref<20000x128xf32, #tpu.memory_space<hbm>>
      tpu.wait_indirect_dma semaphore(%arg14 : memref<!tpu.dma_semaphore, #tpu.memory_space<semaphore_mem>>) src(%dma_wait3A_264 : memref<20000x128xf32, #tpu.memory_space<hbm>>) dst(%arg11 : memref<128x128xf32, #tpu.memory_space<vmem>>)
      %mul3A_265 = arith.constant 2 : i32
      %mul3A_266 = arith.muli %mul3A_265, %scan3A_242 : i32
      %add3A_267 = arith.constant 1 : i32
      %add3A_268 = arith.addi %mul3A_266, %add3A_267 : i32
      %dma_start3A_269 = arith.constant 0 : i32
      %dma_start3A_270 = tpu.memref_slice %arg9[%add3A_268, %dma_start3A_269] : memref<79x128xi32, #tpu.memory_space<vmem>> -> memref<1x128xi32, #tpu.memory_space<vmem>>
      %dma_start3A_271 = tpu.memref_squeeze %dma_start3A_270 : memref<1x128xi32, #tpu.memory_space<vmem>> -> memref<128xi32, #tpu.memory_space<vmem>>
      %dma_start3A_272 = arith.constant 0 : i32
      %dma_start3A_273 = arith.constant 0 : i32
      %dma_start3A_274 = tpu.memref_slice %arg12[%dma_start3A_272, %dma_start3A_273] : memref<5008x128xf32, #tpu.memory_space<vmem_shared>> -> memref<5008x128xf32, #tpu.memory_space<vmem_shared>>
      tpu.enqueue_indirect_dma source(%arg11 : memref<128x128xf32, #tpu.memory_space<vmem>>) target(%dma_start3A_274 : memref<5008x128xf32, #tpu.memory_space<vmem_shared>>) offsets(%dma_start3A_271 : memref<128xi32, #tpu.memory_space<vmem>>) semaphore(%arg16 : memref<!tpu.dma_semaphore, #tpu.memory_space<semaphore_mem>>) {add = true}
      %dma_wait3A_275 = arith.constant 0 : i32
      %dma_wait3A_276 = tpu.memref_slice %arg9[%mul3A_244, %dma_wait3A_275] : memref<79x128xi32, #tpu.memory_space<vmem>> -> memref<1x128xi32, #tpu.memory_space<vmem>>
      %dma_wait3A_277 = tpu.memref_squeeze %dma_wait3A_276 : memref<1x128xi32, #tpu.memory_space<vmem>> -> memref<128xi32, #tpu.memory_space<vmem>>
      %dma_wait3A_278 = arith.constant 0 : i32
      %dma_wait3A_279 = arith.constant 0 : i32
      %dma_wait3A_280 = tpu.memref_slice %arg12[%dma_wait3A_278, %dma_wait3A_279] : memref<5008x128xf32, #tpu.memory_space<vmem_shared>> -> memref<5008x128xf32, #tpu.memory_space<vmem_shared>>
      tpu.wait_indirect_dma semaphore(%arg15 : memref<!tpu.dma_semaphore, #tpu.memory_space<semaphore_mem>>) src(%arg10 : memref<128x128xf32, #tpu.memory_space<vmem>>) dst(%dma_wait3A_280 : memref<5008x128xf32, #tpu.memory_space<vmem_shared>>)
      %mul3A_281 = arith.constant 2 : i32
      %mul3A_282 = arith.muli %mul3A_281, %scan3A_242 : i32
      %add3A_283 = arith.constant 2 : i32
      %add3A_284 = arith.addi %mul3A_282, %add3A_283 : i32
      %min3A = arith.constant 77 : i32
      %min3A_285 = arith.minsi %add3A_284, %min3A : i32
      %mul3A_286 = arith.constant 128 : i32
      %mul3A_287 = arith.muli %min3A_285, %mul3A_286 : i32
      %dma_start3A_288 = tpu.memref_slice %arg6[%mul3A_287] : memref<10000xi32, #tpu.memory_space<vmem>> -> memref<128xi32, #tpu.memory_space<vmem>>
      %dma_start3A_289 = arith.constant 0 : i32
      %dma_start3A_290 = arith.constant 0 : i32
      %dma_start3A_291 = tpu.memref_slice %arg2[%dma_start3A_289, %dma_start3A_290] : memref<20000x128xf32, #tpu.memory_space<hbm>> -> memref<20000x128xf32, #tpu.memory_space<hbm>>
      tpu.enqueue_indirect_dma source(%dma_start3A_291 : memref<20000x128xf32, #tpu.memory_space<hbm>>) target(%arg10 : memref<128x128xf32, #tpu.memory_space<vmem>>) offsets(%dma_start3A_288 : memref<128xi32, #tpu.memory_space<vmem>>) semaphore(%arg13 : memref<!tpu.dma_semaphore, #tpu.memory_space<semaphore_mem>>)
      %dma_wait3A_292 = tpu.memref_slice %arg6[%mul3A_287] : memref<10000xi32, #tpu.memory_space<vmem>> -> memref<128xi32, #tpu.memory_space<vmem>>
      %dma_wait3A_293 = arith.constant 0 : i32
      %dma_wait3A_294 = arith.constant 0 : i32
      %dma_wait3A_295 = tpu.memref_slice %arg2[%dma_wait3A_293, %dma_wait3A_294] : memref<20000x128xf32, #tpu.memory_space<hbm>> -> memref<20000x128xf32, #tpu.memory_space<hbm>>
      tpu.wait_indirect_dma semaphore(%arg13 : memref<!tpu.dma_semaphore, #tpu.memory_space<semaphore_mem>>) src(%dma_wait3A_295 : memref<20000x128xf32, #tpu.memory_space<hbm>>) dst(%arg10 : memref<128x128xf32, #tpu.memory_space<vmem>>)
      %dma_wait3A_296 = arith.constant 0 : i32
      %dma_wait3A_297 = tpu.memref_slice %arg9[%add3A_268, %dma_wait3A_296] : memref<79x128xi32, #tpu.memory_space<vmem>> -> memref<1x128xi32, #tpu.memory_space<vmem>>
      %dma_wait3A_298 = tpu.memref_squeeze %dma_wait3A_297 : memref<1x128xi32, #tpu.memory_space<vmem>> -> memref<128xi32, #tpu.memory_space<vmem>>
      %dma_wait3A_299 = arith.constant 0 : i32
      %dma_wait3A_300 = arith.constant 0 : i32
      %dma_wait3A_301 = tpu.memref_slice %arg12[%dma_wait3A_299, %dma_wait3A_300] : memref<5008x128xf32, #tpu.memory_space<vmem_shared>> -> memref<5008x128xf32, #tpu.memory_space<vmem_shared>>
      tpu.wait_indirect_dma semaphore(%arg16 : memref<!tpu.dma_semaphore, #tpu.memory_space<semaphore_mem>>) src(%arg11 : memref<128x128xf32, #tpu.memory_space<vmem>>) dst(%dma_wait3A_301 : memref<5008x128xf32, #tpu.memory_space<vmem_shared>>)
    }
    %scan3A_225 = arith.constant 39 : i32
    %barrier3A_226 = arith.constant 0 : index
    tpu.barrier barrier_id(%barrier3A_226)
    %mul3A_227 = arith.constant 10000 : i32
    %mul3A_228 = arith.muli %arg0, %mul3A_227 : i32
    %add3A_229 = arith.constant 5000 : i32
    %add3A_230 = arith.addi %mul3A_228, %add3A_229 : i32
    %mul3A_231 = arith.constant 312 : i32
    %mul3A_232 = arith.muli %arg1, %mul3A_231 : i32
    %mul3A_233 = arith.constant 312 : i32
    %mul3A_234 = arith.muli %arg1, %mul3A_233 : i32
    %add3A_235 = arith.addi %add3A_230, %mul3A_234 : i32
    "tpu.region"() ({
      %run_scoped3A_242 = tpu.sem_alloc : memref<!tpu.dma_semaphore, #tpu.memory_space<semaphore_mem>>
      %dma_start3A_243 = arith.constant 0 : i32
      %dma_start3A_244 = tpu.memref_slice %arg5[%add3A_235, %dma_start3A_243] : memref<20000x128xf32, #tpu.memory_space<hbm>> -> memref<312x128xf32, #tpu.memory_space<hbm>>
      %dma_start3A_245 = arith.constant 0 : i32
      %dma_start3A_246 = tpu.memref_slice %arg12[%mul3A_232, %dma_start3A_245] : memref<5008x128xf32, #tpu.memory_space<vmem_shared>> -> memref<312x128xf32, #tpu.memory_space<vmem_shared>>
      tpu.enqueue_dma source(%dma_start3A_246 : memref<312x128xf32, #tpu.memory_space<vmem_shared>>) target(%dma_start3A_244 : memref<312x128xf32, #tpu.memory_space<hbm>>) target_semaphore(%run_scoped3A_242 : memref<!tpu.dma_semaphore, #tpu.memory_space<semaphore_mem>>)
      %dma_wait3A_247 = arith.constant 0 : i32
      %dma_wait3A_248 = tpu.memref_slice %arg5[%add3A_235, %dma_wait3A_247] : memref<20000x128xf32, #tpu.memory_space<hbm>> -> memref<312x128xf32, #tpu.memory_space<hbm>>
      %dma_wait3A_249 = arith.constant 0 : i32
      %dma_wait3A_250 = tpu.memref_slice %arg12[%mul3A_232, %dma_wait3A_249] : memref<5008x128xf32, #tpu.memory_space<vmem_shared>> -> memref<312x128xf32, #tpu.memory_space<vmem_shared>>
      tpu.wait_dma2 semaphore(%run_scoped3A_242 : memref<!tpu.dma_semaphore, #tpu.memory_space<semaphore_mem>>) src(%dma_wait3A_250 : memref<312x128xf32, #tpu.memory_space<vmem_shared>>) dst(%dma_wait3A_248 : memref<312x128xf32, #tpu.memory_space<hbm>>)
      tpu.yield
    }) : () -> ()
    %eq3A_236 = arith.constant 0 : i32
    %eq3A_237 = arith.cmpi eq, %arg1, %eq3A_236 : i32
    %convert_element_type3A_238 = arith.extui %eq3A_237 : i1 to i32
    %cond3A_239 = arith.constant 0 : i32
    %cond3A_240 = arith.cmpi ne, %convert_element_type3A_238, %cond3A_239 : i32
    scf.if %cond3A_240 {
      %add3A_242 = arith.constant 4992 : i32
      %add3A_243 = arith.addi %add3A_230, %add3A_242 : i32
      "tpu.region"() ({
        %run_scoped3A_244 = tpu.sem_alloc : memref<!tpu.dma_semaphore, #tpu.memory_space<semaphore_mem>>
        %dma_start3A_245 = arith.constant 0 : i32
        %dma_start3A_246 = tpu.memref_slice %arg5[%add3A_243, %dma_start3A_245] : memref<20000x128xf32, #tpu.memory_space<hbm>> -> memref<8x128xf32, #tpu.memory_space<hbm>>
        %dma_start3A_247 = arith.constant 4992 : i32
        %dma_start3A_248 = arith.constant 0 : i32
        %dma_start3A_249 = tpu.memref_slice %arg12[%dma_start3A_247, %dma_start3A_248] : memref<5008x128xf32, #tpu.memory_space<vmem_shared>> -> memref<8x128xf32, #tpu.memory_space<vmem_shared>>
        tpu.enqueue_dma source(%dma_start3A_249 : memref<8x128xf32, #tpu.memory_space<vmem_shared>>) target(%dma_start3A_246 : memref<8x128xf32, #tpu.memory_space<hbm>>) target_semaphore(%run_scoped3A_244 : memref<!tpu.dma_semaphore, #tpu.memory_space<semaphore_mem>>)
        %dma_wait3A_250 = arith.constant 0 : i32
        %dma_wait3A_251 = tpu.memref_slice %arg5[%add3A_243, %dma_wait3A_250] : memref<20000x128xf32, #tpu.memory_space<hbm>> -> memref<8x128xf32, #tpu.memory_space<hbm>>
        %dma_wait3A_252 = arith.constant 4992 : i32
        %dma_wait3A_253 = arith.constant 0 : i32
        %dma_wait3A_254 = tpu.memref_slice %arg12[%dma_wait3A_252, %dma_wait3A_253] : memref<5008x128xf32, #tpu.memory_space<vmem_shared>> -> memref<8x128xf32, #tpu.memory_space<vmem_shared>>
        tpu.wait_dma2 semaphore(%run_scoped3A_244 : memref<!tpu.dma_semaphore, #tpu.memory_space<semaphore_mem>>) src(%dma_wait3A_254 : memref<8x128xf32, #tpu.memory_space<vmem_shared>>) dst(%dma_wait3A_251 : memref<8x128xf32, #tpu.memory_space<hbm>>)
        tpu.yield
      }) : () -> ()
    } else {
    }
    %barrier3A_241 = arith.constant 0 : index
    tpu.barrier barrier_id(%barrier3A_241)
    return
  }
}

module attributes {stable_mosaic.version = 14 : i64} {
  func.func @_tc_mid_body(%arg0: i32, %arg1: memref<2x1000x128xf32, #tpu.memory_space<vmem>>, %arg2: memref<256x256xf32, #tpu.memory_space<vmem>>, %arg3: memref<1x256xf32, #tpu.memory_space<vmem>>, %arg4: memref<1000x1xf32, #tpu.memory_space<vmem>>, %arg5: memref<2x1000x128xf32, #tpu.memory_space<vmem>>) attributes {dimension_semantics = [#tpu.dimension_semantics<arbitrary>], iteration_bounds = array<i64: 10>, scalar_prefetch = 0 : i64, scratch_operands = 0 : i64, tpu.core_type = #tpu.core_type<tc>, window_params = [{transform_indices = @transform_0, window_bounds = array<i64: 2, 1000, 128>}, {pipeline_mode = #tpu.pipeline_mode<synchronous>, transform_indices = @transform_1, window_bounds = array<i64: 256, 256>}, {pipeline_mode = #tpu.pipeline_mode<synchronous>, transform_indices = @transform_2, window_bounds = array<i64: 1, 256>}, {transform_indices = @transform_3, window_bounds = array<i64: 1000, 1>}, {transform_indices = @transform_4, window_bounds = array<i64: 2, 1000, 128>}]} {
    %get3A = arith.constant 0 : index
    %get3A_0 = arith.constant 0 : index
    %get3A_1 = vector.load %arg4[%get3A, %get3A_0] : memref<1000x1xf32, #tpu.memory_space<vmem>>, vector<1000x1xf32>
    %add3A = arith.constant 1.000000e+00 : f32
    %add3A_2 = vector.broadcast %add3A : f32 to vector<1000x1xf32>
    %add3A_3 = arith.addf %get3A_1, %add3A_2 : vector<1000x1xf32>
    %rsqrt3A = math.rsqrt %add3A_3 : vector<1000x1xf32>
    %get3A_4 = arith.constant 0 : index
    %get3A_5 = arith.constant 0 : index
    %get3A_6 = arith.constant 0 : index
    %get3A_7 = vector.load %arg1[%get3A_4, %get3A_5, %get3A_6] : memref<2x1000x128xf32, #tpu.memory_space<vmem>>, vector<1x1000x128xf32>
    %get3A_8 = vector.shape_cast %get3A_7 : vector<1x1000x128xf32> to vector<1000x128xf32>
    %mul3A = vector.broadcast %rsqrt3A : vector<1000x1xf32> to vector<1000x128xf32>
    %mul3A_9 = arith.mulf %get3A_8, %mul3A : vector<1000x128xf32>
    %get3A_10 = arith.constant 0 : index
    %get3A_11 = arith.constant 0 : index
    %get3A_12 = vector.load %arg3[%get3A_10, %get3A_11] : memref<1x256xf32, #tpu.memory_space<vmem>>, vector<1x128xf32>
    %add3A_13 = vector.broadcast %get3A_12 : vector<1x128xf32> to vector<1000x128xf32>
    %add3A_14 = arith.addf %mul3A_9, %add3A_13 : vector<1000x128xf32>
    %max3A = arith.constant 0.000000e+00 : f32
    %max3A_15 = vector.broadcast %max3A : f32 to vector<1000x128xf32>
    %max3A_16 = arith.maximumf %add3A_14, %max3A_15 : vector<1000x128xf32>
    %get3A_17 = arith.constant 1 : index
    %get3A_18 = arith.constant 0 : index
    %get3A_19 = arith.constant 0 : index
    %get3A_20 = vector.load %arg1[%get3A_17, %get3A_18, %get3A_19] : memref<2x1000x128xf32, #tpu.memory_space<vmem>>, vector<1x1000x128xf32>
    %get3A_21 = vector.shape_cast %get3A_20 : vector<1x1000x128xf32> to vector<1000x128xf32>
    %mul3A_22 = vector.broadcast %rsqrt3A : vector<1000x1xf32> to vector<1000x128xf32>
    %mul3A_23 = arith.mulf %get3A_21, %mul3A_22 : vector<1000x128xf32>
    %get3A_24 = arith.constant 0 : index
    %get3A_25 = arith.constant 128 : index
    %get3A_26 = vector.load %arg3[%get3A_24, %get3A_25] : memref<1x256xf32, #tpu.memory_space<vmem>>, vector<1x128xf32>
    %add3A_27 = vector.broadcast %get3A_26 : vector<1x128xf32> to vector<1000x128xf32>
    %add3A_28 = arith.addf %mul3A_23, %add3A_27 : vector<1000x128xf32>
    %max3A_29 = arith.constant 0.000000e+00 : f32
    %max3A_30 = vector.broadcast %max3A_29 : f32 to vector<1000x128xf32>
    %max3A_31 = arith.maximumf %add3A_28, %max3A_30 : vector<1000x128xf32>
    %get3A_32 = arith.constant 0 : index
    %get3A_33 = arith.constant 0 : index
    %get3A_34 = vector.load %arg2[%get3A_32, %get3A_33] : memref<256x256xf32, #tpu.memory_space<vmem>>, vector<128x256xf32>
    %dot_general3A = arith.constant dense<0.000000e+00> : vector<1000x256xf32>
    %dot_general3A_35 = tpu.matmul %max3A_16, %get3A_34, %dot_general3A {dimension_numbers = #tpu.dot_dimension_numbers<[1], [0], [0], [1], [0, 0, 1, 1], [], []>, precision = #tpu.contract_precision<fp32>, transpose_lhs_hint = false} : vector<1000x128xf32>, vector<128x256xf32>, vector<1000x256xf32> -> vector<1000x256xf32>
    %get3A_36 = arith.constant 128 : index
    %get3A_37 = arith.constant 0 : index
    %get3A_38 = vector.load %arg2[%get3A_36, %get3A_37] : memref<256x256xf32, #tpu.memory_space<vmem>>, vector<128x256xf32>
    %dot_general3A_39 = arith.constant dense<0.000000e+00> : vector<1000x256xf32>
    %dot_general3A_40 = tpu.matmul %max3A_31, %get3A_38, %dot_general3A_39 {dimension_numbers = #tpu.dot_dimension_numbers<[1], [0], [0], [1], [0, 0, 1, 1], [], []>, precision = #tpu.contract_precision<fp32>, transpose_lhs_hint = false} : vector<1000x128xf32>, vector<128x256xf32>, vector<1000x256xf32> -> vector<1000x256xf32>
    %add3A_41 = arith.addf %dot_general3A_35, %dot_general3A_40 : vector<1000x256xf32>
    %mul3A_42 = vector.broadcast %rsqrt3A : vector<1000x1xf32> to vector<1000x256xf32>
    %mul3A_43 = arith.mulf %add3A_41, %mul3A_42 : vector<1000x256xf32>
    %slice3A = vector.extract_strided_slice %mul3A_43 {offsets = [0, 0], sizes = [1000, 128], strides = [1, 1]} : vector<1000x256xf32> to vector<1000x128xf32>
    %swap3A = arith.constant 0 : index
    %swap3A_44 = arith.constant 0 : index
    %swap3A_45 = arith.constant 0 : index
    %swap3A_46 = vector.load %arg5[%swap3A, %swap3A_44, %swap3A_45] : memref<2x1000x128xf32, #tpu.memory_space<vmem>>, vector<1x1000x128xf32>
    %swap3A_47 = vector.shape_cast %swap3A_46 : vector<1x1000x128xf32> to vector<1000x128xf32>
    %swap3A_48 = vector.shape_cast %slice3A : vector<1000x128xf32> to vector<1x1000x128xf32>
    tpu.vector_store %arg5[%swap3A, %swap3A_44, %swap3A_45], %swap3A_48 {strides = array<i32>} : memref<2x1000x128xf32, #tpu.memory_space<vmem>>, vector<1x1000x128xf32>,
    %slice3A_49 = vector.extract_strided_slice %mul3A_43 {offsets = [0, 128], sizes = [1000, 128], strides = [1, 1]} : vector<1000x256xf32> to vector<1000x128xf32>
    %swap3A_50 = arith.constant 1 : index
    %swap3A_51 = arith.constant 0 : index
    %swap3A_52 = arith.constant 0 : index
    %swap3A_53 = vector.load %arg5[%swap3A_50, %swap3A_51, %swap3A_52] : memref<2x1000x128xf32, #tpu.memory_space<vmem>>, vector<1x1000x128xf32>
    %swap3A_54 = vector.shape_cast %swap3A_53 : vector<1x1000x128xf32> to vector<1000x128xf32>
    %swap3A_55 = vector.shape_cast %slice3A_49 : vector<1000x128xf32> to vector<1x1000x128xf32>
    tpu.vector_store %arg5[%swap3A_50, %swap3A_51, %swap3A_52], %swap3A_55 {strides = array<i32>} : memref<2x1000x128xf32, #tpu.memory_space<vmem>>, vector<1x1000x128xf32>,
    return
  }
  func.func @transform_0(%arg0: i32) -> (i32, i32, i32) {
    %c0_i32 = arith.constant 0 : i32
    %c0_i32_0 = arith.constant 0 : i32
    %c0_i32_1 = arith.constant 0 : i32
    return %c0_i32, %arg0, %c0_i32_0 : i32, i32, i32
  }
  func.func @transform_1(%arg0: i32) -> (i32, i32) {
    %c0_i32 = arith.constant 0 : i32
    %c0_i32_0 = arith.constant 0 : i32
    %c0_i32_1 = arith.constant 0 : i32
    return %c0_i32, %c0_i32_0 : i32, i32
  }
  func.func @transform_2(%arg0: i32) -> (i32, i32) {
    %c0_i32 = arith.constant 0 : i32
    %c0_i32_0 = arith.constant 0 : i32
    %c0_i32_1 = arith.constant 0 : i32
    return %c0_i32, %c0_i32_0 : i32, i32
  }
  func.func @transform_3(%arg0: i32) -> (i32, i32) {
    %c0_i32 = arith.constant 0 : i32
    %c0_i32_0 = arith.constant 0 : i32
    return %arg0, %c0_i32 : i32, i32
  }
  func.func @transform_4(%arg0: i32) -> (i32, i32, i32) {
    %c0_i32 = arith.constant 0 : i32
    %c0_i32_0 = arith.constant 0 : i32
    %c0_i32_1 = arith.constant 0 : i32
    return %c0_i32, %arg0, %c0_i32_0 : i32, i32, i32
  }
}

module attributes {stable_mosaic.version = 14 : i64} {
  func.func @_tc_scale_in_body(%arg0: i32, %arg1: memref<1000x256xf32, #tpu.memory_space<vmem>>, %arg2: memref<256x256xf32, #tpu.memory_space<vmem>>, %arg3: memref<1000x1xf32, #tpu.memory_space<vmem>>, %arg4: memref<2x1000x128xf32, #tpu.memory_space<vmem>>) attributes {dimension_semantics = [#tpu.dimension_semantics<arbitrary>], iteration_bounds = array<i64: 10>, scalar_prefetch = 0 : i64, scratch_operands = 0 : i64, tpu.core_type = #tpu.core_type<tc>, window_params = [{transform_indices = @transform_0, window_bounds = array<i64: 1000, 256>}, {pipeline_mode = #tpu.pipeline_mode<synchronous>, transform_indices = @transform_1, window_bounds = array<i64: 256, 256>}, {transform_indices = @transform_2, window_bounds = array<i64: 1000, 1>}, {transform_indices = @transform_3, window_bounds = array<i64: 2, 1000, 128>}]} {
    %get3A = arith.constant 0 : index
    %get3A_0 = arith.constant 0 : index
    %get3A_1 = vector.load %arg3[%get3A, %get3A_0] : memref<1000x1xf32, #tpu.memory_space<vmem>>, vector<1000x1xf32>
    %add3A = arith.constant 1.000000e+00 : f32
    %add3A_2 = vector.broadcast %add3A : f32 to vector<1000x1xf32>
    %add3A_3 = arith.addf %get3A_1, %add3A_2 : vector<1000x1xf32>
    %rsqrt3A = math.rsqrt %add3A_3 : vector<1000x1xf32>
    %get3A_4 = arith.constant 0 : index
    %get3A_5 = arith.constant 0 : index
    %get3A_6 = vector.load %arg1[%get3A_4, %get3A_5] : memref<1000x256xf32, #tpu.memory_space<vmem>>, vector<1000x256xf32>
    %get3A_7 = arith.constant 0 : index
    %get3A_8 = arith.constant 0 : index
    %get3A_9 = vector.load %arg2[%get3A_7, %get3A_8] : memref<256x256xf32, #tpu.memory_space<vmem>>, vector<256x256xf32>
    %dot_general3A = arith.constant dense<0.000000e+00> : vector<1000x256xf32>
    %dot_general3A_10 = tpu.matmul %get3A_6, %get3A_9, %dot_general3A {dimension_numbers = #tpu.dot_dimension_numbers<[1], [0], [0], [1], [0, 0, 1, 1], [], []>, precision = #tpu.contract_precision<fp32>, transpose_lhs_hint = false} : vector<1000x256xf32>, vector<256x256xf32>, vector<1000x256xf32> -> vector<1000x256xf32>
    %mul3A = vector.broadcast %rsqrt3A : vector<1000x1xf32> to vector<1000x256xf32>
    %mul3A_11 = arith.mulf %dot_general3A_10, %mul3A : vector<1000x256xf32>
    %slice3A = vector.extract_strided_slice %mul3A_11 {offsets = [0, 0], sizes = [1000, 128], strides = [1, 1]} : vector<1000x256xf32> to vector<1000x128xf32>
    %swap3A = arith.constant 0 : index
    %swap3A_12 = arith.constant 0 : index
    %swap3A_13 = arith.constant 0 : index
    %swap3A_14 = vector.load %arg4[%swap3A, %swap3A_12, %swap3A_13] : memref<2x1000x128xf32, #tpu.memory_space<vmem>>, vector<1x1000x128xf32>
    %swap3A_15 = vector.shape_cast %swap3A_14 : vector<1x1000x128xf32> to vector<1000x128xf32>
    %swap3A_16 = vector.shape_cast %slice3A : vector<1000x128xf32> to vector<1x1000x128xf32>
    tpu.vector_store %arg4[%swap3A, %swap3A_12, %swap3A_13], %swap3A_16 {strides = array<i32>} : memref<2x1000x128xf32, #tpu.memory_space<vmem>>, vector<1x1000x128xf32>,
    %slice3A_17 = vector.extract_strided_slice %mul3A_11 {offsets = [0, 128], sizes = [1000, 128], strides = [1, 1]} : vector<1000x256xf32> to vector<1000x128xf32>
    %swap3A_18 = arith.constant 1 : index
    %swap3A_19 = arith.constant 0 : index
    %swap3A_20 = arith.constant 0 : index
    %swap3A_21 = vector.load %arg4[%swap3A_18, %swap3A_19, %swap3A_20] : memref<2x1000x128xf32, #tpu.memory_space<vmem>>, vector<1x1000x128xf32>
    %swap3A_22 = vector.shape_cast %swap3A_21 : vector<1x1000x128xf32> to vector<1000x128xf32>
    %swap3A_23 = vector.shape_cast %slice3A_17 : vector<1000x128xf32> to vector<1x1000x128xf32>
    tpu.vector_store %arg4[%swap3A_18, %swap3A_19, %swap3A_20], %swap3A_23 {strides = array<i32>} : memref<2x1000x128xf32, #tpu.memory_space<vmem>>, vector<1x1000x128xf32>,
    return
  }
  func.func @transform_0(%arg0: i32) -> (i32, i32) {
    %c0_i32 = arith.constant 0 : i32
    %c0_i32_0 = arith.constant 0 : i32
    return %arg0, %c0_i32 : i32, i32
  }
  func.func @transform_1(%arg0: i32) -> (i32, i32) {
    %c0_i32 = arith.constant 0 : i32
    %c0_i32_0 = arith.constant 0 : i32
    %c0_i32_1 = arith.constant 0 : i32
    return %c0_i32, %c0_i32_0 : i32, i32
  }
  func.func @transform_2(%arg0: i32) -> (i32, i32) {
    %c0_i32 = arith.constant 0 : i32
    %c0_i32_0 = arith.constant 0 : i32
    return %arg0, %c0_i32 : i32, i32
  }
  func.func @transform_3(%arg0: i32) -> (i32, i32, i32) {
    %c0_i32 = arith.constant 0 : i32
    %c0_i32_0 = arith.constant 0 : i32
    %c0_i32_1 = arith.constant 0 : i32
    return %c0_i32, %arg0, %c0_i32_0 : i32, i32, i32
  }
}

module attributes {stable_mosaic.version = 14 : i64} {
  func.func @_tc_out_body(%arg0: i32, %arg1: memref<2x1000x128xf32, #tpu.memory_space<vmem>>, %arg2: memref<1x256xf32, #tpu.memory_space<vmem>>, %arg3: memref<1000x1xf32, #tpu.memory_space<vmem>>, %arg4: memref<1000x256xf32, #tpu.memory_space<vmem>>) attributes {dimension_semantics = [#tpu.dimension_semantics<arbitrary>], iteration_bounds = array<i64: 10>, scalar_prefetch = 0 : i64, scratch_operands = 0 : i64, tpu.core_type = #tpu.core_type<tc>, window_params = [{transform_indices = @transform_0, window_bounds = array<i64: 2, 1000, 128>}, {pipeline_mode = #tpu.pipeline_mode<synchronous>, transform_indices = @transform_1, window_bounds = array<i64: 1, 256>}, {transform_indices = @transform_2, window_bounds = array<i64: 1000, 1>}, {transform_indices = @transform_3, window_bounds = array<i64: 1000, 256>}]} {
    %get3A = arith.constant 0 : index
    %get3A_0 = arith.constant 0 : index
    %get3A_1 = vector.load %arg3[%get3A, %get3A_0] : memref<1000x1xf32, #tpu.memory_space<vmem>>, vector<1000x1xf32>
    %add3A = arith.constant 1.000000e+00 : f32
    %add3A_2 = vector.broadcast %add3A : f32 to vector<1000x1xf32>
    %add3A_3 = arith.addf %get3A_1, %add3A_2 : vector<1000x1xf32>
    %rsqrt3A = math.rsqrt %add3A_3 : vector<1000x1xf32>
    %get3A_4 = arith.constant 0 : index
    %get3A_5 = arith.constant 0 : index
    %get3A_6 = arith.constant 0 : index
    %get3A_7 = vector.load %arg1[%get3A_4, %get3A_5, %get3A_6] : memref<2x1000x128xf32, #tpu.memory_space<vmem>>, vector<1x1000x128xf32>
    %get3A_8 = vector.shape_cast %get3A_7 : vector<1x1000x128xf32> to vector<1000x128xf32>
    %mul3A = vector.broadcast %rsqrt3A : vector<1000x1xf32> to vector<1000x128xf32>
    %mul3A_9 = arith.mulf %get3A_8, %mul3A : vector<1000x128xf32>
    %get3A_10 = arith.constant 0 : index
    %get3A_11 = arith.constant 0 : index
    %get3A_12 = vector.load %arg2[%get3A_10, %get3A_11] : memref<1x256xf32, #tpu.memory_space<vmem>>, vector<1x128xf32>
    %add3A_13 = vector.broadcast %get3A_12 : vector<1x128xf32> to vector<1000x128xf32>
    %add3A_14 = arith.addf %mul3A_9, %add3A_13 : vector<1000x128xf32>
    %swap3A = arith.constant 0 : index
    %swap3A_15 = arith.constant 0 : index
    %swap3A_16 = vector.load %arg4[%swap3A, %swap3A_15] : memref<1000x256xf32, #tpu.memory_space<vmem>>, vector<1000x128xf32>
    tpu.vector_store %arg4[%swap3A, %swap3A_15], %add3A_14 {strides = array<i32>} : memref<1000x256xf32, #tpu.memory_space<vmem>>, vector<1000x128xf32>,
    %get3A_17 = arith.constant 1 : index
    %get3A_18 = arith.constant 0 : index
    %get3A_19 = arith.constant 0 : index
    %get3A_20 = vector.load %arg1[%get3A_17, %get3A_18, %get3A_19] : memref<2x1000x128xf32, #tpu.memory_space<vmem>>, vector<1x1000x128xf32>
    %get3A_21 = vector.shape_cast %get3A_20 : vector<1x1000x128xf32> to vector<1000x128xf32>
    %mul3A_22 = vector.broadcast %rsqrt3A : vector<1000x1xf32> to vector<1000x128xf32>
    %mul3A_23 = arith.mulf %get3A_21, %mul3A_22 : vector<1000x128xf32>
    %get3A_24 = arith.constant 0 : index
    %get3A_25 = arith.constant 128 : index
    %get3A_26 = vector.load %arg2[%get3A_24, %get3A_25] : memref<1x256xf32, #tpu.memory_space<vmem>>, vector<1x128xf32>
    %add3A_27 = vector.broadcast %get3A_26 : vector<1x128xf32> to vector<1000x128xf32>
    %add3A_28 = arith.addf %mul3A_23, %add3A_27 : vector<1000x128xf32>
    %swap3A_29 = arith.constant 0 : index
    %swap3A_30 = arith.constant 128 : index
    %swap3A_31 = vector.load %arg4[%swap3A_29, %swap3A_30] : memref<1000x256xf32, #tpu.memory_space<vmem>>, vector<1000x128xf32>
    tpu.vector_store %arg4[%swap3A_29, %swap3A_30], %add3A_28 {strides = array<i32>} : memref<1000x256xf32, #tpu.memory_space<vmem>>, vector<1000x128xf32>,
    return
  }
  func.func @transform_0(%arg0: i32) -> (i32, i32, i32) {
    %c0_i32 = arith.constant 0 : i32
    %c0_i32_0 = arith.constant 0 : i32
    %c0_i32_1 = arith.constant 0 : i32
    return %c0_i32, %arg0, %c0_i32_0 : i32, i32, i32
  }
  func.func @transform_1(%arg0: i32) -> (i32, i32) {
    %c0_i32 = arith.constant 0 : i32
    %c0_i32_0 = arith.constant 0 : i32
    %c0_i32_1 = arith.constant 0 : i32
    return %c0_i32, %c0_i32_0 : i32, i32
  }
  func.func @transform_2(%arg0: i32) -> (i32, i32) {
    %c0_i32 = arith.constant 0 : i32
    %c0_i32_0 = arith.constant 0 : i32
    return %arg0, %c0_i32 : i32, i32
  }
  func.func @transform_3(%arg0: i32) -> (i32, i32) {
    %c0_i32 = arith.constant 0 : i32
    %c0_i32_0 = arith.constant 0 : i32
    return %arg0, %c0_i32 : i32, i32
  }
}

</mosaic_0001>

<sc_bundles>
// kernel: kernel.11.cloned.1.call-start
scs
__scs_entry_jumppad:
0x0: {  	(pc) =	sbr.rel $0x88, $3  }
0x1: {  	(tag) =	ssettag $0x0;
	lr =	simm.s32 $0x1  }
0x2: {  	[smem:$0x3F9B] =	sst lr;
	_ =	strace $0xD0000000  }
0x3: {  	_ = 	snop  }
0x4: {  	_ = 	snop  }
0x5: {  	_ = 	snop  }
0x6: {  	_ = 	snop  }
0x7: {  	_ = 	snop  }
__scs_overlays_trampoline_lowered:
0x8: {  	[smem:$0x3FAA] =	sst s0  }
0x9: {  	[smem:$0x3FAB] =	sst s1  }
0xa: {  	[smem:$0x3FAC] =	sst s2  }
0xb: {  	[smem:$0x3FAD] =	sst s3  }
0xc: {  	[smem:$0x3FAE] =	sst s4  }
0xd: {  	[smem:$0x3FAF] =	sst s5  }
0xe: {  	[smem:$0x3FB0] =	sst s6  }
0xf: {  	[smem:$0x3FB1] =	sst s7  }
0x10: {  	[smem:$0x3FB2] =	sst s8  }
0x11: {  	[smem:$0x3FB3] =	sst s9;
	s0 =	simm.s32 @!p0 $0x0  }
0x12: {  	s1 =	sld [smem:$0x3F99];
	s0 =	simm.s32 @p0 $0x1  }
0x13: {  	[smem:$0x3FB4] =	sst s0;
	s0 =	simm.s32 @!p1 $0x0  }
0x14: {  	s2 =	sld [smem:$0x3F98];
	s0 =	simm.s32 @p1 $0x1  }
0x15: {  	[smem:$0x3FB5] =	sst s0;
	s0 =	simm.s32 @!p2 $0x0  }
0x16: {  	s3 =	sld [smem:$0x3FDB];
	s0 =	simm.s32 @p2 $0x1  }
0x17: {  	s4 =	simm.s32 $0x1BF5;
	[smem:$0x3FB7] =	sst s0  }
0x18: {  	s0 =	sld [smem:$0x3F9A];
	_ =	swait.ge [sflag:s4], $0x0  }
0x19: {  	s7 =	sld [smem:$0x3F9B]  }
0x1a: {  	s8 =	sadd.s32 $0xFFFFE003, lr  }
0x1b: {  	s9 =	sadd.s32 $0xFFFFFEF7, lr;
	s5 =	simm.s32 $0xFFFFFFFF;
	p2 =	slt.u32 s8, $0xFFFFF086  }
0x1c: {  	p1 =	slt.u32 s9, $0xF7A;
	s5 =	simm.s32 @!p2 $0x0  }
0x1d: {  	s5 =	simm.s32 @p1 $0x1;
	p0 =	seq.s32 s7, s2  }
0x1e: {  	s7 =	smul.u32 @!p0 $0xF7A, s2;
	p2 =	seq.s32 @!p0 s5, $0x0  }
0x1f: {  	s9 =	smul.u32 $0xF7A, s1;
	s8 =	simm.s32 @!p0 $0x1BF5;
	p2 =	por !p2, p0  }
0x20: {  	[sflag:s8] =	ssyncset.s32 @!p0 $0xFFFFF086;
	s6 =	sadd.s32 @!p0 s3, s7;
	s7 =	simm.s32 @!p0 $0x108  }
0x21: {  	s3 =	sadd.s32 s3, s9;
	s6 =	sadd.s32 @!p0 $0x88, s6;
	s7 =	simm.s32 @p2 $0x1082  }
0x22: {  	[simem:s7], [sflag:s8] =	dma.local @!p0 [hbm:s6], $0xF7A  }
0x23: {  	s9 =	sor.u32 $0xD0000000, s2;
	s6 =	simm.s32 $0x108;
	_ =	swait.ge @!p0 [sflag:s8], $0x0  }
0x24: {  	s3 =	sadd.s32 $0x88, s3;
	s6 =	simm.s32 @!p1 $0x1082;
	[sflag:s4] =	ssyncset.s32 $0xFFFFF086  }
0x25: {  	[simem:s6], [sflag:s4] =	dma.local [hbm:s3], $0xF7A  }
0x26: {  	[smem:$0x3F9B] =	sst s1;
	(tag) =	ssettag s2;
	_ =	strace s9  }
0x27: {  	s1 =	sld [smem:$0x3FAB]  }
0x28: {  	s2 =	sld [smem:$0x3FAC]  }
0x29: {  	s4 =	sld [smem:$0x3FAE]  }
0x2a: {  	p0 =	seq.s32 s5, $0x0;
	s5 =	sld [smem:$0x3FAF]  }
0x2b: {  	s6 =	sld [smem:$0x3FB0]  }
0x2c: {  	s7 =	sld [smem:$0x3FB1]  }
0x2d: {  	s3 =	simm.s32 $0x108;
	s8 =	sld [smem:$0x3FB2]  }
0x2e: {  	s3 =	simm.s32 @!p0 $0x1082;
	s9 =	sld [smem:$0x3FB3]  }
0x2f: {  	lr =	sadd.s32 s0, s3;
	s0 =	sld [smem:$0x3FAA]  }
0x30: {  	s3 =	sld [smem:$0x3FAD]  }
0x31: {  	[smem:$0x3FB6] =	sst s10  }
0x32: {  	s10 =	sld [smem:$0x3FB4];
	_ =	sdelay $0x3  }
0x33: {  	p0 =	seq.s32 s10, $0x1;
	s10 =	sld [smem:$0x3FB6];
	_ =	sdelay $0x3  }
0x34: {  	[smem:$0x3FB6] =	sst s10  }
0x35: {  	s10 =	sld [smem:$0x3FB5];
	_ =	sdelay $0x3  }
0x36: {  	p1 =	seq.s32 s10, $0x1;
	s10 =	sld [smem:$0x3FB6];
	_ =	sdelay $0x3  }
0x37: {  	[smem:$0x3FB6] =	sst s10  }
0x38: {  	s10 =	sld [smem:$0x3FB7]  }
0x39: {  	_ = 	snop;
	(pc) =	sbr.ind lr, $3  }
0x3a: {  	_ = 	snop  }
0x3b: {  	_ = 	snop  }
0x3c: {  	p2 =	seq.s32 s10, $0x1;
	s10 =	sld [smem:$0x3FB6]  }
0x3d: {  	_ =	shalt  }
0x3e: {  	_ =	shalt  }
0x3f: {  	_ =	shalt  }
0x40: {  	_ =	shalt  }
0x41: {  	_ =	shalt  }
0x42: {  	_ =	shalt  }
0x43: {  	_ =	shalt  }
0x44: {  	_ =	shalt  }
0x45: {  	_ =	shalt  }
0x46: {  	_ =	shalt  }
0x47: {  	_ =	shalt  }
0x48: {  	_ =	shalt  }
0x49: {  	_ =	shalt  }
0x4a: {  	_ =	shalt  }
0x4b: {  	_ =	shalt  }
0x4c: {  	_ =	shalt  }
0x4d: {  	_ =	shalt  }
0x4e: {  	_ =	shalt  }
0x4f: {  	_ =	shalt  }
0x50: {  	_ =	shalt  }
0x51: {  	_ =	shalt  }
0x52: {  	_ =	shalt  }
0x53: {  	_ =	shalt  }
0x54: {  	_ =	shalt  }
0x55: {  	_ =	shalt  }
0x56: {  	_ =	shalt  }
0x57: {  	_ =	shalt  }
0x58: {  	_ =	shalt  }
0x59: {  	_ =	shalt  }
0x5a: {  	_ =	shalt  }
0x5b: {  	_ =	shalt  }
0x5c: {  	_ =	shalt  }
0x5d: {  	_ =	shalt  }
0x5e: {  	_ =	shalt  }
0x5f: {  	_ =	shalt  }
0x60: {  	_ =	shalt  }
0x61: {  	_ =	shalt  }
0x62: {  	_ =	shalt  }
0x63: {  	_ =	shalt  }
0x64: {  	_ =	shalt  }
0x65: {  	_ =	shalt  }
0x66: {  	_ =	shalt  }
0x67: {  	_ =	shalt  }
0x68: {  	_ =	shalt  }
0x69: {  	_ =	shalt  }
0x6a: {  	_ =	shalt  }
0x6b: {  	_ =	shalt  }
0x6c: {  	_ =	shalt  }
0x6d: {  	_ =	shalt  }
0x6e: {  	_ =	shalt  }
0x6f: {  	_ =	shalt  }
0x70: {  	_ =	shalt  }
0x71: {  	_ =	shalt  }
0x72: {  	_ =	shalt  }
0x73: {  	_ =	shalt  }
0x74: {  	_ =	shalt  }
0x75: {  	_ =	shalt  }
0x76: {  	_ =	shalt  }
0x77: {  	_ =	shalt  }
0x78: {  	_ =	shalt  }
0x79: {  	_ =	shalt  }
0x7a: {  	_ =	shalt  }
0x7b: {  	_ =	shalt  }
0x7c: {  	_ =	shalt  }
0x7d: {  	_ =	shalt  }
0x7e: {  	_ =	shalt  }
0x7f: {  	_ =	shalt  }
0x80: {  	_ =	shalt  }
0x81: {  	_ =	shalt  }
0x82: {  	_ =	shalt  }
0x83: {  	_ =	shalt  }
0x84: {  	_ =	shalt  }
0x85: {  	_ =	shalt  }
0x86: {  	_ =	shalt  }
0x87: {  	_ =	shalt  }
.Lfunc_end0:
.L_simem_size_0:
called_computation.1_lowered:
.L_overlay_start_0:
0x88: {  	s2 =	sld [smem:$0x3FD9]  }
0x89: {  	s3 =	sld [smem:$0x3FFE];
	_ =	sdelay $0x1  }
0x8a: {  	s1 =	srdreg.scid  }
0x8b: {  	s0 =	sand.u32 $0x1, s1  }
0x8c: {  	s17 =	sshll.u32 s0, $0xA;
	s2 =	sadd.s32 s3, s2  }
0x8d: {  	s2 =	sadd.s32 s2, s17  }
0x8e: {  	[smem:$0x3FC2] =	sst s2  }
0x8f: {  	_ = 	snop  }
0x90: {  	s2 =	sld [smem:$0x3FD0];
	(tm) =	ssettm $0x1  }
0x91: {  	s18 =	sld [smem:$0x3FFB];
	_ =	sdelay $0x3  }
0x92: {  	_ =	strace s18  }
0x93: {  	s3 =	sld [smem:$0x3FFC];
	_ =	sdelay $0x3  }
0x94: {  	_ =	strace s3  }
0x95: {  	s3 =	sld [smem:$0x3FFD];
	_ =	sdelay $0x3  }
0x96: {  	_ =	strace s3  }
0x97: {  	_ =	strace $0x8FFFFFFF  }
0x98: {  	s19 =	sld [smem:$0x3FDB];
	_ =	sdelay $0x1  }
0x99: {  	s4 =	simm.s32 $_scs_section_size  }
0x9a: {  	s5 =	simm.s32 $_size__tile_overlayer_lowered;
	s6 =	simm.s32 $_tile_overlayer_lowered  }
0x9b: {  	s22 =	simm.s32 $0x1BFF;
	s21 =	sshll.u32 s6, $0x1;
	s3 =	sadd.s32 s4, s19  }
0x9c: {  	s7 =	simm.s32 $0x0;
	s20 =	sshll.u32 s5, $0x1;
	s5 =	sadd.s32 s21, s3  }
0x9d: {  	[timem:s7], [sflag:s22] =	dma.local [hbm:s5], s20  }
0x9e: {  	_ =	swait.ge [sflag:s22], s20  }
0x9f: {  	s4 =	ssub.s32 $0x0, s20;
	[sflag:s22] =	ssyncset.done $0x0  }
0xa0: {  	[sflag:s22] =	ssyncadd.s32 s4;
	_ =	sdelay $0x1  }
0xa1: {  	s23 =	simm.s32 $0x1B8B  }
0xa2: {  	_ =	swait.ge [sflag:s23], $0x1  }
0xa3: {  	[sflag:s23] =	ssyncset.done $0x0  }
0xa4: {  	s25 =	simm.s32 $0x1B8E;
	s24 =	sld [smem:$0x3FFE];
	[sflag:s23] =	ssyncadd.s32 $0xFFFFFFFF  }
0xa5: {  	s26 =	simm.s32 $execute0_lowered;
	[smem:$0x3FD2] =	sst s25  }
0xa6: {  	s5 =	sshll.u32 s26, $0x1;
	_ =	strace $0x80000049;
	[dreg:$0x1] =	wrdreg $0xFFFFFFFF  }
0xa7: {  	s28 =	simm.s32 $_size_execute0_lowered;
	s3 =	sadd.s32 s3, s5;
	[dreg:$0x0] =	wrdreg $0x0  }
0xa8: {  	s5 =	sshll.u32 s28, $0x1;
	[dreg:$0x2] =	wrdreg s3  }
0xa9: {  	[dreg:$0x3] =	wrdreg s5  }
0xaa: {  	[dreg:$0x4] =	wrdreg $0xC0  }
0xab: {  	_ =	task [dreg:s7], $0x5FFFF  }
0xac: {  	[dreg:$0x1] =	wrdreg $0xFFFFFFFF  }
0xad: {  	[dreg:$0x0] =	wrdreg $0x60  }
0xae: {  	[dreg:$0x2] =	wrdreg s2  }
0xaf: {  	[dreg:$0x3] =	wrdreg s24  }
0xb0: {  	[dreg:$0x4] =	wrdreg $0x11F000  }
0xb1: {  	[dreg:$0x5] =	wrdreg $0x9  }
0xb2: {  	_ =	task.clear_ibuf [dreg:s7], $0x6FFFF;
	_ =	strace $0x90000049  }
0xb3: {  	s29 =	simm.s32 $0x9;
	_ =	strace $0x8000004B  }
0xb4: {  	_ =	swait.ge [sflag:s29], $0x1  }
0xb5: {  	[sflag:s29] =	ssyncadd.s32 $0xFFFFFFFF  }
0xb6: {  	_ =	strace $0x9000004B  }
0xb7: {  	_ =	sfence  }
0xb8: {  	s30 =	sld [smem:$0x0];
	_ =	sdelay $0x2  }
0xb9: {  	s31 =	sshll.u32 s1, $0xD;
	s1 =	sshrl.u32 s1, $0x2  }
0xba: {  	s3 =	sand.u32 $0x4000, s31;
	s1 =	sadd.s32 s1, s30  }
0xbb: {  	s0 =	sor.u32 s3, s0;
	s1 =	sshll.u32 s1, $0x11  }
0xbc: {  	s0 =	sor.u32 s1, s0  }
0xbd: {  	s0 =	sadd.s32 $0x8F2B, s0  }
0xbe: {  	[sflag:s0] =	ssyncadd.remote.s32 $0x1  }
0xbf: {  	_ =	sfence.sel $0xFFFF  }
0xc0: {  	[dreg:$0x0] =	wrdreg $0xFFFFFFFF;
	(pc) =	sbr.abs _section_cstart, $3  }
0xc1: {  	[dreg:$0x1] =	wrdreg $0xFFFFFFFF  }
0xc2: {  	_ =	task.clear_ibuf [dreg:s7], $0x2FFFF;
	_ =	strace $0x9FFFFFFF  }
0xc3: {  	(tm) =	ssettm $0x7FFFFFFF  }
tec
execute0_lowered:
.L_overlay_start_1:
0x0: {  	(tag) =	ssettag $0x1  }
0x1: {  	s1 =	rddreg [dreg:$0x0]  }
0x2: {  	s0 =	rddreg [dreg:$0x1]  }
0x3: {  	s2 =	rddreg [dreg:$0x2];
	s4 =	simm.s32 $0x0;
	s19 =	stileid.u32  }
0x4: {  	s3 =	srdreg.scid;
	s18 =	simm.s32 $0x5;
	s20 =	simm.s32 $0x10  }
0x5: {  	s28 =	simm.s32 $0x2;
	s29 =	simm.s32 $0x3;
	s21 =	smul.u32 $0x4E2, s19  }
0x6: {  	s30 =	simm.s32 $0x4;
	[smem:$0x7FF] =	sst s4;
	s7 =	smul.u32 $0x138, s19  }
0x7: {  	s3 =	sand.u32 $0x1, s3;
	s9 =	smul.u32 $0x27000, s19;
	s31 =	sadd.s32 $0x9C000, s2  }
0x8: {  	p0 =	sne.s32 s19, $0x0;
	_ =	strace $0x8000004A;
	s5 =	smul.u32 $0x2710, s3  }
0x9: {  	s6 =	ssub.s32 $0x2, s3;
	s3 =	smul.u32 $0x138800, s3;
	[dreg:$0x7] =	wrdreg s31  }
0xa: {  	s4 =	sadd.s32 s21, s0;
	s0 =	sadd.s32 $0xBA00, s0;
	s8 =	sshrl.u32 s6, $0x1  }
0xb: {  	s23 =	sshrl.u32 s9, $0x2;
	s21 =	simm.s32 $0x2700;
	s17 =	ssub.s32 s6, s8  }
0xc: {  	s22 =	sadd.s32 $0x1A00, s4;
	s4 =	sadd.s32 $0x6A00, s4;
	s24 =	sadd.s32 s7, s5  }
0xd: {  	s7 =	sadd.s32 s23, s2;
	s3 =	sshrl.u32 s3, $0x3;
	[dreg:$0x4] =	wrdreg s22  }
0xe: {  	s23 =	simm.s32 $0x1;
	[dreg:$0x5] =	wrdreg s4;
	s25 =	sshll.u32 s24, $0x4  }
0xf: {  	s12 =	sadd.s32 $0x13800, s3;
	s3 =	sadd.s32 $0x27080, s3;
	s17 =	smax.u32 s17, $0x1  }
0x10: {  	s22 =	simm.s32 $0x9F00;
	s24 =	simm.s32 $0x80;
	s26 =	sadd.s32 s1, s25  }
0x11: {  	s10 =	sadd.s32 s1, s12;
	s11 =	sadd.s32 s0, s25;
	s4 =	sadd.s32 $0x13880, s25  }
0x12: {  	s12 =	sadd.s32 s0, s12;
	s14 =	sadd.s32 s1, s3;
	s16 =	sadd.s32 s0, s3  }
0x13: {  	s25 =	simm.s32 $0x0;
	[dreg:$0x6] =	wrdreg s26;
	s13 =	sadd.s32 s1, s4  }
0x14: {  	v1 =	vimm.s32 $0x1388;
	v0 =	vmov s5;
	s15 =	sadd.s32 s0, s4;
	s26 =	simm.s32 $0xDF00;
	s0 =	simm.s32 $0x2680  }
.LBB2_1:
0x15: {  	s3 =	simm.s32 $0x0;
	s4 =	rddreg [dreg:$0x4]  }
0x16: {  	[tilespmem:s3], [sflag:$0x5] =	stream.linear.gather [hbm4b:s4+s3], $0x2710, $0x38;
	[tilespmem:$0x1BB80] =	vst v63  }
0x17: {  	_ =	swait.ge [sflag:s18], $0x2710  }
0x18: {  	[sflag:s18] =	ssyncset.done $0x0  }
0x19: {  	s5 =	simm.s32 $0x2780;
	s19 =	rddreg [dreg:$0x5];
	[sflag:s18] =	ssyncadd.s32 $0xFFFFD8F0  }
0x1a: {  	[tilespmem:s5], [sflag:$0x5] =	stream.linear.gather [hbm4b:s19+s3], $0x2710, $0x38;
	[tilespmem:$0x1BB80] =	vst v63  }
0x1b: {  	_ =	swait.ge [sflag:s18], $0x2710  }
0x1c: {  	[sflag:s18] =	ssyncset.done $0x0  }
0x1d: {  	s4 =	simm.s32 $0x70;
	[sflag:s18] =	ssyncadd.s32 $0xFFFFD8F0  }
0x1e: {  	v2 =	vld [tilespmem:s4+$0xFFFFFF90]  }
0x1f: {  	v3 =	vld [tilespmem:s4+$0xFFFFFFA0]  }
0x20: {  	v4 =	vld [tilespmem:s4+$0xFFFFFFB0]  }
0x21: {  	v5 =	vld [tilespmem:s4+$0xFFFFFFC0]  }
0x22: {  	v6 =	vld [tilespmem:s4+$0xFFFFFFD0]  }
0x23: {  	v8 =	vld [tilespmem:s4+$0x2710]  }
0x24: {  	v15 =	vld [tilespmem:s4+$0x2750]  }
0x25: {  	v16 =	vld [tilespmem:s4+$0x2770]  }
0x26: {  	v17 =	vld [tilespmem:s4+$0x2780]  }
0x27: {  	v7 =	vld [tilespmem:s4+$0xFFFFFFE0];
	v2 =	vadd.s32 v0, v2  }
0x28: {  	v3 =	vadd.s32 v0, v3;
	[tilespmem:s4+$0xFFFFFF90] =	vst v2;
	v2 =	vld [tilespmem:s4+$0x0]  }
0x29: {  	[tilespmem:s4+$0xFFFFFFA0] =	vst v3;
	v3 =	vadd.s32 v0, v4;
	v4 =	vld [tilespmem:s4+$0x2720]  }
0x2a: {  	vm0 =	vlt.s32 v8, $0x1388;
	vm5 =	vlt.s32 v15, $0x1388;
	[tilespmem:s4+$0xFFFFFFB0] =	vst v3;
	v3 =	vadd.s32 v0, v5;
	v5 =	vld [tilespmem:s4+$0x2730]  }
0x2b: {  	vm8 =	vlt.s32 v16, $0x1388;
	v12 =	vadd.s32 $0xFFFFEC78, v17;
	[tilespmem:s4+$0xFFFFFFC0] =	vst v3;
	v3 =	vadd.s32 v0, v6;
	v6 =	vld [tilespmem:s4+$0x2740]  }
0x2c: {  	vm9 =	vlt.s32 v17, $0x1388;
	vm10 =	vgt.s32 v12, $0xFFFFFFFF;
	[tilespmem:s4+$0xFFFFFFD0] =	vst v3;
	v3 =	vadd.s32 v0, v7  }
0x2d: {  	v13 =	vnsel vm10, $0x1388, v12;
	v12 =	vnsel vm0, $0x1388, v8;
	[tilespmem:s4+$0xFFFFFFE0] =	vst v3;
	v2 =	vadd.s32 v0, v2  }
0x2e: {  	v3 =	vld [tilespmem:s4+$0x2760];
	vm1 =	vlt.s32 v4, $0x1388;
	v7 =	vadd.s32 $0xFFFFEC78, v4;
	[tilespmem:s4+$0x0] =	vst v2;
	v2 =	vadd.s32 $0xFFFFEC78, v8  }
0x2f: {  	vm3 =	vgt.s32 v7, $0xFFFFFFFF;
	v9 =	vadd.s32 $0xFFFFEC78, v5;
	vm2 =	vgt.s32 v2, $0xFFFFFFFF  }
0x30: {  	vm4 =	vgt.s32 v9, $0xFFFFFFFF;
	v7 =	vnsel vm3, $0x1388, v7;
	vm12 =	vlt.s32 v6, $0x1388  }
0x31: {  	v2 =	vnsel vm2, $0x1388, v2;
	vm2 =	vlt.s32 v5, $0x1388;
	[tilespmem:s4+$0x76A0] =	vst v7;
	v7 =	vadd.s32 $0xFFFFEC78, v15  }
0x32: {  	v9 =	vnsel vm4, $0x1388, v9;
	[tilespmem:s4+$0x7690] =	vst v2;
	v2 =	vadd.s32 $0xFFFFEC78, v6;
	vm6 =	vgt.s32 v7, $0xFFFFFFFF  }
0x33: {  	v18 =	vld [tilespmem:s4+$0xFFFFFFF0];
	[tilespmem:s4+$0x76B0] =	vst v9;
	v9 =	vadd.s32 $0xFFFFEC78, v3;
	vm14 =	vlt.s32 v3, $0x1388;
	vm13 =	vgt.s32 v2, $0xFFFFFFFF  }
0x34: {  	s19 =	simm.s32 $0xF0;
	v8 =	vnsel vm2, $0x1388, v5;
	v5 =	vnsel vm8, $0x1388, v16;
	v2 =	vnsel vm13, $0x1388, v2  }
0x35: {  	v10 =	vld [tilespmem:s19+$0xFFFFFF90];
	vm7 =	vgt.s32 v9, $0xFFFFFFFF;
	v7 =	vnsel vm6, $0x1388, v7;
	[tilespmem:s4+$0x76C0] =	vst v2;
	v2 =	vadd.s32 $0xFFFFEC78, v16  }
0x36: {  	v11 =	vld [tilespmem:s19+$0xFFFFFFA0];
	vm15 =	vgt.s32 v2, $0xFFFFFFFF;
	[tilespmem:s4+$0x76D0] =	vst v7;
	v7 =	vnsel vm7, $0x1388, v9;
	v9 =	vnsel vm1, $0x1388, v4  }
0x37: {  	v4 =	vnsel vm14, $0x1388, v3;
	v3 =	vnsel vm9, $0x1388, v17;
	v19 =	vnsel vm15, $0x1388, v2;
	v14 =	vld [tilespmem:s19+$0xFFFFFFB0];
	[tilespmem:s4+$0x76E0] =	vst v7  }
0x38: {  	s31 =	simm.s32 $0x5C0;
	v7 =	vnsel vm12, $0x1388, v6;
	v6 =	vnsel vm5, $0x1388, v15;
	v2 =	vadd.s32 v0, v18;
	v15 =	vld [tilespmem:s19+$0xFFFFFFC0];
	[tilespmem:s4+$0x76F0] =	vst v19  }
.LBB2_2:
0x39: {  	p1 =	sne.s32 s31, $0x9BC0;
	v16 =	vld [tilespmem:s19+$0xFFFFFFD0];
	[tilespmem:s4+$0x7700] =	vst v13  }
0x3a: {  	v10 =	vadd.s32 v0, v10;
	v13 =	vld [tilespmem:s19+$0xFFFFFFE0];
	[tilespmem:s4+$0x4E90] =	vst v12  }
0x3b: {  	[tilespmem:s19+$0xFFFFFF90] =	vst v10;
	v10 =	vadd.s32 v0, v11;
	v11 =	vld [tilespmem:s19+$0x0]  }
0x3c: {  	v12 =	vld [tilespmem:s19+$0x2710];
	[tilespmem:s19+$0xFFFFFFA0] =	vst v10;
	v10 =	vadd.s32 v0, v14  }
0x3d: {  	v14 =	vld [tilespmem:s19+$0x2720];
	[tilespmem:s19+$0xFFFFFFB0] =	vst v10;
	v10 =	vadd.s32 v0, v15  }
0x3e: {  	v15 =	vld [tilespmem:s19+$0x2730];
	[tilespmem:s19+$0xFFFFFFC0] =	vst v10;
	v10 =	vadd.s32 v0, v16  }
0x3f: {  	v16 =	vld [tilespmem:s19+$0x2740];
	[tilespmem:s19+$0xFFFFFFD0] =	vst v10;
	v10 =	vadd.s32 v0, v13  }
0x40: {  	v17 =	vld [tilespmem:s19+$0x2750];
	[tilespmem:s19+$0xFFFFFFE0] =	vst v10;
	v10 =	vadd.s32 v0, v11  }
0x41: {  	vm0 =	vlt.s32 v12, $0x1388;
	v11 =	vadd.s32 $0xFFFFEC78, v12;
	v18 =	vld [tilespmem:s19+$0x2760];
	[tilespmem:s19+$0x0] =	vst v10  }
0x42: {  	vm7 =	vgt.s32 v11, $0xFFFFFFFF;
	vm1 =	vlt.s32 v14, $0x1388;
	v10 =	vadd.s32 $0xFFFFEC78, v14;
	v19 =	vld [tilespmem:s19+$0x2770];
	[tilespmem:s4+$0x4EA0] =	vst v9  }
0x43: {  	vm9 =	vgt.s32 v10, $0xFFFFFFFF;
	vm2 =	vlt.s32 v15, $0x1388;
	v9 =	vadd.s32 $0xFFFFEC78, v15;
	v20 =	vld [tilespmem:s19+$0x2780];
	[tilespmem:s4+$0x4EB0] =	vst v8  }
0x44: {  	vm10 =	vgt.s32 v9, $0xFFFFFFFF;
	vm3 =	vlt.s32 v16, $0x1388;
	v8 =	vadd.s32 $0xFFFFEC78, v16;
	v21 =	vld [tilespmem:s19+$0xFFFFFFF0];
	[tilespmem:s4+$0x4EC0] =	vst v7  }
0x45: {  	vm11 =	vgt.s32 v8, $0xFFFFFFFF;
	vm4 =	vlt.s32 v17, $0x1388;
	v7 =	vadd.s32 $0xFFFFEC78, v17;
	[tilespmem:s4+$0x4ED0] =	vst v6  }
0x46: {  	vm12 =	vgt.s32 v7, $0xFFFFFFFF;
	vm5 =	vlt.s32 v18, $0x1388;
	v6 =	vadd.s32 $0xFFFFEC78, v18;
	[tilespmem:s4+$0x4EE0] =	vst v4  }
0x47: {  	vm13 =	vgt.s32 v6, $0xFFFFFFFF;
	vm6 =	vlt.s32 v19, $0x1388;
	v4 =	vadd.s32 $0xFFFFEC78, v19;
	[tilespmem:s4+$0x4EF0] =	vst v5  }
0x48: {  	vm14 =	vgt.s32 v4, $0xFFFFFFFF;
	vm8 =	vlt.s32 v20, $0x1388;
	v5 =	vadd.s32 $0xFFFFEC78, v20;
	[tilespmem:s4+$0x4F00] =	vst v3  }
0x49: {  	v10 =	vnsel vm9, $0x1388, v10;
	v3 =	vnsel vm7, $0x1388, v11;
	vm7 =	vgt.s32 v5, $0xFFFFFFFF;
	[tilespmem:s4+$0xFFFFFFF0] =	vst v2;
	s4 =	smov.u32 s19  }
0x4a: {  	v22 =	vnsel vm12, $0x1388, v7;
	v2 =	vnsel vm10, $0x1388, v9;
	[tilespmem:s4+$0x7690] =	vst v3;
	v3 =	vnsel vm11, $0x1388, v8  }
0x4b: {  	v23 =	vnsel vm13, $0x1388, v6;
	v24 =	vnsel vm14, $0x1388, v4;
	v13 =	vnsel vm7, $0x1388, v5;
	[tilespmem:s4+$0x76A0] =	vst v10  }
.Ltmp0:
0x4c: {  	v12 =	vnsel vm0, $0x1388, v12;
	s19 =	sshra.s32 s31, $0x2;
	v9 =	vnsel vm1, $0x1388, v14;
	v8 =	vnsel vm2, $0x1388, v15;
	[tilespmem:s4+$0x76B0] =	vst v2;
	(pc) =	sbr.rel @p1 .LBB2_2-.Ltmp0, $4  }
0x4d: {  	v7 =	vnsel vm3, $0x1388, v16;
	v6 =	vnsel vm4, $0x1388, v17;
	v4 =	vnsel vm5, $0x1388, v18;
	v10 =	vld [tilespmem:s19+$0xFFFFFF90];
	[tilespmem:s4+$0x76C0] =	vst v3  }
0x4e: {  	v5 =	vnsel vm6, $0x1388, v19;
	v2 =	vadd.s32 v0, v21;
	v3 =	vnsel vm8, $0x1388, v20;
	v11 =	vld [tilespmem:s19+$0xFFFFFFA0];
	[tilespmem:s4+$0x76D0] =	vst v22  }
0x4f: {  	v14 =	vld [tilespmem:s19+$0xFFFFFFB0];
	[tilespmem:s4+$0x76E0] =	vst v23  }
0x50: {  	s31 =	sadd.s32 $0x200, s31;
	v15 =	vld [tilespmem:s19+$0xFFFFFFC0];
	[tilespmem:s4+$0x76F0] =	vst v24  }
0x51: {  	v16 =	vld [tilespmem:s19+$0xFFFFFFD0];
	[tilespmem:s4+$0x7700] =	vst v13  }
0x52: {  	v13 =	vld [tilespmem:s19+$0xFFFFFFE0];
	v10 =	vadd.s32 v0, v10;
	[tilespmem:s4+$0x4E90] =	vst v12  }
0x53: {  	[tilespmem:s19+$0xFFFFFF90] =	vst v10;
	v48 =	vld [tilespmem:s19+$0x0];
	v11 =	vadd.s32 v0, v11  }
0x54: {  	v12 =	vld [tilespmem:s19+$0x2710];
	[tilespmem:s19+$0xFFFFFFA0] =	vst v11;
	v49 =	vadd.s32 v0, v14  }
0x55: {  	v50 =	vld [tilespmem:s19+$0x2720];
	[tilespmem:s19+$0xFFFFFFB0] =	vst v49;
	v51 =	vadd.s32 v0, v15  }
0x56: {  	v52 =	vld [tilespmem:s19+$0x2730];
	[tilespmem:s19+$0xFFFFFFC0] =	vst v51;
	v53 =	vadd.s32 v0, v16  }
0x57: {  	v54 =	vld [tilespmem:s19+$0x2740];
	[tilespmem:s19+$0xFFFFFFD0] =	vst v53;
	v55 =	vadd.s32 v0, v13  }
0x58: {  	v56 =	vld [tilespmem:s19+$0x2750];
	[tilespmem:s19+$0xFFFFFFE0] =	vst v55;
	v10 =	vadd.s32 v0, v48  }
0x59: {  	v57 =	vld [tilespmem:s19+$0x2760];
	[tilespmem:s19+$0x0] =	vst v10  }
0x5a: {  	v58 =	vld [tilespmem:s19+$0x2770];
	[tilespmem:s4+$0x4EA0] =	vst v9  }
0x5b: {  	v9 =	vld [tilespmem:s19+$0x2780];
	[tilespmem:s4+$0x4EB0] =	vst v8  }
0x5c: {  	v8 =	vld [tilespmem:s19+$0xFFFFFFF0];
	[tilespmem:s4+$0x4EC0] =	vst v7  }
0x5d: {  	[tilespmem:s4+$0x4ED0] =	vst v6  }
0x5e: {  	[tilespmem:s4+$0x4EE0] =	vst v4  }
0x5f: {  	v59 =	vadd.s32 $0xFFFFEC78, v12;
	[tilespmem:s4+$0x4EF0] =	vst v5  }
0x60: {  	v60 =	vadd.s32 $0xFFFFEC78, v50;
	vm0 =	vgt.s32 v59, $0xFFFFFFFF;
	[tilespmem:s4+$0x4F00] =	vst v3  }
0x61: {  	v61 =	vadd.s32 $0xFFFFEC78, v56;
	vm1 =	vgt.s32 v60, $0xFFFFFFFF;
	v4 =	vnsel vm0, $0x1388, v59;
	[tilespmem:s4+$0xFFFFFFF0] =	vst v2  }
0x62: {  	vm14 =	vgt.s32 v61, $0xFFFFFFFF;
	v3 =	vadd.s32 $0xFFFFEC78, v52;
	v5 =	vnsel vm1, $0x1388, v60;
	[tilespmem:s19+$0x7690] =	vst v4  }
0x63: {  	v2 =	vadd.s32 $0xFFFFEC78, v54;
	vm12 =	vgt.s32 v3, $0xFFFFFFFF;
	[tilespmem:s19+$0x76A0] =	vst v5;
	v4 =	vnsel vm14, $0x1388, v61  }
0x64: {  	v62 =	vadd.s32 $0xFFFFEC78, v57;
	vm13 =	vgt.s32 v2, $0xFFFFFFFF;
	v3 =	vnsel vm12, $0x1388, v3;
	[tilespmem:s19+$0x76D0] =	vst v4  }
0x65: {  	vm15 =	vgt.s32 v62, $0xFFFFFFFF;
	v2 =	vnsel vm13, $0x1388, v2;
	[tilespmem:s19+$0x76B0] =	vst v3;
	v3 =	vadd.s32 $0xFFFFEC78, v58  }
0x66: {  	v5 =	vnsel vm15, $0x1388, v62;
	[tilespmem:s19+$0x76C0] =	vst v2;
	vm4 =	vgt.s32 v3, $0xFFFFFFFF;
	v2 =	vadd.s32 $0xFFFFEC78, v9  }
0x67: {  	[tilespmem:s19+$0x76E0] =	vst v5;
	vm5 =	vgt.s32 v2, $0xFFFFFFFF;
	v3 =	vnsel vm4, $0x1388, v3  }
0x68: {  	vm6 =	vlt.s32 v12, $0x1388;
	v2 =	vnsel vm5, $0x1388, v2;
	[tilespmem:s19+$0x76F0] =	vst v3  }
0x69: {  	vm7 =	vlt.s32 v50, $0x1388;
	v3 =	vnsel vm6, $0x1388, v12;
	[tilespmem:s19+$0x7700] =	vst v2  }
0x6a: {  	vm8 =	vlt.s32 v52, $0x1388;
	v2 =	vnsel vm7, $0x1388, v50;
	[tilespmem:s19+$0x4E90] =	vst v3  }
0x6b: {  	vm9 =	vlt.s32 v54, $0x1388;
	v3 =	vnsel vm8, $0x1388, v52;
	[tilespmem:s19+$0x4EA0] =	vst v2  }
0x6c: {  	vm10 =	vlt.s32 v56, $0x1388;
	v2 =	vnsel vm9, $0x1388, v54;
	[tilespmem:s19+$0x4EB0] =	vst v3  }
0x6d: {  	vm11 =	vlt.s32 v57, $0x1388;
	v3 =	vnsel vm10, $0x1388, v56;
	[tilespmem:s19+$0x4EC0] =	vst v2  }
0x6e: {  	vm12 =	vlt.s32 v58, $0x1388;
	v2 =	vnsel vm11, $0x1388, v57;
	[tilespmem:s19+$0x4ED0] =	vst v3  }
0x6f: {  	vm13 =	vlt.s32 v9, $0x1388;
	v3 =	vnsel vm12, $0x1388, v58;
	[tilespmem:s19+$0x4EE0] =	vst v2  }
0x70: {  	v2 =	vnsel vm13, $0x1388, v9;
	[tilespmem:s19+$0x4EF0] =	vst v3  }
0x71: {  	v3 =	vadd.s32 v0, v8;
	[tilespmem:s19+$0x4F00] =	vst v2  }
0x72: {  	[tilespmem:s19+$0xFFFFFFF0] =	vst v3  }
0x73: {  	[tilespmem:$0x7610] =	vst v1  }
0x74: {  	[tilespmem:$0x9E10] =	vst v1  }
0x75: {  	[tilespmem:$0x7620] =	vst v1  }
0x76: {  	[tilespmem:$0x9E20] =	vst v1  }
0x77: {  	[tilespmem:$0x7630] =	vst v1  }
0x78: {  	[tilespmem:$0x9E30] =	vst v1  }
0x79: {  	[tilespmem:$0x7640] =	vst v1  }
0x7a: {  	v2 =	vld [tilespmem:$0x2700];
	[tilespmem:$0x9E40] =	vst v1  }
0x7b: {  	v3 =	vld [tilespmem:$0x4E80];
	[tilespmem:$0x7650] =	vst v1  }
0x7c: {  	[tilespmem:$0x9E50] =	vst v1  }
0x7d: {  	[tilespmem:$0x7660] =	vst v1  }
0x7e: {  	[tilespmem:$0x9E60] =	vst v1  }
0x7f: {  	[tilespmem:$0x7670] =	vst v1  }
0x80: {  	[tilespmem:$0x9E70] =	vst v1;
	v2 =	vadd.s32 v0, v2;
	vm14 =	vlt.s32 v3, $0x1388;
	v63 =	vadd.s32 $0xFFFFEC78, v3  }
0x81: {  	s3 =	stileid.u32;
	[tilespmem:$0x2700] =	vst v2;
	v2 =	vnsel vm14, $0x1388, v3;
	vm15 =	vgt.s32 v63, $0xFFFFFFFF  }
0x82: {  	s3 =	sshll.u32 s3, $0x6;
	[tilespmem:$0x7600] =	vst v2;
	v2 =	vnsel vm15, $0x1388, v63  }
0x83: {  	s6 =	rddreg [dreg:$0x6];
	s31 =	sor.u32 $0x1C05, s3;
	s19 =	sshrl.u32 s7, $0x3;
	[tilespmem:$0x9E00] =	vst v2  }
0x84: {  	[spmem:s19], [sflag:s31] =	dma.local [hbm:s6], $0x1380  }
0x85: {  	_ =	swait.ge [sflag:s18], $0x1380  }
0x86: {  	[sflag:s18] =	ssyncset.done $0x0;
	s3 =	rddreg [dreg:$0x7]  }
0x87: {  	[sflag:s18] =	ssyncadd.s32 $0xFFFFEC80;
	s4 =	sshrl.u32 @!p0 s3, $0x3;
	s3 =	simm.s32 @!p0 $0x5  }
0x88: {  	[spmem:s4], [sflag:s31] =	dma.local @!p0 [hbm:s10], $0x80  }
0x89: {  	_ =	swait.ge @!p0 [sflag:s3], $0x80  }
0x8a: {  	[sflag:s3] =	ssyncset.done @!p0 $0x0  }
0x8b: {  	[sflag:s3] =	ssyncadd.s32 @!p0 $0xFFFFFF80  }
0x8c: {  	[bflag:$0x0] =	sbarrier.arrive $0xFFFF  }
0x8d: {  	[tilespmem:s22], [sflag:$0x1] =	stream.indirect.gather [hbm4b:s1+s20], $0x80, s21, s20, $0xb8;
	[tilespmem:$0x1BB80] =	vst v63  }
0x8e: {  	_ =	swait.ge [sflag:s23], $0x800  }
0x8f: {  	[sflag:s23] =	ssyncset.done $0x0  }
0x90: {  	s8 =	simm.s32 $0x7600;
	[sflag:s23] =	ssyncadd.s32 $0xFFFFF800  }
0x91: {  	[spmem:s2] =	stream.indirect.scatter.add.f32 [tilespmem:s22], [sflag:$0x5], $0x80, s8, s24, $0xb8;
	[tilespmem:$0x1BB80] =	vst v63  }
0x92: {  	_ =	swait.ge [sflag:s18], $0x4000  }
0x93: {  	[sflag:s18] =	ssyncset.done $0x0  }
0x94: {  	s9 =	simm.s32 $0x0;
	[sflag:s18] =	ssyncadd.s32 $0xFFFFC000  }
0x95: {  	[tilespmem:s22], [sflag:$0x1] =	stream.indirect.gather [hbm4b:s1+s24], $0x80, s9, s24, $0xb8;
	[tilespmem:$0x1BB80] =	vst v63  }
0x96: {  	_ =	swait.ge [sflag:s23], $0x4000  }
0x97: {  	[sflag:s23] =	ssyncset.done $0x0  }
0x98: {  	s5 =	simm.s32 $0x4F00;
	[sflag:s23] =	ssyncadd.s32 $0xFFFFC000  }
0x99: {  	[spmem:s2] =	stream.indirect.scatter.add.f32 [tilespmem:s22], [sflag:$0x3], $0x80, s5, s24, $0xb8;
	[tilespmem:$0x1BB80] =	vst v63  }
0x9a: {  	s6 =	simm.s32 $0x80  }
0x9b: {  	[tilespmem:s26], [sflag:$0x2] =	stream.indirect.gather [hbm4b:s1+s24], $0x80, s6, s24, $0xb8;
	[tilespmem:$0x1BB80] =	vst v63  }
0x9c: {  	_ =	swait.ge [sflag:s28], $0x4000  }
0x9d: {  	[sflag:s28] =	ssyncset.done $0x0  }
0x9e: {  	s8 =	simm.s32 $0x4F80;
	[sflag:s28] =	ssyncadd.s32 $0xFFFFC000  }
0x9f: {  	[spmem:s2] =	stream.indirect.scatter.add.f32 [tilespmem:s26], [sflag:$0x4], $0x80, s8, s24, $0xb8;
	[tilespmem:$0x1BB80] =	vst v63  }
0xa0: {  	_ =	swait.ge [sflag:s29], $0x4000  }
0xa1: {  	[sflag:s29] =	ssyncset.done $0x0  }
0xa2: {  	s9 =	simm.s32 $0x100;
	[sflag:s29] =	ssyncadd.s32 $0xFFFFC000  }
0xa3: {  	[tilespmem:s22], [sflag:$0x1] =	stream.indirect.gather [hbm4b:s1+s24], $0x80, s9, s24, $0xb8;
	[tilespmem:$0x1BB80] =	vst v63  }
0xa4: {  	_ =	swait.ge [sflag:s23], $0x4000  }
0xa5: {  	[sflag:s23] =	ssyncset.done $0x0  }
0xa6: {  	[sflag:s23] =	ssyncadd.s32 $0xFFFFC000  }
0xa7: {  	_ =	swait.ge [sflag:s30], $0x4000  }
0xa8: {  	s3 =	simm.s32 $0x100;
	s5 =	simm.s32 $0x800;
	[sflag:s30] =	ssyncset.done $0x0  }
.LBB2_4:
0xa9: {  	s6 =	sadd.s32 $0x4F00, s3  }
0xaa: {  	[sflag:s30] =	ssyncadd.s32 $0xFFFFC000;
	s8 =	smov.u32 s5;
	s9 =	sadd.s32 $0x400, s5  }
0xab: {  	[spmem:s2] =	stream.indirect.scatter.add.f32 [tilespmem:s22], [sflag:$0x3], $0x80, s6, s24, $0xb8;
	[tilespmem:$0x1BB80] =	vst v63  }
0xac: {  	p1 =	sne.s32 s5, $0x9400;
	s5 =	sadd.s32 $0x80, s3  }
0xad: {  	[tilespmem:s26], [sflag:$0x2] =	stream.indirect.gather [hbm4b:s1+s24], $0x80, s5, s24, $0xb8;
	[tilespmem:$0x1BB80] =	vst v63  }
0xae: {  	_ =	swait.ge [sflag:s28], $0x4000  }
0xaf: {  	[sflag:s28] =	ssyncset.done $0x0  }
0xb0: {  	s5 =	sadd.s32 $0x4F80, s3;
	[sflag:s28] =	ssyncadd.s32 $0xFFFFC000  }
0xb1: {  	[spmem:s2] =	stream.indirect.scatter.add.f32 [tilespmem:s26], [sflag:$0x4], $0x80, s5, s24, $0xb8;
	[tilespmem:$0x1BB80] =	vst v63  }
0xb2: {  	_ =	swait.ge [sflag:s29], $0x4000  }
0xb3: {  	[sflag:s29] =	ssyncset.done $0x0  }
0xb4: {  	s3 =	sadd.s32 $0x100, s3;
	[sflag:s29] =	ssyncadd.s32 $0xFFFFC000  }
0xb5: {  	[tilespmem:s22], [sflag:$0x1] =	stream.indirect.gather [hbm4b:s1+s24], $0x80, s3, s24, $0xb8;
	[tilespmem:$0x1BB80] =	vst v63  }
.Ltmp1:
0xb6: {  	_ =	swait.ge [sflag:s23], $0x4000;
	(pc) =	sbr.rel @p1 .LBB2_4-.Ltmp1, $4  }
0xb7: {  	[sflag:s23] =	ssyncset.done $0x0  }
0xb8: {  	[sflag:s23] =	ssyncadd.s32 $0xFFFFC000  }
0xb9: {  	_ =	swait.ge [sflag:s30], $0x4000  }
0xba: {  	s5 =	smov.u32 s9;
	s3 =	sshra.s32 s8, $0x2;
	[sflag:s30] =	ssyncset.done $0x0  }
0xbb: {  	s5 =	sadd.s32 $0x4F00, s3;
	[sflag:s30] =	ssyncadd.s32 $0xFFFFC000  }
0xbc: {  	[spmem:s2] =	stream.indirect.scatter.add.f32 [tilespmem:s22], [sflag:$0x3], $0x80, s5, s24, $0xb8;
	[tilespmem:$0x1BB80] =	vst v63  }
0xbd: {  	s6 =	sadd.s32 $0x80, s3  }
0xbe: {  	[tilespmem:s26], [sflag:$0x2] =	stream.indirect.gather [hbm4b:s1+s24], $0x80, s6, s24, $0xb8;
	[tilespmem:$0x1BB80] =	vst v63  }
0xbf: {  	_ =	swait.ge [sflag:s28], $0x4000  }
0xc0: {  	[sflag:s28] =	ssyncset.done $0x0  }
0xc1: {  	s8 =	sadd.s32 $0x4F80, s3;
	[sflag:s28] =	ssyncadd.s32 $0xFFFFC000  }
0xc2: {  	[spmem:s2] =	stream.indirect.scatter.add.f32 [tilespmem:s26], [sflag:$0x4], $0x80, s8, s24, $0xb8;
	[tilespmem:$0x1BB80] =	vst v63  }
0xc3: {  	_ =	swait.ge [sflag:s29], $0x4000  }
0xc4: {  	[sflag:s29] =	ssyncset.done $0x0  }
0xc5: {  	s9 =	sadd.s32 $0x100, s3;
	[sflag:s29] =	ssyncadd.s32 $0xFFFFC000  }
0xc6: {  	[tilespmem:s22], [sflag:$0x1] =	stream.indirect.gather [hbm4b:s1+s24], $0x80, s9, s24, $0xb8;
	[tilespmem:$0x1BB80] =	vst v63  }
0xc7: {  	_ =	swait.ge [sflag:s23], $0x4000  }
0xc8: {  	[sflag:s23] =	ssyncset.done $0x0  }
0xc9: {  	[sflag:s23] =	ssyncadd.s32 $0xFFFFC000  }
0xca: {  	_ =	swait.ge [sflag:s30], $0x4000  }
0xcb: {  	[sflag:s30] =	ssyncset.done $0x0  }
0xcc: {  	s5 =	simm.s32 $0x7500;
	[sflag:s30] =	ssyncadd.s32 $0xFFFFC000  }
0xcd: {  	[spmem:s2] =	stream.indirect.scatter.add.f32 [tilespmem:s22], [sflag:$0x3], $0x80, s5, s24, $0xb8;
	[tilespmem:$0x1BB80] =	vst v63  }
0xce: {  	_ = 	snop  }
0xcf: {  	[tilespmem:s26], [sflag:$0x2] =	stream.indirect.gather [hbm4b:s1+s24], $0x80, s0, s24, $0xb8;
	[tilespmem:$0x1BB80] =	vst v63  }
0xd0: {  	_ =	swait.ge [sflag:s28], $0x4000  }
0xd1: {  	[sflag:s28] =	ssyncset.done $0x0  }
0xd2: {  	s6 =	simm.s32 $0x7580;
	[sflag:s28] =	ssyncadd.s32 $0xFFFFC000  }
0xd3: {  	[spmem:s2] =	stream.indirect.scatter.add.f32 [tilespmem:s26], [sflag:$0x4], $0x80, s6, s24, $0xb8;
	[tilespmem:$0x1BB80] =	vst v63  }
0xd4: {  	_ =	swait.ge [sflag:s29], $0x4000  }
0xd5: {  	[sflag:s29] =	ssyncset.done $0x0  }
0xd6: {  	[sflag:s29] =	ssyncadd.s32 $0xFFFFC000  }
0xd7: {  	[tilespmem:s22], [sflag:$0x1] =	stream.indirect.gather [hbm4b:s1+s24], $0x80, s0, s24, $0xb8;
	[tilespmem:$0x1BB80] =	vst v63  }
0xd8: {  	_ =	swait.ge [sflag:s23], $0x4000  }
0xd9: {  	[sflag:s23] =	ssyncset.done $0x0  }
0xda: {  	[sflag:s23] =	ssyncadd.s32 $0xFFFFC000  }
0xdb: {  	_ =	swait.ge [sflag:s30], $0x4000  }
0xdc: {  	[sflag:s30] =	ssyncset.done $0x0  }
0xdd: {  	[sflag:s30] =	ssyncadd.s32 $0xFFFFC000  }
0xde: {  	[bflag:$0x0] =	sbarrier.arrive $0xFFFF  }
0xdf: {  	[hbm:s11], [sflag:s31] =	dma.local [spmem:s19], $0x1380  }
0xe0: {  	_ =	swait.ge [sflag:s18], $0x1380  }
0xe1: {  	[sflag:s18] =	ssyncset.done $0x0  }
0xe2: {  	[sflag:s18] =	ssyncadd.s32 $0xFFFFEC80  }
0xe3: {  	s3 =	sshrl.u32 @p0 s7, $0x3;
	[bflag:$0x0] =	sbarrier.arrive @p0 $0xFFFF  }
0xe4: {  	[spmem:s3], [sflag:s31] =	dma.local @p0 [hbm:s13], $0x1380  }
0xe5: {  	s3 =	simm.s32 @p0 $0x5  }
0xe6: {  	_ =	swait.ge @p0 [sflag:s3], $0x1380  }
0xe7: {  	[sflag:s3] =	ssyncset.done @p0 $0x0  }
0xe8: {  	[sflag:s3] =	ssyncadd.s32 @p0 $0xFFFFEC80;
	s3 =	simm.s32 @!p0 $0x5  }
0xe9: {  	[hbm:s12], [sflag:s31] =	dma.local @!p0 [spmem:s4], $0x80  }
0xea: {  	_ =	swait.ge @!p0 [sflag:s3], $0x80  }
0xeb: {  	[sflag:s3] =	ssyncset.done @!p0 $0x0  }
0xec: {  	[sflag:s3] =	ssyncadd.s32 @!p0 $0xFFFFFF80  }
0xed: {  	s5 =	sshrl.u32 @!p0 s7, $0x3;
	[bflag:$0x0] =	sbarrier.arrive @!p0 $0xFFFF  }
0xee: {  	[spmem:s5], [sflag:s31] =	dma.local @!p0 [hbm:s13], $0x1380  }
0xef: {  	_ =	swait.ge @!p0 [sflag:s3], $0x1380  }
0xf0: {  	[sflag:s3] =	ssyncset.done @!p0 $0x0  }
0xf1: {  	[sflag:s3] =	ssyncadd.s32 @!p0 $0xFFFFEC80  }
0xf2: {  	[spmem:s4], [sflag:s31] =	dma.local @!p0 [hbm:s14], $0x80  }
0xf3: {  	_ =	swait.ge @!p0 [sflag:s3], $0x80  }
0xf4: {  	[sflag:s3] =	ssyncset.done @!p0 $0x0  }
0xf5: {  	[sflag:s3] =	ssyncadd.s32 @!p0 $0xFFFFFF80  }
0xf6: {  	[bflag:$0x0] =	sbarrier.arrive $0xFFFF  }
0xf7: {  	[tilespmem:s22], [sflag:$0x1] =	stream.indirect.gather [hbm4b:s1+s20], $0x80, s21, s20, $0xb8;
	[tilespmem:$0x1BB80] =	vst v63  }
0xf8: {  	_ =	swait.ge [sflag:s23], $0x800  }
0xf9: {  	[sflag:s23] =	ssyncset.done $0x0  }
0xfa: {  	s8 =	simm.s32 $0x9E00;
	[sflag:s23] =	ssyncadd.s32 $0xFFFFF800  }
0xfb: {  	[spmem:s2] =	stream.indirect.scatter.add.f32 [tilespmem:s22], [sflag:$0x5], $0x80, s8, s24, $0xb8;
	[tilespmem:$0x1BB80] =	vst v63  }
0xfc: {  	_ =	swait.ge [sflag:s18], $0x4000  }
0xfd: {  	[sflag:s18] =	ssyncset.done $0x0  }
0xfe: {  	s9 =	simm.s32 $0x0;
	[sflag:s18] =	ssyncadd.s32 $0xFFFFC000  }
0xff: {  	[tilespmem:s22], [sflag:$0x1] =	stream.indirect.gather [hbm4b:s1+s24], $0x80, s9, s24, $0xb8;
	[tilespmem:$0x1BB80] =	vst v63  }
0x100: {  	_ =	swait.ge [sflag:s23], $0x4000  }
0x101: {  	[sflag:s23] =	ssyncset.done $0x0  }
0x102: {  	s5 =	simm.s32 $0x7700;
	[sflag:s23] =	ssyncadd.s32 $0xFFFFC000  }
0x103: {  	[spmem:s2] =	stream.indirect.scatter.add.f32 [tilespmem:s22], [sflag:$0x3], $0x80, s5, s24, $0xb8;
	[tilespmem:$0x1BB80] =	vst v63  }
0x104: {  	s6 =	simm.s32 $0x80  }
0x105: {  	[tilespmem:s26], [sflag:$0x2] =	stream.indirect.gather [hbm4b:s1+s24], $0x80, s6, s24, $0xb8;
	[tilespmem:$0x1BB80] =	vst v63  }
0x106: {  	_ =	swait.ge [sflag:s28], $0x4000  }
0x107: {  	[sflag:s28] =	ssyncset.done $0x0  }
0x108: {  	s8 =	simm.s32 $0x7780;
	[sflag:s28] =	ssyncadd.s32 $0xFFFFC000  }
0x109: {  	[spmem:s2] =	stream.indirect.scatter.add.f32 [tilespmem:s26], [sflag:$0x4], $0x80, s8, s24, $0xb8;
	[tilespmem:$0x1BB80] =	vst v63  }
0x10a: {  	_ =	swait.ge [sflag:s29], $0x4000  }
0x10b: {  	[sflag:s29] =	ssyncset.done $0x0  }
0x10c: {  	s9 =	simm.s32 $0x100;
	[sflag:s29] =	ssyncadd.s32 $0xFFFFC000  }
0x10d: {  	[tilespmem:s22], [sflag:$0x1] =	stream.indirect.gather [hbm4b:s1+s24], $0x80, s9, s24, $0xb8;
	[tilespmem:$0x1BB80] =	vst v63  }
0x10e: {  	_ =	swait.ge [sflag:s23], $0x4000  }
0x10f: {  	[sflag:s23] =	ssyncset.done $0x0  }
0x110: {  	[sflag:s23] =	ssyncadd.s32 $0xFFFFC000  }
0x111: {  	_ =	swait.ge [sflag:s30], $0x4000  }
0x112: {  	s3 =	simm.s32 $0x100;
	s5 =	simm.s32 $0x800;
	[sflag:s30] =	ssyncset.done $0x0  }
.LBB2_6:
0x113: {  	s6 =	sadd.s32 $0x7700, s3  }
0x114: {  	[sflag:s30] =	ssyncadd.s32 $0xFFFFC000;
	s8 =	smov.u32 s5;
	s9 =	sadd.s32 $0x400, s5  }
0x115: {  	[spmem:s2] =	stream.indirect.scatter.add.f32 [tilespmem:s22], [sflag:$0x3], $0x80, s6, s24, $0xb8;
	[tilespmem:$0x1BB80] =	vst v63  }
0x116: {  	p1 =	sne.s32 s5, $0x9400;
	s5 =	sadd.s32 $0x80, s3  }
0x117: {  	[tilespmem:s26], [sflag:$0x2] =	stream.indirect.gather [hbm4b:s1+s24], $0x80, s5, s24, $0xb8;
	[tilespmem:$0x1BB80] =	vst v63  }
0x118: {  	_ =	swait.ge [sflag:s28], $0x4000  }
0x119: {  	[sflag:s28] =	ssyncset.done $0x0  }
0x11a: {  	s5 =	sadd.s32 $0x7780, s3;
	[sflag:s28] =	ssyncadd.s32 $0xFFFFC000  }
0x11b: {  	[spmem:s2] =	stream.indirect.scatter.add.f32 [tilespmem:s26], [sflag:$0x4], $0x80, s5, s24, $0xb8;
	[tilespmem:$0x1BB80] =	vst v63  }
0x11c: {  	_ =	swait.ge [sflag:s29], $0x4000  }
0x11d: {  	[sflag:s29] =	ssyncset.done $0x0  }
0x11e: {  	s3 =	sadd.s32 $0x100, s3;
	[sflag:s29] =	ssyncadd.s32 $0xFFFFC000  }
0x11f: {  	[tilespmem:s22], [sflag:$0x1] =	stream.indirect.gather [hbm4b:s1+s24], $0x80, s3, s24, $0xb8;
	[tilespmem:$0x1BB80] =	vst v63  }
.Ltmp2:
0x120: {  	_ =	swait.ge [sflag:s23], $0x4000;
	(pc) =	sbr.rel @p1 .LBB2_6-.Ltmp2, $4  }
0x121: {  	[sflag:s23] =	ssyncset.done $0x0  }
0x122: {  	[sflag:s23] =	ssyncadd.s32 $0xFFFFC000  }
0x123: {  	_ =	swait.ge [sflag:s30], $0x4000  }
0x124: {  	s5 =	smov.u32 s9;
	s3 =	sshra.s32 s8, $0x2;
	[sflag:s30] =	ssyncset.done $0x0  }
0x125: {  	s5 =	sadd.s32 $0x7700, s3;
	[sflag:s30] =	ssyncadd.s32 $0xFFFFC000  }
0x126: {  	[spmem:s2] =	stream.indirect.scatter.add.f32 [tilespmem:s22], [sflag:$0x3], $0x80, s5, s24, $0xb8;
	[tilespmem:$0x1BB80] =	vst v63  }
0x127: {  	s8 =	sadd.s32 $0x80, s3  }
0x128: {  	[tilespmem:s26], [sflag:$0x2] =	stream.indirect.gather [hbm4b:s1+s24], $0x80, s8, s24, $0xb8;
	[tilespmem:$0x1BB80] =	vst v63  }
0x129: {  	_ =	swait.ge [sflag:s28], $0x4000  }
0x12a: {  	[sflag:s28] =	ssyncset.done $0x0  }
0x12b: {  	s9 =	sadd.s32 $0x7780, s3;
	[sflag:s28] =	ssyncadd.s32 $0xFFFFC000  }
0x12c: {  	[spmem:s2] =	stream.indirect.scatter.add.f32 [tilespmem:s26], [sflag:$0x4], $0x80, s9, s24, $0xb8;
	[tilespmem:$0x1BB80] =	vst v63  }
0x12d: {  	_ =	swait.ge [sflag:s29], $0x4000  }
0x12e: {  	[sflag:s29] =	ssyncset.done $0x0  }
0x12f: {  	s6 =	sadd.s32 $0x100, s3;
	[sflag:s29] =	ssyncadd.s32 $0xFFFFC000  }
0x130: {  	[tilespmem:s22], [sflag:$0x1] =	stream.indirect.gather [hbm4b:s1+s24], $0x80, s6, s24, $0xb8;
	[tilespmem:$0x1BB80] =	vst v63  }
0x131: {  	_ =	swait.ge [sflag:s23], $0x4000  }
0x132: {  	[sflag:s23] =	ssyncset.done $0x0  }
0x133: {  	[sflag:s23] =	ssyncadd.s32 $0xFFFFC000  }
0x134: {  	_ =	swait.ge [sflag:s30], $0x4000  }
0x135: {  	[sflag:s30] =	ssyncset.done $0x0  }
0x136: {  	s8 =	simm.s32 $0x9D00;
	[sflag:s30] =	ssyncadd.s32 $0xFFFFC000  }
0x137: {  	[spmem:s2] =	stream.indirect.scatter.add.f32 [tilespmem:s22], [sflag:$0x3], $0x80, s8, s24, $0xb8;
	[tilespmem:$0x1BB80] =	vst v63  }
0x138: {  	_ = 	snop  }
0x139: {  	[tilespmem:s26], [sflag:$0x2] =	stream.indirect.gather [hbm4b:s1+s24], $0x80, s0, s24, $0xb8;
	[tilespmem:$0x1BB80] =	vst v63  }
0x13a: {  	_ =	swait.ge [sflag:s28], $0x4000  }
0x13b: {  	[sflag:s28] =	ssyncset.done $0x0  }
0x13c: {  	s9 =	simm.s32 $0x9D80;
	[sflag:s28] =	ssyncadd.s32 $0xFFFFC000  }
0x13d: {  	[spmem:s2] =	stream.indirect.scatter.add.f32 [tilespmem:s26], [sflag:$0x4], $0x80, s9, s24, $0xb8;
	[tilespmem:$0x1BB80] =	vst v63  }
0x13e: {  	_ =	swait.ge [sflag:s29], $0x4000  }
0x13f: {  	[sflag:s29] =	ssyncset.done $0x0  }
0x140: {  	[sflag:s29] =	ssyncadd.s32 $0xFFFFC000  }
0x141: {  	[tilespmem:s22], [sflag:$0x1] =	stream.indirect.gather [hbm4b:s1+s24], $0x80, s0, s24, $0xb8;
	[tilespmem:$0x1BB80] =	vst v63  }
0x142: {  	_ =	swait.ge [sflag:s23], $0x4000  }
0x143: {  	[sflag:s23] =	ssyncset.done $0x0  }
0x144: {  	[sflag:s23] =	ssyncadd.s32 $0xFFFFC000  }
0x145: {  	_ =	swait.ge [sflag:s30], $0x4000  }
0x146: {  	[sflag:s30] =	ssyncset.done $0x0  }
0x147: {  	[sflag:s30] =	ssyncadd.s32 $0xFFFFC000  }
0x148: {  	[bflag:$0x0] =	sbarrier.arrive $0xFFFF  }
0x149: {  	[hbm:s15], [sflag:s31] =	dma.local [spmem:s19], $0x1380  }
0x14a: {  	_ =	swait.ge [sflag:s18], $0x1380  }
0x14b: {  	s25 =	sadd.s32 $0x1, s25;
	[sflag:s18] =	ssyncset.done $0x0  }
0x14c: {  	s3 =	simm.s32 @!p0 $0x5;
	p1 =	sne.s32 s25, s17;
	[sflag:s18] =	ssyncadd.s32 $0xFFFFEC80  }
0x14d: {  	[hbm:s16], [sflag:s31] =	dma.local @!p0 [spmem:s4], $0x80  }
.Ltmp3:
0x14e: {  	_ =	swait.ge @!p0 [sflag:s3], $0x80;
	(pc) =	sbr.rel @p1 .LBB2_1-.Ltmp3, $3  }
0x14f: {  	[sflag:s3] =	ssyncset.done @!p0 $0x0  }
0x150: {  	[sflag:s3] =	ssyncadd.s32 @!p0 $0xFFFFFF80  }
0x151: {  	[bflag:$0x0] =	sbarrier.arrive $0xFFFF;
	_ =	sdelay $0x1  }
0x152: {  	_ =	sfence.sel $0x180000  }
0x153: {  	[bflag:$0x0] =	sbarrier.arrive $0xFFFF  }
0x154: {  	_ =	strace $0x9000004A  }
0x155: {  	[bflag:$0x2] =	sbarrier.arrive $0xFFFF  }
0x156: {  	s0 =	rddreg [dreg:$0x3]  }
0x157: {  	s0 =	sadd.s32 @!p0 $0x100000, s0  }
0x158: {  	[sflag:s0] =	ssyncadd.tile.s32 @!p0 $0x1;
	_ =	shalt  }
.Lfunc_end2:
_tile_overlayer_lowered:
.L_overlay_start_2:
0x159: {  	(tag) =	ssettag $0x2  }
0x15a: {  	s0 =	rddreg [dreg:$0x0];
	s2 =	stileid.u32  }
0x15b: {  	s1 =	rddreg [dreg:$0x1];
	p0 =	sne.s32 s2, $0x0  }
0x15c: {  	s3 =	rddreg [dreg:$0x2];
	[bflag:$0x3] =	sbarrier.arrive $0xFFFF;
	s2 =	simm.s32 @!p0 $0x1C05  }
0x15d: {  	[timem:s3], [sflag:s2] =	dma.local @!p0 [hbm:s0], s1  }
0x15e: {  	s0 =	simm.s32 @!p0 $0x5  }
0x15f: {  	_ =	swait.ge @!p0 [sflag:s0], s1  }
0x160: {  	s1 =	ssub.s32 @!p0 $0x0, s1;
	[sflag:s0] =	ssyncset.done @!p0 $0x0  }
0x161: {  	[sflag:s0] =	ssyncadd.s32 @!p0 s1  }
0x162: {  	[bflag:$0x3] =	sbarrier.arrive $0xFFFF  }
0x163: {  	_ =	shalt  }

// kernel: kernel.14.cloned.1.call-start
scs
__scs_entry_jumppad:
0x0: {  	(pc) =	sbr.rel $0x88, $3  }
0x1: {  	(tag) =	ssettag $0x0;
	lr =	simm.s32 $0x1  }
0x2: {  	[smem:$0x3F9B] =	sst lr;
	_ =	strace $0xD0000000  }
0x3: {  	_ = 	snop  }
0x4: {  	_ = 	snop  }
0x5: {  	_ = 	snop  }
0x6: {  	_ = 	snop  }
0x7: {  	_ = 	snop  }
__scs_overlays_trampoline_lowered:
0x8: {  	[smem:$0x3FAA] =	sst s0  }
0x9: {  	[smem:$0x3FAB] =	sst s1  }
0xa: {  	[smem:$0x3FAC] =	sst s2  }
0xb: {  	[smem:$0x3FAD] =	sst s3  }
0xc: {  	[smem:$0x3FAE] =	sst s4  }
0xd: {  	[smem:$0x3FAF] =	sst s5  }
0xe: {  	[smem:$0x3FB0] =	sst s6  }
0xf: {  	[smem:$0x3FB1] =	sst s7  }
0x10: {  	[smem:$0x3FB2] =	sst s8  }
0x11: {  	[smem:$0x3FB3] =	sst s9;
	s0 =	simm.s32 @!p0 $0x0  }
0x12: {  	s1 =	sld [smem:$0x3F99];
	s0 =	simm.s32 @p0 $0x1  }
0x13: {  	[smem:$0x3FB4] =	sst s0;
	s0 =	simm.s32 @!p1 $0x0  }
0x14: {  	s2 =	sld [smem:$0x3F98];
	s0 =	simm.s32 @p1 $0x1  }
0x15: {  	[smem:$0x3FB5] =	sst s0;
	s0 =	simm.s32 @!p2 $0x0  }
0x16: {  	s3 =	sld [smem:$0x3FDB];
	s0 =	simm.s32 @p2 $0x1  }
0x17: {  	s4 =	simm.s32 $0x1BF5;
	[smem:$0x3FB7] =	sst s0  }
0x18: {  	s0 =	sld [smem:$0x3F9A];
	_ =	swait.ge [sflag:s4], $0x0  }
0x19: {  	s7 =	sld [smem:$0x3F9B]  }
0x1a: {  	s8 =	sadd.s32 $0xFFFFE003, lr  }
0x1b: {  	s9 =	sadd.s32 $0xFFFFFEF7, lr;
	s5 =	simm.s32 $0xFFFFFFFF;
	p2 =	slt.u32 s8, $0xFFFFF086  }
0x1c: {  	p1 =	slt.u32 s9, $0xF7A;
	s5 =	simm.s32 @!p2 $0x0  }
0x1d: {  	s5 =	simm.s32 @p1 $0x1;
	p0 =	seq.s32 s7, s2  }
0x1e: {  	s7 =	smul.u32 @!p0 $0xF7A, s2;
	p2 =	seq.s32 @!p0 s5, $0x0  }
0x1f: {  	s9 =	smul.u32 $0xF7A, s1;
	s8 =	simm.s32 @!p0 $0x1BF5;
	p2 =	por !p2, p0  }
0x20: {  	[sflag:s8] =	ssyncset.s32 @!p0 $0xFFFFF086;
	s6 =	sadd.s32 @!p0 s3, s7;
	s7 =	simm.s32 @!p0 $0x108  }
0x21: {  	s3 =	sadd.s32 s3, s9;
	s6 =	sadd.s32 @!p0 $0x88, s6;
	s7 =	simm.s32 @p2 $0x1082  }
0x22: {  	[simem:s7], [sflag:s8] =	dma.local @!p0 [hbm:s6], $0xF7A  }
0x23: {  	s9 =	sor.u32 $0xD0000000, s2;
	s6 =	simm.s32 $0x108;
	_ =	swait.ge @!p0 [sflag:s8], $0x0  }
0x24: {  	s3 =	sadd.s32 $0x88, s3;
	s6 =	simm.s32 @!p1 $0x1082;
	[sflag:s4] =	ssyncset.s32 $0xFFFFF086  }
0x25: {  	[simem:s6], [sflag:s4] =	dma.local [hbm:s3], $0xF7A  }
0x26: {  	[smem:$0x3F9B] =	sst s1;
	(tag) =	ssettag s2;
	_ =	strace s9  }
0x27: {  	s1 =	sld [smem:$0x3FAB]  }
0x28: {  	s2 =	sld [smem:$0x3FAC]  }
0x29: {  	s4 =	sld [smem:$0x3FAE]  }
0x2a: {  	p0 =	seq.s32 s5, $0x0;
	s5 =	sld [smem:$0x3FAF]  }
0x2b: {  	s6 =	sld [smem:$0x3FB0]  }
0x2c: {  	s7 =	sld [smem:$0x3FB1]  }
0x2d: {  	s3 =	simm.s32 $0x108;
	s8 =	sld [smem:$0x3FB2]  }
0x2e: {  	s3 =	simm.s32 @!p0 $0x1082;
	s9 =	sld [smem:$0x3FB3]  }
0x2f: {  	lr =	sadd.s32 s0, s3;
	s0 =	sld [smem:$0x3FAA]  }
0x30: {  	s3 =	sld [smem:$0x3FAD]  }
0x31: {  	[smem:$0x3FB6] =	sst s10  }
0x32: {  	s10 =	sld [smem:$0x3FB4];
	_ =	sdelay $0x3  }
0x33: {  	p0 =	seq.s32 s10, $0x1;
	s10 =	sld [smem:$0x3FB6];
	_ =	sdelay $0x3  }
0x34: {  	[smem:$0x3FB6] =	sst s10  }
0x35: {  	s10 =	sld [smem:$0x3FB5];
	_ =	sdelay $0x3  }
0x36: {  	p1 =	seq.s32 s10, $0x1;
	s10 =	sld [smem:$0x3FB6];
	_ =	sdelay $0x3  }
0x37: {  	[smem:$0x3FB6] =	sst s10  }
0x38: {  	s10 =	sld [smem:$0x3FB7]  }
0x39: {  	_ = 	snop;
	(pc) =	sbr.ind lr, $3  }
0x3a: {  	_ = 	snop  }
0x3b: {  	_ = 	snop  }
0x3c: {  	p2 =	seq.s32 s10, $0x1;
	s10 =	sld [smem:$0x3FB6]  }
0x3d: {  	_ =	shalt  }
0x3e: {  	_ =	shalt  }
0x3f: {  	_ =	shalt  }
0x40: {  	_ =	shalt  }
0x41: {  	_ =	shalt  }
0x42: {  	_ =	shalt  }
0x43: {  	_ =	shalt  }
0x44: {  	_ =	shalt  }
0x45: {  	_ =	shalt  }
0x46: {  	_ =	shalt  }
0x47: {  	_ =	shalt  }
0x48: {  	_ =	shalt  }
0x49: {  	_ =	shalt  }
0x4a: {  	_ =	shalt  }
0x4b: {  	_ =	shalt  }
0x4c: {  	_ =	shalt  }
0x4d: {  	_ =	shalt  }
0x4e: {  	_ =	shalt  }
0x4f: {  	_ =	shalt  }
0x50: {  	_ =	shalt  }
0x51: {  	_ =	shalt  }
0x52: {  	_ =	shalt  }
0x53: {  	_ =	shalt  }
0x54: {  	_ =	shalt  }
0x55: {  	_ =	shalt  }
0x56: {  	_ =	shalt  }
0x57: {  	_ =	shalt  }
0x58: {  	_ =	shalt  }
0x59: {  	_ =	shalt  }
0x5a: {  	_ =	shalt  }
0x5b: {  	_ =	shalt  }
0x5c: {  	_ =	shalt  }
0x5d: {  	_ =	shalt  }
0x5e: {  	_ =	shalt  }
0x5f: {  	_ =	shalt  }
0x60: {  	_ =	shalt  }
0x61: {  	_ =	shalt  }
0x62: {  	_ =	shalt  }
0x63: {  	_ =	shalt  }
0x64: {  	_ =	shalt  }
0x65: {  	_ =	shalt  }
0x66: {  	_ =	shalt  }
0x67: {  	_ =	shalt  }
0x68: {  	_ =	shalt  }
0x69: {  	_ =	shalt  }
0x6a: {  	_ =	shalt  }
0x6b: {  	_ =	shalt  }
0x6c: {  	_ =	shalt  }
0x6d: {  	_ =	shalt  }
0x6e: {  	_ =	shalt  }
0x6f: {  	_ =	shalt  }
0x70: {  	_ =	shalt  }
0x71: {  	_ =	shalt  }
0x72: {  	_ =	shalt  }
0x73: {  	_ =	shalt  }
0x74: {  	_ =	shalt  }
0x75: {  	_ =	shalt  }
0x76: {  	_ =	shalt  }
0x77: {  	_ =	shalt  }
0x78: {  	_ =	shalt  }
0x79: {  	_ =	shalt  }
0x7a: {  	_ =	shalt  }
0x7b: {  	_ =	shalt  }
0x7c: {  	_ =	shalt  }
0x7d: {  	_ =	shalt  }
0x7e: {  	_ =	shalt  }
0x7f: {  	_ =	shalt  }
0x80: {  	_ =	shalt  }
0x81: {  	_ =	shalt  }
0x82: {  	_ =	shalt  }
0x83: {  	_ =	shalt  }
0x84: {  	_ =	shalt  }
0x85: {  	_ =	shalt  }
0x86: {  	_ =	shalt  }
0x87: {  	_ =	shalt  }
.Lfunc_end0:
.L_simem_size_0:
called_computation.2_lowered:
.L_overlay_start_0:
0x88: {  	s2 =	sld [smem:$0x3FD9]  }
0x89: {  	s3 =	sld [smem:$0x3FFE];
	_ =	sdelay $0x1  }
0x8a: {  	s1 =	srdreg.scid  }
0x8b: {  	s0 =	sand.u32 $0x1, s1  }
0x8c: {  	s17 =	sshll.u32 s0, $0xA;
	s2 =	sadd.s32 s3, s2  }
0x8d: {  	s2 =	sadd.s32 s2, s17  }
0x8e: {  	[smem:$0x3FC2] =	sst s2  }
0x8f: {  	_ = 	snop  }
0x90: {  	s2 =	sld [smem:$0x3FD0];
	(tm) =	ssettm $0x1  }
0x91: {  	s18 =	sld [smem:$0x3FFB];
	_ =	sdelay $0x3  }
0x92: {  	_ =	strace s18  }
0x93: {  	s3 =	sld [smem:$0x3FFC];
	_ =	sdelay $0x3  }
0x94: {  	_ =	strace s3  }
0x95: {  	s3 =	sld [smem:$0x3FFD];
	_ =	sdelay $0x3  }
0x96: {  	_ =	strace s3  }
0x97: {  	_ =	strace $0x8FFFFFFF  }
0x98: {  	s19 =	sld [smem:$0x3FDB];
	_ =	sdelay $0x1  }
0x99: {  	s4 =	simm.s32 $_scs_section_size  }
0x9a: {  	s5 =	simm.s32 $_size__tile_overlayer_lowered;
	s6 =	simm.s32 $_tile_overlayer_lowered  }
0x9b: {  	s22 =	simm.s32 $0x1BFF;
	s21 =	sshll.u32 s6, $0x1;
	s3 =	sadd.s32 s4, s19  }
0x9c: {  	s7 =	simm.s32 $0x0;
	s20 =	sshll.u32 s5, $0x1;
	s5 =	sadd.s32 s21, s3  }
0x9d: {  	[timem:s7], [sflag:s22] =	dma.local [hbm:s5], s20  }
0x9e: {  	_ =	swait.ge [sflag:s22], s20  }
0x9f: {  	s4 =	ssub.s32 $0x0, s20;
	[sflag:s22] =	ssyncset.done $0x0  }
0xa0: {  	[sflag:s22] =	ssyncadd.s32 s4;
	_ =	sdelay $0x1  }
0xa1: {  	s23 =	simm.s32 $0x1B8B  }
0xa2: {  	_ =	swait.ge [sflag:s23], $0x1  }
0xa3: {  	[sflag:s23] =	ssyncset.done $0x0  }
0xa4: {  	s25 =	simm.s32 $0x1B8E;
	s24 =	sld [smem:$0x3FFE];
	[sflag:s23] =	ssyncadd.s32 $0xFFFFFFFF  }
0xa5: {  	s26 =	simm.s32 $execute0_lowered;
	[smem:$0x3FD2] =	sst s25  }
0xa6: {  	s5 =	sshll.u32 s26, $0x1;
	_ =	strace $0x8000004C;
	[dreg:$0x1] =	wrdreg $0xFFFFFFFF  }
0xa7: {  	s28 =	simm.s32 $_size_execute0_lowered;
	s3 =	sadd.s32 s3, s5;
	[dreg:$0x0] =	wrdreg $0x0  }
0xa8: {  	s5 =	sshll.u32 s28, $0x1;
	[dreg:$0x2] =	wrdreg s3  }
0xa9: {  	[dreg:$0x3] =	wrdreg s5  }
0xaa: {  	[dreg:$0x4] =	wrdreg $0xC0  }
0xab: {  	_ =	task [dreg:s7], $0x5FFFF  }
0xac: {  	[dreg:$0x1] =	wrdreg $0xFFFFFFFF  }
0xad: {  	[dreg:$0x0] =	wrdreg $0x60  }
0xae: {  	[dreg:$0x2] =	wrdreg s2  }
0xaf: {  	[dreg:$0x3] =	wrdreg s24  }
0xb0: {  	[dreg:$0x4] =	wrdreg $0x11F000  }
0xb1: {  	[dreg:$0x5] =	wrdreg $0x9  }
0xb2: {  	_ =	task.clear_ibuf [dreg:s7], $0x6FFFF;
	_ =	strace $0x9000004C  }
0xb3: {  	s29 =	simm.s32 $0x9;
	_ =	strace $0x8000004E  }
0xb4: {  	_ =	swait.ge [sflag:s29], $0x1  }
0xb5: {  	[sflag:s29] =	ssyncadd.s32 $0xFFFFFFFF  }
0xb6: {  	_ =	strace $0x9000004E  }
0xb7: {  	_ =	sfence  }
0xb8: {  	s30 =	sld [smem:$0x0];
	_ =	sdelay $0x2  }
0xb9: {  	s31 =	sshll.u32 s1, $0xD;
	s1 =	sshrl.u32 s1, $0x2  }
0xba: {  	s3 =	sand.u32 $0x4000, s31;
	s1 =	sadd.s32 s1, s30  }
0xbb: {  	s0 =	sor.u32 s3, s0;
	s1 =	sshll.u32 s1, $0x11  }
0xbc: {  	s0 =	sor.u32 s1, s0  }
0xbd: {  	s0 =	sadd.s32 $0x8F2B, s0  }
0xbe: {  	[sflag:s0] =	ssyncadd.remote.s32 $0x1  }
0xbf: {  	_ =	sfence.sel $0xFFFF  }
0xc0: {  	[dreg:$0x0] =	wrdreg $0xFFFFFFFF;
	(pc) =	sbr.abs _section_cstart, $3  }
0xc1: {  	[dreg:$0x1] =	wrdreg $0xFFFFFFFF  }
0xc2: {  	_ =	task.clear_ibuf [dreg:s7], $0x2FFFF;
	_ =	strace $0x9FFFFFFF  }
0xc3: {  	(tm) =	ssettm $0x7FFFFFFF  }
tec
execute0_lowered:
.L_overlay_start_1:
0x0: {  	(tag) =	ssettag $0x1  }
0x1: {  	s1 =	rddreg [dreg:$0x0]  }
0x2: {  	s0 =	rddreg [dreg:$0x1]  }
0x3: {  	s2 =	rddreg [dreg:$0x2];
	s4 =	simm.s32 $0x0;
	s19 =	stileid.u32  }
0x4: {  	s3 =	srdreg.scid;
	s18 =	simm.s32 $0x5;
	s20 =	simm.s32 $0x10  }
0x5: {  	s28 =	simm.s32 $0x2;
	s29 =	simm.s32 $0x3;
	s21 =	smul.u32 $0x4E2, s19  }
0x6: {  	s30 =	simm.s32 $0x4;
	[smem:$0x7FF] =	sst s4;
	s7 =	smul.u32 $0x138, s19  }
0x7: {  	s3 =	sand.u32 $0x1, s3;
	s9 =	smul.u32 $0x27000, s19;
	s31 =	sadd.s32 $0x9C000, s2  }
0x8: {  	p0 =	sne.s32 s19, $0x0;
	_ =	strace $0x8000004D;
	s5 =	smul.u32 $0x2710, s3  }
0x9: {  	s6 =	ssub.s32 $0x2, s3;
	s3 =	smul.u32 $0x138800, s3;
	[dreg:$0x7] =	wrdreg s31  }
0xa: {  	s4 =	sadd.s32 s21, s0;
	s0 =	sadd.s32 $0xBA00, s0;
	s8 =	sshrl.u32 s6, $0x1  }
0xb: {  	s23 =	sshrl.u32 s9, $0x2;
	s21 =	simm.s32 $0x2700;
	s17 =	ssub.s32 s6, s8  }
0xc: {  	s22 =	sadd.s32 $0x1A00, s4;
	s4 =	sadd.s32 $0x6A00, s4;
	s24 =	sadd.s32 s7, s5  }
0xd: {  	s7 =	sadd.s32 s23, s2;
	s3 =	sshrl.u32 s3, $0x3;
	[dreg:$0x4] =	wrdreg s22  }
0xe: {  	s23 =	simm.s32 $0x1;
	[dreg:$0x5] =	wrdreg s4;
	s25 =	sshll.u32 s24, $0x4  }
0xf: {  	s12 =	sadd.s32 $0x13800, s3;
	s3 =	sadd.s32 $0x27080, s3;
	s17 =	smax.u32 s17, $0x1  }
0x10: {  	s22 =	simm.s32 $0x9F00;
	s24 =	simm.s32 $0x80;
	s26 =	sadd.s32 s1, s25  }
0x11: {  	s10 =	sadd.s32 s1, s12;
	s11 =	sadd.s32 s0, s25;
	s4 =	sadd.s32 $0x13880, s25  }
0x12: {  	s12 =	sadd.s32 s0, s12;
	s14 =	sadd.s32 s1, s3;
	s16 =	sadd.s32 s0, s3  }
0x13: {  	s25 =	simm.s32 $0x0;
	[dreg:$0x6] =	wrdreg s26;
	s13 =	sadd.s32 s1, s4  }
0x14: {  	v1 =	vimm.s32 $0x1388;
	v0 =	vmov s5;
	s15 =	sadd.s32 s0, s4;
	s26 =	simm.s32 $0xDF00;
	s0 =	simm.s32 $0x2680  }
.LBB2_1:
0x15: {  	s3 =	simm.s32 $0x0;
	s4 =	rddreg [dreg:$0x4]  }
0x16: {  	[tilespmem:s3], [sflag:$0x5] =	stream.linear.gather [hbm4b:s4+s3], $0x2710, $0x38;
	[tilespmem:$0x1BB80] =	vst v63  }
0x17: {  	_ =	swait.ge [sflag:s18], $0x2710  }
0x18: {  	[sflag:s18] =	ssyncset.done $0x0  }
0x19: {  	s5 =	simm.s32 $0x2780;
	s19 =	rddreg [dreg:$0x5];
	[sflag:s18] =	ssyncadd.s32 $0xFFFFD8F0  }
0x1a: {  	[tilespmem:s5], [sflag:$0x5] =	stream.linear.gather [hbm4b:s19+s3], $0x2710, $0x38;
	[tilespmem:$0x1BB80] =	vst v63  }
0x1b: {  	_ =	swait.ge [sflag:s18], $0x2710  }
0x1c: {  	[sflag:s18] =	ssyncset.done $0x0  }
0x1d: {  	s4 =	simm.s32 $0x70;
	[sflag:s18] =	ssyncadd.s32 $0xFFFFD8F0  }
0x1e: {  	v2 =	vld [tilespmem:s4+$0xFFFFFF90]  }
0x1f: {  	v3 =	vld [tilespmem:s4+$0xFFFFFFA0]  }
0x20: {  	v4 =	vld [tilespmem:s4+$0xFFFFFFB0]  }
0x21: {  	v5 =	vld [tilespmem:s4+$0xFFFFFFC0]  }
0x22: {  	v6 =	vld [tilespmem:s4+$0xFFFFFFD0]  }
0x23: {  	v8 =	vld [tilespmem:s4+$0x2710]  }
0x24: {  	v15 =	vld [tilespmem:s4+$0x2750]  }
0x25: {  	v16 =	vld [tilespmem:s4+$0x2770]  }
0x26: {  	v17 =	vld [tilespmem:s4+$0x2780]  }
0x27: {  	v7 =	vld [tilespmem:s4+$0xFFFFFFE0];
	v2 =	vadd.s32 v0, v2  }
0x28: {  	v3 =	vadd.s32 v0, v3;
	[tilespmem:s4+$0xFFFFFF90] =	vst v2;
	v2 =	vld [tilespmem:s4+$0x0]  }
0x29: {  	[tilespmem:s4+$0xFFFFFFA0] =	vst v3;
	v3 =	vadd.s32 v0, v4;
	v4 =	vld [tilespmem:s4+$0x2720]  }
0x2a: {  	vm0 =	vlt.s32 v8, $0x1388;
	vm5 =	vlt.s32 v15, $0x1388;
	[tilespmem:s4+$0xFFFFFFB0] =	vst v3;
	v3 =	vadd.s32 v0, v5;
	v5 =	vld [tilespmem:s4+$0x2730]  }
0x2b: {  	vm8 =	vlt.s32 v16, $0x1388;
	v12 =	vadd.s32 $0xFFFFEC78, v17;
	[tilespmem:s4+$0xFFFFFFC0] =	vst v3;
	v3 =	vadd.s32 v0, v6;
	v6 =	vld [tilespmem:s4+$0x2740]  }
0x2c: {  	vm9 =	vlt.s32 v17, $0x1388;
	vm10 =	vgt.s32 v12, $0xFFFFFFFF;
	[tilespmem:s4+$0xFFFFFFD0] =	vst v3;
	v3 =	vadd.s32 v0, v7  }
0x2d: {  	v13 =	vnsel vm10, $0x1388, v12;
	v12 =	vnsel vm0, $0x1388, v8;
	[tilespmem:s4+$0xFFFFFFE0] =	vst v3;
	v2 =	vadd.s32 v0, v2  }
0x2e: {  	v3 =	vld [tilespmem:s4+$0x2760];
	vm1 =	vlt.s32 v4, $0x1388;
	v7 =	vadd.s32 $0xFFFFEC78, v4;
	[tilespmem:s4+$0x0] =	vst v2;
	v2 =	vadd.s32 $0xFFFFEC78, v8  }
0x2f: {  	vm3 =	vgt.s32 v7, $0xFFFFFFFF;
	v9 =	vadd.s32 $0xFFFFEC78, v5;
	vm2 =	vgt.s32 v2, $0xFFFFFFFF  }
0x30: {  	vm4 =	vgt.s32 v9, $0xFFFFFFFF;
	v7 =	vnsel vm3, $0x1388, v7;
	vm12 =	vlt.s32 v6, $0x1388  }
0x31: {  	v2 =	vnsel vm2, $0x1388, v2;
	vm2 =	vlt.s32 v5, $0x1388;
	[tilespmem:s4+$0x76A0] =	vst v7;
	v7 =	vadd.s32 $0xFFFFEC78, v15  }
0x32: {  	v9 =	vnsel vm4, $0x1388, v9;
	[tilespmem:s4+$0x7690] =	vst v2;
	v2 =	vadd.s32 $0xFFFFEC78, v6;
	vm6 =	vgt.s32 v7, $0xFFFFFFFF  }
0x33: {  	v18 =	vld [tilespmem:s4+$0xFFFFFFF0];
	[tilespmem:s4+$0x76B0] =	vst v9;
	v9 =	vadd.s32 $0xFFFFEC78, v3;
	vm14 =	vlt.s32 v3, $0x1388;
	vm13 =	vgt.s32 v2, $0xFFFFFFFF  }
0x34: {  	s19 =	simm.s32 $0xF0;
	v8 =	vnsel vm2, $0x1388, v5;
	v5 =	vnsel vm8, $0x1388, v16;
	v2 =	vnsel vm13, $0x1388, v2  }
0x35: {  	v10 =	vld [tilespmem:s19+$0xFFFFFF90];
	vm7 =	vgt.s32 v9, $0xFFFFFFFF;
	v7 =	vnsel vm6, $0x1388, v7;
	[tilespmem:s4+$0x76C0] =	vst v2;
	v2 =	vadd.s32 $0xFFFFEC78, v16  }
0x36: {  	v11 =	vld [tilespmem:s19+$0xFFFFFFA0];
	vm15 =	vgt.s32 v2, $0xFFFFFFFF;
	[tilespmem:s4+$0x76D0] =	vst v7;
	v7 =	vnsel vm7, $0x1388, v9;
	v9 =	vnsel vm1, $0x1388, v4  }
0x37: {  	v4 =	vnsel vm14, $0x1388, v3;
	v3 =	vnsel vm9, $0x1388, v17;
	v19 =	vnsel vm15, $0x1388, v2;
	v14 =	vld [tilespmem:s19+$0xFFFFFFB0];
	[tilespmem:s4+$0x76E0] =	vst v7  }
0x38: {  	s31 =	simm.s32 $0x5C0;
	v7 =	vnsel vm12, $0x1388, v6;
	v6 =	vnsel vm5, $0x1388, v15;
	v2 =	vadd.s32 v0, v18;
	v15 =	vld [tilespmem:s19+$0xFFFFFFC0];
	[tilespmem:s4+$0x76F0] =	vst v19  }
.LBB2_2:
0x39: {  	p1 =	sne.s32 s31, $0x9BC0;
	v16 =	vld [tilespmem:s19+$0xFFFFFFD0];
	[tilespmem:s4+$0x7700] =	vst v13  }
0x3a: {  	v10 =	vadd.s32 v0, v10;
	v13 =	vld [tilespmem:s19+$0xFFFFFFE0];
	[tilespmem:s4+$0x4E90] =	vst v12  }
0x3b: {  	[tilespmem:s19+$0xFFFFFF90] =	vst v10;
	v10 =	vadd.s32 v0, v11;
	v11 =	vld [tilespmem:s19+$0x0]  }
0x3c: {  	v12 =	vld [tilespmem:s19+$0x2710];
	[tilespmem:s19+$0xFFFFFFA0] =	vst v10;
	v10 =	vadd.s32 v0, v14  }
0x3d: {  	v14 =	vld [tilespmem:s19+$0x2720];
	[tilespmem:s19+$0xFFFFFFB0] =	vst v10;
	v10 =	vadd.s32 v0, v15  }
0x3e: {  	v15 =	vld [tilespmem:s19+$0x2730];
	[tilespmem:s19+$0xFFFFFFC0] =	vst v10;
	v10 =	vadd.s32 v0, v16  }
0x3f: {  	v16 =	vld [tilespmem:s19+$0x2740];
	[tilespmem:s19+$0xFFFFFFD0] =	vst v10;
	v10 =	vadd.s32 v0, v13  }
0x40: {  	v17 =	vld [tilespmem:s19+$0x2750];
	[tilespmem:s19+$0xFFFFFFE0] =	vst v10;
	v10 =	vadd.s32 v0, v11  }
0x41: {  	vm0 =	vlt.s32 v12, $0x1388;
	v11 =	vadd.s32 $0xFFFFEC78, v12;
	v18 =	vld [tilespmem:s19+$0x2760];
	[tilespmem:s19+$0x0] =	vst v10  }
0x42: {  	vm7 =	vgt.s32 v11, $0xFFFFFFFF;
	vm1 =	vlt.s32 v14, $0x1388;
	v10 =	vadd.s32 $0xFFFFEC78, v14;
	v19 =	vld [tilespmem:s19+$0x2770];
	[tilespmem:s4+$0x4EA0] =	vst v9  }
0x43: {  	vm9 =	vgt.s32 v10, $0xFFFFFFFF;
	vm2 =	vlt.s32 v15, $0x1388;
	v9 =	vadd.s32 $0xFFFFEC78, v15;
	v20 =	vld [tilespmem:s19+$0x2780];
	[tilespmem:s4+$0x4EB0] =	vst v8  }
0x44: {  	vm10 =	vgt.s32 v9, $0xFFFFFFFF;
	vm3 =	vlt.s32 v16, $0x1388;
	v8 =	vadd.s32 $0xFFFFEC78, v16;
	v21 =	vld [tilespmem:s19+$0xFFFFFFF0];
	[tilespmem:s4+$0x4EC0] =	vst v7  }
0x45: {  	vm11 =	vgt.s32 v8, $0xFFFFFFFF;
	vm4 =	vlt.s32 v17, $0x1388;
	v7 =	vadd.s32 $0xFFFFEC78, v17;
	[tilespmem:s4+$0x4ED0] =	vst v6  }
0x46: {  	vm12 =	vgt.s32 v7, $0xFFFFFFFF;
	vm5 =	vlt.s32 v18, $0x1388;
	v6 =	vadd.s32 $0xFFFFEC78, v18;
	[tilespmem:s4+$0x4EE0] =	vst v4  }
0x47: {  	vm13 =	vgt.s32 v6, $0xFFFFFFFF;
	vm6 =	vlt.s32 v19, $0x1388;
	v4 =	vadd.s32 $0xFFFFEC78, v19;
	[tilespmem:s4+$0x4EF0] =	vst v5  }
0x48: {  	vm14 =	vgt.s32 v4, $0xFFFFFFFF;
	vm8 =	vlt.s32 v20, $0x1388;
	v5 =	vadd.s32 $0xFFFFEC78, v20;
	[tilespmem:s4+$0x4F00] =	vst v3  }
0x49: {  	v10 =	vnsel vm9, $0x1388, v10;
	v3 =	vnsel vm7, $0x1388, v11;
	vm7 =	vgt.s32 v5, $0xFFFFFFFF;
	[tilespmem:s4+$0xFFFFFFF0] =	vst v2;
	s4 =	smov.u32 s19  }
0x4a: {  	v22 =	vnsel vm12, $0x1388, v7;
	v2 =	vnsel vm10, $0x1388, v9;
	[tilespmem:s4+$0x7690] =	vst v3;
	v3 =	vnsel vm11, $0x1388, v8  }
0x4b: {  	v23 =	vnsel vm13, $0x1388, v6;
	v24 =	vnsel vm14, $0x1388, v4;
	v13 =	vnsel vm7, $0x1388, v5;
	[tilespmem:s4+$0x76A0] =	vst v10  }
.Ltmp0:
0x4c: {  	v12 =	vnsel vm0, $0x1388, v12;
	s19 =	sshra.s32 s31, $0x2;
	v9 =	vnsel vm1, $0x1388, v14;
	v8 =	vnsel vm2, $0x1388, v15;
	[tilespmem:s4+$0x76B0] =	vst v2;
	(pc) =	sbr.rel @p1 .LBB2_2-.Ltmp0, $4  }
0x4d: {  	v7 =	vnsel vm3, $0x1388, v16;
	v6 =	vnsel vm4, $0x1388, v17;
	v4 =	vnsel vm5, $0x1388, v18;
	v10 =	vld [tilespmem:s19+$0xFFFFFF90];
	[tilespmem:s4+$0x76C0] =	vst v3  }
0x4e: {  	v5 =	vnsel vm6, $0x1388, v19;
	v2 =	vadd.s32 v0, v21;
	v3 =	vnsel vm8, $0x1388, v20;
	v11 =	vld [tilespmem:s19+$0xFFFFFFA0];
	[tilespmem:s4+$0x76D0] =	vst v22  }
0x4f: {  	v14 =	vld [tilespmem:s19+$0xFFFFFFB0];
	[tilespmem:s4+$0x76E0] =	vst v23  }
0x50: {  	s31 =	sadd.s32 $0x200, s31;
	v15 =	vld [tilespmem:s19+$0xFFFFFFC0];
	[tilespmem:s4+$0x76F0] =	vst v24  }
0x51: {  	v16 =	vld [tilespmem:s19+$0xFFFFFFD0];
	[tilespmem:s4+$0x7700] =	vst v13  }
0x52: {  	v13 =	vld [tilespmem:s19+$0xFFFFFFE0];
	v10 =	vadd.s32 v0, v10;
	[tilespmem:s4+$0x4E90] =	vst v12  }
0x53: {  	[tilespmem:s19+$0xFFFFFF90] =	vst v10;
	v48 =	vld [tilespmem:s19+$0x0];
	v11 =	vadd.s32 v0, v11  }
0x54: {  	v12 =	vld [tilespmem:s19+$0x2710];
	[tilespmem:s19+$0xFFFFFFA0] =	vst v11;
	v49 =	vadd.s32 v0, v14  }
0x55: {  	v50 =	vld [tilespmem:s19+$0x2720];
	[tilespmem:s19+$0xFFFFFFB0] =	vst v49;
	v51 =	vadd.s32 v0, v15  }
0x56: {  	v52 =	vld [tilespmem:s19+$0x2730];
	[tilespmem:s19+$0xFFFFFFC0] =	vst v51;
	v53 =	vadd.s32 v0, v16  }
0x57: {  	v54 =	vld [tilespmem:s19+$0x2740];
	[tilespmem:s19+$0xFFFFFFD0] =	vst v53;
	v55 =	vadd.s32 v0, v13  }
0x58: {  	v56 =	vld [tilespmem:s19+$0x2750];
	[tilespmem:s19+$0xFFFFFFE0] =	vst v55;
	v10 =	vadd.s32 v0, v48  }
0x59: {  	v57 =	vld [tilespmem:s19+$0x2760];
	[tilespmem:s19+$0x0] =	vst v10  }
0x5a: {  	v58 =	vld [tilespmem:s19+$0x2770];
	[tilespmem:s4+$0x4EA0] =	vst v9  }
0x5b: {  	v9 =	vld [tilespmem:s19+$0x2780];
	[tilespmem:s4+$0x4EB0] =	vst v8  }
0x5c: {  	v8 =	vld [tilespmem:s19+$0xFFFFFFF0];
	[tilespmem:s4+$0x4EC0] =	vst v7  }
0x5d: {  	[tilespmem:s4+$0x4ED0] =	vst v6  }
0x5e: {  	[tilespmem:s4+$0x4EE0] =	vst v4  }
0x5f: {  	v59 =	vadd.s32 $0xFFFFEC78, v12;
	[tilespmem:s4+$0x4EF0] =	vst v5  }
0x60: {  	v60 =	vadd.s32 $0xFFFFEC78, v50;
	vm0 =	vgt.s32 v59, $0xFFFFFFFF;
	[tilespmem:s4+$0x4F00] =	vst v3  }
0x61: {  	v61 =	vadd.s32 $0xFFFFEC78, v56;
	vm1 =	vgt.s32 v60, $0xFFFFFFFF;
	v4 =	vnsel vm0, $0x1388, v59;
	[tilespmem:s4+$0xFFFFFFF0] =	vst v2  }
0x62: {  	vm14 =	vgt.s32 v61, $0xFFFFFFFF;
	v3 =	vadd.s32 $0xFFFFEC78, v52;
	v5 =	vnsel vm1, $0x1388, v60;
	[tilespmem:s19+$0x7690] =	vst v4  }
0x63: {  	v2 =	vadd.s32 $0xFFFFEC78, v54;
	vm12 =	vgt.s32 v3, $0xFFFFFFFF;
	[tilespmem:s19+$0x76A0] =	vst v5;
	v4 =	vnsel vm14, $0x1388, v61  }
0x64: {  	v62 =	vadd.s32 $0xFFFFEC78, v57;
	vm13 =	vgt.s32 v2, $0xFFFFFFFF;
	v3 =	vnsel vm12, $0x1388, v3;
	[tilespmem:s19+$0x76D0] =	vst v4  }
0x65: {  	vm15 =	vgt.s32 v62, $0xFFFFFFFF;
	v2 =	vnsel vm13, $0x1388, v2;
	[tilespmem:s19+$0x76B0] =	vst v3;
	v3 =	vadd.s32 $0xFFFFEC78, v58  }
0x66: {  	v5 =	vnsel vm15, $0x1388, v62;
	[tilespmem:s19+$0x76C0] =	vst v2;
	vm4 =	vgt.s32 v3, $0xFFFFFFFF;
	v2 =	vadd.s32 $0xFFFFEC78, v9  }
0x67: {  	[tilespmem:s19+$0x76E0] =	vst v5;
	vm5 =	vgt.s32 v2, $0xFFFFFFFF;
	v3 =	vnsel vm4, $0x1388, v3  }
0x68: {  	vm6 =	vlt.s32 v12, $0x1388;
	v2 =	vnsel vm5, $0x1388, v2;
	[tilespmem:s19+$0x76F0] =	vst v3  }
0x69: {  	vm7 =	vlt.s32 v50, $0x1388;
	v3 =	vnsel vm6, $0x1388, v12;
	[tilespmem:s19+$0x7700] =	vst v2  }
0x6a: {  	vm8 =	vlt.s32 v52, $0x1388;
	v2 =	vnsel vm7, $0x1388, v50;
	[tilespmem:s19+$0x4E90] =	vst v3  }
0x6b: {  	vm9 =	vlt.s32 v54, $0x1388;
	v3 =	vnsel vm8, $0x1388, v52;
	[tilespmem:s19+$0x4EA0] =	vst v2  }
0x6c: {  	vm10 =	vlt.s32 v56, $0x1388;
	v2 =	vnsel vm9, $0x1388, v54;
	[tilespmem:s19+$0x4EB0] =	vst v3  }
0x6d: {  	vm11 =	vlt.s32 v57, $0x1388;
	v3 =	vnsel vm10, $0x1388, v56;
	[tilespmem:s19+$0x4EC0] =	vst v2  }
0x6e: {  	vm12 =	vlt.s32 v58, $0x1388;
	v2 =	vnsel vm11, $0x1388, v57;
	[tilespmem:s19+$0x4ED0] =	vst v3  }
0x6f: {  	vm13 =	vlt.s32 v9, $0x1388;
	v3 =	vnsel vm12, $0x1388, v58;
	[tilespmem:s19+$0x4EE0] =	vst v2  }
0x70: {  	v2 =	vnsel vm13, $0x1388, v9;
	[tilespmem:s19+$0x4EF0] =	vst v3  }
0x71: {  	v3 =	vadd.s32 v0, v8;
	[tilespmem:s19+$0x4F00] =	vst v2  }
0x72: {  	[tilespmem:s19+$0xFFFFFFF0] =	vst v3  }
0x73: {  	[tilespmem:$0x7610] =	vst v1  }
0x74: {  	[tilespmem:$0x9E10] =	vst v1  }
0x75: {  	[tilespmem:$0x7620] =	vst v1  }
0x76: {  	[tilespmem:$0x9E20] =	vst v1  }
0x77: {  	[tilespmem:$0x7630] =	vst v1  }
0x78: {  	[tilespmem:$0x9E30] =	vst v1  }
0x79: {  	[tilespmem:$0x7640] =	vst v1  }
0x7a: {  	v2 =	vld [tilespmem:$0x2700];
	[tilespmem:$0x9E40] =	vst v1  }
0x7b: {  	v3 =	vld [tilespmem:$0x4E80];
	[tilespmem:$0x7650] =	vst v1  }
0x7c: {  	[tilespmem:$0x9E50] =	vst v1  }
0x7d: {  	[tilespmem:$0x7660] =	vst v1  }
0x7e: {  	[tilespmem:$0x9E60] =	vst v1  }
0x7f: {  	[tilespmem:$0x7670] =	vst v1  }
0x80: {  	[tilespmem:$0x9E70] =	vst v1;
	v2 =	vadd.s32 v0, v2;
	vm14 =	vlt.s32 v3, $0x1388;
	v63 =	vadd.s32 $0xFFFFEC78, v3  }
0x81: {  	s3 =	stileid.u32;
	[tilespmem:$0x2700] =	vst v2;
	v2 =	vnsel vm14, $0x1388, v3;
	vm15 =	vgt.s32 v63, $0xFFFFFFFF  }
0x82: {  	s3 =	sshll.u32 s3, $0x6;
	[tilespmem:$0x7600] =	vst v2;
	v2 =	vnsel vm15, $0x1388, v63  }
0x83: {  	s6 =	rddreg [dreg:$0x6];
	s31 =	sor.u32 $0x1C05, s3;
	s19 =	sshrl.u32 s7, $0x3;
	[tilespmem:$0x9E00] =	vst v2  }
0x84: {  	[spmem:s19], [sflag:s31] =	dma.local [hbm:s6], $0x1380  }
0x85: {  	_ =	swait.ge [sflag:s18], $0x1380  }
0x86: {  	[sflag:s18] =	ssyncset.done $0x0;
	s3 =	rddreg [dreg:$0x7]  }
0x87: {  	[sflag:s18] =	ssyncadd.s32 $0xFFFFEC80;
	s4 =	sshrl.u32 @!p0 s3, $0x3;
	s3 =	simm.s32 @!p0 $0x5  }
0x88: {  	[spmem:s4], [sflag:s31] =	dma.local @!p0 [hbm:s10], $0x80  }
0x89: {  	_ =	swait.ge @!p0 [sflag:s3], $0x80  }
0x8a: {  	[sflag:s3] =	ssyncset.done @!p0 $0x0  }
0x8b: {  	[sflag:s3] =	ssyncadd.s32 @!p0 $0xFFFFFF80  }
0x8c: {  	[bflag:$0x0] =	sbarrier.arrive $0xFFFF  }
0x8d: {  	[tilespmem:s22], [sflag:$0x1] =	stream.indirect.gather [hbm4b:s1+s20], $0x80, s21, s20, $0xb8;
	[tilespmem:$0x1BB80] =	vst v63  }
0x8e: {  	_ =	swait.ge [sflag:s23], $0x800  }
0x8f: {  	[sflag:s23] =	ssyncset.done $0x0  }
0x90: {  	s8 =	simm.s32 $0x7600;
	[sflag:s23] =	ssyncadd.s32 $0xFFFFF800  }
0x91: {  	[spmem:s2] =	stream.indirect.scatter.add.f32 [tilespmem:s22], [sflag:$0x5], $0x80, s8, s24, $0xb8;
	[tilespmem:$0x1BB80] =	vst v63  }
0x92: {  	_ =	swait.ge [sflag:s18], $0x4000  }
0x93: {  	[sflag:s18] =	ssyncset.done $0x0  }
0x94: {  	s9 =	simm.s32 $0x0;
	[sflag:s18] =	ssyncadd.s32 $0xFFFFC000  }
0x95: {  	[tilespmem:s22], [sflag:$0x1] =	stream.indirect.gather [hbm4b:s1+s24], $0x80, s9, s24, $0xb8;
	[tilespmem:$0x1BB80] =	vst v63  }
0x96: {  	_ =	swait.ge [sflag:s23], $0x4000  }
0x97: {  	[sflag:s23] =	ssyncset.done $0x0  }
0x98: {  	s5 =	simm.s32 $0x4F00;
	[sflag:s23] =	ssyncadd.s32 $0xFFFFC000  }
0x99: {  	[spmem:s2] =	stream.indirect.scatter.add.f32 [tilespmem:s22], [sflag:$0x3], $0x80, s5, s24, $0xb8;
	[tilespmem:$0x1BB80] =	vst v63  }
0x9a: {  	s6 =	simm.s32 $0x80  }
0x9b: {  	[tilespmem:s26], [sflag:$0x2] =	stream.indirect.gather [hbm4b:s1+s24], $0x80, s6, s24, $0xb8;
	[tilespmem:$0x1BB80] =	vst v63  }
0x9c: {  	_ =	swait.ge [sflag:s28], $0x4000  }
0x9d: {  	[sflag:s28] =	ssyncset.done $0x0  }
0x9e: {  	s8 =	simm.s32 $0x4F80;
	[sflag:s28] =	ssyncadd.s32 $0xFFFFC000  }
0x9f: {  	[spmem:s2] =	stream.indirect.scatter.add.f32 [tilespmem:s26], [sflag:$0x4], $0x80, s8, s24, $0xb8;
	[tilespmem:$0x1BB80] =	vst v63  }
0xa0: {  	_ =	swait.ge [sflag:s29], $0x4000  }
0xa1: {  	[sflag:s29] =	ssyncset.done $0x0  }
0xa2: {  	s9 =	simm.s32 $0x100;
	[sflag:s29] =	ssyncadd.s32 $0xFFFFC000  }
0xa3: {  	[tilespmem:s22], [sflag:$0x1] =	stream.indirect.gather [hbm4b:s1+s24], $0x80, s9, s24, $0xb8;
	[tilespmem:$0x1BB80] =	vst v63  }
0xa4: {  	_ =	swait.ge [sflag:s23], $0x4000  }
0xa5: {  	[sflag:s23] =	ssyncset.done $0x0  }
0xa6: {  	[sflag:s23] =	ssyncadd.s32 $0xFFFFC000  }
0xa7: {  	_ =	swait.ge [sflag:s30], $0x4000  }
0xa8: {  	s3 =	simm.s32 $0x100;
	s5 =	simm.s32 $0x800;
	[sflag:s30] =	ssyncset.done $0x0  }
.LBB2_4:
0xa9: {  	s6 =	sadd.s32 $0x4F00, s3  }
0xaa: {  	[sflag:s30] =	ssyncadd.s32 $0xFFFFC000;
	s8 =	smov.u32 s5;
	s9 =	sadd.s32 $0x400, s5  }
0xab: {  	[spmem:s2] =	stream.indirect.scatter.add.f32 [tilespmem:s22], [sflag:$0x3], $0x80, s6, s24, $0xb8;
	[tilespmem:$0x1BB80] =	vst v63  }
0xac: {  	p1 =	sne.s32 s5, $0x9400;
	s5 =	sadd.s32 $0x80, s3  }
0xad: {  	[tilespmem:s26], [sflag:$0x2] =	stream.indirect.gather [hbm4b:s1+s24], $0x80, s5, s24, $0xb8;
	[tilespmem:$0x1BB80] =	vst v63  }
0xae: {  	_ =	swait.ge [sflag:s28], $0x4000  }
0xaf: {  	[sflag:s28] =	ssyncset.done $0x0  }
0xb0: {  	s5 =	sadd.s32 $0x4F80, s3;
	[sflag:s28] =	ssyncadd.s32 $0xFFFFC000  }
0xb1: {  	[spmem:s2] =	stream.indirect.scatter.add.f32 [tilespmem:s26], [sflag:$0x4], $0x80, s5, s24, $0xb8;
	[tilespmem:$0x1BB80] =	vst v63  }
0xb2: {  	_ =	swait.ge [sflag:s29], $0x4000  }
0xb3: {  	[sflag:s29] =	ssyncset.done $0x0  }
0xb4: {  	s3 =	sadd.s32 $0x100, s3;
	[sflag:s29] =	ssyncadd.s32 $0xFFFFC000  }
0xb5: {  	[tilespmem:s22], [sflag:$0x1] =	stream.indirect.gather [hbm4b:s1+s24], $0x80, s3, s24, $0xb8;
	[tilespmem:$0x1BB80] =	vst v63  }
.Ltmp1:
0xb6: {  	_ =	swait.ge [sflag:s23], $0x4000;
	(pc) =	sbr.rel @p1 .LBB2_4-.Ltmp1, $4  }
0xb7: {  	[sflag:s23] =	ssyncset.done $0x0  }
0xb8: {  	[sflag:s23] =	ssyncadd.s32 $0xFFFFC000  }
0xb9: {  	_ =	swait.ge [sflag:s30], $0x4000  }
0xba: {  	s5 =	smov.u32 s9;
	s3 =	sshra.s32 s8, $0x2;
	[sflag:s30] =	ssyncset.done $0x0  }
0xbb: {  	s5 =	sadd.s32 $0x4F00, s3;
	[sflag:s30] =	ssyncadd.s32 $0xFFFFC000  }
0xbc: {  	[spmem:s2] =	stream.indirect.scatter.add.f32 [tilespmem:s22], [sflag:$0x3], $0x80, s5, s24, $0xb8;
	[tilespmem:$0x1BB80] =	vst v63  }
0xbd: {  	s6 =	sadd.s32 $0x80, s3  }
0xbe: {  	[tilespmem:s26], [sflag:$0x2] =	stream.indirect.gather [hbm4b:s1+s24], $0x80, s6, s24, $0xb8;
	[tilespmem:$0x1BB80] =	vst v63  }
0xbf: {  	_ =	swait.ge [sflag:s28], $0x4000  }
0xc0: {  	[sflag:s28] =	ssyncset.done $0x0  }
0xc1: {  	s8 =	sadd.s32 $0x4F80, s3;
	[sflag:s28] =	ssyncadd.s32 $0xFFFFC000  }
0xc2: {  	[spmem:s2] =	stream.indirect.scatter.add.f32 [tilespmem:s26], [sflag:$0x4], $0x80, s8, s24, $0xb8;
	[tilespmem:$0x1BB80] =	vst v63  }
0xc3: {  	_ =	swait.ge [sflag:s29], $0x4000  }
0xc4: {  	[sflag:s29] =	ssyncset.done $0x0  }
0xc5: {  	s9 =	sadd.s32 $0x100, s3;
	[sflag:s29] =	ssyncadd.s32 $0xFFFFC000  }
0xc6: {  	[tilespmem:s22], [sflag:$0x1] =	stream.indirect.gather [hbm4b:s1+s24], $0x80, s9, s24, $0xb8;
	[tilespmem:$0x1BB80] =	vst v63  }
0xc7: {  	_ =	swait.ge [sflag:s23], $0x4000  }
0xc8: {  	[sflag:s23] =	ssyncset.done $0x0  }
0xc9: {  	[sflag:s23] =	ssyncadd.s32 $0xFFFFC000  }
0xca: {  	_ =	swait.ge [sflag:s30], $0x4000  }
0xcb: {  	[sflag:s30] =	ssyncset.done $0x0  }
0xcc: {  	s5 =	simm.s32 $0x7500;
	[sflag:s30] =	ssyncadd.s32 $0xFFFFC000  }
0xcd: {  	[spmem:s2] =	stream.indirect.scatter.add.f32 [tilespmem:s22], [sflag:$0x3], $0x80, s5, s24, $0xb8;
	[tilespmem:$0x1BB80] =	vst v63  }
0xce: {  	_ = 	snop  }
0xcf: {  	[tilespmem:s26], [sflag:$0x2] =	stream.indirect.gather [hbm4b:s1+s24], $0x80, s0, s24, $0xb8;
	[tilespmem:$0x1BB80] =	vst v63  }
0xd0: {  	_ =	swait.ge [sflag:s28], $0x4000  }
0xd1: {  	[sflag:s28] =	ssyncset.done $0x0  }
0xd2: {  	s6 =	simm.s32 $0x7580;
	[sflag:s28] =	ssyncadd.s32 $0xFFFFC000  }
0xd3: {  	[spmem:s2] =	stream.indirect.scatter.add.f32 [tilespmem:s26], [sflag:$0x4], $0x80, s6, s24, $0xb8;
	[tilespmem:$0x1BB80] =	vst v63  }
0xd4: {  	_ =	swait.ge [sflag:s29], $0x4000  }
0xd5: {  	[sflag:s29] =	ssyncset.done $0x0  }
0xd6: {  	[sflag:s29] =	ssyncadd.s32 $0xFFFFC000  }
0xd7: {  	[tilespmem:s22], [sflag:$0x1] =	stream.indirect.gather [hbm4b:s1+s24], $0x80, s0, s24, $0xb8;
	[tilespmem:$0x1BB80] =	vst v63  }
0xd8: {  	_ =	swait.ge [sflag:s23], $0x4000  }
0xd9: {  	[sflag:s23] =	ssyncset.done $0x0  }
0xda: {  	[sflag:s23] =	ssyncadd.s32 $0xFFFFC000  }
0xdb: {  	_ =	swait.ge [sflag:s30], $0x4000  }
0xdc: {  	[sflag:s30] =	ssyncset.done $0x0  }
0xdd: {  	[sflag:s30] =	ssyncadd.s32 $0xFFFFC000  }
0xde: {  	[bflag:$0x0] =	sbarrier.arrive $0xFFFF  }
0xdf: {  	[hbm:s11], [sflag:s31] =	dma.local [spmem:s19], $0x1380  }
0xe0: {  	_ =	swait.ge [sflag:s18], $0x1380  }
0xe1: {  	[sflag:s18] =	ssyncset.done $0x0  }
0xe2: {  	[sflag:s18] =	ssyncadd.s32 $0xFFFFEC80  }
0xe3: {  	s3 =	sshrl.u32 @p0 s7, $0x3;
	[bflag:$0x0] =	sbarrier.arrive @p0 $0xFFFF  }
0xe4: {  	[spmem:s3], [sflag:s31] =	dma.local @p0 [hbm:s13], $0x1380  }
0xe5: {  	s3 =	simm.s32 @p0 $0x5  }
0xe6: {  	_ =	swait.ge @p0 [sflag:s3], $0x1380  }
0xe7: {  	[sflag:s3] =	ssyncset.done @p0 $0x0  }
0xe8: {  	[sflag:s3] =	ssyncadd.s32 @p0 $0xFFFFEC80;
	s3 =	simm.s32 @!p0 $0x5  }
0xe9: {  	[hbm:s12], [sflag:s31] =	dma.local @!p0 [spmem:s4], $0x80  }
0xea: {  	_ =	swait.ge @!p0 [sflag:s3], $0x80  }
0xeb: {  	[sflag:s3] =	ssyncset.done @!p0 $0x0  }
0xec: {  	[sflag:s3] =	ssyncadd.s32 @!p0 $0xFFFFFF80  }
0xed: {  	s5 =	sshrl.u32 @!p0 s7, $0x3;
	[bflag:$0x0] =	sbarrier.arrive @!p0 $0xFFFF  }
0xee: {  	[spmem:s5], [sflag:s31] =	dma.local @!p0 [hbm:s13], $0x1380  }
0xef: {  	_ =	swait.ge @!p0 [sflag:s3], $0x1380  }
0xf0: {  	[sflag:s3] =	ssyncset.done @!p0 $0x0  }
0xf1: {  	[sflag:s3] =	ssyncadd.s32 @!p0 $0xFFFFEC80  }
0xf2: {  	[spmem:s4], [sflag:s31] =	dma.local @!p0 [hbm:s14], $0x80  }
0xf3: {  	_ =	swait.ge @!p0 [sflag:s3], $0x80  }
0xf4: {  	[sflag:s3] =	ssyncset.done @!p0 $0x0  }
0xf5: {  	[sflag:s3] =	ssyncadd.s32 @!p0 $0xFFFFFF80  }
0xf6: {  	[bflag:$0x0] =	sbarrier.arrive $0xFFFF  }
0xf7: {  	[tilespmem:s22], [sflag:$0x1] =	stream.indirect.gather [hbm4b:s1+s20], $0x80, s21, s20, $0xb8;
	[tilespmem:$0x1BB80] =	vst v63  }
0xf8: {  	_ =	swait.ge [sflag:s23], $0x800  }
0xf9: {  	[sflag:s23] =	ssyncset.done $0x0  }
0xfa: {  	s8 =	simm.s32 $0x9E00;
	[sflag:s23] =	ssyncadd.s32 $0xFFFFF800  }
0xfb: {  	[spmem:s2] =	stream.indirect.scatter.add.f32 [tilespmem:s22], [sflag:$0x5], $0x80, s8, s24, $0xb8;
	[tilespmem:$0x1BB80] =	vst v63  }
0xfc: {  	_ =	swait.ge [sflag:s18], $0x4000  }
0xfd: {  	[sflag:s18] =	ssyncset.done $0x0  }
0xfe: {  	s9 =	simm.s32 $0x0;
	[sflag:s18] =	ssyncadd.s32 $0xFFFFC000  }
0xff: {  	[tilespmem:s22], [sflag:$0x1] =	stream.indirect.gather [hbm4b:s1+s24], $0x80, s9, s24, $0xb8;
	[tilespmem:$0x1BB80] =	vst v63  }
0x100: {  	_ =	swait.ge [sflag:s23], $0x4000  }
0x101: {  	[sflag:s23] =	ssyncset.done $0x0  }
0x102: {  	s5 =	simm.s32 $0x7700;
	[sflag:s23] =	ssyncadd.s32 $0xFFFFC000  }
0x103: {  	[spmem:s2] =	stream.indirect.scatter.add.f32 [tilespmem:s22], [sflag:$0x3], $0x80, s5, s24, $0xb8;
	[tilespmem:$0x1BB80] =	vst v63  }
0x104: {  	s6 =	simm.s32 $0x80  }
0x105: {  	[tilespmem:s26], [sflag:$0x2] =	stream.indirect.gather [hbm4b:s1+s24], $0x80, s6, s24, $0xb8;
	[tilespmem:$0x1BB80] =	vst v63  }
0x106: {  	_ =	swait.ge [sflag:s28], $0x4000  }
0x107: {  	[sflag:s28] =	ssyncset.done $0x0  }
0x108: {  	s8 =	simm.s32 $0x7780;
	[sflag:s28] =	ssyncadd.s32 $0xFFFFC000  }
0x109: {  	[spmem:s2] =	stream.indirect.scatter.add.f32 [tilespmem:s26], [sflag:$0x4], $0x80, s8, s24, $0xb8;
	[tilespmem:$0x1BB80] =	vst v63  }
0x10a: {  	_ =	swait.ge [sflag:s29], $0x4000  }
0x10b: {  	[sflag:s29] =	ssyncset.done $0x0  }
0x10c: {  	s9 =	simm.s32 $0x100;
	[sflag:s29] =	ssyncadd.s32 $0xFFFFC000  }
0x10d: {  	[tilespmem:s22], [sflag:$0x1] =	stream.indirect.gather [hbm4b:s1+s24], $0x80, s9, s24, $0xb8;
	[tilespmem:$0x1BB80] =	vst v63  }
0x10e: {  	_ =	swait.ge [sflag:s23], $0x4000  }
0x10f: {  	[sflag:s23] =	ssyncset.done $0x0  }
0x110: {  	[sflag:s23] =	ssyncadd.s32 $0xFFFFC000  }
0x111: {  	_ =	swait.ge [sflag:s30], $0x4000  }
0x112: {  	s3 =	simm.s32 $0x100;
	s5 =	simm.s32 $0x800;
	[sflag:s30] =	ssyncset.done $0x0  }
.LBB2_6:
0x113: {  	s6 =	sadd.s32 $0x7700, s3  }
0x114: {  	[sflag:s30] =	ssyncadd.s32 $0xFFFFC000;
	s8 =	smov.u32 s5;
	s9 =	sadd.s32 $0x400, s5  }
0x115: {  	[spmem:s2] =	stream.indirect.scatter.add.f32 [tilespmem:s22], [sflag:$0x3], $0x80, s6, s24, $0xb8;
	[tilespmem:$0x1BB80] =	vst v63  }
0x116: {  	p1 =	sne.s32 s5, $0x9400;
	s5 =	sadd.s32 $0x80, s3  }
0x117: {  	[tilespmem:s26], [sflag:$0x2] =	stream.indirect.gather [hbm4b:s1+s24], $0x80, s5, s24, $0xb8;
	[tilespmem:$0x1BB80] =	vst v63  }
0x118: {  	_ =	swait.ge [sflag:s28], $0x4000  }
0x119: {  	[sflag:s28] =	ssyncset.done $0x0  }
0x11a: {  	s5 =	sadd.s32 $0x7780, s3;
	[sflag:s28] =	ssyncadd.s32 $0xFFFFC000  }
0x11b: {  	[spmem:s2] =	stream.indirect.scatter.add.f32 [tilespmem:s26], [sflag:$0x4], $0x80, s5, s24, $0xb8;
	[tilespmem:$0x1BB80] =	vst v63  }
0x11c: {  	_ =	swait.ge [sflag:s29], $0x4000  }
0x11d: {  	[sflag:s29] =	ssyncset.done $0x0  }
0x11e: {  	s3 =	sadd.s32 $0x100, s3;
	[sflag:s29] =	ssyncadd.s32 $0xFFFFC000  }
0x11f: {  	[tilespmem:s22], [sflag:$0x1] =	stream.indirect.gather [hbm4b:s1+s24], $0x80, s3, s24, $0xb8;
	[tilespmem:$0x1BB80] =	vst v63  }
.Ltmp2:
0x120: {  	_ =	swait.ge [sflag:s23], $0x4000;
	(pc) =	sbr.rel @p1 .LBB2_6-.Ltmp2, $4  }
0x121: {  	[sflag:s23] =	ssyncset.done $0x0  }
0x122: {  	[sflag:s23] =	ssyncadd.s32 $0xFFFFC000  }
0x123: {  	_ =	swait.ge [sflag:s30], $0x4000  }
0x124: {  	s5 =	smov.u32 s9;
	s3 =	sshra.s32 s8, $0x2;
	[sflag:s30] =	ssyncset.done $0x0  }
0x125: {  	s5 =	sadd.s32 $0x7700, s3;
	[sflag:s30] =	ssyncadd.s32 $0xFFFFC000  }
0x126: {  	[spmem:s2] =	stream.indirect.scatter.add.f32 [tilespmem:s22], [sflag:$0x3], $0x80, s5, s24, $0xb8;
	[tilespmem:$0x1BB80] =	vst v63  }
0x127: {  	s8 =	sadd.s32 $0x80, s3  }
0x128: {  	[tilespmem:s26], [sflag:$0x2] =	stream.indirect.gather [hbm4b:s1+s24], $0x80, s8, s24, $0xb8;
	[tilespmem:$0x1BB80] =	vst v63  }
0x129: {  	_ =	swait.ge [sflag:s28], $0x4000  }
0x12a: {  	[sflag:s28] =	ssyncset.done $0x0  }
0x12b: {  	s9 =	sadd.s32 $0x7780, s3;
	[sflag:s28] =	ssyncadd.s32 $0xFFFFC000  }
0x12c: {  	[spmem:s2] =	stream.indirect.scatter.add.f32 [tilespmem:s26], [sflag:$0x4], $0x80, s9, s24, $0xb8;
	[tilespmem:$0x1BB80] =	vst v63  }
0x12d: {  	_ =	swait.ge [sflag:s29], $0x4000  }
0x12e: {  	[sflag:s29] =	ssyncset.done $0x0  }
0x12f: {  	s6 =	sadd.s32 $0x100, s3;
	[sflag:s29] =	ssyncadd.s32 $0xFFFFC000  }
0x130: {  	[tilespmem:s22], [sflag:$0x1] =	stream.indirect.gather [hbm4b:s1+s24], $0x80, s6, s24, $0xb8;
	[tilespmem:$0x1BB80] =	vst v63  }
0x131: {  	_ =	swait.ge [sflag:s23], $0x4000  }
0x132: {  	[sflag:s23] =	ssyncset.done $0x0  }
0x133: {  	[sflag:s23] =	ssyncadd.s32 $0xFFFFC000  }
0x134: {  	_ =	swait.ge [sflag:s30], $0x4000  }
0x135: {  	[sflag:s30] =	ssyncset.done $0x0  }
0x136: {  	s8 =	simm.s32 $0x9D00;
	[sflag:s30] =	ssyncadd.s32 $0xFFFFC000  }
0x137: {  	[spmem:s2] =	stream.indirect.scatter.add.f32 [tilespmem:s22], [sflag:$0x3], $0x80, s8, s24, $0xb8;
	[tilespmem:$0x1BB80] =	vst v63  }
0x138: {  	_ = 	snop  }
0x139: {  	[tilespmem:s26], [sflag:$0x2] =	stream.indirect.gather [hbm4b:s1+s24], $0x80, s0, s24, $0xb8;
	[tilespmem:$0x1BB80] =	vst v63  }
0x13a: {  	_ =	swait.ge [sflag:s28], $0x4000  }
0x13b: {  	[sflag:s28] =	ssyncset.done $0x0  }
0x13c: {  	s9 =	simm.s32 $0x9D80;
	[sflag:s28] =	ssyncadd.s32 $0xFFFFC000  }
0x13d: {  	[spmem:s2] =	stream.indirect.scatter.add.f32 [tilespmem:s26], [sflag:$0x4], $0x80, s9, s24, $0xb8;
	[tilespmem:$0x1BB80] =	vst v63  }
0x13e: {  	_ =	swait.ge [sflag:s29], $0x4000  }
0x13f: {  	[sflag:s29] =	ssyncset.done $0x0  }
0x140: {  	[sflag:s29] =	ssyncadd.s32 $0xFFFFC000  }
0x141: {  	[tilespmem:s22], [sflag:$0x1] =	stream.indirect.gather [hbm4b:s1+s24], $0x80, s0, s24, $0xb8;
	[tilespmem:$0x1BB80] =	vst v63  }
0x142: {  	_ =	swait.ge [sflag:s23], $0x4000  }
0x143: {  	[sflag:s23] =	ssyncset.done $0x0  }
0x144: {  	[sflag:s23] =	ssyncadd.s32 $0xFFFFC000  }
0x145: {  	_ =	swait.ge [sflag:s30], $0x4000  }
0x146: {  	[sflag:s30] =	ssyncset.done $0x0  }
0x147: {  	[sflag:s30] =	ssyncadd.s32 $0xFFFFC000  }
0x148: {  	[bflag:$0x0] =	sbarrier.arrive $0xFFFF  }
0x149: {  	[hbm:s15], [sflag:s31] =	dma.local [spmem:s19], $0x1380  }
0x14a: {  	_ =	swait.ge [sflag:s18], $0x1380  }
0x14b: {  	s25 =	sadd.s32 $0x1, s25;
	[sflag:s18] =	ssyncset.done $0x0  }
0x14c: {  	s3 =	simm.s32 @!p0 $0x5;
	p1 =	sne.s32 s25, s17;
	[sflag:s18] =	ssyncadd.s32 $0xFFFFEC80  }
0x14d: {  	[hbm:s16], [sflag:s31] =	dma.local @!p0 [spmem:s4], $0x80  }
.Ltmp3:
0x14e: {  	_ =	swait.ge @!p0 [sflag:s3], $0x80;
	(pc) =	sbr.rel @p1 .LBB2_1-.Ltmp3, $3  }
0x14f: {  	[sflag:s3] =	ssyncset.done @!p0 $0x0  }
0x150: {  	[sflag:s3] =	ssyncadd.s32 @!p0 $0xFFFFFF80  }
0x151: {  	[bflag:$0x0] =	sbarrier.arrive $0xFFFF;
	_ =	sdelay $0x1  }
0x152: {  	_ =	sfence.sel $0x180000  }
0x153: {  	[bflag:$0x0] =	sbarrier.arrive $0xFFFF  }
0x154: {  	_ =	strace $0x9000004D  }
0x155: {  	[bflag:$0x2] =	sbarrier.arrive $0xFFFF  }
0x156: {  	s0 =	rddreg [dreg:$0x3]  }
0x157: {  	s0 =	sadd.s32 @!p0 $0x100000, s0  }
0x158: {  	[sflag:s0] =	ssyncadd.tile.s32 @!p0 $0x1;
	_ =	shalt  }
.Lfunc_end2:
_tile_overlayer_lowered:
.L_overlay_start_2:
0x159: {  	(tag) =	ssettag $0x2  }
0x15a: {  	s0 =	rddreg [dreg:$0x0];
	s2 =	stileid.u32  }
0x15b: {  	s1 =	rddreg [dreg:$0x1];
	p0 =	sne.s32 s2, $0x0  }
0x15c: {  	s3 =	rddreg [dreg:$0x2];
	[bflag:$0x3] =	sbarrier.arrive $0xFFFF;
	s2 =	simm.s32 @!p0 $0x1C05  }
0x15d: {  	[timem:s3], [sflag:s2] =	dma.local @!p0 [hbm:s0], s1  }
0x15e: {  	s0 =	simm.s32 @!p0 $0x5  }
0x15f: {  	_ =	swait.ge @!p0 [sflag:s0], s1  }
0x160: {  	s1 =	ssub.s32 @!p0 $0x0, s1;
	[sflag:s0] =	ssyncset.done @!p0 $0x0  }
0x161: {  	[sflag:s0] =	ssyncadd.s32 @!p0 s1  }
0x162: {  	[bflag:$0x3] =	sbarrier.arrive $0xFFFF  }
0x163: {  	_ =	shalt  }

// kernel: kernel.8.cloned.1.call-start
scs
__scs_entry_jumppad:
0x0: {  	(pc) =	sbr.rel $0x88, $3  }
0x1: {  	(tag) =	ssettag $0x0;
	lr =	simm.s32 $0x1  }
0x2: {  	[smem:$0x3F9B] =	sst lr;
	_ =	strace $0xD0000000  }
0x3: {  	_ = 	snop  }
0x4: {  	_ = 	snop  }
0x5: {  	_ = 	snop  }
0x6: {  	_ = 	snop  }
0x7: {  	_ = 	snop  }
__scs_overlays_trampoline_lowered:
0x8: {  	[smem:$0x3FAA] =	sst s0  }
0x9: {  	[smem:$0x3FAB] =	sst s1  }
0xa: {  	[smem:$0x3FAC] =	sst s2  }
0xb: {  	[smem:$0x3FAD] =	sst s3  }
0xc: {  	[smem:$0x3FAE] =	sst s4  }
0xd: {  	[smem:$0x3FAF] =	sst s5  }
0xe: {  	[smem:$0x3FB0] =	sst s6  }
0xf: {  	[smem:$0x3FB1] =	sst s7  }
0x10: {  	[smem:$0x3FB2] =	sst s8  }
0x11: {  	[smem:$0x3FB3] =	sst s9;
	s0 =	simm.s32 @!p0 $0x0  }
0x12: {  	s1 =	sld [smem:$0x3F99];
	s0 =	simm.s32 @p0 $0x1  }
0x13: {  	[smem:$0x3FB4] =	sst s0;
	s0 =	simm.s32 @!p1 $0x0  }
0x14: {  	s2 =	sld [smem:$0x3F98];
	s0 =	simm.s32 @p1 $0x1  }
0x15: {  	[smem:$0x3FB5] =	sst s0;
	s0 =	simm.s32 @!p2 $0x0  }
0x16: {  	s3 =	sld [smem:$0x3FDB];
	s0 =	simm.s32 @p2 $0x1  }
0x17: {  	s4 =	simm.s32 $0x1BF5;
	[smem:$0x3FB7] =	sst s0  }
0x18: {  	s0 =	sld [smem:$0x3F9A];
	_ =	swait.ge [sflag:s4], $0x0  }
0x19: {  	s7 =	sld [smem:$0x3F9B]  }
0x1a: {  	s8 =	sadd.s32 $0xFFFFE003, lr  }
0x1b: {  	s9 =	sadd.s32 $0xFFFFFEF7, lr;
	s5 =	simm.s32 $0xFFFFFFFF;
	p2 =	slt.u32 s8, $0xFFFFF086  }
0x1c: {  	p1 =	slt.u32 s9, $0xF7A;
	s5 =	simm.s32 @!p2 $0x0  }
0x1d: {  	s5 =	simm.s32 @p1 $0x1;
	p0 =	seq.s32 s7, s2  }
0x1e: {  	s7 =	smul.u32 @!p0 $0xF7A, s2;
	p2 =	seq.s32 @!p0 s5, $0x0  }
0x1f: {  	s9 =	smul.u32 $0xF7A, s1;
	s8 =	simm.s32 @!p0 $0x1BF5;
	p2 =	por !p2, p0  }
0x20: {  	[sflag:s8] =	ssyncset.s32 @!p0 $0xFFFFF086;
	s6 =	sadd.s32 @!p0 s3, s7;
	s7 =	simm.s32 @!p0 $0x108  }
0x21: {  	s3 =	sadd.s32 s3, s9;
	s6 =	sadd.s32 @!p0 $0x88, s6;
	s7 =	simm.s32 @p2 $0x1082  }
0x22: {  	[simem:s7], [sflag:s8] =	dma.local @!p0 [hbm:s6], $0xF7A  }
0x23: {  	s9 =	sor.u32 $0xD0000000, s2;
	s6 =	simm.s32 $0x108;
	_ =	swait.ge @!p0 [sflag:s8], $0x0  }
0x24: {  	s3 =	sadd.s32 $0x88, s3;
	s6 =	simm.s32 @!p1 $0x1082;
	[sflag:s4] =	ssyncset.s32 $0xFFFFF086  }
0x25: {  	[simem:s6], [sflag:s4] =	dma.local [hbm:s3], $0xF7A  }
0x26: {  	[smem:$0x3F9B] =	sst s1;
	(tag) =	ssettag s2;
	_ =	strace s9  }
0x27: {  	s1 =	sld [smem:$0x3FAB]  }
0x28: {  	s2 =	sld [smem:$0x3FAC]  }
0x29: {  	s4 =	sld [smem:$0x3FAE]  }
0x2a: {  	p0 =	seq.s32 s5, $0x0;
	s5 =	sld [smem:$0x3FAF]  }
0x2b: {  	s6 =	sld [smem:$0x3FB0]  }
0x2c: {  	s7 =	sld [smem:$0x3FB1]  }
0x2d: {  	s3 =	simm.s32 $0x108;
	s8 =	sld [smem:$0x3FB2]  }
0x2e: {  	s3 =	simm.s32 @!p0 $0x1082;
	s9 =	sld [smem:$0x3FB3]  }
0x2f: {  	lr =	sadd.s32 s0, s3;
	s0 =	sld [smem:$0x3FAA]  }
0x30: {  	s3 =	sld [smem:$0x3FAD]  }
0x31: {  	[smem:$0x3FB6] =	sst s10  }
0x32: {  	s10 =	sld [smem:$0x3FB4];
	_ =	sdelay $0x3  }
0x33: {  	p0 =	seq.s32 s10, $0x1;
	s10 =	sld [smem:$0x3FB6];
	_ =	sdelay $0x3  }
0x34: {  	[smem:$0x3FB6] =	sst s10  }
0x35: {  	s10 =	sld [smem:$0x3FB5];
	_ =	sdelay $0x3  }
0x36: {  	p1 =	seq.s32 s10, $0x1;
	s10 =	sld [smem:$0x3FB6];
	_ =	sdelay $0x3  }
0x37: {  	[smem:$0x3FB6] =	sst s10  }
0x38: {  	s10 =	sld [smem:$0x3FB7]  }
0x39: {  	_ = 	snop;
	(pc) =	sbr.ind lr, $3  }
0x3a: {  	_ = 	snop  }
0x3b: {  	_ = 	snop  }
0x3c: {  	p2 =	seq.s32 s10, $0x1;
	s10 =	sld [smem:$0x3FB6]  }
0x3d: {  	_ =	shalt  }
0x3e: {  	_ =	shalt  }
0x3f: {  	_ =	shalt  }
0x40: {  	_ =	shalt  }
0x41: {  	_ =	shalt  }
0x42: {  	_ =	shalt  }
0x43: {  	_ =	shalt  }
0x44: {  	_ =	shalt  }
0x45: {  	_ =	shalt  }
0x46: {  	_ =	shalt  }
0x47: {  	_ =	shalt  }
0x48: {  	_ =	shalt  }
0x49: {  	_ =	shalt  }
0x4a: {  	_ =	shalt  }
0x4b: {  	_ =	shalt  }
0x4c: {  	_ =	shalt  }
0x4d: {  	_ =	shalt  }
0x4e: {  	_ =	shalt  }
0x4f: {  	_ =	shalt  }
0x50: {  	_ =	shalt  }
0x51: {  	_ =	shalt  }
0x52: {  	_ =	shalt  }
0x53: {  	_ =	shalt  }
0x54: {  	_ =	shalt  }
0x55: {  	_ =	shalt  }
0x56: {  	_ =	shalt  }
0x57: {  	_ =	shalt  }
0x58: {  	_ =	shalt  }
0x59: {  	_ =	shalt  }
0x5a: {  	_ =	shalt  }
0x5b: {  	_ =	shalt  }
0x5c: {  	_ =	shalt  }
0x5d: {  	_ =	shalt  }
0x5e: {  	_ =	shalt  }
0x5f: {  	_ =	shalt  }
0x60: {  	_ =	shalt  }
0x61: {  	_ =	shalt  }
0x62: {  	_ =	shalt  }
0x63: {  	_ =	shalt  }
0x64: {  	_ =	shalt  }
0x65: {  	_ =	shalt  }
0x66: {  	_ =	shalt  }
0x67: {  	_ =	shalt  }
0x68: {  	_ =	shalt  }
0x69: {  	_ =	shalt  }
0x6a: {  	_ =	shalt  }
0x6b: {  	_ =	shalt  }
0x6c: {  	_ =	shalt  }
0x6d: {  	_ =	shalt  }
0x6e: {  	_ =	shalt  }
0x6f: {  	_ =	shalt  }
0x70: {  	_ =	shalt  }
0x71: {  	_ =	shalt  }
0x72: {  	_ =	shalt  }
0x73: {  	_ =	shalt  }
0x74: {  	_ =	shalt  }
0x75: {  	_ =	shalt  }
0x76: {  	_ =	shalt  }
0x77: {  	_ =	shalt  }
0x78: {  	_ =	shalt  }
0x79: {  	_ =	shalt  }
0x7a: {  	_ =	shalt  }
0x7b: {  	_ =	shalt  }
0x7c: {  	_ =	shalt  }
0x7d: {  	_ =	shalt  }
0x7e: {  	_ =	shalt  }
0x7f: {  	_ =	shalt  }
0x80: {  	_ =	shalt  }
0x81: {  	_ =	shalt  }
0x82: {  	_ =	shalt  }
0x83: {  	_ =	shalt  }
0x84: {  	_ =	shalt  }
0x85: {  	_ =	shalt  }
0x86: {  	_ =	shalt  }
0x87: {  	_ =	shalt  }
.Lfunc_end0:
.L_simem_size_0:
called_computation_lowered:
.L_overlay_start_0:
0x88: {  	s2 =	sld [smem:$0x3FD9]  }
0x89: {  	s3 =	sld [smem:$0x3FFE];
	_ =	sdelay $0x1  }
0x8a: {  	s1 =	srdreg.scid  }
0x8b: {  	s0 =	sand.u32 $0x1, s1  }
0x8c: {  	s17 =	sshll.u32 s0, $0xA;
	s2 =	sadd.s32 s3, s2  }
0x8d: {  	s2 =	sadd.s32 s2, s17  }
0x8e: {  	[smem:$0x3FC2] =	sst s2  }
0x8f: {  	_ = 	snop  }
0x90: {  	s2 =	sld [smem:$0x3FD0];
	(tm) =	ssettm $0x1  }
0x91: {  	s18 =	sld [smem:$0x3FFB];
	_ =	sdelay $0x3  }
0x92: {  	_ =	strace s18  }
0x93: {  	s3 =	sld [smem:$0x3FFC];
	_ =	sdelay $0x3  }
0x94: {  	_ =	strace s3  }
0x95: {  	s3 =	sld [smem:$0x3FFD];
	_ =	sdelay $0x3  }
0x96: {  	_ =	strace s3  }
0x97: {  	_ =	strace $0x8FFFFFFF  }
0x98: {  	s19 =	sld [smem:$0x3FDB];
	_ =	sdelay $0x1  }
0x99: {  	s4 =	simm.s32 $_scs_section_size  }
0x9a: {  	s5 =	simm.s32 $_size__tile_overlayer_lowered;
	s6 =	simm.s32 $_tile_overlayer_lowered  }
0x9b: {  	s22 =	simm.s32 $0x1BFF;
	s21 =	sshll.u32 s6, $0x1;
	s3 =	sadd.s32 s4, s19  }
0x9c: {  	s7 =	simm.s32 $0x0;
	s20 =	sshll.u32 s5, $0x1;
	s5 =	sadd.s32 s21, s3  }
0x9d: {  	[timem:s7], [sflag:s22] =	dma.local [hbm:s5], s20  }
0x9e: {  	_ =	swait.ge [sflag:s22], s20  }
0x9f: {  	s4 =	ssub.s32 $0x0, s20;
	[sflag:s22] =	ssyncset.done $0x0  }
0xa0: {  	[sflag:s22] =	ssyncadd.s32 s4;
	_ =	sdelay $0x1  }
0xa1: {  	s23 =	simm.s32 $0x1B8B  }
0xa2: {  	_ =	swait.ge [sflag:s23], $0x1  }
0xa3: {  	[sflag:s23] =	ssyncset.done $0x0  }
0xa4: {  	s25 =	simm.s32 $0x1B8E;
	s24 =	sld [smem:$0x3FFE];
	[sflag:s23] =	ssyncadd.s32 $0xFFFFFFFF  }
0xa5: {  	s26 =	simm.s32 $execute0_lowered;
	[smem:$0x3FD2] =	sst s25  }
0xa6: {  	s5 =	sshll.u32 s26, $0x1;
	_ =	strace $0x80000046;
	[dreg:$0x1] =	wrdreg $0xFFFFFFFF  }
0xa7: {  	s28 =	simm.s32 $_size_execute0_lowered;
	s3 =	sadd.s32 s3, s5;
	[dreg:$0x0] =	wrdreg $0x0  }
0xa8: {  	s5 =	sshll.u32 s28, $0x1;
	[dreg:$0x2] =	wrdreg s3  }
0xa9: {  	[dreg:$0x3] =	wrdreg s5  }
0xaa: {  	[dreg:$0x4] =	wrdreg $0xC0  }
0xab: {  	_ =	task [dreg:s7], $0x5FFFF  }
0xac: {  	[dreg:$0x1] =	wrdreg $0xFFFFFFFF  }
0xad: {  	[dreg:$0x0] =	wrdreg $0x60  }
0xae: {  	[dreg:$0x2] =	wrdreg s24  }
0xaf: {  	[dreg:$0x3] =	wrdreg s2  }
0xb0: {  	[dreg:$0x4] =	wrdreg $0x29000  }
0xb1: {  	[dreg:$0x5] =	wrdreg $0x9  }
0xb2: {  	_ =	task.clear_ibuf [dreg:s7], $0x6FFFF;
	_ =	strace $0x90000046  }
0xb3: {  	s29 =	simm.s32 $0x9;
	_ =	strace $0x80000048  }
0xb4: {  	_ =	swait.ge [sflag:s29], $0x1  }
0xb5: {  	[sflag:s29] =	ssyncadd.s32 $0xFFFFFFFF  }
0xb6: {  	_ =	strace $0x90000048  }
0xb7: {  	_ =	sfence  }
0xb8: {  	s30 =	sld [smem:$0x0];
	_ =	sdelay $0x2  }
0xb9: {  	s31 =	sshll.u32 s1, $0xD;
	s1 =	sshrl.u32 s1, $0x2  }
0xba: {  	s3 =	sand.u32 $0x4000, s31;
	s1 =	sadd.s32 s1, s30  }
0xbb: {  	s0 =	sor.u32 s3, s0;
	s1 =	sshll.u32 s1, $0x11  }
0xbc: {  	s0 =	sor.u32 s1, s0  }
0xbd: {  	s0 =	sadd.s32 $0x8F2B, s0  }
0xbe: {  	[sflag:s0] =	ssyncadd.remote.s32 $0x1  }
0xbf: {  	_ =	sfence.sel $0xFFFF  }
0xc0: {  	[dreg:$0x0] =	wrdreg $0xFFFFFFFF;
	(pc) =	sbr.abs _section_cstart, $3  }
0xc1: {  	[dreg:$0x1] =	wrdreg $0xFFFFFFFF  }
0xc2: {  	_ =	task.clear_ibuf [dreg:s7], $0x2FFFF;
	_ =	strace $0x9FFFFFFF  }
0xc3: {  	(tm) =	ssettm $0x7FFFFFFF  }
tec
execute0_lowered:
.L_overlay_start_1:
0x0: {  	(tag) =	ssettag $0x1  }
0x1: {  	s4 =	rddreg [dreg:$0x0]  }
0x2: {  	s5 =	rddreg [dreg:$0x1]  }
0x3: {  	s1 =	rddreg [dreg:$0x2];
	s3 =	srdreg.scid  }
0x4: {  	s0 =	rddreg [dreg:$0x3];
	s2 =	simm.s32 $0x0;
	s6 =	sand.u32 $0x1, s3  }
0x5: {  	[smem:$0x7FF] =	sst s2;
	s7 =	smul.u32 $0x2710, s6  }
0x6: {  	s3 =	stileid.u32;
	s8 =	ssub.s32 $0x2, s6;
	s6 =	smul.u32 $0x500, s6  }
0x7: {  	s11 =	simm.s32 $0x0;
	_ =	strace $0x80000047;
	s10 =	smul.u32 $0xA, s3  }
0x8: {  	p0 =	sne.s32 s3, $0x0;
	s9 =	sshrl.u32 s8, $0x1;
	s7 =	sadd.s32 s7, s4  }
0x9: {  	s4 =	sadd.s32 $0x1200, s4;
	s8 =	ssub.s32 s8, s9;
	s5 =	sadd.s32 s5, s6  }
0xa: {  	s9 =	simm.s32 $0x2;
	s6 =	smax.u32 s8, $0x1;
	s7 =	sadd.s32 s10, s7  }
0xb: {  	v0 =	vimm.f32 $0.0e+00;
	s8 =	simm.s32 $0x100;
	s10 =	sshrl.u32 @!p0 s1, $0x3;
	s7 =	sadd.s32 $0x6A00, s7  }
.LBB2_1:
.Ltmp0:
0xc: {  	(pc) =	sbr.rel @p0 .LBB2_5-.Ltmp0, $1  }
0xd: {  	_ =	sdelay $0x3  }
0xe: {  	s12 =	sshra.s32 s2, $0x2;
	s13 =	sadd.s32 $0x200, s2  }
.LBB2_3:
0xf: {  	p1 =	sne.s32 s13, $0x9E00;
	[tilespmem:s12+$0x170] =	vst v0  }
0x10: {  	[tilespmem:s12+$0x100] =	vst v0  }
0x11: {  	[tilespmem:s12+$0x110] =	vst v0  }
.Ltmp1:
0x12: {  	[tilespmem:s12+$0x120] =	vst v0;
	(pc) =	sbr.rel @p1 .LBB2_3-.Ltmp1, $4  }
0x13: {  	[tilespmem:s12+$0x130] =	vst v0  }
0x14: {  	[tilespmem:s12+$0x140] =	vst v0  }
0x15: {  	[tilespmem:s12+$0x150] =	vst v0  }
0x16: {  	[tilespmem:s12+$0x160] =	vst v0;
	s12 =	sshra.s32 s13, $0x2;
	s13 =	sadd.s32 $0x200, s13  }
0x17: {  	[tilespmem:s12+$0x170] =	vst v0  }
0x18: {  	[tilespmem:s12+$0x100] =	vst v0  }
0x19: {  	[tilespmem:s12+$0x110] =	vst v0  }
0x1a: {  	[tilespmem:s12+$0x120] =	vst v0  }
0x1b: {  	[tilespmem:s12+$0x130] =	vst v0  }
0x1c: {  	[tilespmem:s12+$0x140] =	vst v0  }
0x1d: {  	[tilespmem:s12+$0x150] =	vst v0  }
0x1e: {  	[tilespmem:s12+$0x160] =	vst v0  }
0x1f: {  	[spmem:s1] =	stream.linear.scatter [tilespmem:s8], [sflag:$0x2], $0x2800, $0x38;
	[tilespmem:$0x2B80] =	vst v63  }
0x20: {  	_ =	swait.ge [sflag:s9], $0x2800  }
0x21: {  	[sflag:s9] =	ssyncset.done $0x0  }
0x22: {  	[sflag:s9] =	ssyncadd.s32 $0xFFFFD800  }
.LBB2_5:
0x23: {  	s12 =	sadd.s32 $0x0, s3  }
0x24: {  	p2 =	sgt.u32 s12, $0x3E7  }
0x25: {  	[bflag:$0x0] =	sbarrier.arrive $0xFFFF;
	s12 =	simm.s32 @!p2 $0x0;
	s13 =	simm.s32 @!p2 $0x3  }
0x26: {  	[tilespmem:s12], [sflag:$0x3] =	stream.linear.gather @!p2 [hbm4b:s7+s12], $0x50, $0x38;
	[tilespmem:$0x2B80] =	vst v63  }
0x27: {  	_ =	swait.ge @!p2 [sflag:s13], $0x50  }
0x28: {  	p1 =	por p2, p2;
	[sflag:s13] =	ssyncset.done @!p2 $0x0  }
0x29: {  	[sflag:s13] =	ssyncadd.s32 @!p1 $0xFFFFFFB0  }
0x2a: {  	v1 =	vld @!p1 [tilespmem:$0x40];
	_ =	sdelay $0x1  }
0x2b: {  	v2 =	vld @!p1 [tilespmem:$0x30];
	_ =	sdelay $0x1  }
0x2c: {  	v3 =	vld @!p1 [tilespmem:$0x20]  }
0x2d: {  	v5 =	vld @!p1 [tilespmem:$0x0];
	v4 =	vshrl.u32 @!p1 v1, $0x7  }
0x2e: {  	v1 =	vand.u32 @!p1 $0x7F, v1;
	[tilespmem:$0xC0] =	vst @!p1 v4  }
0x2f: {  	v6 =	vshrl.u32 @!p1 v2, $0x7;
	v4 =	vld @!p1 [tilespmem:$0x10];
	[tilespmem:$0x40] =	vst @!p1 v1  }
0x30: {  	v2 =	vand.u32 @!p1 $0x7F, v2;
	[tilespmem:$0xB0] =	vst @!p1 v6  }
0x31: {  	v1 =	vshrl.u32 @!p1 v3, $0x7;
	[tilespmem:$0x30] =	vst @!p1 v2  }
0x32: {  	v2 =	vand.u32 @!p1 $0x7F, v5;
	[tilespmem:$0xA0] =	vst @!p1 v1  }
0x33: {  	v1 =	vand.u32 @!p1 $0x7F, v3;
	[tilespmem:$0x0] =	vst @!p1 v2  }
0x34: {  	s15 =	smov.u32 s7;
	[tilespmem:$0x20] =	vst @!p1 v1;
	v3 =	vand.u32 @!p1 $0x7F, v4  }
0x35: {  	s14 =	simm.s32 @!p2 $0x50;
	s16 =	simm.s32 @!p2 $0x100;
	s13 =	simm.s32 $0x10;
	v1 =	vshrl.u32 @!p1 v5, $0x7;
	v2 =	vshrl.u32 @!p1 v4, $0x7;
	[tilespmem:$0x10] =	vst @!p1 v3  }
.LBB2_6:
0x36: {  	[tilespmem:$0x90] =	vst @!p1 v2;
	s15 =	sadd.s32 $0xA0, s15;
	s17 =	smov.u32 s13;
	s13 =	sadd.s32 $0x10, s13  }
0x37: {  	s18 =	simm.s32 @!p1 $0x1;
	p2 =	sne.s32 s13, $0x3F0;
	[tilespmem:$0x80] =	vst @!p1 v1  }
0x38: {  	[tilespmem:s16], [sflag:$0x1] =	stream.indirect.gather @!p1 [hbm4b:s4+s14], $0x80, s12, s14, $0xb8;
	[tilespmem:$0x2B80] =	vst v63  }
0x39: {  	_ =	swait.ge @!p1 [sflag:s18], $0x2800  }
0x3a: {  	s12 =	simm.s32 @!p1 $0x80;
	[sflag:s18] =	ssyncset.done @!p1 $0x0  }
0x3b: {  	[sflag:s18] =	ssyncadd.s32 @!p1 $0xFFFFD800;
	s18 =	simm.s32 @!p1 $0x2  }
0x3c: {  	[spmem:s1] =	stream.indirect.scatter.add.f32 @!p1 [tilespmem:s16], [sflag:$0x2], $0x80, s12, s14, $0xb8;
	[tilespmem:$0x2B80] =	vst v63  }
0x3d: {  	s12 =	sadd.s32 s17, s3;
	_ =	swait.ge @!p1 [sflag:s18], $0x2800  }
0x3e: {  	p3 =	sgt.u32 s12, $0x3E7;
	[sflag:s18] =	ssyncset.done @!p1 $0x0  }
0x3f: {  	s12 =	simm.s32 @!p3 $0x0;
	s17 =	simm.s32 @!p3 $0x3;
	[sflag:s18] =	ssyncadd.s32 @!p1 $0xFFFFD800  }
0x40: {  	[tilespmem:s12], [sflag:$0x3] =	stream.linear.gather @!p3 [hbm4b:s15+s12], $0x50, $0x38;
	[tilespmem:$0x2B80] =	vst v63  }
0x41: {  	s14 =	simm.s32 @!p3 $0x50;
	s16 =	simm.s32 @!p3 $0x100;
	_ =	swait.ge @!p3 [sflag:s17], $0x50  }
0x42: {  	p1 =	por p3, p3;
	[sflag:s17] =	ssyncset.done @!p3 $0x0  }
0x43: {  	[sflag:s17] =	ssyncadd.s32 @!p1 $0xFFFFFFB0  }
0x44: {  	v1 =	vld @!p1 [tilespmem:$0x40]  }
0x45: {  	v2 =	vld @!p1 [tilespmem:$0x30]  }
0x46: {  	v3 =	vld @!p1 [tilespmem:$0x10]  }
0x47: {  	v4 =	vld @!p1 [tilespmem:$0x20]  }
0x48: {  	v5 =	vld @!p1 [tilespmem:$0x0]  }
0x49: {  	v6 =	vshrl.u32 @!p1 v1, $0x7;
	v1 =	vand.u32 @!p1 $0x7F, v1  }
0x4a: {  	v7 =	vshrl.u32 @!p1 v2, $0x7;
	v8 =	vand.u32 @!p1 $0x7F, v2;
	[tilespmem:$0xC0] =	vst @!p1 v6  }
0x4b: {  	[tilespmem:$0x40] =	vst @!p1 v1  }
0x4c: {  	v2 =	vshrl.u32 @!p1 v3, $0x7;
	v3 =	vand.u32 @!p1 $0x7F, v3;
	v6 =	vshrl.u32 @!p1 v4, $0x7;
	[tilespmem:$0xB0] =	vst @!p1 v7  }
.Ltmp2:
0x4d: {  	v4 =	vand.u32 @!p1 $0x7F, v4;
	v1 =	vshrl.u32 @!p1 v5, $0x7;
	v5 =	vand.u32 @!p1 $0x7F, v5;
	[tilespmem:$0xA0] =	vst @!p1 v6;
	(pc) =	sbr.rel @p2 .LBB2_6-.Ltmp2, $4  }
0x4e: {  	[tilespmem:$0x30] =	vst @!p1 v8  }
0x4f: {  	[tilespmem:$0x20] =	vst @!p1 v4  }
0x50: {  	[tilespmem:$0x0] =	vst @!p1 v5  }
0x51: {  	[tilespmem:$0x10] =	vst @!p1 v3  }
0x52: {  	[tilespmem:$0x90] =	vst @!p1 v2  }
0x53: {  	[tilespmem:$0x80] =	vst @!p1 v1;
	s13 =	simm.s32 @!p1 $0x1  }
0x54: {  	[tilespmem:s16], [sflag:$0x1] =	stream.indirect.gather @!p1 [hbm4b:s4+s14], $0x80, s12, s14, $0xb8;
	[tilespmem:$0x2B80] =	vst v63  }
0x55: {  	_ =	swait.ge @!p1 [sflag:s13], $0x2800  }
0x56: {  	[sflag:s13] =	ssyncset.done @!p1 $0x0  }
0x57: {  	s12 =	simm.s32 @!p1 $0x80;
	[sflag:s13] =	ssyncadd.s32 @!p1 $0xFFFFD800;
	s13 =	simm.s32 @!p1 $0x2  }
0x58: {  	[spmem:s1] =	stream.indirect.scatter.add.f32 @!p1 [tilespmem:s16], [sflag:$0x2], $0x80, s12, s14, $0xb8;
	[tilespmem:$0x2B80] =	vst v63  }
0x59: {  	_ =	swait.ge @!p1 [sflag:s13], $0x2800  }
0x5a: {  	[sflag:s13] =	ssyncset.done @!p1 $0x0  }
0x5b: {  	s11 =	sadd.s32 $0x1, s11;
	[sflag:s13] =	ssyncadd.s32 @!p1 $0xFFFFD800  }
0x5c: {  	s12 =	simm.s32 @!p0 $0x1C02;
	p1 =	sne.s32 s11, s6;
	[bflag:$0x0] =	sbarrier.arrive $0xFFFF  }
0x5d: {  	[hbm:s5], [sflag:s12] =	dma.local @!p0 [spmem:s10], $0x500  }
.Ltmp3:
0x5e: {  	_ = 	snop;
	(pc) =	sbr.rel @p1 .LBB2_1-.Ltmp3, $4  }
0x5f: {  	s12 =	simm.s32 @!p0 $0x2  }
0x60: {  	_ =	swait.ge @!p0 [sflag:s12], $0x500  }
0x61: {  	[sflag:s12] =	ssyncset.done @!p0 $0x0  }
0x62: {  	[sflag:s12] =	ssyncadd.s32 @!p0 $0xFFFFFB00  }
0x63: {  	_ =	sfence.sel $0x180000  }
0x64: {  	[bflag:$0x0] =	sbarrier.arrive $0xFFFF  }
0x65: {  	_ =	strace $0x90000047  }
0x66: {  	s0 =	sadd.s32 @!p0 $0x100000, s0;
	[bflag:$0x2] =	sbarrier.arrive $0xFFFF  }
0x67: {  	[sflag:s0] =	ssyncadd.tile.s32 @!p0 $0x1;
	_ =	shalt  }
.Lfunc_end2:
_tile_overlayer_lowered:
.L_overlay_start_2:
0x68: {  	(tag) =	ssettag $0x2  }
0x69: {  	s0 =	rddreg [dreg:$0x0];
	s2 =	stileid.u32  }
0x6a: {  	s1 =	rddreg [dreg:$0x1];
	p0 =	sne.s32 s2, $0x0  }
0x6b: {  	s3 =	rddreg [dreg:$0x2];
	[bflag:$0x3] =	sbarrier.arrive $0xFFFF;
	s2 =	simm.s32 @!p0 $0x1C02  }
0x6c: {  	[timem:s3], [sflag:s2] =	dma.local @!p0 [hbm:s0], s1  }
0x6d: {  	s0 =	simm.s32 @!p0 $0x2  }
0x6e: {  	_ =	swait.ge @!p0 [sflag:s0], s1  }
0x6f: {  	s1 =	ssub.s32 @!p0 $0x0, s1;
	[sflag:s0] =	ssyncset.done @!p0 $0x0  }
0x70: {  	[sflag:s0] =	ssyncadd.s32 @!p0 s1  }
0x71: {  	[bflag:$0x3] =	sbarrier.arrive $0xFFFF  }
0x72: {  	_ =	shalt  }

</sc_bundles>
